<compile_context>
chip_gen: v7x
topology: tpu7x:2x2x1
jax: 0.10.2.dev20260603
libtpu: 0.0.44.dev20260713+nightly
codegen_flags: <defaults>
</compile_context>

<pallas_src>
import functools

import jax
import jax.numpy as jnp
from jax import lax
from jax.experimental import pallas as pl
from jax.experimental.pallas import tpu as pltpu
from jax.experimental.pallas import tpu_sc as plsc

NC, NS, L = 2, 16, 16


def _count_kernel(R, EP, CNT_ROWS):
    per_worker = EP // (NC * NS)
    CH = 2560
    n_chunks = per_worker // CH
    zrows = CNT_ROWS // NS
    mesh = plsc.VectorSubcoreMesh(
        core_axis_name="c", subcore_axis_name="s",
        num_cores=NC, num_subcores=NS)

    @functools.partial(
        pl.kernel,
        out_type=jax.ShapeDtypeStruct((NC, CNT_ROWS, 128), jnp.int32),
        mesh=mesh,
        compiler_params=pltpu.CompilerParams(needs_layout_passes=False),
        scratch_types=[
            pltpu.VMEM((CNT_ROWS, 128), jnp.int32),
            pltpu.VMEM((CH,), jnp.int32),
            pltpu.VMEM((CH,), jnp.int32),
            pltpu.VMEM((CNT_ROWS // 128, 128), jnp.int32),
            pltpu.VMEM_SHARED((CNT_ROWS, 128), jnp.int32),
        ],
    )
    def body(dst_hbm, et_hbm, out_hbm, cnt_v, dst_v, et_v, ridx_v, cnt_sh):
        c = lax.axis_index("c")
        s = lax.axis_index("s")
        wid = c * NS + s
        iota = lax.iota(jnp.int32, L)
        zero16 = jnp.zeros((L,), jnp.int32)

        def zrow(i, _):
            for k in range(8):
                cnt_v[i, pl.ds(k * L, L)] = zero16
            return 0
        lax.fori_loop(0, CNT_ROWS, zrow, 0)
        for i in range(CNT_ROWS // 128):
            for k in range(8):
                ridx_v[i, pl.ds(k * L, L)] = iota + (i * 128 + k * L)

        pltpu.sync_copy(cnt_v.at[pl.ds(0, zrows)],
                        cnt_sh.at[pl.ds(s * zrows, zrows)])
        plsc.subcore_barrier()

        def chunk(ch, _):
            base = wid * per_worker + ch * CH
            pltpu.sync_copy(dst_hbm.at[pl.ds(base, CH)], dst_v)
            pltpu.sync_copy(et_hbm.at[pl.ds(base, CH)], et_v)

            def group(g, _):
                d = dst_v[pl.ds(g * L, L)]
                t = et_v[pl.ds(g * L, L)]
                key = d * R + t
                total = jnp.ones((L,), jnp.int32)
                prior = jnp.zeros((L,), jnp.int32)
                for sh in range(1, L):
                    perm = (iota - sh) & (L - 1)
                    rolled = key.at[perm].get(mode="promise_in_bounds")
                    eq = (key == rolled).astype(jnp.int32)
                    total = total + eq
                    prior = prior + jnp.where(iota >= sh, eq, 0)
                plsc.addupdate_scatter(
                    cnt_v, [key >> 7, key & 127], total, mask=prior == 0)
                return 0
            lax.fori_loop(0, CH // L, group, 0)
            return 0
        lax.fori_loop(0, n_chunks, chunk, 0)

        for i in range(CNT_ROWS // 128):
            pltpu.sync_copy(cnt_v.at[pl.ds(i * 128, 128)],
                            cnt_sh.at[ridx_v.at[i]], add=True)
        plsc.subcore_barrier()
        pltpu.sync_copy(cnt_sh.at[pl.ds(s * zrows, zrows)],
                        out_hbm.at[c, pl.ds(s * zrows, zrows)])

    return body


def _edge_scale_kernel(R, EP, CNT_ROWS):
    per_worker = EP // (NC * NS)
    CH = 2560
    n_chunks = per_worker // CH
    mesh = plsc.VectorSubcoreMesh(
        core_axis_name="c", subcore_axis_name="s",
        num_cores=NC, num_subcores=NS)

    @functools.partial(
        pl.kernel,
        out_type=jax.ShapeDtypeStruct((EP,), jnp.float32),
        mesh=mesh,
        compiler_params=pltpu.CompilerParams(needs_layout_passes=False),
        scratch_types=[
            pltpu.VMEM((CNT_ROWS, 128), jnp.float32),
            pltpu.VMEM((CH,), jnp.int32),
            pltpu.VMEM((CH,), jnp.int32),
            pltpu.VMEM((CH,), jnp.float32),
        ],
    )
    def body(dst_hbm, et_hbm, recip_hbm, out_hbm, recip_v, dst_v, et_v, s_v):
        c = lax.axis_index("c")
        s = lax.axis_index("s")
        wid = c * NS + s
        pltpu.sync_copy(recip_hbm, recip_v)

        def chunk(ch, _):
            base = wid * per_worker + ch * CH
            pltpu.sync_copy(dst_hbm.at[pl.ds(base, CH)], dst_v)
            pltpu.sync_copy(et_hbm.at[pl.ds(base, CH)], et_v)

            def group(g, _):
                sl = pl.ds(g * L, L)
                key = dst_v[sl] * R + et_v[sl]
                s_v[sl] = plsc.load_gather(recip_v, [key >> 7, key & 127])
                return 0
            lax.fori_loop(0, CH // L, group, 0)
            pltpu.sync_copy(s_v, out_hbm.at[pl.ds(base, CH)])
            return 0
        lax.fori_loop(0, n_chunks, chunk, 0)

    return body


def _scatter_kernel(R, N, EP, ACC_ROWS):
    RN = R * N
    per_tile = EP // NS
    SUP = 1280
    n_sup = per_tile // SUP
    CHK = 128
    n_chk = SUP // CHK
    arows = ACC_ROWS // NS
    mesh = plsc.VectorSubcoreMesh(
        core_axis_name="c", subcore_axis_name="s",
        num_cores=NC, num_subcores=NS)

    @functools.partial(
        pl.kernel,
        out_type=jax.ShapeDtypeStruct((NC, ACC_ROWS, 128), jnp.float32),
        mesh=mesh,
        compiler_params=pltpu.CompilerParams(needs_layout_passes=False),
        scratch_types=[
            pltpu.VMEM((SUP,), jnp.int32),
            pltpu.VMEM((SUP,), jnp.int32),
            pltpu.VMEM((SUP,), jnp.int32),
            pltpu.VMEM((SUP,), jnp.float32),
            pltpu.VMEM((SUP // 128, 128), jnp.int32),
            pltpu.VMEM((SUP // 128, 128), jnp.int32),
            pltpu.VMEM((2 * 128, 128), jnp.float32),
            pltpu.VMEM_SHARED((ACC_ROWS, 128), jnp.float32),
            pltpu.SemaphoreType.DMA,
            pltpu.SemaphoreType.DMA,
            pltpu.SemaphoreType.DMA,
        ],
    )
    def body(xw_hbm, src_hbm, et_hbm, dst_hbm, s_hbm, out_hbm,
             src_v, et_v, dst_v, sc_v, gidx_v, didx_v, rows_v,
             acc_sh, sem, gsem0, gsem1):
        c = lax.axis_index("c")
        s = lax.axis_index("s")
        zero16 = jnp.zeros((L,), jnp.float32)

        def zrow(i, _):
            for k in range(8):
                rows_v[i, pl.ds(k * L, L)] = zero16
            return 0
        lax.fori_loop(0, 128, zrow, 0)
        done = 0
        for j in range((arows + 127) // 128):
            nrows = min(128, arows - done)
            pltpu.sync_copy(rows_v.at[pl.ds(0, nrows)],
                            acc_sh.at[pl.ds(s * arows + done, nrows)])
            done += nrows
        plsc.subcore_barrier()

        lbase = c * RN

        def sup_chunk(sc_i, _):
            base = s * per_tile + sc_i * SUP
            pltpu.sync_copy(src_hbm.at[pl.ds(base, SUP)], src_v)
            pltpu.sync_copy(et_hbm.at[pl.ds(base, SUP)], et_v)
            pltpu.sync_copy(dst_hbm.at[pl.ds(base, SUP)], dst_v)
            pltpu.sync_copy(s_hbm.at[pl.ds(base, SUP)], sc_v)

            def gids(g, _):
                sl = pl.ds(g * L, L)
                t = et_v[sl]
                gidx = lbase + t * N + src_v[sl]
                gidx_v[g >> 3, pl.ds((g & 7) * L, L)] = gidx
                didx_v[g >> 3, pl.ds((g & 7) * L, L)] = dst_v[sl]
                return 0
            lax.fori_loop(0, SUP // L, gids, 0)

            pltpu.async_copy(
                xw_hbm.at[gidx_v.at[0]], rows_v.at[pl.ds(0, 128)], gsem0)
            for ch in range(n_chk):
                b = ch % 2
                bsl = pl.ds(b * 128, 128)
                gsem = gsem0 if b == 0 else gsem1
                pltpu.make_async_copy(
                    xw_hbm.at[gidx_v.at[ch]], rows_v.at[bsl], gsem).wait()
                if ch + 1 < n_chk:
                    ob = 1 - b
                    obsl = pl.ds(ob * 128, 128)
                    osem = gsem0 if ob == 0 else gsem1
                    pltpu.async_copy(
                        xw_hbm.at[gidx_v.at[ch + 1]], rows_v.at[obsl], osem)

                def edge(e, _, _ch=ch, _b=b):
                    sp = plsc.load_gather(
                        sc_v, [jnp.full((L,), _ch * 128 + e, jnp.int32)])
                    row = _b * 128 + e
                    for k in range(8):
                        csl = pl.ds(k * L, L)
                        rows_v[row, csl] = rows_v[row, csl] * sp
                    return 0
                lax.fori_loop(0, 128, edge, 0, unroll=2)

                pltpu.sync_copy(rows_v.at[bsl],
                                acc_sh.at[didx_v.at[ch]], add=True)
            return 0
        lax.fori_loop(0, n_sup, sup_chunk, 0)

        plsc.subcore_barrier()
        done = 0
        for j in range((arows + 127) // 128):
            nrows = min(128, arows - done)
            pltpu.sync_copy(acc_sh.at[pl.ds(s * arows + done, nrows)],
                            out_hbm.at[c, pl.ds(s * arows + done, nrows)])
            done += nrows

    return body


def kernel(x, edge_index, edge_type, W1, root1, b1, W2, root2, b2):
    N, D = x.shape
    R = W1.shape[0]
    E = edge_index.shape[1]

    UNIT = NC * NS * 2560
    EP = -(-E // UNIT) * UNIT
    pad = EP - E
    src_p = jnp.concatenate([edge_index[0], jnp.zeros((pad,), jnp.int32)])
    et_p = jnp.concatenate([edge_type, jnp.zeros((pad,), jnp.int32)])
    dst_p = jnp.concatenate([edge_index[1], jnp.full((pad,), N, jnp.int32)])

    CNT_ROWS = -(-(N * R + R) // (128 * 128)) * 128
    ACC_ROWS = -(-(N + 1) // (NS * 8)) * (NS * 8)

    cnt_parts = _count_kernel(R, EP, CNT_ROWS)(dst_p, et_p)

    def _recip_body(a_ref, b_ref, o_ref):
        tot = (a_ref[...] + b_ref[...]).astype(jnp.float32)
        o_ref[...] = 1.0 / jnp.maximum(tot, 1.0)
    recip = pl.pallas_call(
        _recip_body,
        out_shape=jax.ShapeDtypeStruct((CNT_ROWS, 128), jnp.float32),
    )(cnt_parts[0], cnt_parts[1])

    Ws = jnp.stack([W1, W2])
    BLK = 1000
    NB = N // BLK

    def _xw_body(x_ref, w_ref, o_ref):
        o_ref[...] = jnp.dot(x_ref[...], w_ref[0, 0],
                             preferred_element_type=jnp.float32)
    xw = pl.pallas_call(
        _xw_body,
        grid=(NB, NC, R),
        in_specs=[
            pl.BlockSpec((BLK, D), lambda i, l, r: (i, 0)),
            pl.BlockSpec((1, 1, D, D), lambda i, l, r: (l, r, 0, 0)),
        ],
        out_specs=pl.BlockSpec(
            (BLK, D), lambda i, l, r: ((l * R + r) * NB + i, 0)),
        out_shape=jax.ShapeDtypeStruct((NC * R * N, D), jnp.float32),
    )(x, Ws)

    s_edge = _edge_scale_kernel(R, EP, CNT_ROWS)(dst_p, et_p, recip)

    msgs = _scatter_kernel(R, N, EP, ACC_ROWS)(
        xw, src_p, et_p, dst_p, s_edge)

    m1 = msgs[0, :N]
    m2 = msgs[1, :N]
    b1r = b1.reshape(1, D)
    b2r = b2.reshape(1, D)

    def _final_body(x_ref, m1_ref, m2_ref, r1_ref, r2_ref, b1_ref, b2_ref,
                    o_ref):
        h = jnp.dot(x_ref[...], r1_ref[...],
                    preferred_element_type=jnp.float32)
        h = jnp.maximum(h + m1_ref[...] + b1_ref[...], 0.0)
        o = jnp.dot(h, r2_ref[...], preferred_element_type=jnp.float32)
        o_ref[...] = o + m2_ref[...] + b2_ref[...]
    out = pl.pallas_call(
        _final_body,
        grid=(NB,),
        in_specs=[
            pl.BlockSpec((BLK, D), lambda i: (i, 0)),
            pl.BlockSpec((BLK, D), lambda i: (i, 0)),
            pl.BlockSpec((BLK, D), lambda i: (i, 0)),
            pl.BlockSpec((D, D), lambda i: (0, 0)),
            pl.BlockSpec((D, D), lambda i: (0, 0)),
            pl.BlockSpec((1, D), lambda i: (0, 0)),
            pl.BlockSpec((1, D), lambda i: (0, 0)),
        ],
        out_specs=pl.BlockSpec((BLK, D), lambda i: (i, 0)),
        out_shape=jax.ShapeDtypeStruct((N, D), jnp.float32),
    )(x, m1, m2, root1, root2, b1r, b2r)
    return out

# --- scband reference (transcript-rebuilt; emitter-appended) ---
"""Pipeline reference for scband-rgcnmodel-71107478553206 (READ-ONLY COPY).

The authoritative reference and input builder live on the scoring server;
editing this copy changes nothing except your own understanding.
"""

import jax, jax.numpy as jnp
import numpy as np

R = 8
N = 10000
E = 320000
D = 128

def setup_inputs(seed: int = 0) -> dict:
    key = jax.random.key(seed)
    ks = jax.random.split(key, 9)
    x = jax.random.normal(ks[0], (N, D), dtype=jnp.float32)
    edge_index = jax.random.randint(ks[1], (2, E), 0, N, dtype=jnp.int32)
    edge_type = jax.random.randint(ks[2], (E,), 0, R, dtype=jnp.int32)
    s = 1.0 / np.sqrt(D)
    W1 = jax.random.normal(ks[3], (R, D, D), dtype=jnp.float32) * s
    root1 = jax.random.normal(ks[4], (D, D), dtype=jnp.float32) * s
    b1 = jnp.zeros((D,), dtype=jnp.float32)
    W2 = jax.random.normal(ks[5], (R, D, D), dtype=jnp.float32) * s
    root2 = jax.random.normal(ks[6], (D, D), dtype=jnp.float32) * s
    b2 = jnp.zeros((D,), dtype=jnp.float32)
    return {"x": x, "edge_index": edge_index, "edge_type": edge_type,
            "W1": W1, "root1": root1, "b1": b1,
            "W2": W2, "root2": root2, "b2": b2}


def _rgcn_conv(x_src, x_dst, src, dst, edge_type, W, root, bias):
    # PyG RGCNConv semantics (aggr='mean', no bases/blocks):
    # out = x_dst @ root + bias + sum_r mean_{edges of rel r}(x_src[src]) @ W[r]
    n_dst = x_dst.shape[0]
    out = x_dst @ root + bias
    gathered = x_src[src]  # [E, D] gather (SparseCore-friendly)
    for r in range(R):
        mask = (edge_type == r).astype(x_src.dtype)  # [E]
        msgs = gathered * mask[:, None]
        agg = jax.ops.segment_sum(msgs, dst, num_segments=n_dst)  # scatter-add
        cnt = jax.ops.segment_sum(mask, dst, num_segments=n_dst)
        mean = agg / jnp.maximum(cnt, 1.0)[:, None]
        out = out + mean @ W[r]
    return out


def reference(x, edge_index, edge_type, W1, root1, b1, W2, root2, b2):
    # Single node-type / single edge-type-key specialization of the hetero loop:
    # new_x = conv2((x, relu(conv1((x, x), ei, et))), ei, et)
    src = edge_index[0]
    dst = edge_index[1]
    h = jax.nn.relu(_rgcn_conv(x, x, src, dst, edge_type, W1, root1, b1))
    out = _rgcn_conv(x, h, src, dst, edge_type, W2, root2, b2)
    return out

if __name__ == "__main__":
    import jax
    _d = setup_inputs()
    print(jax.jit(kernel)(*tuple(_d.values())))

</pallas_src>

<mosaic_0001>
#map = affine_map<(d0, d1) -> (0, 0)>
#map1 = affine_map<(d0, d1) -> (0)>
#map2 = affine_map<(d0, d1) -> (0, 0, 0)>
module attributes {stable_mosaic.version = 14 : i64} {
  func.func @body(%arg0: i32, %arg1: i32, %arg2: memref<160000x128xf32, #tpu.memory_space<hbm>>, %arg3: memref<327680xi32, #tpu.memory_space<hbm>>, %arg4: memref<327680xi32, #tpu.memory_space<hbm>>, %arg5: memref<327680xi32, #tpu.memory_space<hbm>>, %arg6: memref<327680xf32, #tpu.memory_space<hbm>>, %arg7: memref<2x10112x128xf32, #tpu.memory_space<hbm>>, %arg8: memref<1280xi32, #tpu.memory_space<vmem>>, %arg9: memref<1280xi32, #tpu.memory_space<vmem>>, %arg10: memref<1280xi32, #tpu.memory_space<vmem>>, %arg11: memref<1280xf32, #tpu.memory_space<vmem>>, %arg12: memref<10x128xi32, #tpu.memory_space<vmem>>, %arg13: memref<10x128xi32, #tpu.memory_space<vmem>>, %arg14: memref<256x128xf32, #tpu.memory_space<vmem>>, %arg15: memref<10112x128xf32, #tpu.memory_space<vmem_shared>>, %arg16: memref<!tpu.dma_semaphore, #tpu.memory_space<semaphore_mem>>, %arg17: memref<!tpu.dma_semaphore, #tpu.memory_space<semaphore_mem>>, %arg18: memref<!tpu.dma_semaphore, #tpu.memory_space<semaphore_mem>>) attributes {dimension_semantics = [#tpu.dimension_semantics<core_parallel>, #tpu.dimension_semantics<subcore_parallel>], iteration_bounds = array<i64: 2, 16>, scalar_prefetch = 0 : i64, scratch_operands = 11 : i64, tpu.core_type = #tpu.core_type<sc_vector_subcore>, window_params = [{transform_indices = #map}, {transform_indices = #map1}, {transform_indices = #map1}, {transform_indices = #map1}, {transform_indices = #map1}, {transform_indices = #map2}]} {
    %broadcast_in_dim3A = arith.constant 0.000000e+00 : f32
    %broadcast_in_dim3A_0 = vector.broadcast %broadcast_in_dim3A : f32 to vector<16xf32>
    %scan3A = arith.constant 0 : i32
    %scan3A_1 = arith.constant 0 : i32
    %scan3A_2 = arith.constant 128 : i32
    %scan3A_3 = arith.addi %scan3A_1, %scan3A_2 : i32
    %scan3A_4 = arith.constant 1 : i32
    %scan3A_5 = scf.for %scan3A_75 = %scan3A_1 to %scan3A_3 step %scan3A_4 iter_args(%scan3A_76 = %scan3A) -> (i32)  : i32 {
      %swap3A = arith.index_cast %scan3A_75 : i32 to index
      %swap3A_77 = arith.constant 0 : index
      %swap3A_78 = tpu.vector_load %arg14[%swap3A, %swap3A_77] {strides = array<i32>} : memref<256x128xf32, #tpu.memory_space<vmem>>, vector<16xf32>,
      tpu.vector_store %arg14[%swap3A, %swap3A_77], %broadcast_in_dim3A_0 {strides = array<i32>} : memref<256x128xf32, #tpu.memory_space<vmem>>, vector<16xf32>,
      %swap3A_79 = arith.index_cast %scan3A_75 : i32 to index
      %swap3A_80 = arith.constant 16 : index
      %swap3A_81 = tpu.vector_load %arg14[%swap3A_79, %swap3A_80] {strides = array<i32>} : memref<256x128xf32, #tpu.memory_space<vmem>>, vector<16xf32>,
      tpu.vector_store %arg14[%swap3A_79, %swap3A_80], %broadcast_in_dim3A_0 {strides = array<i32>} : memref<256x128xf32, #tpu.memory_space<vmem>>, vector<16xf32>,
      %swap3A_82 = arith.index_cast %scan3A_75 : i32 to index
      %swap3A_83 = arith.constant 32 : index
      %swap3A_84 = tpu.vector_load %arg14[%swap3A_82, %swap3A_83] {strides = array<i32>} : memref<256x128xf32, #tpu.memory_space<vmem>>, vector<16xf32>,
      tpu.vector_store %arg14[%swap3A_82, %swap3A_83], %broadcast_in_dim3A_0 {strides = array<i32>} : memref<256x128xf32, #tpu.memory_space<vmem>>, vector<16xf32>,
      %swap3A_85 = arith.index_cast %scan3A_75 : i32 to index
      %swap3A_86 = arith.constant 48 : index
      %swap3A_87 = tpu.vector_load %arg14[%swap3A_85, %swap3A_86] {strides = array<i32>} : memref<256x128xf32, #tpu.memory_space<vmem>>, vector<16xf32>,
      tpu.vector_store %arg14[%swap3A_85, %swap3A_86], %broadcast_in_dim3A_0 {strides = array<i32>} : memref<256x128xf32, #tpu.memory_space<vmem>>, vector<16xf32>,
      %swap3A_88 = arith.index_cast %scan3A_75 : i32 to index
      %swap3A_89 = arith.constant 64 : index
      %swap3A_90 = tpu.vector_load %arg14[%swap3A_88, %swap3A_89] {strides = array<i32>} : memref<256x128xf32, #tpu.memory_space<vmem>>, vector<16xf32>,
      tpu.vector_store %arg14[%swap3A_88, %swap3A_89], %broadcast_in_dim3A_0 {strides = array<i32>} : memref<256x128xf32, #tpu.memory_space<vmem>>, vector<16xf32>,
      %swap3A_91 = arith.index_cast %scan3A_75 : i32 to index
      %swap3A_92 = arith.constant 80 : index
      %swap3A_93 = tpu.vector_load %arg14[%swap3A_91, %swap3A_92] {strides = array<i32>} : memref<256x128xf32, #tpu.memory_space<vmem>>, vector<16xf32>,
      tpu.vector_store %arg14[%swap3A_91, %swap3A_92], %broadcast_in_dim3A_0 {strides = array<i32>} : memref<256x128xf32, #tpu.memory_space<vmem>>, vector<16xf32>,
      %swap3A_94 = arith.index_cast %scan3A_75 : i32 to index
      %swap3A_95 = arith.constant 96 : index
      %swap3A_96 = tpu.vector_load %arg14[%swap3A_94, %swap3A_95] {strides = array<i32>} : memref<256x128xf32, #tpu.memory_space<vmem>>, vector<16xf32>,
      tpu.vector_store %arg14[%swap3A_94, %swap3A_95], %broadcast_in_dim3A_0 {strides = array<i32>} : memref<256x128xf32, #tpu.memory_space<vmem>>, vector<16xf32>,
      %swap3A_97 = arith.index_cast %scan3A_75 : i32 to index
      %swap3A_98 = arith.constant 112 : index
      %swap3A_99 = tpu.vector_load %arg14[%swap3A_97, %swap3A_98] {strides = array<i32>} : memref<256x128xf32, #tpu.memory_space<vmem>>, vector<16xf32>,
      tpu.vector_store %arg14[%swap3A_97, %swap3A_98], %broadcast_in_dim3A_0 {strides = array<i32>} : memref<256x128xf32, #tpu.memory_space<vmem>>, vector<16xf32>,
      %scan3A_100 = arith.constant 0 : i32
      scf.yield %scan3A_100 : i32
    }
    %scan3A_6 = arith.constant 128 : i32
    %mul3A = arith.constant 632 : i32
    %mul3A_7 = arith.muli %arg1, %mul3A : i32
    %add3A = arith.constant 0 : i32
    %add3A_8 = arith.addi %mul3A_7, %add3A : i32
    "tpu.region"() ({
      %run_scoped3A = tpu.sem_alloc : memref<!tpu.dma_semaphore, #tpu.memory_space<semaphore_mem>>
      %dma_start3A = arith.constant 0 : i32
      %dma_start3A_75 = arith.constant 0 : i32
      %dma_start3A_76 = tpu.memref_slice %arg14[%dma_start3A, %dma_start3A_75] : memref<256x128xf32, #tpu.memory_space<vmem>> -> memref<128x128xf32, #tpu.memory_space<vmem>>
      %dma_start3A_77 = arith.constant 0 : i32
      %dma_start3A_78 = tpu.memref_slice %arg15[%add3A_8, %dma_start3A_77] : memref<10112x128xf32, #tpu.memory_space<vmem_shared>> -> memref<128x128xf32, #tpu.memory_space<vmem_shared>>
      %dma_start3A_79 = arith.constant 0 : i32
      %dma_start3A_80 = tpu.memref_slice %arg15[%add3A_8, %dma_start3A_79] : memref<10112x128xf32, #tpu.memory_space<vmem_shared>> -> memref<128x128xf32, #tpu.memory_space<vmem_shared>>
      %dma_start3A_81 = arith.constant 0 : i32
      %dma_start3A_82 = arith.constant 0 : i32
      %dma_start3A_83 = tpu.memref_slice %arg14[%dma_start3A_81, %dma_start3A_82] : memref<256x128xf32, #tpu.memory_space<vmem>> -> memref<128x128xf32, #tpu.memory_space<vmem>>
      tpu.enqueue_dma source(%dma_start3A_83 : memref<128x128xf32, #tpu.memory_space<vmem>>) target(%dma_start3A_80 : memref<128x128xf32, #tpu.memory_space<vmem_shared>>) target_semaphore(%run_scoped3A : memref<!tpu.dma_semaphore, #tpu.memory_space<semaphore_mem>>)
      %dma_wait3A = arith.constant 0 : i32
      %dma_wait3A_84 = arith.constant 0 : i32
      %dma_wait3A_85 = tpu.memref_slice %arg14[%dma_wait3A, %dma_wait3A_84] : memref<256x128xf32, #tpu.memory_space<vmem>> -> memref<128x128xf32, #tpu.memory_space<vmem>>
      %dma_wait3A_86 = arith.constant 0 : i32
      %dma_wait3A_87 = tpu.memref_slice %arg15[%add3A_8, %dma_wait3A_86] : memref<10112x128xf32, #tpu.memory_space<vmem_shared>> -> memref<128x128xf32, #tpu.memory_space<vmem_shared>>
      %dma_wait3A_88 = arith.constant 0 : i32
      %dma_wait3A_89 = tpu.memref_slice %arg15[%add3A_8, %dma_wait3A_88] : memref<10112x128xf32, #tpu.memory_space<vmem_shared>> -> memref<128x128xf32, #tpu.memory_space<vmem_shared>>
      %dma_wait3A_90 = arith.constant 0 : i32
      %dma_wait3A_91 = arith.constant 0 : i32
      %dma_wait3A_92 = tpu.memref_slice %arg14[%dma_wait3A_90, %dma_wait3A_91] : memref<256x128xf32, #tpu.memory_space<vmem>> -> memref<128x128xf32, #tpu.memory_space<vmem>>
      tpu.wait_dma2 semaphore(%run_scoped3A : memref<!tpu.dma_semaphore, #tpu.memory_space<semaphore_mem>>) src(%dma_wait3A_92 : memref<128x128xf32, #tpu.memory_space<vmem>>) dst(%dma_wait3A_89 : memref<128x128xf32, #tpu.memory_space<vmem_shared>>)
      tpu.yield
    }) : () -> ()
    %mul3A_9 = arith.constant 632 : i32
    %mul3A_10 = arith.muli %arg1, %mul3A_9 : i32
    %add3A_11 = arith.constant 128 : i32
    %add3A_12 = arith.addi %mul3A_10, %add3A_11 : i32
    "tpu.region"() ({
      %run_scoped3A = tpu.sem_alloc : memref<!tpu.dma_semaphore, #tpu.memory_space<semaphore_mem>>
      %dma_start3A = arith.constant 0 : i32
      %dma_start3A_75 = arith.constant 0 : i32
      %dma_start3A_76 = tpu.memref_slice %arg14[%dma_start3A, %dma_start3A_75] : memref<256x128xf32, #tpu.memory_space<vmem>> -> memref<128x128xf32, #tpu.memory_space<vmem>>
      %dma_start3A_77 = arith.constant 0 : i32
      %dma_start3A_78 = tpu.memref_slice %arg15[%add3A_12, %dma_start3A_77] : memref<10112x128xf32, #tpu.memory_space<vmem_shared>> -> memref<128x128xf32, #tpu.memory_space<vmem_shared>>
      %dma_start3A_79 = arith.constant 0 : i32
      %dma_start3A_80 = tpu.memref_slice %arg15[%add3A_12, %dma_start3A_79] : memref<10112x128xf32, #tpu.memory_space<vmem_shared>> -> memref<128x128xf32, #tpu.memory_space<vmem_shared>>
      %dma_start3A_81 = arith.constant 0 : i32
      %dma_start3A_82 = arith.constant 0 : i32
      %dma_start3A_83 = tpu.memref_slice %arg14[%dma_start3A_81, %dma_start3A_82] : memref<256x128xf32, #tpu.memory_space<vmem>> -> memref<128x128xf32, #tpu.memory_space<vmem>>
      tpu.enqueue_dma source(%dma_start3A_83 : memref<128x128xf32, #tpu.memory_space<vmem>>) target(%dma_start3A_80 : memref<128x128xf32, #tpu.memory_space<vmem_shared>>) target_semaphore(%run_scoped3A : memref<!tpu.dma_semaphore, #tpu.memory_space<semaphore_mem>>)
      %dma_wait3A = arith.constant 0 : i32
      %dma_wait3A_84 = arith.constant 0 : i32
      %dma_wait3A_85 = tpu.memref_slice %arg14[%dma_wait3A, %dma_wait3A_84] : memref<256x128xf32, #tpu.memory_space<vmem>> -> memref<128x128xf32, #tpu.memory_space<vmem>>
      %dma_wait3A_86 = arith.constant 0 : i32
      %dma_wait3A_87 = tpu.memref_slice %arg15[%add3A_12, %dma_wait3A_86] : memref<10112x128xf32, #tpu.memory_space<vmem_shared>> -> memref<128x128xf32, #tpu.memory_space<vmem_shared>>
      %dma_wait3A_88 = arith.constant 0 : i32
      %dma_wait3A_89 = tpu.memref_slice %arg15[%add3A_12, %dma_wait3A_88] : memref<10112x128xf32, #tpu.memory_space<vmem_shared>> -> memref<128x128xf32, #tpu.memory_space<vmem_shared>>
      %dma_wait3A_90 = arith.constant 0 : i32
      %dma_wait3A_91 = arith.constant 0 : i32
      %dma_wait3A_92 = tpu.memref_slice %arg14[%dma_wait3A_90, %dma_wait3A_91] : memref<256x128xf32, #tpu.memory_space<vmem>> -> memref<128x128xf32, #tpu.memory_space<vmem>>
      tpu.wait_dma2 semaphore(%run_scoped3A : memref<!tpu.dma_semaphore, #tpu.memory_space<semaphore_mem>>) src(%dma_wait3A_92 : memref<128x128xf32, #tpu.memory_space<vmem>>) dst(%dma_wait3A_89 : memref<128x128xf32, #tpu.memory_space<vmem_shared>>)
      tpu.yield
    }) : () -> ()
    %mul3A_13 = arith.constant 632 : i32
    %mul3A_14 = arith.muli %arg1, %mul3A_13 : i32
    %add3A_15 = arith.constant 256 : i32
    %add3A_16 = arith.addi %mul3A_14, %add3A_15 : i32
    "tpu.region"() ({
      %run_scoped3A = tpu.sem_alloc : memref<!tpu.dma_semaphore, #tpu.memory_space<semaphore_mem>>
      %dma_start3A = arith.constant 0 : i32
      %dma_start3A_75 = arith.constant 0 : i32
      %dma_start3A_76 = tpu.memref_slice %arg14[%dma_start3A, %dma_start3A_75] : memref<256x128xf32, #tpu.memory_space<vmem>> -> memref<128x128xf32, #tpu.memory_space<vmem>>
      %dma_start3A_77 = arith.constant 0 : i32
      %dma_start3A_78 = tpu.memref_slice %arg15[%add3A_16, %dma_start3A_77] : memref<10112x128xf32, #tpu.memory_space<vmem_shared>> -> memref<128x128xf32, #tpu.memory_space<vmem_shared>>
      %dma_start3A_79 = arith.constant 0 : i32
      %dma_start3A_80 = tpu.memref_slice %arg15[%add3A_16, %dma_start3A_79] : memref<10112x128xf32, #tpu.memory_space<vmem_shared>> -> memref<128x128xf32, #tpu.memory_space<vmem_shared>>
      %dma_start3A_81 = arith.constant 0 : i32
      %dma_start3A_82 = arith.constant 0 : i32
      %dma_start3A_83 = tpu.memref_slice %arg14[%dma_start3A_81, %dma_start3A_82] : memref<256x128xf32, #tpu.memory_space<vmem>> -> memref<128x128xf32, #tpu.memory_space<vmem>>
      tpu.enqueue_dma source(%dma_start3A_83 : memref<128x128xf32, #tpu.memory_space<vmem>>) target(%dma_start3A_80 : memref<128x128xf32, #tpu.memory_space<vmem_shared>>) target_semaphore(%run_scoped3A : memref<!tpu.dma_semaphore, #tpu.memory_space<semaphore_mem>>)
      %dma_wait3A = arith.constant 0 : i32
      %dma_wait3A_84 = arith.constant 0 : i32
      %dma_wait3A_85 = tpu.memref_slice %arg14[%dma_wait3A, %dma_wait3A_84] : memref<256x128xf32, #tpu.memory_space<vmem>> -> memref<128x128xf32, #tpu.memory_space<vmem>>
      %dma_wait3A_86 = arith.constant 0 : i32
      %dma_wait3A_87 = tpu.memref_slice %arg15[%add3A_16, %dma_wait3A_86] : memref<10112x128xf32, #tpu.memory_space<vmem_shared>> -> memref<128x128xf32, #tpu.memory_space<vmem_shared>>
      %dma_wait3A_88 = arith.constant 0 : i32
      %dma_wait3A_89 = tpu.memref_slice %arg15[%add3A_16, %dma_wait3A_88] : memref<10112x128xf32, #tpu.memory_space<vmem_shared>> -> memref<128x128xf32, #tpu.memory_space<vmem_shared>>
      %dma_wait3A_90 = arith.constant 0 : i32
      %dma_wait3A_91 = arith.constant 0 : i32
      %dma_wait3A_92 = tpu.memref_slice %arg14[%dma_wait3A_90, %dma_wait3A_91] : memref<256x128xf32, #tpu.memory_space<vmem>> -> memref<128x128xf32, #tpu.memory_space<vmem>>
      tpu.wait_dma2 semaphore(%run_scoped3A : memref<!tpu.dma_semaphore, #tpu.memory_space<semaphore_mem>>) src(%dma_wait3A_92 : memref<128x128xf32, #tpu.memory_space<vmem>>) dst(%dma_wait3A_89 : memref<128x128xf32, #tpu.memory_space<vmem_shared>>)
      tpu.yield
    }) : () -> ()
    %mul3A_17 = arith.constant 632 : i32
    %mul3A_18 = arith.muli %arg1, %mul3A_17 : i32
    %add3A_19 = arith.constant 384 : i32
    %add3A_20 = arith.addi %mul3A_18, %add3A_19 : i32
    "tpu.region"() ({
      %run_scoped3A = tpu.sem_alloc : memref<!tpu.dma_semaphore, #tpu.memory_space<semaphore_mem>>
      %dma_start3A = arith.constant 0 : i32
      %dma_start3A_75 = arith.constant 0 : i32
      %dma_start3A_76 = tpu.memref_slice %arg14[%dma_start3A, %dma_start3A_75] : memref<256x128xf32, #tpu.memory_space<vmem>> -> memref<128x128xf32, #tpu.memory_space<vmem>>
      %dma_start3A_77 = arith.constant 0 : i32
      %dma_start3A_78 = tpu.memref_slice %arg15[%add3A_20, %dma_start3A_77] : memref<10112x128xf32, #tpu.memory_space<vmem_shared>> -> memref<128x128xf32, #tpu.memory_space<vmem_shared>>
      %dma_start3A_79 = arith.constant 0 : i32
      %dma_start3A_80 = tpu.memref_slice %arg15[%add3A_20, %dma_start3A_79] : memref<10112x128xf32, #tpu.memory_space<vmem_shared>> -> memref<128x128xf32, #tpu.memory_space<vmem_shared>>
      %dma_start3A_81 = arith.constant 0 : i32
      %dma_start3A_82 = arith.constant 0 : i32
      %dma_start3A_83 = tpu.memref_slice %arg14[%dma_start3A_81, %dma_start3A_82] : memref<256x128xf32, #tpu.memory_space<vmem>> -> memref<128x128xf32, #tpu.memory_space<vmem>>
      tpu.enqueue_dma source(%dma_start3A_83 : memref<128x128xf32, #tpu.memory_space<vmem>>) target(%dma_start3A_80 : memref<128x128xf32, #tpu.memory_space<vmem_shared>>) target_semaphore(%run_scoped3A : memref<!tpu.dma_semaphore, #tpu.memory_space<semaphore_mem>>)
      %dma_wait3A = arith.constant 0 : i32
      %dma_wait3A_84 = arith.constant 0 : i32
      %dma_wait3A_85 = tpu.memref_slice %arg14[%dma_wait3A, %dma_wait3A_84] : memref<256x128xf32, #tpu.memory_space<vmem>> -> memref<128x128xf32, #tpu.memory_space<vmem>>
      %dma_wait3A_86 = arith.constant 0 : i32
      %dma_wait3A_87 = tpu.memref_slice %arg15[%add3A_20, %dma_wait3A_86] : memref<10112x128xf32, #tpu.memory_space<vmem_shared>> -> memref<128x128xf32, #tpu.memory_space<vmem_shared>>
      %dma_wait3A_88 = arith.constant 0 : i32
      %dma_wait3A_89 = tpu.memref_slice %arg15[%add3A_20, %dma_wait3A_88] : memref<10112x128xf32, #tpu.memory_space<vmem_shared>> -> memref<128x128xf32, #tpu.memory_space<vmem_shared>>
      %dma_wait3A_90 = arith.constant 0 : i32
      %dma_wait3A_91 = arith.constant 0 : i32
      %dma_wait3A_92 = tpu.memref_slice %arg14[%dma_wait3A_90, %dma_wait3A_91] : memref<256x128xf32, #tpu.memory_space<vmem>> -> memref<128x128xf32, #tpu.memory_space<vmem>>
      tpu.wait_dma2 semaphore(%run_scoped3A : memref<!tpu.dma_semaphore, #tpu.memory_space<semaphore_mem>>) src(%dma_wait3A_92 : memref<128x128xf32, #tpu.memory_space<vmem>>) dst(%dma_wait3A_89 : memref<128x128xf32, #tpu.memory_space<vmem_shared>>)
      tpu.yield
    }) : () -> ()
    %mul3A_21 = arith.constant 632 : i32
    %mul3A_22 = arith.muli %arg1, %mul3A_21 : i32
    %add3A_23 = arith.constant 512 : i32
    %add3A_24 = arith.addi %mul3A_22, %add3A_23 : i32
    "tpu.region"() ({
      %run_scoped3A = tpu.sem_alloc : memref<!tpu.dma_semaphore, #tpu.memory_space<semaphore_mem>>
      %dma_start3A = arith.constant 0 : i32
      %dma_start3A_75 = arith.constant 0 : i32
      %dma_start3A_76 = tpu.memref_slice %arg14[%dma_start3A, %dma_start3A_75] : memref<256x128xf32, #tpu.memory_space<vmem>> -> memref<120x128xf32, #tpu.memory_space<vmem>>
      %dma_start3A_77 = arith.constant 0 : i32
      %dma_start3A_78 = tpu.memref_slice %arg15[%add3A_24, %dma_start3A_77] : memref<10112x128xf32, #tpu.memory_space<vmem_shared>> -> memref<120x128xf32, #tpu.memory_space<vmem_shared>>
      %dma_start3A_79 = arith.constant 0 : i32
      %dma_start3A_80 = tpu.memref_slice %arg15[%add3A_24, %dma_start3A_79] : memref<10112x128xf32, #tpu.memory_space<vmem_shared>> -> memref<120x128xf32, #tpu.memory_space<vmem_shared>>
      %dma_start3A_81 = arith.constant 0 : i32
      %dma_start3A_82 = arith.constant 0 : i32
      %dma_start3A_83 = tpu.memref_slice %arg14[%dma_start3A_81, %dma_start3A_82] : memref<256x128xf32, #tpu.memory_space<vmem>> -> memref<120x128xf32, #tpu.memory_space<vmem>>
      tpu.enqueue_dma source(%dma_start3A_83 : memref<120x128xf32, #tpu.memory_space<vmem>>) target(%dma_start3A_80 : memref<120x128xf32, #tpu.memory_space<vmem_shared>>) target_semaphore(%run_scoped3A : memref<!tpu.dma_semaphore, #tpu.memory_space<semaphore_mem>>)
      %dma_wait3A = arith.constant 0 : i32
      %dma_wait3A_84 = arith.constant 0 : i32
      %dma_wait3A_85 = tpu.memref_slice %arg14[%dma_wait3A, %dma_wait3A_84] : memref<256x128xf32, #tpu.memory_space<vmem>> -> memref<120x128xf32, #tpu.memory_space<vmem>>
      %dma_wait3A_86 = arith.constant 0 : i32
      %dma_wait3A_87 = tpu.memref_slice %arg15[%add3A_24, %dma_wait3A_86] : memref<10112x128xf32, #tpu.memory_space<vmem_shared>> -> memref<120x128xf32, #tpu.memory_space<vmem_shared>>
      %dma_wait3A_88 = arith.constant 0 : i32
      %dma_wait3A_89 = tpu.memref_slice %arg15[%add3A_24, %dma_wait3A_88] : memref<10112x128xf32, #tpu.memory_space<vmem_shared>> -> memref<120x128xf32, #tpu.memory_space<vmem_shared>>
      %dma_wait3A_90 = arith.constant 0 : i32
      %dma_wait3A_91 = arith.constant 0 : i32
      %dma_wait3A_92 = tpu.memref_slice %arg14[%dma_wait3A_90, %dma_wait3A_91] : memref<256x128xf32, #tpu.memory_space<vmem>> -> memref<120x128xf32, #tpu.memory_space<vmem>>
      tpu.wait_dma2 semaphore(%run_scoped3A : memref<!tpu.dma_semaphore, #tpu.memory_space<semaphore_mem>>) src(%dma_wait3A_92 : memref<120x128xf32, #tpu.memory_space<vmem>>) dst(%dma_wait3A_89 : memref<120x128xf32, #tpu.memory_space<vmem_shared>>)
      tpu.yield
    }) : () -> ()
    %barrier3A = arith.constant 0 : index
    tpu.barrier barrier_id(%barrier3A)
    %mul3A_25 = arith.constant 80000 : i32
    %mul3A_26 = arith.muli %arg0, %mul3A_25 : i32
    %scan3A_27 = arith.constant 0 : i32
    %scan3A_28 = arith.constant 0 : i32
    %scan3A_29 = arith.constant 16 : i32
    %scan3A_30 = arith.addi %scan3A_28, %scan3A_29 : i32
    %scan3A_31 = arith.constant 1 : i32
    %scan3A_32 = scf.for %scan3A_75 = %scan3A_28 to %scan3A_30 step %scan3A_31 iter_args(%scan3A_76 = %scan3A_27) -> (i32)  : i32 {
      %mul3A_77 = arith.constant 20480 : i32
      %mul3A_78 = arith.muli %arg1, %mul3A_77 : i32
      %mul3A_79 = arith.constant 1280 : i32
      %mul3A_80 = arith.muli %scan3A_75, %mul3A_79 : i32
      %add3A_81 = arith.addi %mul3A_78, %mul3A_80 : i32
      "tpu.region"() ({
        %run_scoped3A_367 = tpu.sem_alloc : memref<!tpu.dma_semaphore, #tpu.memory_space<semaphore_mem>>
        %dma_start3A_368 = tpu.memref_slice %arg3[%add3A_81] : memref<327680xi32, #tpu.memory_space<hbm>> -> memref<1280xi32, #tpu.memory_space<hbm>>
        %dma_start3A_369 = tpu.memref_slice %arg3[%add3A_81] : memref<327680xi32, #tpu.memory_space<hbm>> -> memref<1280xi32, #tpu.memory_space<hbm>>
        tpu.enqueue_dma source(%dma_start3A_369 : memref<1280xi32, #tpu.memory_space<hbm>>) target(%arg8 : memref<1280xi32, #tpu.memory_space<vmem>>) target_semaphore(%run_scoped3A_367 : memref<!tpu.dma_semaphore, #tpu.memory_space<semaphore_mem>>)
        %dma_wait3A_370 = tpu.memref_slice %arg3[%add3A_81] : memref<327680xi32, #tpu.memory_space<hbm>> -> memref<1280xi32, #tpu.memory_space<hbm>>
        %dma_wait3A_371 = tpu.memref_slice %arg3[%add3A_81] : memref<327680xi32, #tpu.memory_space<hbm>> -> memref<1280xi32, #tpu.memory_space<hbm>>
        tpu.wait_dma2 semaphore(%run_scoped3A_367 : memref<!tpu.dma_semaphore, #tpu.memory_space<semaphore_mem>>) src(%dma_wait3A_371 : memref<1280xi32, #tpu.memory_space<hbm>>) dst(%arg8 : memref<1280xi32, #tpu.memory_space<vmem>>)
        tpu.yield
      }) : () -> ()
      "tpu.region"() ({
        %run_scoped3A_367 = tpu.sem_alloc : memref<!tpu.dma_semaphore, #tpu.memory_space<semaphore_mem>>
        %dma_start3A_368 = tpu.memref_slice %arg4[%add3A_81] : memref<327680xi32, #tpu.memory_space<hbm>> -> memref<1280xi32, #tpu.memory_space<hbm>>
        %dma_start3A_369 = tpu.memref_slice %arg4[%add3A_81] : memref<327680xi32, #tpu.memory_space<hbm>> -> memref<1280xi32, #tpu.memory_space<hbm>>
        tpu.enqueue_dma source(%dma_start3A_369 : memref<1280xi32, #tpu.memory_space<hbm>>) target(%arg9 : memref<1280xi32, #tpu.memory_space<vmem>>) target_semaphore(%run_scoped3A_367 : memref<!tpu.dma_semaphore, #tpu.memory_space<semaphore_mem>>)
        %dma_wait3A_370 = tpu.memref_slice %arg4[%add3A_81] : memref<327680xi32, #tpu.memory_space<hbm>> -> memref<1280xi32, #tpu.memory_space<hbm>>
        %dma_wait3A_371 = tpu.memref_slice %arg4[%add3A_81] : memref<327680xi32, #tpu.memory_space<hbm>> -> memref<1280xi32, #tpu.memory_space<hbm>>
        tpu.wait_dma2 semaphore(%run_scoped3A_367 : memref<!tpu.dma_semaphore, #tpu.memory_space<semaphore_mem>>) src(%dma_wait3A_371 : memref<1280xi32, #tpu.memory_space<hbm>>) dst(%arg9 : memref<1280xi32, #tpu.memory_space<vmem>>)
        tpu.yield
      }) : () -> ()
      "tpu.region"() ({
        %run_scoped3A_367 = tpu.sem_alloc : memref<!tpu.dma_semaphore, #tpu.memory_space<semaphore_mem>>
        %dma_start3A_368 = tpu.memref_slice %arg5[%add3A_81] : memref<327680xi32, #tpu.memory_space<hbm>> -> memref<1280xi32, #tpu.memory_space<hbm>>
        %dma_start3A_369 = tpu.memref_slice %arg5[%add3A_81] : memref<327680xi32, #tpu.memory_space<hbm>> -> memref<1280xi32, #tpu.memory_space<hbm>>
        tpu.enqueue_dma source(%dma_start3A_369 : memref<1280xi32, #tpu.memory_space<hbm>>) target(%arg10 : memref<1280xi32, #tpu.memory_space<vmem>>) target_semaphore(%run_scoped3A_367 : memref<!tpu.dma_semaphore, #tpu.memory_space<semaphore_mem>>)
        %dma_wait3A_370 = tpu.memref_slice %arg5[%add3A_81] : memref<327680xi32, #tpu.memory_space<hbm>> -> memref<1280xi32, #tpu.memory_space<hbm>>
        %dma_wait3A_371 = tpu.memref_slice %arg5[%add3A_81] : memref<327680xi32, #tpu.memory_space<hbm>> -> memref<1280xi32, #tpu.memory_space<hbm>>
        tpu.wait_dma2 semaphore(%run_scoped3A_367 : memref<!tpu.dma_semaphore, #tpu.memory_space<semaphore_mem>>) src(%dma_wait3A_371 : memref<1280xi32, #tpu.memory_space<hbm>>) dst(%arg10 : memref<1280xi32, #tpu.memory_space<vmem>>)
        tpu.yield
      }) : () -> ()
      "tpu.region"() ({
        %run_scoped3A_367 = tpu.sem_alloc : memref<!tpu.dma_semaphore, #tpu.memory_space<semaphore_mem>>
        %dma_start3A_368 = tpu.memref_slice %arg6[%add3A_81] : memref<327680xf32, #tpu.memory_space<hbm>> -> memref<1280xf32, #tpu.memory_space<hbm>>
        %dma_start3A_369 = tpu.memref_slice %arg6[%add3A_81] : memref<327680xf32, #tpu.memory_space<hbm>> -> memref<1280xf32, #tpu.memory_space<hbm>>
        tpu.enqueue_dma source(%dma_start3A_369 : memref<1280xf32, #tpu.memory_space<hbm>>) target(%arg11 : memref<1280xf32, #tpu.memory_space<vmem>>) target_semaphore(%run_scoped3A_367 : memref<!tpu.dma_semaphore, #tpu.memory_space<semaphore_mem>>)
        %dma_wait3A_370 = tpu.memref_slice %arg6[%add3A_81] : memref<327680xf32, #tpu.memory_space<hbm>> -> memref<1280xf32, #tpu.memory_space<hbm>>
        %dma_wait3A_371 = tpu.memref_slice %arg6[%add3A_81] : memref<327680xf32, #tpu.memory_space<hbm>> -> memref<1280xf32, #tpu.memory_space<hbm>>
        tpu.wait_dma2 semaphore(%run_scoped3A_367 : memref<!tpu.dma_semaphore, #tpu.memory_space<semaphore_mem>>) src(%dma_wait3A_371 : memref<1280xf32, #tpu.memory_space<hbm>>) dst(%arg11 : memref<1280xf32, #tpu.memory_space<vmem>>)
        tpu.yield
      }) : () -> ()
      %scan3A_82 = arith.constant 0 : i32
      %scan3A_83 = arith.constant 0 : i32
      %scan3A_84 = arith.constant 80 : i32
      %scan3A_85 = arith.addi %scan3A_83, %scan3A_84 : i32
      %scan3A_86 = arith.constant 1 : i32
      %scan3A_87 = scf.for %scan3A_367 = %scan3A_83 to %scan3A_85 step %scan3A_86 iter_args(%scan3A_368 = %scan3A_82) -> (i32)  : i32 {
        %mul3A_369 = arith.constant 16 : i32
        %mul3A_370 = arith.muli %scan3A_367, %mul3A_369 : i32
        %get3A = arith.index_cast %mul3A_370 : i32 to index
        %get3A_371 = tpu.vector_load %arg9[%get3A] {strides = array<i32>} : memref<1280xi32, #tpu.memory_space<vmem>>, vector<16xi32>,
        %mul3A_372 = arith.constant 10000 : i32
        %mul3A_373 = vector.broadcast %mul3A_372 : i32 to vector<16xi32>
        %mul3A_374 = arith.muli %get3A_371, %mul3A_373 : vector<16xi32>
        %add3A_375 = vector.broadcast %mul3A_26 : i32 to vector<16xi32>
        %add3A_376 = arith.addi %add3A_375, %mul3A_374 : vector<16xi32>
        %get3A_377 = arith.index_cast %mul3A_370 : i32 to index
        %get3A_378 = tpu.vector_load %arg8[%get3A_377] {strides = array<i32>} : memref<1280xi32, #tpu.memory_space<vmem>>, vector<16xi32>,
        %add3A_379 = arith.addi %add3A_376, %get3A_378 : vector<16xi32>
        %shift_right_arithmetic3A = arith.constant 3 : i32
        %shift_right_arithmetic3A_380 = arith.shrsi %scan3A_367, %shift_right_arithmetic3A : i32
        %and3A = arith.constant 7 : i32
        %and3A_381 = arith.andi %scan3A_367, %and3A : i32
        %mul3A_382 = arith.constant 16 : i32
        %mul3A_383 = arith.muli %and3A_381, %mul3A_382 : i32
        %swap3A = arith.index_cast %shift_right_arithmetic3A_380 : i32 to index
        %swap3A_384 = arith.index_cast %mul3A_383 : i32 to index
        %swap3A_385 = tpu.vector_load %arg12[%swap3A, %swap3A_384] {strides = array<i32>} : memref<10x128xi32, #tpu.memory_space<vmem>>, vector<16xi32>,
        tpu.vector_store %arg12[%swap3A, %swap3A_384], %add3A_379 {strides = array<i32>} : memref<10x128xi32, #tpu.memory_space<vmem>>, vector<16xi32>,
        %get3A_386 = arith.index_cast %mul3A_370 : i32 to index
        %get3A_387 = tpu.vector_load %arg10[%get3A_386] {strides = array<i32>} : memref<1280xi32, #tpu.memory_space<vmem>>, vector<16xi32>,
        %shift_right_arithmetic3A_388 = arith.constant 3 : i32
        %shift_right_arithmetic3A_389 = arith.shrsi %scan3A_367, %shift_right_arithmetic3A_388 : i32
        %and3A_390 = arith.constant 7 : i32
        %and3A_391 = arith.andi %scan3A_367, %and3A_390 : i32
        %mul3A_392 = arith.constant 16 : i32
        %mul3A_393 = arith.muli %and3A_391, %mul3A_392 : i32
        %swap3A_394 = arith.index_cast %shift_right_arithmetic3A_389 : i32 to index
        %swap3A_395 = arith.index_cast %mul3A_393 : i32 to index
        %swap3A_396 = tpu.vector_load %arg13[%swap3A_394, %swap3A_395] {strides = array<i32>} : memref<10x128xi32, #tpu.memory_space<vmem>>, vector<16xi32>,
        tpu.vector_store %arg13[%swap3A_394, %swap3A_395], %get3A_387 {strides = array<i32>} : memref<10x128xi32, #tpu.memory_space<vmem>>, vector<16xi32>,
        %scan3A_397 = arith.constant 0 : i32
        scf.yield %scan3A_397 : i32
      }
      %scan3A_88 = arith.constant 80 : i32
      %dma_start3A = arith.constant 0 : i32
      %dma_start3A_89 = arith.constant 0 : i32
      %dma_start3A_90 = arith.constant 0 : i32
      %dma_start3A_91 = tpu.memref_slice %arg14[%dma_start3A_89, %dma_start3A_90] : memref<256x128xf32, #tpu.memory_space<vmem>> -> memref<128x128xf32, #tpu.memory_space<vmem>>
      %dma_start3A_92 = arith.constant 0 : i32
      %dma_start3A_93 = tpu.memref_slice %arg12[%dma_start3A, %dma_start3A_92] : memref<10x128xi32, #tpu.memory_space<vmem>> -> memref<1x128xi32, #tpu.memory_space<vmem>>
      %dma_start3A_94 = tpu.memref_squeeze %dma_start3A_93 : memref<1x128xi32, #tpu.memory_space<vmem>> -> memref<128xi32, #tpu.memory_space<vmem>>
      %dma_start3A_95 = arith.constant 0 : i32
      %dma_start3A_96 = arith.constant 0 : i32
      %dma_start3A_97 = tpu.memref_slice %arg2[%dma_start3A_95, %dma_start3A_96] : memref<160000x128xf32, #tpu.memory_space<hbm>> -> memref<160000x128xf32, #tpu.memory_space<hbm>>
      tpu.enqueue_indirect_dma source(%dma_start3A_97 : memref<160000x128xf32, #tpu.memory_space<hbm>>) target(%dma_start3A_91 : memref<128x128xf32, #tpu.memory_space<vmem>>) offsets(%dma_start3A_94 : memref<128xi32, #tpu.memory_space<vmem>>) semaphore(%arg17 : memref<!tpu.dma_semaphore, #tpu.memory_space<semaphore_mem>>)
      %dma_wait3A = arith.constant 0 : i32
      %dma_wait3A_98 = arith.constant 0 : i32
      %dma_wait3A_99 = arith.constant 0 : i32
      %dma_wait3A_100 = tpu.memref_slice %arg14[%dma_wait3A_98, %dma_wait3A_99] : memref<256x128xf32, #tpu.memory_space<vmem>> -> memref<128x128xf32, #tpu.memory_space<vmem>>
      %dma_wait3A_101 = arith.constant 0 : i32
      %dma_wait3A_102 = tpu.memref_slice %arg12[%dma_wait3A, %dma_wait3A_101] : memref<10x128xi32, #tpu.memory_space<vmem>> -> memref<1x128xi32, #tpu.memory_space<vmem>>
      %dma_wait3A_103 = tpu.memref_squeeze %dma_wait3A_102 : memref<1x128xi32, #tpu.memory_space<vmem>> -> memref<128xi32, #tpu.memory_space<vmem>>
      %dma_wait3A_104 = arith.constant 0 : i32
      %dma_wait3A_105 = arith.constant 0 : i32
      %dma_wait3A_106 = tpu.memref_slice %arg2[%dma_wait3A_104, %dma_wait3A_105] : memref<160000x128xf32, #tpu.memory_space<hbm>> -> memref<160000x128xf32, #tpu.memory_space<hbm>>
      tpu.wait_indirect_dma semaphore(%arg17 : memref<!tpu.dma_semaphore, #tpu.memory_space<semaphore_mem>>) src(%dma_wait3A_106 : memref<160000x128xf32, #tpu.memory_space<hbm>>) dst(%dma_wait3A_100 : memref<128x128xf32, #tpu.memory_space<vmem>>)
      %dma_start3A_107 = arith.constant 1 : i32
      %dma_start3A_108 = arith.constant 128 : i32
      %dma_start3A_109 = arith.constant 0 : i32
      %dma_start3A_110 = tpu.memref_slice %arg14[%dma_start3A_108, %dma_start3A_109] : memref<256x128xf32, #tpu.memory_space<vmem>> -> memref<128x128xf32, #tpu.memory_space<vmem>>
      %dma_start3A_111 = arith.constant 0 : i32
      %dma_start3A_112 = tpu.memref_slice %arg12[%dma_start3A_107, %dma_start3A_111] : memref<10x128xi32, #tpu.memory_space<vmem>> -> memref<1x128xi32, #tpu.memory_space<vmem>>
      %dma_start3A_113 = tpu.memref_squeeze %dma_start3A_112 : memref<1x128xi32, #tpu.memory_space<vmem>> -> memref<128xi32, #tpu.memory_space<vmem>>
      %dma_start3A_114 = arith.constant 0 : i32
      %dma_start3A_115 = arith.constant 0 : i32
      %dma_start3A_116 = tpu.memref_slice %arg2[%dma_start3A_114, %dma_start3A_115] : memref<160000x128xf32, #tpu.memory_space<hbm>> -> memref<160000x128xf32, #tpu.memory_space<hbm>>
      tpu.enqueue_indirect_dma source(%dma_start3A_116 : memref<160000x128xf32, #tpu.memory_space<hbm>>) target(%dma_start3A_110 : memref<128x128xf32, #tpu.memory_space<vmem>>) offsets(%dma_start3A_113 : memref<128xi32, #tpu.memory_space<vmem>>) semaphore(%arg18 : memref<!tpu.dma_semaphore, #tpu.memory_space<semaphore_mem>>)
      %scan3A_117 = arith.constant 0 : i32
      %scan3A_118 = arith.constant 0 : i32
      %scan3A_119 = arith.constant 128 : i32
      %scan3A_120 = arith.addi %scan3A_118, %scan3A_119 : i32
      %scan3A_121 = arith.constant 2 : i32
      %scan3A_122 = scf.for %scan3A_367 = %scan3A_118 to %scan3A_120 step %scan3A_121 iter_args(%scan3A_368 = %scan3A_117) -> (i32)  : i32 {
        %add3A_369 = arith.constant 0 : i32
        %add3A_370 = arith.addi %add3A_369, %scan3A_367 : i32
        %broadcast_in_dim3A_371 = vector.broadcast %add3A_370 : i32 to vector<16xi32>
        %gather3A = tpu.vector_load_idx %arg11[%broadcast_in_dim3A_371] : memref<1280xf32, #tpu.memory_space<vmem>>[vector<16xi32>], vector<16xf32>,
        %add3A_372 = arith.constant 0 : i32
        %add3A_373 = arith.addi %add3A_372, %scan3A_367 : i32
        %get3A = arith.index_cast %add3A_373 : i32 to index
        %get3A_374 = arith.constant 0 : index
        %get3A_375 = tpu.vector_load %arg14[%get3A, %get3A_374] {strides = array<i32>} : memref<256x128xf32, #tpu.memory_space<vmem>>, vector<16xf32>,
        %mul3A_376 = arith.mulf %get3A_375, %gather3A : vector<16xf32>
        %swap3A = arith.index_cast %add3A_373 : i32 to index
        %swap3A_377 = arith.constant 0 : index
        %swap3A_378 = tpu.vector_load %arg14[%swap3A, %swap3A_377] {strides = array<i32>} : memref<256x128xf32, #tpu.memory_space<vmem>>, vector<16xf32>,
        tpu.vector_store %arg14[%swap3A, %swap3A_377], %mul3A_376 {strides = array<i32>} : memref<256x128xf32, #tpu.memory_space<vmem>>, vector<16xf32>,
        %get3A_379 = arith.index_cast %add3A_373 : i32 to index
        %get3A_380 = arith.constant 16 : index
        %get3A_381 = tpu.vector_load %arg14[%get3A_379, %get3A_380] {strides = array<i32>} : memref<256x128xf32, #tpu.memory_space<vmem>>, vector<16xf32>,
        %mul3A_382 = arith.mulf %get3A_381, %gather3A : vector<16xf32>
        %swap3A_383 = arith.index_cast %add3A_373 : i32 to index
        %swap3A_384 = arith.constant 16 : index
        %swap3A_385 = tpu.vector_load %arg14[%swap3A_383, %swap3A_384] {strides = array<i32>} : memref<256x128xf32, #tpu.memory_space<vmem>>, vector<16xf32>,
        tpu.vector_store %arg14[%swap3A_383, %swap3A_384], %mul3A_382 {strides = array<i32>} : memref<256x128xf32, #tpu.memory_space<vmem>>, vector<16xf32>,
        %get3A_386 = arith.index_cast %add3A_373 : i32 to index
        %get3A_387 = arith.constant 32 : index
        %get3A_388 = tpu.vector_load %arg14[%get3A_386, %get3A_387] {strides = array<i32>} : memref<256x128xf32, #tpu.memory_space<vmem>>, vector<16xf32>,
        %mul3A_389 = arith.mulf %get3A_388, %gather3A : vector<16xf32>
        %swap3A_390 = arith.index_cast %add3A_373 : i32 to index
        %swap3A_391 = arith.constant 32 : index
        %swap3A_392 = tpu.vector_load %arg14[%swap3A_390, %swap3A_391] {strides = array<i32>} : memref<256x128xf32, #tpu.memory_space<vmem>>, vector<16xf32>,
        tpu.vector_store %arg14[%swap3A_390, %swap3A_391], %mul3A_389 {strides = array<i32>} : memref<256x128xf32, #tpu.memory_space<vmem>>, vector<16xf32>,
        %get3A_393 = arith.index_cast %add3A_373 : i32 to index
        %get3A_394 = arith.constant 48 : index
        %get3A_395 = tpu.vector_load %arg14[%get3A_393, %get3A_394] {strides = array<i32>} : memref<256x128xf32, #tpu.memory_space<vmem>>, vector<16xf32>,
        %mul3A_396 = arith.mulf %get3A_395, %gather3A : vector<16xf32>
        %swap3A_397 = arith.index_cast %add3A_373 : i32 to index
        %swap3A_398 = arith.constant 48 : index
        %swap3A_399 = tpu.vector_load %arg14[%swap3A_397, %swap3A_398] {strides = array<i32>} : memref<256x128xf32, #tpu.memory_space<vmem>>, vector<16xf32>,
        tpu.vector_store %arg14[%swap3A_397, %swap3A_398], %mul3A_396 {strides = array<i32>} : memref<256x128xf32, #tpu.memory_space<vmem>>, vector<16xf32>,
        %get3A_400 = arith.index_cast %add3A_373 : i32 to index
        %get3A_401 = arith.constant 64 : index
        %get3A_402 = tpu.vector_load %arg14[%get3A_400, %get3A_401] {strides = array<i32>} : memref<256x128xf32, #tpu.memory_space<vmem>>, vector<16xf32>,
        %mul3A_403 = arith.mulf %get3A_402, %gather3A : vector<16xf32>
        %swap3A_404 = arith.index_cast %add3A_373 : i32 to index
        %swap3A_405 = arith.constant 64 : index
        %swap3A_406 = tpu.vector_load %arg14[%swap3A_404, %swap3A_405] {strides = array<i32>} : memref<256x128xf32, #tpu.memory_space<vmem>>, vector<16xf32>,
        tpu.vector_store %arg14[%swap3A_404, %swap3A_405], %mul3A_403 {strides = array<i32>} : memref<256x128xf32, #tpu.memory_space<vmem>>, vector<16xf32>,
        %get3A_407 = arith.index_cast %add3A_373 : i32 to index
        %get3A_408 = arith.constant 80 : index
        %get3A_409 = tpu.vector_load %arg14[%get3A_407, %get3A_408] {strides = array<i32>} : memref<256x128xf32, #tpu.memory_space<vmem>>, vector<16xf32>,
        %mul3A_410 = arith.mulf %get3A_409, %gather3A : vector<16xf32>
        %swap3A_411 = arith.index_cast %add3A_373 : i32 to index
        %swap3A_412 = arith.constant 80 : index
        %swap3A_413 = tpu.vector_load %arg14[%swap3A_411, %swap3A_412] {strides = array<i32>} : memref<256x128xf32, #tpu.memory_space<vmem>>, vector<16xf32>,
        tpu.vector_store %arg14[%swap3A_411, %swap3A_412], %mul3A_410 {strides = array<i32>} : memref<256x128xf32, #tpu.memory_space<vmem>>, vector<16xf32>,
        %get3A_414 = arith.index_cast %add3A_373 : i32 to index
        %get3A_415 = arith.constant 96 : index
        %get3A_416 = tpu.vector_load %arg14[%get3A_414, %get3A_415] {strides = array<i32>} : memref<256x128xf32, #tpu.memory_space<vmem>>, vector<16xf32>,
        %mul3A_417 = arith.mulf %get3A_416, %gather3A : vector<16xf32>
        %swap3A_418 = arith.index_cast %add3A_373 : i32 to index
        %swap3A_419 = arith.constant 96 : index
        %swap3A_420 = tpu.vector_load %arg14[%swap3A_418, %swap3A_419] {strides = array<i32>} : memref<256x128xf32, #tpu.memory_space<vmem>>, vector<16xf32>,
        tpu.vector_store %arg14[%swap3A_418, %swap3A_419], %mul3A_417 {strides = array<i32>} : memref<256x128xf32, #tpu.memory_space<vmem>>, vector<16xf32>,
        %get3A_421 = arith.index_cast %add3A_373 : i32 to index
        %get3A_422 = arith.constant 112 : index
        %get3A_423 = tpu.vector_load %arg14[%get3A_421, %get3A_422] {strides = array<i32>} : memref<256x128xf32, #tpu.memory_space<vmem>>, vector<16xf32>,
        %mul3A_424 = arith.mulf %get3A_423, %gather3A : vector<16xf32>
        %swap3A_425 = arith.index_cast %add3A_373 : i32 to index
        %swap3A_426 = arith.constant 112 : index
        %swap3A_427 = tpu.vector_load %arg14[%swap3A_425, %swap3A_426] {strides = array<i32>} : memref<256x128xf32, #tpu.memory_space<vmem>>, vector<16xf32>,
        tpu.vector_store %arg14[%swap3A_425, %swap3A_426], %mul3A_424 {strides = array<i32>} : memref<256x128xf32, #tpu.memory_space<vmem>>, vector<16xf32>,
        %scan3A_428 = arith.constant 0 : i32
        %scan3A_429 = arith.constant 1 : i32
        %scan3A_430 = arith.addi %scan3A_367, %scan3A_429 : i32
        %add3A_431 = arith.constant 0 : i32
        %add3A_432 = arith.addi %add3A_431, %scan3A_430 : i32
        %broadcast_in_dim3A_433 = vector.broadcast %add3A_432 : i32 to vector<16xi32>
        %gather3A_434 = tpu.vector_load_idx %arg11[%broadcast_in_dim3A_433] : memref<1280xf32, #tpu.memory_space<vmem>>[vector<16xi32>], vector<16xf32>,
        %add3A_435 = arith.constant 0 : i32
        %add3A_436 = arith.addi %add3A_435, %scan3A_430 : i32
        %get3A_437 = arith.index_cast %add3A_436 : i32 to index
        %get3A_438 = arith.constant 0 : index
        %get3A_439 = tpu.vector_load %arg14[%get3A_437, %get3A_438] {strides = array<i32>} : memref<256x128xf32, #tpu.memory_space<vmem>>, vector<16xf32>,
        %mul3A_440 = arith.mulf %get3A_439, %gather3A_434 : vector<16xf32>
        %swap3A_441 = arith.index_cast %add3A_436 : i32 to index
        %swap3A_442 = arith.constant 0 : index
        %swap3A_443 = tpu.vector_load %arg14[%swap3A_441, %swap3A_442] {strides = array<i32>} : memref<256x128xf32, #tpu.memory_space<vmem>>, vector<16xf32>,
        tpu.vector_store %arg14[%swap3A_441, %swap3A_442], %mul3A_440 {strides = array<i32>} : memref<256x128xf32, #tpu.memory_space<vmem>>, vector<16xf32>,
        %get3A_444 = arith.index_cast %add3A_436 : i32 to index
        %get3A_445 = arith.constant 16 : index
        %get3A_446 = tpu.vector_load %arg14[%get3A_444, %get3A_445] {strides = array<i32>} : memref<256x128xf32, #tpu.memory_space<vmem>>, vector<16xf32>,
        %mul3A_447 = arith.mulf %get3A_446, %gather3A_434 : vector<16xf32>
        %swap3A_448 = arith.index_cast %add3A_436 : i32 to index
        %swap3A_449 = arith.constant 16 : index
        %swap3A_450 = tpu.vector_load %arg14[%swap3A_448, %swap3A_449] {strides = array<i32>} : memref<256x128xf32, #tpu.memory_space<vmem>>, vector<16xf32>,
        tpu.vector_store %arg14[%swap3A_448, %swap3A_449], %mul3A_447 {strides = array<i32>} : memref<256x128xf32, #tpu.memory_space<vmem>>, vector<16xf32>,
        %get3A_451 = arith.index_cast %add3A_436 : i32 to index
        %get3A_452 = arith.constant 32 : index
        %get3A_453 = tpu.vector_load %arg14[%get3A_451, %get3A_452] {strides = array<i32>} : memref<256x128xf32, #tpu.memory_space<vmem>>, vector<16xf32>,
        %mul3A_454 = arith.mulf %get3A_453, %gather3A_434 : vector<16xf32>
        %swap3A_455 = arith.index_cast %add3A_436 : i32 to index
        %swap3A_456 = arith.constant 32 : index
        %swap3A_457 = tpu.vector_load %arg14[%swap3A_455, %swap3A_456] {strides = array<i32>} : memref<256x128xf32, #tpu.memory_space<vmem>>, vector<16xf32>,
        tpu.vector_store %arg14[%swap3A_455, %swap3A_456], %mul3A_454 {strides = array<i32>} : memref<256x128xf32, #tpu.memory_space<vmem>>, vector<16xf32>,
        %get3A_458 = arith.index_cast %add3A_436 : i32 to index
        %get3A_459 = arith.constant 48 : index
        %get3A_460 = tpu.vector_load %arg14[%get3A_458, %get3A_459] {strides = array<i32>} : memref<256x128xf32, #tpu.memory_space<vmem>>, vector<16xf32>,
        %mul3A_461 = arith.mulf %get3A_460, %gather3A_434 : vector<16xf32>
        %swap3A_462 = arith.index_cast %add3A_436 : i32 to index
        %swap3A_463 = arith.constant 48 : index
        %swap3A_464 = tpu.vector_load %arg14[%swap3A_462, %swap3A_463] {strides = array<i32>} : memref<256x128xf32, #tpu.memory_space<vmem>>, vector<16xf32>,
        tpu.vector_store %arg14[%swap3A_462, %swap3A_463], %mul3A_461 {strides = array<i32>} : memref<256x128xf32, #tpu.memory_space<vmem>>, vector<16xf32>,
        %get3A_465 = arith.index_cast %add3A_436 : i32 to index
        %get3A_466 = arith.constant 64 : index
        %get3A_467 = tpu.vector_load %arg14[%get3A_465, %get3A_466] {strides = array<i32>} : memref<256x128xf32, #tpu.memory_space<vmem>>, vector<16xf32>,
        %mul3A_468 = arith.mulf %get3A_467, %gather3A_434 : vector<16xf32>
        %swap3A_469 = arith.index_cast %add3A_436 : i32 to index
        %swap3A_470 = arith.constant 64 : index
        %swap3A_471 = tpu.vector_load %arg14[%swap3A_469, %swap3A_470] {strides = array<i32>} : memref<256x128xf32, #tpu.memory_space<vmem>>, vector<16xf32>,
        tpu.vector_store %arg14[%swap3A_469, %swap3A_470], %mul3A_468 {strides = array<i32>} : memref<256x128xf32, #tpu.memory_space<vmem>>, vector<16xf32>,
        %get3A_472 = arith.index_cast %add3A_436 : i32 to index
        %get3A_473 = arith.constant 80 : index
        %get3A_474 = tpu.vector_load %arg14[%get3A_472, %get3A_473] {strides = array<i32>} : memref<256x128xf32, #tpu.memory_space<vmem>>, vector<16xf32>,
        %mul3A_475 = arith.mulf %get3A_474, %gather3A_434 : vector<16xf32>
        %swap3A_476 = arith.index_cast %add3A_436 : i32 to index
        %swap3A_477 = arith.constant 80 : index
        %swap3A_478 = tpu.vector_load %arg14[%swap3A_476, %swap3A_477] {strides = array<i32>} : memref<256x128xf32, #tpu.memory_space<vmem>>, vector<16xf32>,
        tpu.vector_store %arg14[%swap3A_476, %swap3A_477], %mul3A_475 {strides = array<i32>} : memref<256x128xf32, #tpu.memory_space<vmem>>, vector<16xf32>,
        %get3A_479 = arith.index_cast %add3A_436 : i32 to index
        %get3A_480 = arith.constant 96 : index
        %get3A_481 = tpu.vector_load %arg14[%get3A_479, %get3A_480] {strides = array<i32>} : memref<256x128xf32, #tpu.memory_space<vmem>>, vector<16xf32>,
        %mul3A_482 = arith.mulf %get3A_481, %gather3A_434 : vector<16xf32>
        %swap3A_483 = arith.index_cast %add3A_436 : i32 to index
        %swap3A_484 = arith.constant 96 : index
        %swap3A_485 = tpu.vector_load %arg14[%swap3A_483, %swap3A_484] {strides = array<i32>} : memref<256x128xf32, #tpu.memory_space<vmem>>, vector<16xf32>,
        tpu.vector_store %arg14[%swap3A_483, %swap3A_484], %mul3A_482 {strides = array<i32>} : memref<256x128xf32, #tpu.memory_space<vmem>>, vector<16xf32>,
        %get3A_486 = arith.index_cast %add3A_436 : i32 to index
        %get3A_487 = arith.constant 112 : index
        %get3A_488 = tpu.vector_load %arg14[%get3A_486, %get3A_487] {strides = array<i32>} : memref<256x128xf32, #tpu.memory_space<vmem>>, vector<16xf32>,
        %mul3A_489 = arith.mulf %get3A_488, %gather3A_434 : vector<16xf32>
        %swap3A_490 = arith.index_cast %add3A_436 : i32 to index
        %swap3A_491 = arith.constant 112 : index
        %swap3A_492 = tpu.vector_load %arg14[%swap3A_490, %swap3A_491] {strides = array<i32>} : memref<256x128xf32, #tpu.memory_space<vmem>>, vector<16xf32>,
        tpu.vector_store %arg14[%swap3A_490, %swap3A_491], %mul3A_489 {strides = array<i32>} : memref<256x128xf32, #tpu.memory_space<vmem>>, vector<16xf32>,
        %scan3A_493 = arith.constant 0 : i32
        scf.yield %scan3A_493 : i32
      }
      %scan3A_123 = arith.constant 128 : i32
      %run_scoped3A = arith.constant 0 : i32
      "tpu.region"() ({
        %run_scoped3A_367 = tpu.sem_alloc : memref<!tpu.dma_semaphore, #tpu.memory_space<semaphore_mem>>
        %dma_start3A_368 = arith.constant 0 : i32
        %dma_start3A_369 = arith.constant 0 : i32
        %dma_start3A_370 = tpu.memref_slice %arg14[%dma_start3A_368, %dma_start3A_369] : memref<256x128xf32, #tpu.memory_space<vmem>> -> memref<128x128xf32, #tpu.memory_space<vmem>>
        %dma_start3A_371 = arith.constant 0 : i32
        %dma_start3A_372 = tpu.memref_slice %arg13[%run_scoped3A, %dma_start3A_371] : memref<10x128xi32, #tpu.memory_space<vmem>> -> memref<1x128xi32, #tpu.memory_space<vmem>>
        %dma_start3A_373 = tpu.memref_squeeze %dma_start3A_372 : memref<1x128xi32, #tpu.memory_space<vmem>> -> memref<128xi32, #tpu.memory_space<vmem>>
        %dma_start3A_374 = arith.constant 0 : i32
        %dma_start3A_375 = arith.constant 0 : i32
        %dma_start3A_376 = tpu.memref_slice %arg15[%dma_start3A_374, %dma_start3A_375] : memref<10112x128xf32, #tpu.memory_space<vmem_shared>> -> memref<10112x128xf32, #tpu.memory_space<vmem_shared>>
        tpu.enqueue_indirect_dma source(%dma_start3A_370 : memref<128x128xf32, #tpu.memory_space<vmem>>) target(%dma_start3A_376 : memref<10112x128xf32, #tpu.memory_space<vmem_shared>>) offsets(%dma_start3A_373 : memref<128xi32, #tpu.memory_space<vmem>>) semaphore(%run_scoped3A_367 : memref<!tpu.dma_semaphore, #tpu.memory_space<semaphore_mem>>) {add = true}
        %dma_wait3A_377 = arith.constant 0 : i32
        %dma_wait3A_378 = arith.constant 0 : i32
        %dma_wait3A_379 = tpu.memref_slice %arg14[%dma_wait3A_377, %dma_wait3A_378] : memref<256x128xf32, #tpu.memory_space<vmem>> -> memref<128x128xf32, #tpu.memory_space<vmem>>
        %dma_wait3A_380 = arith.constant 0 : i32
        %dma_wait3A_381 = tpu.memref_slice %arg13[%run_scoped3A, %dma_wait3A_380] : memref<10x128xi32, #tpu.memory_space<vmem>> -> memref<1x128xi32, #tpu.memory_space<vmem>>
        %dma_wait3A_382 = tpu.memref_squeeze %dma_wait3A_381 : memref<1x128xi32, #tpu.memory_space<vmem>> -> memref<128xi32, #tpu.memory_space<vmem>>
        %dma_wait3A_383 = arith.constant 0 : i32
        %dma_wait3A_384 = arith.constant 0 : i32
        %dma_wait3A_385 = tpu.memref_slice %arg15[%dma_wait3A_383, %dma_wait3A_384] : memref<10112x128xf32, #tpu.memory_space<vmem_shared>> -> memref<10112x128xf32, #tpu.memory_space<vmem_shared>>
        tpu.wait_indirect_dma semaphore(%run_scoped3A_367 : memref<!tpu.dma_semaphore, #tpu.memory_space<semaphore_mem>>) src(%dma_wait3A_379 : memref<128x128xf32, #tpu.memory_space<vmem>>) dst(%dma_wait3A_385 : memref<10112x128xf32, #tpu.memory_space<vmem_shared>>)
        tpu.yield
      }) : () -> ()
      %dma_wait3A_124 = arith.constant 1 : i32
      %dma_wait3A_125 = arith.constant 128 : i32
      %dma_wait3A_126 = arith.constant 0 : i32
      %dma_wait3A_127 = tpu.memref_slice %arg14[%dma_wait3A_125, %dma_wait3A_126] : memref<256x128xf32, #tpu.memory_space<vmem>> -> memref<128x128xf32, #tpu.memory_space<vmem>>
      %dma_wait3A_128 = arith.constant 0 : i32
      %dma_wait3A_129 = tpu.memref_slice %arg12[%dma_wait3A_124, %dma_wait3A_128] : memref<10x128xi32, #tpu.memory_space<vmem>> -> memref<1x128xi32, #tpu.memory_space<vmem>>
      %dma_wait3A_130 = tpu.memref_squeeze %dma_wait3A_129 : memref<1x128xi32, #tpu.memory_space<vmem>> -> memref<128xi32, #tpu.memory_space<vmem>>
      %dma_wait3A_131 = arith.constant 0 : i32
      %dma_wait3A_132 = arith.constant 0 : i32
      %dma_wait3A_133 = tpu.memref_slice %arg2[%dma_wait3A_131, %dma_wait3A_132] : memref<160000x128xf32, #tpu.memory_space<hbm>> -> memref<160000x128xf32, #tpu.memory_space<hbm>>
      tpu.wait_indirect_dma semaphore(%arg18 : memref<!tpu.dma_semaphore, #tpu.memory_space<semaphore_mem>>) src(%dma_wait3A_133 : memref<160000x128xf32, #tpu.memory_space<hbm>>) dst(%dma_wait3A_127 : memref<128x128xf32, #tpu.memory_space<vmem>>)
      %dma_start3A_134 = arith.constant 2 : i32
      %dma_start3A_135 = arith.constant 0 : i32
      %dma_start3A_136 = arith.constant 0 : i32
      %dma_start3A_137 = tpu.memref_slice %arg14[%dma_start3A_135, %dma_start3A_136] : memref<256x128xf32, #tpu.memory_space<vmem>> -> memref<128x128xf32, #tpu.memory_space<vmem>>
      %dma_start3A_138 = arith.constant 0 : i32
      %dma_start3A_139 = tpu.memref_slice %arg12[%dma_start3A_134, %dma_start3A_138] : memref<10x128xi32, #tpu.memory_space<vmem>> -> memref<1x128xi32, #tpu.memory_space<vmem>>
      %dma_start3A_140 = tpu.memref_squeeze %dma_start3A_139 : memref<1x128xi32, #tpu.memory_space<vmem>> -> memref<128xi32, #tpu.memory_space<vmem>>
      %dma_start3A_141 = arith.constant 0 : i32
      %dma_start3A_142 = arith.constant 0 : i32
      %dma_start3A_143 = tpu.memref_slice %arg2[%dma_start3A_141, %dma_start3A_142] : memref<160000x128xf32, #tpu.memory_space<hbm>> -> memref<160000x128xf32, #tpu.memory_space<hbm>>
      tpu.enqueue_indirect_dma source(%dma_start3A_143 : memref<160000x128xf32, #tpu.memory_space<hbm>>) target(%dma_start3A_137 : memref<128x128xf32, #tpu.memory_space<vmem>>) offsets(%dma_start3A_140 : memref<128xi32, #tpu.memory_space<vmem>>) semaphore(%arg17 : memref<!tpu.dma_semaphore, #tpu.memory_space<semaphore_mem>>)
      %scan3A_144 = arith.constant 0 : i32
      %scan3A_145 = arith.constant 0 : i32
      %scan3A_146 = arith.constant 128 : i32
      %scan3A_147 = arith.addi %scan3A_145, %scan3A_146 : i32
      %scan3A_148 = arith.constant 2 : i32
      %scan3A_149 = scf.for %scan3A_367 = %scan3A_145 to %scan3A_147 step %scan3A_148 iter_args(%scan3A_368 = %scan3A_144) -> (i32)  : i32 {
        %add3A_369 = arith.constant 128 : i32
        %add3A_370 = arith.addi %add3A_369, %scan3A_367 : i32
        %broadcast_in_dim3A_371 = vector.broadcast %add3A_370 : i32 to vector<16xi32>
        %gather3A = tpu.vector_load_idx %arg11[%broadcast_in_dim3A_371] : memref<1280xf32, #tpu.memory_space<vmem>>[vector<16xi32>], vector<16xf32>,
        %add3A_372 = arith.constant 128 : i32
        %add3A_373 = arith.addi %add3A_372, %scan3A_367 : i32
        %get3A = arith.index_cast %add3A_373 : i32 to index
        %get3A_374 = arith.constant 0 : index
        %get3A_375 = tpu.vector_load %arg14[%get3A, %get3A_374] {strides = array<i32>} : memref<256x128xf32, #tpu.memory_space<vmem>>, vector<16xf32>,
        %mul3A_376 = arith.mulf %get3A_375, %gather3A : vector<16xf32>
        %swap3A = arith.index_cast %add3A_373 : i32 to index
        %swap3A_377 = arith.constant 0 : index
        %swap3A_378 = tpu.vector_load %arg14[%swap3A, %swap3A_377] {strides = array<i32>} : memref<256x128xf32, #tpu.memory_space<vmem>>, vector<16xf32>,
        tpu.vector_store %arg14[%swap3A, %swap3A_377], %mul3A_376 {strides = array<i32>} : memref<256x128xf32, #tpu.memory_space<vmem>>, vector<16xf32>,
        %get3A_379 = arith.index_cast %add3A_373 : i32 to index
        %get3A_380 = arith.constant 16 : index
        %get3A_381 = tpu.vector_load %arg14[%get3A_379, %get3A_380] {strides = array<i32>} : memref<256x128xf32, #tpu.memory_space<vmem>>, vector<16xf32>,
        %mul3A_382 = arith.mulf %get3A_381, %gather3A : vector<16xf32>
        %swap3A_383 = arith.index_cast %add3A_373 : i32 to index
        %swap3A_384 = arith.constant 16 : index
        %swap3A_385 = tpu.vector_load %arg14[%swap3A_383, %swap3A_384] {strides = array<i32>} : memref<256x128xf32, #tpu.memory_space<vmem>>, vector<16xf32>,
        tpu.vector_store %arg14[%swap3A_383, %swap3A_384], %mul3A_382 {strides = array<i32>} : memref<256x128xf32, #tpu.memory_space<vmem>>, vector<16xf32>,
        %get3A_386 = arith.index_cast %add3A_373 : i32 to index
        %get3A_387 = arith.constant 32 : index
        %get3A_388 = tpu.vector_load %arg14[%get3A_386, %get3A_387] {strides = array<i32>} : memref<256x128xf32, #tpu.memory_space<vmem>>, vector<16xf32>,
        %mul3A_389 = arith.mulf %get3A_388, %gather3A : vector<16xf32>
        %swap3A_390 = arith.index_cast %add3A_373 : i32 to index
        %swap3A_391 = arith.constant 32 : index
        %swap3A_392 = tpu.vector_load %arg14[%swap3A_390, %swap3A_391] {strides = array<i32>} : memref<256x128xf32, #tpu.memory_space<vmem>>, vector<16xf32>,
        tpu.vector_store %arg14[%swap3A_390, %swap3A_391], %mul3A_389 {strides = array<i32>} : memref<256x128xf32, #tpu.memory_space<vmem>>, vector<16xf32>,
        %get3A_393 = arith.index_cast %add3A_373 : i32 to index
        %get3A_394 = arith.constant 48 : index
        %get3A_395 = tpu.vector_load %arg14[%get3A_393, %get3A_394] {strides = array<i32>} : memref<256x128xf32, #tpu.memory_space<vmem>>, vector<16xf32>,
        %mul3A_396 = arith.mulf %get3A_395, %gather3A : vector<16xf32>
        %swap3A_397 = arith.index_cast %add3A_373 : i32 to index
        %swap3A_398 = arith.constant 48 : index
        %swap3A_399 = tpu.vector_load %arg14[%swap3A_397, %swap3A_398] {strides = array<i32>} : memref<256x128xf32, #tpu.memory_space<vmem>>, vector<16xf32>,
        tpu.vector_store %arg14[%swap3A_397, %swap3A_398], %mul3A_396 {strides = array<i32>} : memref<256x128xf32, #tpu.memory_space<vmem>>, vector<16xf32>,
        %get3A_400 = arith.index_cast %add3A_373 : i32 to index
        %get3A_401 = arith.constant 64 : index
        %get3A_402 = tpu.vector_load %arg14[%get3A_400, %get3A_401] {strides = array<i32>} : memref<256x128xf32, #tpu.memory_space<vmem>>, vector<16xf32>,
        %mul3A_403 = arith.mulf %get3A_402, %gather3A : vector<16xf32>
        %swap3A_404 = arith.index_cast %add3A_373 : i32 to index
        %swap3A_405 = arith.constant 64 : index
        %swap3A_406 = tpu.vector_load %arg14[%swap3A_404, %swap3A_405] {strides = array<i32>} : memref<256x128xf32, #tpu.memory_space<vmem>>, vector<16xf32>,
        tpu.vector_store %arg14[%swap3A_404, %swap3A_405], %mul3A_403 {strides = array<i32>} : memref<256x128xf32, #tpu.memory_space<vmem>>, vector<16xf32>,
        %get3A_407 = arith.index_cast %add3A_373 : i32 to index
        %get3A_408 = arith.constant 80 : index
        %get3A_409 = tpu.vector_load %arg14[%get3A_407, %get3A_408] {strides = array<i32>} : memref<256x128xf32, #tpu.memory_space<vmem>>, vector<16xf32>,
        %mul3A_410 = arith.mulf %get3A_409, %gather3A : vector<16xf32>
        %swap3A_411 = arith.index_cast %add3A_373 : i32 to index
        %swap3A_412 = arith.constant 80 : index
        %swap3A_413 = tpu.vector_load %arg14[%swap3A_411, %swap3A_412] {strides = array<i32>} : memref<256x128xf32, #tpu.memory_space<vmem>>, vector<16xf32>,
        tpu.vector_store %arg14[%swap3A_411, %swap3A_412], %mul3A_410 {strides = array<i32>} : memref<256x128xf32, #tpu.memory_space<vmem>>, vector<16xf32>,
        %get3A_414 = arith.index_cast %add3A_373 : i32 to index
        %get3A_415 = arith.constant 96 : index
        %get3A_416 = tpu.vector_load %arg14[%get3A_414, %get3A_415] {strides = array<i32>} : memref<256x128xf32, #tpu.memory_space<vmem>>, vector<16xf32>,
        %mul3A_417 = arith.mulf %get3A_416, %gather3A : vector<16xf32>
        %swap3A_418 = arith.index_cast %add3A_373 : i32 to index
        %swap3A_419 = arith.constant 96 : index
        %swap3A_420 = tpu.vector_load %arg14[%swap3A_418, %swap3A_419] {strides = array<i32>} : memref<256x128xf32, #tpu.memory_space<vmem>>, vector<16xf32>,
        tpu.vector_store %arg14[%swap3A_418, %swap3A_419], %mul3A_417 {strides = array<i32>} : memref<256x128xf32, #tpu.memory_space<vmem>>, vector<16xf32>,
        %get3A_421 = arith.index_cast %add3A_373 : i32 to index
        %get3A_422 = arith.constant 112 : index
        %get3A_423 = tpu.vector_load %arg14[%get3A_421, %get3A_422] {strides = array<i32>} : memref<256x128xf32, #tpu.memory_space<vmem>>, vector<16xf32>,
        %mul3A_424 = arith.mulf %get3A_423, %gather3A : vector<16xf32>
        %swap3A_425 = arith.index_cast %add3A_373 : i32 to index
        %swap3A_426 = arith.constant 112 : index
        %swap3A_427 = tpu.vector_load %arg14[%swap3A_425, %swap3A_426] {strides = array<i32>} : memref<256x128xf32, #tpu.memory_space<vmem>>, vector<16xf32>,
        tpu.vector_store %arg14[%swap3A_425, %swap3A_426], %mul3A_424 {strides = array<i32>} : memref<256x128xf32, #tpu.memory_space<vmem>>, vector<16xf32>,
        %scan3A_428 = arith.constant 0 : i32
        %scan3A_429 = arith.constant 1 : i32
        %scan3A_430 = arith.addi %scan3A_367, %scan3A_429 : i32
        %add3A_431 = arith.constant 128 : i32
        %add3A_432 = arith.addi %add3A_431, %scan3A_430 : i32
        %broadcast_in_dim3A_433 = vector.broadcast %add3A_432 : i32 to vector<16xi32>
        %gather3A_434 = tpu.vector_load_idx %arg11[%broadcast_in_dim3A_433] : memref<1280xf32, #tpu.memory_space<vmem>>[vector<16xi32>], vector<16xf32>,
        %add3A_435 = arith.constant 128 : i32
        %add3A_436 = arith.addi %add3A_435, %scan3A_430 : i32
        %get3A_437 = arith.index_cast %add3A_436 : i32 to index
        %get3A_438 = arith.constant 0 : index
        %get3A_439 = tpu.vector_load %arg14[%get3A_437, %get3A_438] {strides = array<i32>} : memref<256x128xf32, #tpu.memory_space<vmem>>, vector<16xf32>,
        %mul3A_440 = arith.mulf %get3A_439, %gather3A_434 : vector<16xf32>
        %swap3A_441 = arith.index_cast %add3A_436 : i32 to index
        %swap3A_442 = arith.constant 0 : index
        %swap3A_443 = tpu.vector_load %arg14[%swap3A_441, %swap3A_442] {strides = array<i32>} : memref<256x128xf32, #tpu.memory_space<vmem>>, vector<16xf32>,
        tpu.vector_store %arg14[%swap3A_441, %swap3A_442], %mul3A_440 {strides = array<i32>} : memref<256x128xf32, #tpu.memory_space<vmem>>, vector<16xf32>,
        %get3A_444 = arith.index_cast %add3A_436 : i32 to index
        %get3A_445 = arith.constant 16 : index
        %get3A_446 = tpu.vector_load %arg14[%get3A_444, %get3A_445] {strides = array<i32>} : memref<256x128xf32, #tpu.memory_space<vmem>>, vector<16xf32>,
        %mul3A_447 = arith.mulf %get3A_446, %gather3A_434 : vector<16xf32>
        %swap3A_448 = arith.index_cast %add3A_436 : i32 to index
        %swap3A_449 = arith.constant 16 : index
        %swap3A_450 = tpu.vector_load %arg14[%swap3A_448, %swap3A_449] {strides = array<i32>} : memref<256x128xf32, #tpu.memory_space<vmem>>, vector<16xf32>,
        tpu.vector_store %arg14[%swap3A_448, %swap3A_449], %mul3A_447 {strides = array<i32>} : memref<256x128xf32, #tpu.memory_space<vmem>>, vector<16xf32>,
        %get3A_451 = arith.index_cast %add3A_436 : i32 to index
        %get3A_452 = arith.constant 32 : index
        %get3A_453 = tpu.vector_load %arg14[%get3A_451, %get3A_452] {strides = array<i32>} : memref<256x128xf32, #tpu.memory_space<vmem>>, vector<16xf32>,
        %mul3A_454 = arith.mulf %get3A_453, %gather3A_434 : vector<16xf32>
        %swap3A_455 = arith.index_cast %add3A_436 : i32 to index
        %swap3A_456 = arith.constant 32 : index
        %swap3A_457 = tpu.vector_load %arg14[%swap3A_455, %swap3A_456] {strides = array<i32>} : memref<256x128xf32, #tpu.memory_space<vmem>>, vector<16xf32>,
        tpu.vector_store %arg14[%swap3A_455, %swap3A_456], %mul3A_454 {strides = array<i32>} : memref<256x128xf32, #tpu.memory_space<vmem>>, vector<16xf32>,
        %get3A_458 = arith.index_cast %add3A_436 : i32 to index
        %get3A_459 = arith.constant 48 : index
        %get3A_460 = tpu.vector_load %arg14[%get3A_458, %get3A_459] {strides = array<i32>} : memref<256x128xf32, #tpu.memory_space<vmem>>, vector<16xf32>,
        %mul3A_461 = arith.mulf %get3A_460, %gather3A_434 : vector<16xf32>
        %swap3A_462 = arith.index_cast %add3A_436 : i32 to index
        %swap3A_463 = arith.constant 48 : index
        %swap3A_464 = tpu.vector_load %arg14[%swap3A_462, %swap3A_463] {strides = array<i32>} : memref<256x128xf32, #tpu.memory_space<vmem>>, vector<16xf32>,
        tpu.vector_store %arg14[%swap3A_462, %swap3A_463], %mul3A_461 {strides = array<i32>} : memref<256x128xf32, #tpu.memory_space<vmem>>, vector<16xf32>,
        %get3A_465 = arith.index_cast %add3A_436 : i32 to index
        %get3A_466 = arith.constant 64 : index
        %get3A_467 = tpu.vector_load %arg14[%get3A_465, %get3A_466] {strides = array<i32>} : memref<256x128xf32, #tpu.memory_space<vmem>>, vector<16xf32>,
        %mul3A_468 = arith.mulf %get3A_467, %gather3A_434 : vector<16xf32>
        %swap3A_469 = arith.index_cast %add3A_436 : i32 to index
        %swap3A_470 = arith.constant 64 : index
        %swap3A_471 = tpu.vector_load %arg14[%swap3A_469, %swap3A_470] {strides = array<i32>} : memref<256x128xf32, #tpu.memory_space<vmem>>, vector<16xf32>,
        tpu.vector_store %arg14[%swap3A_469, %swap3A_470], %mul3A_468 {strides = array<i32>} : memref<256x128xf32, #tpu.memory_space<vmem>>, vector<16xf32>,
        %get3A_472 = arith.index_cast %add3A_436 : i32 to index
        %get3A_473 = arith.constant 80 : index
        %get3A_474 = tpu.vector_load %arg14[%get3A_472, %get3A_473] {strides = array<i32>} : memref<256x128xf32, #tpu.memory_space<vmem>>, vector<16xf32>,
        %mul3A_475 = arith.mulf %get3A_474, %gather3A_434 : vector<16xf32>
        %swap3A_476 = arith.index_cast %add3A_436 : i32 to index
        %swap3A_477 = arith.constant 80 : index
        %swap3A_478 = tpu.vector_load %arg14[%swap3A_476, %swap3A_477] {strides = array<i32>} : memref<256x128xf32, #tpu.memory_space<vmem>>, vector<16xf32>,
        tpu.vector_store %arg14[%swap3A_476, %swap3A_477], %mul3A_475 {strides = array<i32>} : memref<256x128xf32, #tpu.memory_space<vmem>>, vector<16xf32>,
        %get3A_479 = arith.index_cast %add3A_436 : i32 to index
        %get3A_480 = arith.constant 96 : index
        %get3A_481 = tpu.vector_load %arg14[%get3A_479, %get3A_480] {strides = array<i32>} : memref<256x128xf32, #tpu.memory_space<vmem>>, vector<16xf32>,
        %mul3A_482 = arith.mulf %get3A_481, %gather3A_434 : vector<16xf32>
        %swap3A_483 = arith.index_cast %add3A_436 : i32 to index
        %swap3A_484 = arith.constant 96 : index
        %swap3A_485 = tpu.vector_load %arg14[%swap3A_483, %swap3A_484] {strides = array<i32>} : memref<256x128xf32, #tpu.memory_space<vmem>>, vector<16xf32>,
        tpu.vector_store %arg14[%swap3A_483, %swap3A_484], %mul3A_482 {strides = array<i32>} : memref<256x128xf32, #tpu.memory_space<vmem>>, vector<16xf32>,
        %get3A_486 = arith.index_cast %add3A_436 : i32 to index
        %get3A_487 = arith.constant 112 : index
        %get3A_488 = tpu.vector_load %arg14[%get3A_486, %get3A_487] {strides = array<i32>} : memref<256x128xf32, #tpu.memory_space<vmem>>, vector<16xf32>,
        %mul3A_489 = arith.mulf %get3A_488, %gather3A_434 : vector<16xf32>
        %swap3A_490 = arith.index_cast %add3A_436 : i32 to index
        %swap3A_491 = arith.constant 112 : index
        %swap3A_492 = tpu.vector_load %arg14[%swap3A_490, %swap3A_491] {strides = array<i32>} : memref<256x128xf32, #tpu.memory_space<vmem>>, vector<16xf32>,
        tpu.vector_store %arg14[%swap3A_490, %swap3A_491], %mul3A_489 {strides = array<i32>} : memref<256x128xf32, #tpu.memory_space<vmem>>, vector<16xf32>,
        %scan3A_493 = arith.constant 0 : i32
        scf.yield %scan3A_493 : i32
      }
      %scan3A_150 = arith.constant 128 : i32
      %run_scoped3A_151 = arith.constant 1 : i32
      "tpu.region"() ({
        %run_scoped3A_367 = tpu.sem_alloc : memref<!tpu.dma_semaphore, #tpu.memory_space<semaphore_mem>>
        %dma_start3A_368 = arith.constant 128 : i32
        %dma_start3A_369 = arith.constant 0 : i32
        %dma_start3A_370 = tpu.memref_slice %arg14[%dma_start3A_368, %dma_start3A_369] : memref<256x128xf32, #tpu.memory_space<vmem>> -> memref<128x128xf32, #tpu.memory_space<vmem>>
        %dma_start3A_371 = arith.constant 0 : i32
        %dma_start3A_372 = tpu.memref_slice %arg13[%run_scoped3A_151, %dma_start3A_371] : memref<10x128xi32, #tpu.memory_space<vmem>> -> memref<1x128xi32, #tpu.memory_space<vmem>>
        %dma_start3A_373 = tpu.memref_squeeze %dma_start3A_372 : memref<1x128xi32, #tpu.memory_space<vmem>> -> memref<128xi32, #tpu.memory_space<vmem>>
        %dma_start3A_374 = arith.constant 0 : i32
        %dma_start3A_375 = arith.constant 0 : i32
        %dma_start3A_376 = tpu.memref_slice %arg15[%dma_start3A_374, %dma_start3A_375] : memref<10112x128xf32, #tpu.memory_space<vmem_shared>> -> memref<10112x128xf32, #tpu.memory_space<vmem_shared>>
        tpu.enqueue_indirect_dma source(%dma_start3A_370 : memref<128x128xf32, #tpu.memory_space<vmem>>) target(%dma_start3A_376 : memref<10112x128xf32, #tpu.memory_space<vmem_shared>>) offsets(%dma_start3A_373 : memref<128xi32, #tpu.memory_space<vmem>>) semaphore(%run_scoped3A_367 : memref<!tpu.dma_semaphore, #tpu.memory_space<semaphore_mem>>) {add = true}
        %dma_wait3A_377 = arith.constant 128 : i32
        %dma_wait3A_378 = arith.constant 0 : i32
        %dma_wait3A_379 = tpu.memref_slice %arg14[%dma_wait3A_377, %dma_wait3A_378] : memref<256x128xf32, #tpu.memory_space<vmem>> -> memref<128x128xf32, #tpu.memory_space<vmem>>
        %dma_wait3A_380 = arith.constant 0 : i32
        %dma_wait3A_381 = tpu.memref_slice %arg13[%run_scoped3A_151, %dma_wait3A_380] : memref<10x128xi32, #tpu.memory_space<vmem>> -> memref<1x128xi32, #tpu.memory_space<vmem>>
        %dma_wait3A_382 = tpu.memref_squeeze %dma_wait3A_381 : memref<1x128xi32, #tpu.memory_space<vmem>> -> memref<128xi32, #tpu.memory_space<vmem>>
        %dma_wait3A_383 = arith.constant 0 : i32
        %dma_wait3A_384 = arith.constant 0 : i32
        %dma_wait3A_385 = tpu.memref_slice %arg15[%dma_wait3A_383, %dma_wait3A_384] : memref<10112x128xf32, #tpu.memory_space<vmem_shared>> -> memref<10112x128xf32, #tpu.memory_space<vmem_shared>>
        tpu.wait_indirect_dma semaphore(%run_scoped3A_367 : memref<!tpu.dma_semaphore, #tpu.memory_space<semaphore_mem>>) src(%dma_wait3A_379 : memref<128x128xf32, #tpu.memory_space<vmem>>) dst(%dma_wait3A_385 : memref<10112x128xf32, #tpu.memory_space<vmem_shared>>)
        tpu.yield
      }) : () -> ()
      %dma_wait3A_152 = arith.constant 2 : i32
      %dma_wait3A_153 = arith.constant 0 : i32
      %dma_wait3A_154 = arith.constant 0 : i32
      %dma_wait3A_155 = tpu.memref_slice %arg14[%dma_wait3A_153, %dma_wait3A_154] : memref<256x128xf32, #tpu.memory_space<vmem>> -> memref<128x128xf32, #tpu.memory_space<vmem>>
      %dma_wait3A_156 = arith.constant 0 : i32
      %dma_wait3A_157 = tpu.memref_slice %arg12[%dma_wait3A_152, %dma_wait3A_156] : memref<10x128xi32, #tpu.memory_space<vmem>> -> memref<1x128xi32, #tpu.memory_space<vmem>>
      %dma_wait3A_158 = tpu.memref_squeeze %dma_wait3A_157 : memref<1x128xi32, #tpu.memory_space<vmem>> -> memref<128xi32, #tpu.memory_space<vmem>>
      %dma_wait3A_159 = arith.constant 0 : i32
      %dma_wait3A_160 = arith.constant 0 : i32
      %dma_wait3A_161 = tpu.memref_slice %arg2[%dma_wait3A_159, %dma_wait3A_160] : memref<160000x128xf32, #tpu.memory_space<hbm>> -> memref<160000x128xf32, #tpu.memory_space<hbm>>
      tpu.wait_indirect_dma semaphore(%arg17 : memref<!tpu.dma_semaphore, #tpu.memory_space<semaphore_mem>>) src(%dma_wait3A_161 : memref<160000x128xf32, #tpu.memory_space<hbm>>) dst(%dma_wait3A_155 : memref<128x128xf32, #tpu.memory_space<vmem>>)
      %dma_start3A_162 = arith.constant 3 : i32
      %dma_start3A_163 = arith.constant 128 : i32
      %dma_start3A_164 = arith.constant 0 : i32
      %dma_start3A_165 = tpu.memref_slice %arg14[%dma_start3A_163, %dma_start3A_164] : memref<256x128xf32, #tpu.memory_space<vmem>> -> memref<128x128xf32, #tpu.memory_space<vmem>>
      %dma_start3A_166 = arith.constant 0 : i32
      %dma_start3A_167 = tpu.memref_slice %arg12[%dma_start3A_162, %dma_start3A_166] : memref<10x128xi32, #tpu.memory_space<vmem>> -> memref<1x128xi32, #tpu.memory_space<vmem>>
      %dma_start3A_168 = tpu.memref_squeeze %dma_start3A_167 : memref<1x128xi32, #tpu.memory_space<vmem>> -> memref<128xi32, #tpu.memory_space<vmem>>
      %dma_start3A_169 = arith.constant 0 : i32
      %dma_start3A_170 = arith.constant 0 : i32
      %dma_start3A_171 = tpu.memref_slice %arg2[%dma_start3A_169, %dma_start3A_170] : memref<160000x128xf32, #tpu.memory_space<hbm>> -> memref<160000x128xf32, #tpu.memory_space<hbm>>
      tpu.enqueue_indirect_dma source(%dma_start3A_171 : memref<160000x128xf32, #tpu.memory_space<hbm>>) target(%dma_start3A_165 : memref<128x128xf32, #tpu.memory_space<vmem>>) offsets(%dma_start3A_168 : memref<128xi32, #tpu.memory_space<vmem>>) semaphore(%arg18 : memref<!tpu.dma_semaphore, #tpu.memory_space<semaphore_mem>>)
      %scan3A_172 = arith.constant 0 : i32
      %scan3A_173 = arith.constant 0 : i32
      %scan3A_174 = arith.constant 128 : i32
      %scan3A_175 = arith.addi %scan3A_173, %scan3A_174 : i32
      %scan3A_176 = arith.constant 2 : i32
      %scan3A_177 = scf.for %scan3A_367 = %scan3A_173 to %scan3A_175 step %scan3A_176 iter_args(%scan3A_368 = %scan3A_172) -> (i32)  : i32 {
        %add3A_369 = arith.constant 256 : i32
        %add3A_370 = arith.addi %add3A_369, %scan3A_367 : i32
        %broadcast_in_dim3A_371 = vector.broadcast %add3A_370 : i32 to vector<16xi32>
        %gather3A = tpu.vector_load_idx %arg11[%broadcast_in_dim3A_371] : memref<1280xf32, #tpu.memory_space<vmem>>[vector<16xi32>], vector<16xf32>,
        %add3A_372 = arith.constant 0 : i32
        %add3A_373 = arith.addi %add3A_372, %scan3A_367 : i32
        %get3A = arith.index_cast %add3A_373 : i32 to index
        %get3A_374 = arith.constant 0 : index
        %get3A_375 = tpu.vector_load %arg14[%get3A, %get3A_374] {strides = array<i32>} : memref<256x128xf32, #tpu.memory_space<vmem>>, vector<16xf32>,
        %mul3A_376 = arith.mulf %get3A_375, %gather3A : vector<16xf32>
        %swap3A = arith.index_cast %add3A_373 : i32 to index
        %swap3A_377 = arith.constant 0 : index
        %swap3A_378 = tpu.vector_load %arg14[%swap3A, %swap3A_377] {strides = array<i32>} : memref<256x128xf32, #tpu.memory_space<vmem>>, vector<16xf32>,
        tpu.vector_store %arg14[%swap3A, %swap3A_377], %mul3A_376 {strides = array<i32>} : memref<256x128xf32, #tpu.memory_space<vmem>>, vector<16xf32>,
        %get3A_379 = arith.index_cast %add3A_373 : i32 to index
        %get3A_380 = arith.constant 16 : index
        %get3A_381 = tpu.vector_load %arg14[%get3A_379, %get3A_380] {strides = array<i32>} : memref<256x128xf32, #tpu.memory_space<vmem>>, vector<16xf32>,
        %mul3A_382 = arith.mulf %get3A_381, %gather3A : vector<16xf32>
        %swap3A_383 = arith.index_cast %add3A_373 : i32 to index
        %swap3A_384 = arith.constant 16 : index
        %swap3A_385 = tpu.vector_load %arg14[%swap3A_383, %swap3A_384] {strides = array<i32>} : memref<256x128xf32, #tpu.memory_space<vmem>>, vector<16xf32>,
        tpu.vector_store %arg14[%swap3A_383, %swap3A_384], %mul3A_382 {strides = array<i32>} : memref<256x128xf32, #tpu.memory_space<vmem>>, vector<16xf32>,
        %get3A_386 = arith.index_cast %add3A_373 : i32 to index
        %get3A_387 = arith.constant 32 : index
        %get3A_388 = tpu.vector_load %arg14[%get3A_386, %get3A_387] {strides = array<i32>} : memref<256x128xf32, #tpu.memory_space<vmem>>, vector<16xf32>,
        %mul3A_389 = arith.mulf %get3A_388, %gather3A : vector<16xf32>
        %swap3A_390 = arith.index_cast %add3A_373 : i32 to index
        %swap3A_391 = arith.constant 32 : index
        %swap3A_392 = tpu.vector_load %arg14[%swap3A_390, %swap3A_391] {strides = array<i32>} : memref<256x128xf32, #tpu.memory_space<vmem>>, vector<16xf32>,
        tpu.vector_store %arg14[%swap3A_390, %swap3A_391], %mul3A_389 {strides = array<i32>} : memref<256x128xf32, #tpu.memory_space<vmem>>, vector<16xf32>,
        %get3A_393 = arith.index_cast %add3A_373 : i32 to index
        %get3A_394 = arith.constant 48 : index
        %get3A_395 = tpu.vector_load %arg14[%get3A_393, %get3A_394] {strides = array<i32>} : memref<256x128xf32, #tpu.memory_space<vmem>>, vector<16xf32>,
        %mul3A_396 = arith.mulf %get3A_395, %gather3A : vector<16xf32>
        %swap3A_397 = arith.index_cast %add3A_373 : i32 to index
        %swap3A_398 = arith.constant 48 : index
        %swap3A_399 = tpu.vector_load %arg14[%swap3A_397, %swap3A_398] {strides = array<i32>} : memref<256x128xf32, #tpu.memory_space<vmem>>, vector<16xf32>,
        tpu.vector_store %arg14[%swap3A_397, %swap3A_398], %mul3A_396 {strides = array<i32>} : memref<256x128xf32, #tpu.memory_space<vmem>>, vector<16xf32>,
        %get3A_400 = arith.index_cast %add3A_373 : i32 to index
        %get3A_401 = arith.constant 64 : index
        %get3A_402 = tpu.vector_load %arg14[%get3A_400, %get3A_401] {strides = array<i32>} : memref<256x128xf32, #tpu.memory_space<vmem>>, vector<16xf32>,
        %mul3A_403 = arith.mulf %get3A_402, %gather3A : vector<16xf32>
        %swap3A_404 = arith.index_cast %add3A_373 : i32 to index
        %swap3A_405 = arith.constant 64 : index
        %swap3A_406 = tpu.vector_load %arg14[%swap3A_404, %swap3A_405] {strides = array<i32>} : memref<256x128xf32, #tpu.memory_space<vmem>>, vector<16xf32>,
        tpu.vector_store %arg14[%swap3A_404, %swap3A_405], %mul3A_403 {strides = array<i32>} : memref<256x128xf32, #tpu.memory_space<vmem>>, vector<16xf32>,
        %get3A_407 = arith.index_cast %add3A_373 : i32 to index
        %get3A_408 = arith.constant 80 : index
        %get3A_409 = tpu.vector_load %arg14[%get3A_407, %get3A_408] {strides = array<i32>} : memref<256x128xf32, #tpu.memory_space<vmem>>, vector<16xf32>,
        %mul3A_410 = arith.mulf %get3A_409, %gather3A : vector<16xf32>
        %swap3A_411 = arith.index_cast %add3A_373 : i32 to index
        %swap3A_412 = arith.constant 80 : index
        %swap3A_413 = tpu.vector_load %arg14[%swap3A_411, %swap3A_412] {strides = array<i32>} : memref<256x128xf32, #tpu.memory_space<vmem>>, vector<16xf32>,
        tpu.vector_store %arg14[%swap3A_411, %swap3A_412], %mul3A_410 {strides = array<i32>} : memref<256x128xf32, #tpu.memory_space<vmem>>, vector<16xf32>,
        %get3A_414 = arith.index_cast %add3A_373 : i32 to index
        %get3A_415 = arith.constant 96 : index
        %get3A_416 = tpu.vector_load %arg14[%get3A_414, %get3A_415] {strides = array<i32>} : memref<256x128xf32, #tpu.memory_space<vmem>>, vector<16xf32>,
        %mul3A_417 = arith.mulf %get3A_416, %gather3A : vector<16xf32>
        %swap3A_418 = arith.index_cast %add3A_373 : i32 to index
        %swap3A_419 = arith.constant 96 : index
        %swap3A_420 = tpu.vector_load %arg14[%swap3A_418, %swap3A_419] {strides = array<i32>} : memref<256x128xf32, #tpu.memory_space<vmem>>, vector<16xf32>,
        tpu.vector_store %arg14[%swap3A_418, %swap3A_419], %mul3A_417 {strides = array<i32>} : memref<256x128xf32, #tpu.memory_space<vmem>>, vector<16xf32>,
        %get3A_421 = arith.index_cast %add3A_373 : i32 to index
        %get3A_422 = arith.constant 112 : index
        %get3A_423 = tpu.vector_load %arg14[%get3A_421, %get3A_422] {strides = array<i32>} : memref<256x128xf32, #tpu.memory_space<vmem>>, vector<16xf32>,
        %mul3A_424 = arith.mulf %get3A_423, %gather3A : vector<16xf32>
        %swap3A_425 = arith.index_cast %add3A_373 : i32 to index
        %swap3A_426 = arith.constant 112 : index
        %swap3A_427 = tpu.vector_load %arg14[%swap3A_425, %swap3A_426] {strides = array<i32>} : memref<256x128xf32, #tpu.memory_space<vmem>>, vector<16xf32>,
        tpu.vector_store %arg14[%swap3A_425, %swap3A_426], %mul3A_424 {strides = array<i32>} : memref<256x128xf32, #tpu.memory_space<vmem>>, vector<16xf32>,
        %scan3A_428 = arith.constant 0 : i32
        %scan3A_429 = arith.constant 1 : i32
        %scan3A_430 = arith.addi %scan3A_367, %scan3A_429 : i32
        %add3A_431 = arith.constant 256 : i32
        %add3A_432 = arith.addi %add3A_431, %scan3A_430 : i32
        %broadcast_in_dim3A_433 = vector.broadcast %add3A_432 : i32 to vector<16xi32>
        %gather3A_434 = tpu.vector_load_idx %arg11[%broadcast_in_dim3A_433] : memref<1280xf32, #tpu.memory_space<vmem>>[vector<16xi32>], vector<16xf32>,
        %add3A_435 = arith.constant 0 : i32
        %add3A_436 = arith.addi %add3A_435, %scan3A_430 : i32
        %get3A_437 = arith.index_cast %add3A_436 : i32 to index
        %get3A_438 = arith.constant 0 : index
        %get3A_439 = tpu.vector_load %arg14[%get3A_437, %get3A_438] {strides = array<i32>} : memref<256x128xf32, #tpu.memory_space<vmem>>, vector<16xf32>,
        %mul3A_440 = arith.mulf %get3A_439, %gather3A_434 : vector<16xf32>
        %swap3A_441 = arith.index_cast %add3A_436 : i32 to index
        %swap3A_442 = arith.constant 0 : index
        %swap3A_443 = tpu.vector_load %arg14[%swap3A_441, %swap3A_442] {strides = array<i32>} : memref<256x128xf32, #tpu.memory_space<vmem>>, vector<16xf32>,
        tpu.vector_store %arg14[%swap3A_441, %swap3A_442], %mul3A_440 {strides = array<i32>} : memref<256x128xf32, #tpu.memory_space<vmem>>, vector<16xf32>,
        %get3A_444 = arith.index_cast %add3A_436 : i32 to index
        %get3A_445 = arith.constant 16 : index
        %get3A_446 = tpu.vector_load %arg14[%get3A_444, %get3A_445] {strides = array<i32>} : memref<256x128xf32, #tpu.memory_space<vmem>>, vector<16xf32>,
        %mul3A_447 = arith.mulf %get3A_446, %gather3A_434 : vector<16xf32>
        %swap3A_448 = arith.index_cast %add3A_436 : i32 to index
        %swap3A_449 = arith.constant 16 : index
        %swap3A_450 = tpu.vector_load %arg14[%swap3A_448, %swap3A_449] {strides = array<i32>} : memref<256x128xf32, #tpu.memory_space<vmem>>, vector<16xf32>,
        tpu.vector_store %arg14[%swap3A_448, %swap3A_449], %mul3A_447 {strides = array<i32>} : memref<256x128xf32, #tpu.memory_space<vmem>>, vector<16xf32>,
        %get3A_451 = arith.index_cast %add3A_436 : i32 to index
        %get3A_452 = arith.constant 32 : index
        %get3A_453 = tpu.vector_load %arg14[%get3A_451, %get3A_452] {strides = array<i32>} : memref<256x128xf32, #tpu.memory_space<vmem>>, vector<16xf32>,
        %mul3A_454 = arith.mulf %get3A_453, %gather3A_434 : vector<16xf32>
        %swap3A_455 = arith.index_cast %add3A_436 : i32 to index
        %swap3A_456 = arith.constant 32 : index
        %swap3A_457 = tpu.vector_load %arg14[%swap3A_455, %swap3A_456] {strides = array<i32>} : memref<256x128xf32, #tpu.memory_space<vmem>>, vector<16xf32>,
        tpu.vector_store %arg14[%swap3A_455, %swap3A_456], %mul3A_454 {strides = array<i32>} : memref<256x128xf32, #tpu.memory_space<vmem>>, vector<16xf32>,
        %get3A_458 = arith.index_cast %add3A_436 : i32 to index
        %get3A_459 = arith.constant 48 : index
        %get3A_460 = tpu.vector_load %arg14[%get3A_458, %get3A_459] {strides = array<i32>} : memref<256x128xf32, #tpu.memory_space<vmem>>, vector<16xf32>,
        %mul3A_461 = arith.mulf %get3A_460, %gather3A_434 : vector<16xf32>
        %swap3A_462 = arith.index_cast %add3A_436 : i32 to index
        %swap3A_463 = arith.constant 48 : index
        %swap3A_464 = tpu.vector_load %arg14[%swap3A_462, %swap3A_463] {strides = array<i32>} : memref<256x128xf32, #tpu.memory_space<vmem>>, vector<16xf32>,
        tpu.vector_store %arg14[%swap3A_462, %swap3A_463], %mul3A_461 {strides = array<i32>} : memref<256x128xf32, #tpu.memory_space<vmem>>, vector<16xf32>,
        %get3A_465 = arith.index_cast %add3A_436 : i32 to index
        %get3A_466 = arith.constant 64 : index
        %get3A_467 = tpu.vector_load %arg14[%get3A_465, %get3A_466] {strides = array<i32>} : memref<256x128xf32, #tpu.memory_space<vmem>>, vector<16xf32>,
        %mul3A_468 = arith.mulf %get3A_467, %gather3A_434 : vector<16xf32>
        %swap3A_469 = arith.index_cast %add3A_436 : i32 to index
        %swap3A_470 = arith.constant 64 : index
        %swap3A_471 = tpu.vector_load %arg14[%swap3A_469, %swap3A_470] {strides = array<i32>} : memref<256x128xf32, #tpu.memory_space<vmem>>, vector<16xf32>,
        tpu.vector_store %arg14[%swap3A_469, %swap3A_470], %mul3A_468 {strides = array<i32>} : memref<256x128xf32, #tpu.memory_space<vmem>>, vector<16xf32>,
        %get3A_472 = arith.index_cast %add3A_436 : i32 to index
        %get3A_473 = arith.constant 80 : index
        %get3A_474 = tpu.vector_load %arg14[%get3A_472, %get3A_473] {strides = array<i32>} : memref<256x128xf32, #tpu.memory_space<vmem>>, vector<16xf32>,
        %mul3A_475 = arith.mulf %get3A_474, %gather3A_434 : vector<16xf32>
        %swap3A_476 = arith.index_cast %add3A_436 : i32 to index
        %swap3A_477 = arith.constant 80 : index
        %swap3A_478 = tpu.vector_load %arg14[%swap3A_476, %swap3A_477] {strides = array<i32>} : memref<256x128xf32, #tpu.memory_space<vmem>>, vector<16xf32>,
        tpu.vector_store %arg14[%swap3A_476, %swap3A_477], %mul3A_475 {strides = array<i32>} : memref<256x128xf32, #tpu.memory_space<vmem>>, vector<16xf32>,
        %get3A_479 = arith.index_cast %add3A_436 : i32 to index
        %get3A_480 = arith.constant 96 : index
        %get3A_481 = tpu.vector_load %arg14[%get3A_479, %get3A_480] {strides = array<i32>} : memref<256x128xf32, #tpu.memory_space<vmem>>, vector<16xf32>,
        %mul3A_482 = arith.mulf %get3A_481, %gather3A_434 : vector<16xf32>
        %swap3A_483 = arith.index_cast %add3A_436 : i32 to index
        %swap3A_484 = arith.constant 96 : index
        %swap3A_485 = tpu.vector_load %arg14[%swap3A_483, %swap3A_484] {strides = array<i32>} : memref<256x128xf32, #tpu.memory_space<vmem>>, vector<16xf32>,
        tpu.vector_store %arg14[%swap3A_483, %swap3A_484], %mul3A_482 {strides = array<i32>} : memref<256x128xf32, #tpu.memory_space<vmem>>, vector<16xf32>,
        %get3A_486 = arith.index_cast %add3A_436 : i32 to index
        %get3A_487 = arith.constant 112 : index
        %get3A_488 = tpu.vector_load %arg14[%get3A_486, %get3A_487] {strides = array<i32>} : memref<256x128xf32, #tpu.memory_space<vmem>>, vector<16xf32>,
        %mul3A_489 = arith.mulf %get3A_488, %gather3A_434 : vector<16xf32>
        %swap3A_490 = arith.index_cast %add3A_436 : i32 to index
        %swap3A_491 = arith.constant 112 : index
        %swap3A_492 = tpu.vector_load %arg14[%swap3A_490, %swap3A_491] {strides = array<i32>} : memref<256x128xf32, #tpu.memory_space<vmem>>, vector<16xf32>,
        tpu.vector_store %arg14[%swap3A_490, %swap3A_491], %mul3A_489 {strides = array<i32>} : memref<256x128xf32, #tpu.memory_space<vmem>>, vector<16xf32>,
        %scan3A_493 = arith.constant 0 : i32
        scf.yield %scan3A_493 : i32
      }
      %scan3A_178 = arith.constant 128 : i32
      %run_scoped3A_179 = arith.constant 2 : i32
      "tpu.region"() ({
        %run_scoped3A_367 = tpu.sem_alloc : memref<!tpu.dma_semaphore, #tpu.memory_space<semaphore_mem>>
        %dma_start3A_368 = arith.constant 0 : i32
        %dma_start3A_369 = arith.constant 0 : i32
        %dma_start3A_370 = tpu.memref_slice %arg14[%dma_start3A_368, %dma_start3A_369] : memref<256x128xf32, #tpu.memory_space<vmem>> -> memref<128x128xf32, #tpu.memory_space<vmem>>
        %dma_start3A_371 = arith.constant 0 : i32
        %dma_start3A_372 = tpu.memref_slice %arg13[%run_scoped3A_179, %dma_start3A_371] : memref<10x128xi32, #tpu.memory_space<vmem>> -> memref<1x128xi32, #tpu.memory_space<vmem>>
        %dma_start3A_373 = tpu.memref_squeeze %dma_start3A_372 : memref<1x128xi32, #tpu.memory_space<vmem>> -> memref<128xi32, #tpu.memory_space<vmem>>
        %dma_start3A_374 = arith.constant 0 : i32
        %dma_start3A_375 = arith.constant 0 : i32
        %dma_start3A_376 = tpu.memref_slice %arg15[%dma_start3A_374, %dma_start3A_375] : memref<10112x128xf32, #tpu.memory_space<vmem_shared>> -> memref<10112x128xf32, #tpu.memory_space<vmem_shared>>
        tpu.enqueue_indirect_dma source(%dma_start3A_370 : memref<128x128xf32, #tpu.memory_space<vmem>>) target(%dma_start3A_376 : memref<10112x128xf32, #tpu.memory_space<vmem_shared>>) offsets(%dma_start3A_373 : memref<128xi32, #tpu.memory_space<vmem>>) semaphore(%run_scoped3A_367 : memref<!tpu.dma_semaphore, #tpu.memory_space<semaphore_mem>>) {add = true}
        %dma_wait3A_377 = arith.constant 0 : i32
        %dma_wait3A_378 = arith.constant 0 : i32
        %dma_wait3A_379 = tpu.memref_slice %arg14[%dma_wait3A_377, %dma_wait3A_378] : memref<256x128xf32, #tpu.memory_space<vmem>> -> memref<128x128xf32, #tpu.memory_space<vmem>>
        %dma_wait3A_380 = arith.constant 0 : i32
        %dma_wait3A_381 = tpu.memref_slice %arg13[%run_scoped3A_179, %dma_wait3A_380] : memref<10x128xi32, #tpu.memory_space<vmem>> -> memref<1x128xi32, #tpu.memory_space<vmem>>
        %dma_wait3A_382 = tpu.memref_squeeze %dma_wait3A_381 : memref<1x128xi32, #tpu.memory_space<vmem>> -> memref<128xi32, #tpu.memory_space<vmem>>
        %dma_wait3A_383 = arith.constant 0 : i32
        %dma_wait3A_384 = arith.constant 0 : i32
        %dma_wait3A_385 = tpu.memref_slice %arg15[%dma_wait3A_383, %dma_wait3A_384] : memref<10112x128xf32, #tpu.memory_space<vmem_shared>> -> memref<10112x128xf32, #tpu.memory_space<vmem_shared>>
        tpu.wait_indirect_dma semaphore(%run_scoped3A_367 : memref<!tpu.dma_semaphore, #tpu.memory_space<semaphore_mem>>) src(%dma_wait3A_379 : memref<128x128xf32, #tpu.memory_space<vmem>>) dst(%dma_wait3A_385 : memref<10112x128xf32, #tpu.memory_space<vmem_shared>>)
        tpu.yield
      }) : () -> ()
      %dma_wait3A_180 = arith.constant 3 : i32
      %dma_wait3A_181 = arith.constant 128 : i32
      %dma_wait3A_182 = arith.constant 0 : i32
      %dma_wait3A_183 = tpu.memref_slice %arg14[%dma_wait3A_181, %dma_wait3A_182] : memref<256x128xf32, #tpu.memory_space<vmem>> -> memref<128x128xf32, #tpu.memory_space<vmem>>
      %dma_wait3A_184 = arith.constant 0 : i32
      %dma_wait3A_185 = tpu.memref_slice %arg12[%dma_wait3A_180, %dma_wait3A_184] : memref<10x128xi32, #tpu.memory_space<vmem>> -> memref<1x128xi32, #tpu.memory_space<vmem>>
      %dma_wait3A_186 = tpu.memref_squeeze %dma_wait3A_185 : memref<1x128xi32, #tpu.memory_space<vmem>> -> memref<128xi32, #tpu.memory_space<vmem>>
      %dma_wait3A_187 = arith.constant 0 : i32
      %dma_wait3A_188 = arith.constant 0 : i32
      %dma_wait3A_189 = tpu.memref_slice %arg2[%dma_wait3A_187, %dma_wait3A_188] : memref<160000x128xf32, #tpu.memory_space<hbm>> -> memref<160000x128xf32, #tpu.memory_space<hbm>>
      tpu.wait_indirect_dma semaphore(%arg18 : memref<!tpu.dma_semaphore, #tpu.memory_space<semaphore_mem>>) src(%dma_wait3A_189 : memref<160000x128xf32, #tpu.memory_space<hbm>>) dst(%dma_wait3A_183 : memref<128x128xf32, #tpu.memory_space<vmem>>)
      %dma_start3A_190 = arith.constant 4 : i32
      %dma_start3A_191 = arith.constant 0 : i32
      %dma_start3A_192 = arith.constant 0 : i32
      %dma_start3A_193 = tpu.memref_slice %arg14[%dma_start3A_191, %dma_start3A_192] : memref<256x128xf32, #tpu.memory_space<vmem>> -> memref<128x128xf32, #tpu.memory_space<vmem>>
      %dma_start3A_194 = arith.constant 0 : i32
      %dma_start3A_195 = tpu.memref_slice %arg12[%dma_start3A_190, %dma_start3A_194] : memref<10x128xi32, #tpu.memory_space<vmem>> -> memref<1x128xi32, #tpu.memory_space<vmem>>
      %dma_start3A_196 = tpu.memref_squeeze %dma_start3A_195 : memref<1x128xi32, #tpu.memory_space<vmem>> -> memref<128xi32, #tpu.memory_space<vmem>>
      %dma_start3A_197 = arith.constant 0 : i32
      %dma_start3A_198 = arith.constant 0 : i32
      %dma_start3A_199 = tpu.memref_slice %arg2[%dma_start3A_197, %dma_start3A_198] : memref<160000x128xf32, #tpu.memory_space<hbm>> -> memref<160000x128xf32, #tpu.memory_space<hbm>>
      tpu.enqueue_indirect_dma source(%dma_start3A_199 : memref<160000x128xf32, #tpu.memory_space<hbm>>) target(%dma_start3A_193 : memref<128x128xf32, #tpu.memory_space<vmem>>) offsets(%dma_start3A_196 : memref<128xi32, #tpu.memory_space<vmem>>) semaphore(%arg17 : memref<!tpu.dma_semaphore, #tpu.memory_space<semaphore_mem>>)
      %scan3A_200 = arith.constant 0 : i32
      %scan3A_201 = arith.constant 0 : i32
      %scan3A_202 = arith.constant 128 : i32
      %scan3A_203 = arith.addi %scan3A_201, %scan3A_202 : i32
      %scan3A_204 = arith.constant 2 : i32
      %scan3A_205 = scf.for %scan3A_367 = %scan3A_201 to %scan3A_203 step %scan3A_204 iter_args(%scan3A_368 = %scan3A_200) -> (i32)  : i32 {
        %add3A_369 = arith.constant 384 : i32
        %add3A_370 = arith.addi %add3A_369, %scan3A_367 : i32
        %broadcast_in_dim3A_371 = vector.broadcast %add3A_370 : i32 to vector<16xi32>
        %gather3A = tpu.vector_load_idx %arg11[%broadcast_in_dim3A_371] : memref<1280xf32, #tpu.memory_space<vmem>>[vector<16xi32>], vector<16xf32>,
        %add3A_372 = arith.constant 128 : i32
        %add3A_373 = arith.addi %add3A_372, %scan3A_367 : i32
        %get3A = arith.index_cast %add3A_373 : i32 to index
        %get3A_374 = arith.constant 0 : index
        %get3A_375 = tpu.vector_load %arg14[%get3A, %get3A_374] {strides = array<i32>} : memref<256x128xf32, #tpu.memory_space<vmem>>, vector<16xf32>,
        %mul3A_376 = arith.mulf %get3A_375, %gather3A : vector<16xf32>
        %swap3A = arith.index_cast %add3A_373 : i32 to index
        %swap3A_377 = arith.constant 0 : index
        %swap3A_378 = tpu.vector_load %arg14[%swap3A, %swap3A_377] {strides = array<i32>} : memref<256x128xf32, #tpu.memory_space<vmem>>, vector<16xf32>,
        tpu.vector_store %arg14[%swap3A, %swap3A_377], %mul3A_376 {strides = array<i32>} : memref<256x128xf32, #tpu.memory_space<vmem>>, vector<16xf32>,
        %get3A_379 = arith.index_cast %add3A_373 : i32 to index
        %get3A_380 = arith.constant 16 : index
        %get3A_381 = tpu.vector_load %arg14[%get3A_379, %get3A_380] {strides = array<i32>} : memref<256x128xf32, #tpu.memory_space<vmem>>, vector<16xf32>,
        %mul3A_382 = arith.mulf %get3A_381, %gather3A : vector<16xf32>
        %swap3A_383 = arith.index_cast %add3A_373 : i32 to index
        %swap3A_384 = arith.constant 16 : index
        %swap3A_385 = tpu.vector_load %arg14[%swap3A_383, %swap3A_384] {strides = array<i32>} : memref<256x128xf32, #tpu.memory_space<vmem>>, vector<16xf32>,
        tpu.vector_store %arg14[%swap3A_383, %swap3A_384], %mul3A_382 {strides = array<i32>} : memref<256x128xf32, #tpu.memory_space<vmem>>, vector<16xf32>,
        %get3A_386 = arith.index_cast %add3A_373 : i32 to index
        %get3A_387 = arith.constant 32 : index
        %get3A_388 = tpu.vector_load %arg14[%get3A_386, %get3A_387] {strides = array<i32>} : memref<256x128xf32, #tpu.memory_space<vmem>>, vector<16xf32>,
        %mul3A_389 = arith.mulf %get3A_388, %gather3A : vector<16xf32>
        %swap3A_390 = arith.index_cast %add3A_373 : i32 to index
        %swap3A_391 = arith.constant 32 : index
        %swap3A_392 = tpu.vector_load %arg14[%swap3A_390, %swap3A_391] {strides = array<i32>} : memref<256x128xf32, #tpu.memory_space<vmem>>, vector<16xf32>,
        tpu.vector_store %arg14[%swap3A_390, %swap3A_391], %mul3A_389 {strides = array<i32>} : memref<256x128xf32, #tpu.memory_space<vmem>>, vector<16xf32>,
        %get3A_393 = arith.index_cast %add3A_373 : i32 to index
        %get3A_394 = arith.constant 48 : index
        %get3A_395 = tpu.vector_load %arg14[%get3A_393, %get3A_394] {strides = array<i32>} : memref<256x128xf32, #tpu.memory_space<vmem>>, vector<16xf32>,
        %mul3A_396 = arith.mulf %get3A_395, %gather3A : vector<16xf32>
        %swap3A_397 = arith.index_cast %add3A_373 : i32 to index
        %swap3A_398 = arith.constant 48 : index
        %swap3A_399 = tpu.vector_load %arg14[%swap3A_397, %swap3A_398] {strides = array<i32>} : memref<256x128xf32, #tpu.memory_space<vmem>>, vector<16xf32>,
        tpu.vector_store %arg14[%swap3A_397, %swap3A_398], %mul3A_396 {strides = array<i32>} : memref<256x128xf32, #tpu.memory_space<vmem>>, vector<16xf32>,
        %get3A_400 = arith.index_cast %add3A_373 : i32 to index
        %get3A_401 = arith.constant 64 : index
        %get3A_402 = tpu.vector_load %arg14[%get3A_400, %get3A_401] {strides = array<i32>} : memref<256x128xf32, #tpu.memory_space<vmem>>, vector<16xf32>,
        %mul3A_403 = arith.mulf %get3A_402, %gather3A : vector<16xf32>
        %swap3A_404 = arith.index_cast %add3A_373 : i32 to index
        %swap3A_405 = arith.constant 64 : index
        %swap3A_406 = tpu.vector_load %arg14[%swap3A_404, %swap3A_405] {strides = array<i32>} : memref<256x128xf32, #tpu.memory_space<vmem>>, vector<16xf32>,
        tpu.vector_store %arg14[%swap3A_404, %swap3A_405], %mul3A_403 {strides = array<i32>} : memref<256x128xf32, #tpu.memory_space<vmem>>, vector<16xf32>,
        %get3A_407 = arith.index_cast %add3A_373 : i32 to index
        %get3A_408 = arith.constant 80 : index
        %get3A_409 = tpu.vector_load %arg14[%get3A_407, %get3A_408] {strides = array<i32>} : memref<256x128xf32, #tpu.memory_space<vmem>>, vector<16xf32>,
        %mul3A_410 = arith.mulf %get3A_409, %gather3A : vector<16xf32>
        %swap3A_411 = arith.index_cast %add3A_373 : i32 to index
        %swap3A_412 = arith.constant 80 : index
        %swap3A_413 = tpu.vector_load %arg14[%swap3A_411, %swap3A_412] {strides = array<i32>} : memref<256x128xf32, #tpu.memory_space<vmem>>, vector<16xf32>,
        tpu.vector_store %arg14[%swap3A_411, %swap3A_412], %mul3A_410 {strides = array<i32>} : memref<256x128xf32, #tpu.memory_space<vmem>>, vector<16xf32>,
        %get3A_414 = arith.index_cast %add3A_373 : i32 to index
        %get3A_415 = arith.constant 96 : index
        %get3A_416 = tpu.vector_load %arg14[%get3A_414, %get3A_415] {strides = array<i32>} : memref<256x128xf32, #tpu.memory_space<vmem>>, vector<16xf32>,
        %mul3A_417 = arith.mulf %get3A_416, %gather3A : vector<16xf32>
        %swap3A_418 = arith.index_cast %add3A_373 : i32 to index
        %swap3A_419 = arith.constant 96 : index
        %swap3A_420 = tpu.vector_load %arg14[%swap3A_418, %swap3A_419] {strides = array<i32>} : memref<256x128xf32, #tpu.memory_space<vmem>>, vector<16xf32>,
        tpu.vector_store %arg14[%swap3A_418, %swap3A_419], %mul3A_417 {strides = array<i32>} : memref<256x128xf32, #tpu.memory_space<vmem>>, vector<16xf32>,
        %get3A_421 = arith.index_cast %add3A_373 : i32 to index
        %get3A_422 = arith.constant 112 : index
        %get3A_423 = tpu.vector_load %arg14[%get3A_421, %get3A_422] {strides = array<i32>} : memref<256x128xf32, #tpu.memory_space<vmem>>, vector<16xf32>,
        %mul3A_424 = arith.mulf %get3A_423, %gather3A : vector<16xf32>
        %swap3A_425 = arith.index_cast %add3A_373 : i32 to index
        %swap3A_426 = arith.constant 112 : index
        %swap3A_427 = tpu.vector_load %arg14[%swap3A_425, %swap3A_426] {strides = array<i32>} : memref<256x128xf32, #tpu.memory_space<vmem>>, vector<16xf32>,
        tpu.vector_store %arg14[%swap3A_425, %swap3A_426], %mul3A_424 {strides = array<i32>} : memref<256x128xf32, #tpu.memory_space<vmem>>, vector<16xf32>,
        %scan3A_428 = arith.constant 0 : i32
        %scan3A_429 = arith.constant 1 : i32
        %scan3A_430 = arith.addi %scan3A_367, %scan3A_429 : i32
        %add3A_431 = arith.constant 384 : i32
        %add3A_432 = arith.addi %add3A_431, %scan3A_430 : i32
        %broadcast_in_dim3A_433 = vector.broadcast %add3A_432 : i32 to vector<16xi32>
        %gather3A_434 = tpu.vector_load_idx %arg11[%broadcast_in_dim3A_433] : memref<1280xf32, #tpu.memory_space<vmem>>[vector<16xi32>], vector<16xf32>,
        %add3A_435 = arith.constant 128 : i32
        %add3A_436 = arith.addi %add3A_435, %scan3A_430 : i32
        %get3A_437 = arith.index_cast %add3A_436 : i32 to index
        %get3A_438 = arith.constant 0 : index
        %get3A_439 = tpu.vector_load %arg14[%get3A_437, %get3A_438] {strides = array<i32>} : memref<256x128xf32, #tpu.memory_space<vmem>>, vector<16xf32>,
        %mul3A_440 = arith.mulf %get3A_439, %gather3A_434 : vector<16xf32>
        %swap3A_441 = arith.index_cast %add3A_436 : i32 to index
        %swap3A_442 = arith.constant 0 : index
        %swap3A_443 = tpu.vector_load %arg14[%swap3A_441, %swap3A_442] {strides = array<i32>} : memref<256x128xf32, #tpu.memory_space<vmem>>, vector<16xf32>,
        tpu.vector_store %arg14[%swap3A_441, %swap3A_442], %mul3A_440 {strides = array<i32>} : memref<256x128xf32, #tpu.memory_space<vmem>>, vector<16xf32>,
        %get3A_444 = arith.index_cast %add3A_436 : i32 to index
        %get3A_445 = arith.constant 16 : index
        %get3A_446 = tpu.vector_load %arg14[%get3A_444, %get3A_445] {strides = array<i32>} : memref<256x128xf32, #tpu.memory_space<vmem>>, vector<16xf32>,
        %mul3A_447 = arith.mulf %get3A_446, %gather3A_434 : vector<16xf32>
        %swap3A_448 = arith.index_cast %add3A_436 : i32 to index
        %swap3A_449 = arith.constant 16 : index
        %swap3A_450 = tpu.vector_load %arg14[%swap3A_448, %swap3A_449] {strides = array<i32>} : memref<256x128xf32, #tpu.memory_space<vmem>>, vector<16xf32>,
        tpu.vector_store %arg14[%swap3A_448, %swap3A_449], %mul3A_447 {strides = array<i32>} : memref<256x128xf32, #tpu.memory_space<vmem>>, vector<16xf32>,
        %get3A_451 = arith.index_cast %add3A_436 : i32 to index
        %get3A_452 = arith.constant 32 : index
        %get3A_453 = tpu.vector_load %arg14[%get3A_451, %get3A_452] {strides = array<i32>} : memref<256x128xf32, #tpu.memory_space<vmem>>, vector<16xf32>,
        %mul3A_454 = arith.mulf %get3A_453, %gather3A_434 : vector<16xf32>
        %swap3A_455 = arith.index_cast %add3A_436 : i32 to index
        %swap3A_456 = arith.constant 32 : index
        %swap3A_457 = tpu.vector_load %arg14[%swap3A_455, %swap3A_456] {strides = array<i32>} : memref<256x128xf32, #tpu.memory_space<vmem>>, vector<16xf32>,
        tpu.vector_store %arg14[%swap3A_455, %swap3A_456], %mul3A_454 {strides = array<i32>} : memref<256x128xf32, #tpu.memory_space<vmem>>, vector<16xf32>,
        %get3A_458 = arith.index_cast %add3A_436 : i32 to index
        %get3A_459 = arith.constant 48 : index
        %get3A_460 = tpu.vector_load %arg14[%get3A_458, %get3A_459] {strides = array<i32>} : memref<256x128xf32, #tpu.memory_space<vmem>>, vector<16xf32>,
        %mul3A_461 = arith.mulf %get3A_460, %gather3A_434 : vector<16xf32>
        %swap3A_462 = arith.index_cast %add3A_436 : i32 to index
        %swap3A_463 = arith.constant 48 : index
        %swap3A_464 = tpu.vector_load %arg14[%swap3A_462, %swap3A_463] {strides = array<i32>} : memref<256x128xf32, #tpu.memory_space<vmem>>, vector<16xf32>,
        tpu.vector_store %arg14[%swap3A_462, %swap3A_463], %mul3A_461 {strides = array<i32>} : memref<256x128xf32, #tpu.memory_space<vmem>>, vector<16xf32>,
        %get3A_465 = arith.index_cast %add3A_436 : i32 to index
        %get3A_466 = arith.constant 64 : index
        %get3A_467 = tpu.vector_load %arg14[%get3A_465, %get3A_466] {strides = array<i32>} : memref<256x128xf32, #tpu.memory_space<vmem>>, vector<16xf32>,
        %mul3A_468 = arith.mulf %get3A_467, %gather3A_434 : vector<16xf32>
        %swap3A_469 = arith.index_cast %add3A_436 : i32 to index
        %swap3A_470 = arith.constant 64 : index
        %swap3A_471 = tpu.vector_load %arg14[%swap3A_469, %swap3A_470] {strides = array<i32>} : memref<256x128xf32, #tpu.memory_space<vmem>>, vector<16xf32>,
        tpu.vector_store %arg14[%swap3A_469, %swap3A_470], %mul3A_468 {strides = array<i32>} : memref<256x128xf32, #tpu.memory_space<vmem>>, vector<16xf32>,
        %get3A_472 = arith.index_cast %add3A_436 : i32 to index
        %get3A_473 = arith.constant 80 : index
        %get3A_474 = tpu.vector_load %arg14[%get3A_472, %get3A_473] {strides = array<i32>} : memref<256x128xf32, #tpu.memory_space<vmem>>, vector<16xf32>,
        %mul3A_475 = arith.mulf %get3A_474, %gather3A_434 : vector<16xf32>
        %swap3A_476 = arith.index_cast %add3A_436 : i32 to index
        %swap3A_477 = arith.constant 80 : index
        %swap3A_478 = tpu.vector_load %arg14[%swap3A_476, %swap3A_477] {strides = array<i32>} : memref<256x128xf32, #tpu.memory_space<vmem>>, vector<16xf32>,
        tpu.vector_store %arg14[%swap3A_476, %swap3A_477], %mul3A_475 {strides = array<i32>} : memref<256x128xf32, #tpu.memory_space<vmem>>, vector<16xf32>,
        %get3A_479 = arith.index_cast %add3A_436 : i32 to index
        %get3A_480 = arith.constant 96 : index
        %get3A_481 = tpu.vector_load %arg14[%get3A_479, %get3A_480] {strides = array<i32>} : memref<256x128xf32, #tpu.memory_space<vmem>>, vector<16xf32>,
        %mul3A_482 = arith.mulf %get3A_481, %gather3A_434 : vector<16xf32>
        %swap3A_483 = arith.index_cast %add3A_436 : i32 to index
        %swap3A_484 = arith.constant 96 : index
        %swap3A_485 = tpu.vector_load %arg14[%swap3A_483, %swap3A_484] {strides = array<i32>} : memref<256x128xf32, #tpu.memory_space<vmem>>, vector<16xf32>,
        tpu.vector_store %arg14[%swap3A_483, %swap3A_484], %mul3A_482 {strides = array<i32>} : memref<256x128xf32, #tpu.memory_space<vmem>>, vector<16xf32>,
        %get3A_486 = arith.index_cast %add3A_436 : i32 to index
        %get3A_487 = arith.constant 112 : index
        %get3A_488 = tpu.vector_load %arg14[%get3A_486, %get3A_487] {strides = array<i32>} : memref<256x128xf32, #tpu.memory_space<vmem>>, vector<16xf32>,
        %mul3A_489 = arith.mulf %get3A_488, %gather3A_434 : vector<16xf32>
        %swap3A_490 = arith.index_cast %add3A_436 : i32 to index
        %swap3A_491 = arith.constant 112 : index
        %swap3A_492 = tpu.vector_load %arg14[%swap3A_490, %swap3A_491] {strides = array<i32>} : memref<256x128xf32, #tpu.memory_space<vmem>>, vector<16xf32>,
        tpu.vector_store %arg14[%swap3A_490, %swap3A_491], %mul3A_489 {strides = array<i32>} : memref<256x128xf32, #tpu.memory_space<vmem>>, vector<16xf32>,
        %scan3A_493 = arith.constant 0 : i32
        scf.yield %scan3A_493 : i32
      }
      %scan3A_206 = arith.constant 128 : i32
      %run_scoped3A_207 = arith.constant 3 : i32
      "tpu.region"() ({
        %run_scoped3A_367 = tpu.sem_alloc : memref<!tpu.dma_semaphore, #tpu.memory_space<semaphore_mem>>
        %dma_start3A_368 = arith.constant 128 : i32
        %dma_start3A_369 = arith.constant 0 : i32
        %dma_start3A_370 = tpu.memref_slice %arg14[%dma_start3A_368, %dma_start3A_369] : memref<256x128xf32, #tpu.memory_space<vmem>> -> memref<128x128xf32, #tpu.memory_space<vmem>>
        %dma_start3A_371 = arith.constant 0 : i32
        %dma_start3A_372 = tpu.memref_slice %arg13[%run_scoped3A_207, %dma_start3A_371] : memref<10x128xi32, #tpu.memory_space<vmem>> -> memref<1x128xi32, #tpu.memory_space<vmem>>
        %dma_start3A_373 = tpu.memref_squeeze %dma_start3A_372 : memref<1x128xi32, #tpu.memory_space<vmem>> -> memref<128xi32, #tpu.memory_space<vmem>>
        %dma_start3A_374 = arith.constant 0 : i32
        %dma_start3A_375 = arith.constant 0 : i32
        %dma_start3A_376 = tpu.memref_slice %arg15[%dma_start3A_374, %dma_start3A_375] : memref<10112x128xf32, #tpu.memory_space<vmem_shared>> -> memref<10112x128xf32, #tpu.memory_space<vmem_shared>>
        tpu.enqueue_indirect_dma source(%dma_start3A_370 : memref<128x128xf32, #tpu.memory_space<vmem>>) target(%dma_start3A_376 : memref<10112x128xf32, #tpu.memory_space<vmem_shared>>) offsets(%dma_start3A_373 : memref<128xi32, #tpu.memory_space<vmem>>) semaphore(%run_scoped3A_367 : memref<!tpu.dma_semaphore, #tpu.memory_space<semaphore_mem>>) {add = true}
        %dma_wait3A_377 = arith.constant 128 : i32
        %dma_wait3A_378 = arith.constant 0 : i32
        %dma_wait3A_379 = tpu.memref_slice %arg14[%dma_wait3A_377, %dma_wait3A_378] : memref<256x128xf32, #tpu.memory_space<vmem>> -> memref<128x128xf32, #tpu.memory_space<vmem>>
        %dma_wait3A_380 = arith.constant 0 : i32
        %dma_wait3A_381 = tpu.memref_slice %arg13[%run_scoped3A_207, %dma_wait3A_380] : memref<10x128xi32, #tpu.memory_space<vmem>> -> memref<1x128xi32, #tpu.memory_space<vmem>>
        %dma_wait3A_382 = tpu.memref_squeeze %dma_wait3A_381 : memref<1x128xi32, #tpu.memory_space<vmem>> -> memref<128xi32, #tpu.memory_space<vmem>>
        %dma_wait3A_383 = arith.constant 0 : i32
        %dma_wait3A_384 = arith.constant 0 : i32
        %dma_wait3A_385 = tpu.memref_slice %arg15[%dma_wait3A_383, %dma_wait3A_384] : memref<10112x128xf32, #tpu.memory_space<vmem_shared>> -> memref<10112x128xf32, #tpu.memory_space<vmem_shared>>
        tpu.wait_indirect_dma semaphore(%run_scoped3A_367 : memref<!tpu.dma_semaphore, #tpu.memory_space<semaphore_mem>>) src(%dma_wait3A_379 : memref<128x128xf32, #tpu.memory_space<vmem>>) dst(%dma_wait3A_385 : memref<10112x128xf32, #tpu.memory_space<vmem_shared>>)
        tpu.yield
      }) : () -> ()
      %dma_wait3A_208 = arith.constant 4 : i32
      %dma_wait3A_209 = arith.constant 0 : i32
      %dma_wait3A_210 = arith.constant 0 : i32
      %dma_wait3A_211 = tpu.memref_slice %arg14[%dma_wait3A_209, %dma_wait3A_210] : memref<256x128xf32, #tpu.memory_space<vmem>> -> memref<128x128xf32, #tpu.memory_space<vmem>>
      %dma_wait3A_212 = arith.constant 0 : i32
      %dma_wait3A_213 = tpu.memref_slice %arg12[%dma_wait3A_208, %dma_wait3A_212] : memref<10x128xi32, #tpu.memory_space<vmem>> -> memref<1x128xi32, #tpu.memory_space<vmem>>
      %dma_wait3A_214 = tpu.memref_squeeze %dma_wait3A_213 : memref<1x128xi32, #tpu.memory_space<vmem>> -> memref<128xi32, #tpu.memory_space<vmem>>
      %dma_wait3A_215 = arith.constant 0 : i32
      %dma_wait3A_216 = arith.constant 0 : i32
      %dma_wait3A_217 = tpu.memref_slice %arg2[%dma_wait3A_215, %dma_wait3A_216] : memref<160000x128xf32, #tpu.memory_space<hbm>> -> memref<160000x128xf32, #tpu.memory_space<hbm>>
      tpu.wait_indirect_dma semaphore(%arg17 : memref<!tpu.dma_semaphore, #tpu.memory_space<semaphore_mem>>) src(%dma_wait3A_217 : memref<160000x128xf32, #tpu.memory_space<hbm>>) dst(%dma_wait3A_211 : memref<128x128xf32, #tpu.memory_space<vmem>>)
      %dma_start3A_218 = arith.constant 5 : i32
      %dma_start3A_219 = arith.constant 128 : i32
      %dma_start3A_220 = arith.constant 0 : i32
      %dma_start3A_221 = tpu.memref_slice %arg14[%dma_start3A_219, %dma_start3A_220] : memref<256x128xf32, #tpu.memory_space<vmem>> -> memref<128x128xf32, #tpu.memory_space<vmem>>
      %dma_start3A_222 = arith.constant 0 : i32
      %dma_start3A_223 = tpu.memref_slice %arg12[%dma_start3A_218, %dma_start3A_222] : memref<10x128xi32, #tpu.memory_space<vmem>> -> memref<1x128xi32, #tpu.memory_space<vmem>>
      %dma_start3A_224 = tpu.memref_squeeze %dma_start3A_223 : memref<1x128xi32, #tpu.memory_space<vmem>> -> memref<128xi32, #tpu.memory_space<vmem>>
      %dma_start3A_225 = arith.constant 0 : i32
      %dma_start3A_226 = arith.constant 0 : i32
      %dma_start3A_227 = tpu.memref_slice %arg2[%dma_start3A_225, %dma_start3A_226] : memref<160000x128xf32, #tpu.memory_space<hbm>> -> memref<160000x128xf32, #tpu.memory_space<hbm>>
      tpu.enqueue_indirect_dma source(%dma_start3A_227 : memref<160000x128xf32, #tpu.memory_space<hbm>>) target(%dma_start3A_221 : memref<128x128xf32, #tpu.memory_space<vmem>>) offsets(%dma_start3A_224 : memref<128xi32, #tpu.memory_space<vmem>>) semaphore(%arg18 : memref<!tpu.dma_semaphore, #tpu.memory_space<semaphore_mem>>)
      %scan3A_228 = arith.constant 0 : i32
      %scan3A_229 = arith.constant 0 : i32
      %scan3A_230 = arith.constant 128 : i32
      %scan3A_231 = arith.addi %scan3A_229, %scan3A_230 : i32
      %scan3A_232 = arith.constant 2 : i32
      %scan3A_233 = scf.for %scan3A_367 = %scan3A_229 to %scan3A_231 step %scan3A_232 iter_args(%scan3A_368 = %scan3A_228) -> (i32)  : i32 {
        %add3A_369 = arith.constant 512 : i32
        %add3A_370 = arith.addi %add3A_369, %scan3A_367 : i32
        %broadcast_in_dim3A_371 = vector.broadcast %add3A_370 : i32 to vector<16xi32>
        %gather3A = tpu.vector_load_idx %arg11[%broadcast_in_dim3A_371] : memref<1280xf32, #tpu.memory_space<vmem>>[vector<16xi32>], vector<16xf32>,
        %add3A_372 = arith.constant 0 : i32
        %add3A_373 = arith.addi %add3A_372, %scan3A_367 : i32
        %get3A = arith.index_cast %add3A_373 : i32 to index
        %get3A_374 = arith.constant 0 : index
        %get3A_375 = tpu.vector_load %arg14[%get3A, %get3A_374] {strides = array<i32>} : memref<256x128xf32, #tpu.memory_space<vmem>>, vector<16xf32>,
        %mul3A_376 = arith.mulf %get3A_375, %gather3A : vector<16xf32>
        %swap3A = arith.index_cast %add3A_373 : i32 to index
        %swap3A_377 = arith.constant 0 : index
        %swap3A_378 = tpu.vector_load %arg14[%swap3A, %swap3A_377] {strides = array<i32>} : memref<256x128xf32, #tpu.memory_space<vmem>>, vector<16xf32>,
        tpu.vector_store %arg14[%swap3A, %swap3A_377], %mul3A_376 {strides = array<i32>} : memref<256x128xf32, #tpu.memory_space<vmem>>, vector<16xf32>,
        %get3A_379 = arith.index_cast %add3A_373 : i32 to index
        %get3A_380 = arith.constant 16 : index
        %get3A_381 = tpu.vector_load %arg14[%get3A_379, %get3A_380] {strides = array<i32>} : memref<256x128xf32, #tpu.memory_space<vmem>>, vector<16xf32>,
        %mul3A_382 = arith.mulf %get3A_381, %gather3A : vector<16xf32>
        %swap3A_383 = arith.index_cast %add3A_373 : i32 to index
        %swap3A_384 = arith.constant 16 : index
        %swap3A_385 = tpu.vector_load %arg14[%swap3A_383, %swap3A_384] {strides = array<i32>} : memref<256x128xf32, #tpu.memory_space<vmem>>, vector<16xf32>,
        tpu.vector_store %arg14[%swap3A_383, %swap3A_384], %mul3A_382 {strides = array<i32>} : memref<256x128xf32, #tpu.memory_space<vmem>>, vector<16xf32>,
        %get3A_386 = arith.index_cast %add3A_373 : i32 to index
        %get3A_387 = arith.constant 32 : index
        %get3A_388 = tpu.vector_load %arg14[%get3A_386, %get3A_387] {strides = array<i32>} : memref<256x128xf32, #tpu.memory_space<vmem>>, vector<16xf32>,
        %mul3A_389 = arith.mulf %get3A_388, %gather3A : vector<16xf32>
        %swap3A_390 = arith.index_cast %add3A_373 : i32 to index
        %swap3A_391 = arith.constant 32 : index
        %swap3A_392 = tpu.vector_load %arg14[%swap3A_390, %swap3A_391] {strides = array<i32>} : memref<256x128xf32, #tpu.memory_space<vmem>>, vector<16xf32>,
        tpu.vector_store %arg14[%swap3A_390, %swap3A_391], %mul3A_389 {strides = array<i32>} : memref<256x128xf32, #tpu.memory_space<vmem>>, vector<16xf32>,
        %get3A_393 = arith.index_cast %add3A_373 : i32 to index
        %get3A_394 = arith.constant 48 : index
        %get3A_395 = tpu.vector_load %arg14[%get3A_393, %get3A_394] {strides = array<i32>} : memref<256x128xf32, #tpu.memory_space<vmem>>, vector<16xf32>,
        %mul3A_396 = arith.mulf %get3A_395, %gather3A : vector<16xf32>
        %swap3A_397 = arith.index_cast %add3A_373 : i32 to index
        %swap3A_398 = arith.constant 48 : index
        %swap3A_399 = tpu.vector_load %arg14[%swap3A_397, %swap3A_398] {strides = array<i32>} : memref<256x128xf32, #tpu.memory_space<vmem>>, vector<16xf32>,
        tpu.vector_store %arg14[%swap3A_397, %swap3A_398], %mul3A_396 {strides = array<i32>} : memref<256x128xf32, #tpu.memory_space<vmem>>, vector<16xf32>,
        %get3A_400 = arith.index_cast %add3A_373 : i32 to index
        %get3A_401 = arith.constant 64 : index
        %get3A_402 = tpu.vector_load %arg14[%get3A_400, %get3A_401] {strides = array<i32>} : memref<256x128xf32, #tpu.memory_space<vmem>>, vector<16xf32>,
        %mul3A_403 = arith.mulf %get3A_402, %gather3A : vector<16xf32>
        %swap3A_404 = arith.index_cast %add3A_373 : i32 to index
        %swap3A_405 = arith.constant 64 : index
        %swap3A_406 = tpu.vector_load %arg14[%swap3A_404, %swap3A_405] {strides = array<i32>} : memref<256x128xf32, #tpu.memory_space<vmem>>, vector<16xf32>,
        tpu.vector_store %arg14[%swap3A_404, %swap3A_405], %mul3A_403 {strides = array<i32>} : memref<256x128xf32, #tpu.memory_space<vmem>>, vector<16xf32>,
        %get3A_407 = arith.index_cast %add3A_373 : i32 to index
        %get3A_408 = arith.constant 80 : index
        %get3A_409 = tpu.vector_load %arg14[%get3A_407, %get3A_408] {strides = array<i32>} : memref<256x128xf32, #tpu.memory_space<vmem>>, vector<16xf32>,
        %mul3A_410 = arith.mulf %get3A_409, %gather3A : vector<16xf32>
        %swap3A_411 = arith.index_cast %add3A_373 : i32 to index
        %swap3A_412 = arith.constant 80 : index
        %swap3A_413 = tpu.vector_load %arg14[%swap3A_411, %swap3A_412] {strides = array<i32>} : memref<256x128xf32, #tpu.memory_space<vmem>>, vector<16xf32>,
        tpu.vector_store %arg14[%swap3A_411, %swap3A_412], %mul3A_410 {strides = array<i32>} : memref<256x128xf32, #tpu.memory_space<vmem>>, vector<16xf32>,
        %get3A_414 = arith.index_cast %add3A_373 : i32 to index
        %get3A_415 = arith.constant 96 : index
        %get3A_416 = tpu.vector_load %arg14[%get3A_414, %get3A_415] {strides = array<i32>} : memref<256x128xf32, #tpu.memory_space<vmem>>, vector<16xf32>,
        %mul3A_417 = arith.mulf %get3A_416, %gather3A : vector<16xf32>
        %swap3A_418 = arith.index_cast %add3A_373 : i32 to index
        %swap3A_419 = arith.constant 96 : index
        %swap3A_420 = tpu.vector_load %arg14[%swap3A_418, %swap3A_419] {strides = array<i32>} : memref<256x128xf32, #tpu.memory_space<vmem>>, vector<16xf32>,
        tpu.vector_store %arg14[%swap3A_418, %swap3A_419], %mul3A_417 {strides = array<i32>} : memref<256x128xf32, #tpu.memory_space<vmem>>, vector<16xf32>,
        %get3A_421 = arith.index_cast %add3A_373 : i32 to index
        %get3A_422 = arith.constant 112 : index
        %get3A_423 = tpu.vector_load %arg14[%get3A_421, %get3A_422] {strides = array<i32>} : memref<256x128xf32, #tpu.memory_space<vmem>>, vector<16xf32>,
        %mul3A_424 = arith.mulf %get3A_423, %gather3A : vector<16xf32>
        %swap3A_425 = arith.index_cast %add3A_373 : i32 to index
        %swap3A_426 = arith.constant 112 : index
        %swap3A_427 = tpu.vector_load %arg14[%swap3A_425, %swap3A_426] {strides = array<i32>} : memref<256x128xf32, #tpu.memory_space<vmem>>, vector<16xf32>,
        tpu.vector_store %arg14[%swap3A_425, %swap3A_426], %mul3A_424 {strides = array<i32>} : memref<256x128xf32, #tpu.memory_space<vmem>>, vector<16xf32>,
        %scan3A_428 = arith.constant 0 : i32
        %scan3A_429 = arith.constant 1 : i32
        %scan3A_430 = arith.addi %scan3A_367, %scan3A_429 : i32
        %add3A_431 = arith.constant 512 : i32
        %add3A_432 = arith.addi %add3A_431, %scan3A_430 : i32
        %broadcast_in_dim3A_433 = vector.broadcast %add3A_432 : i32 to vector<16xi32>
        %gather3A_434 = tpu.vector_load_idx %arg11[%broadcast_in_dim3A_433] : memref<1280xf32, #tpu.memory_space<vmem>>[vector<16xi32>], vector<16xf32>,
        %add3A_435 = arith.constant 0 : i32
        %add3A_436 = arith.addi %add3A_435, %scan3A_430 : i32
        %get3A_437 = arith.index_cast %add3A_436 : i32 to index
        %get3A_438 = arith.constant 0 : index
        %get3A_439 = tpu.vector_load %arg14[%get3A_437, %get3A_438] {strides = array<i32>} : memref<256x128xf32, #tpu.memory_space<vmem>>, vector<16xf32>,
        %mul3A_440 = arith.mulf %get3A_439, %gather3A_434 : vector<16xf32>
        %swap3A_441 = arith.index_cast %add3A_436 : i32 to index
        %swap3A_442 = arith.constant 0 : index
        %swap3A_443 = tpu.vector_load %arg14[%swap3A_441, %swap3A_442] {strides = array<i32>} : memref<256x128xf32, #tpu.memory_space<vmem>>, vector<16xf32>,
        tpu.vector_store %arg14[%swap3A_441, %swap3A_442], %mul3A_440 {strides = array<i32>} : memref<256x128xf32, #tpu.memory_space<vmem>>, vector<16xf32>,
        %get3A_444 = arith.index_cast %add3A_436 : i32 to index
        %get3A_445 = arith.constant 16 : index
        %get3A_446 = tpu.vector_load %arg14[%get3A_444, %get3A_445] {strides = array<i32>} : memref<256x128xf32, #tpu.memory_space<vmem>>, vector<16xf32>,
        %mul3A_447 = arith.mulf %get3A_446, %gather3A_434 : vector<16xf32>
        %swap3A_448 = arith.index_cast %add3A_436 : i32 to index
        %swap3A_449 = arith.constant 16 : index
        %swap3A_450 = tpu.vector_load %arg14[%swap3A_448, %swap3A_449] {strides = array<i32>} : memref<256x128xf32, #tpu.memory_space<vmem>>, vector<16xf32>,
        tpu.vector_store %arg14[%swap3A_448, %swap3A_449], %mul3A_447 {strides = array<i32>} : memref<256x128xf32, #tpu.memory_space<vmem>>, vector<16xf32>,
        %get3A_451 = arith.index_cast %add3A_436 : i32 to index
        %get3A_452 = arith.constant 32 : index
        %get3A_453 = tpu.vector_load %arg14[%get3A_451, %get3A_452] {strides = array<i32>} : memref<256x128xf32, #tpu.memory_space<vmem>>, vector<16xf32>,
        %mul3A_454 = arith.mulf %get3A_453, %gather3A_434 : vector<16xf32>
        %swap3A_455 = arith.index_cast %add3A_436 : i32 to index
        %swap3A_456 = arith.constant 32 : index
        %swap3A_457 = tpu.vector_load %arg14[%swap3A_455, %swap3A_456] {strides = array<i32>} : memref<256x128xf32, #tpu.memory_space<vmem>>, vector<16xf32>,
        tpu.vector_store %arg14[%swap3A_455, %swap3A_456], %mul3A_454 {strides = array<i32>} : memref<256x128xf32, #tpu.memory_space<vmem>>, vector<16xf32>,
        %get3A_458 = arith.index_cast %add3A_436 : i32 to index
        %get3A_459 = arith.constant 48 : index
        %get3A_460 = tpu.vector_load %arg14[%get3A_458, %get3A_459] {strides = array<i32>} : memref<256x128xf32, #tpu.memory_space<vmem>>, vector<16xf32>,
        %mul3A_461 = arith.mulf %get3A_460, %gather3A_434 : vector<16xf32>
        %swap3A_462 = arith.index_cast %add3A_436 : i32 to index
        %swap3A_463 = arith.constant 48 : index
        %swap3A_464 = tpu.vector_load %arg14[%swap3A_462, %swap3A_463] {strides = array<i32>} : memref<256x128xf32, #tpu.memory_space<vmem>>, vector<16xf32>,
        tpu.vector_store %arg14[%swap3A_462, %swap3A_463], %mul3A_461 {strides = array<i32>} : memref<256x128xf32, #tpu.memory_space<vmem>>, vector<16xf32>,
        %get3A_465 = arith.index_cast %add3A_436 : i32 to index
        %get3A_466 = arith.constant 64 : index
        %get3A_467 = tpu.vector_load %arg14[%get3A_465, %get3A_466] {strides = array<i32>} : memref<256x128xf32, #tpu.memory_space<vmem>>, vector<16xf32>,
        %mul3A_468 = arith.mulf %get3A_467, %gather3A_434 : vector<16xf32>
        %swap3A_469 = arith.index_cast %add3A_436 : i32 to index
        %swap3A_470 = arith.constant 64 : index
        %swap3A_471 = tpu.vector_load %arg14[%swap3A_469, %swap3A_470] {strides = array<i32>} : memref<256x128xf32, #tpu.memory_space<vmem>>, vector<16xf32>,
        tpu.vector_store %arg14[%swap3A_469, %swap3A_470], %mul3A_468 {strides = array<i32>} : memref<256x128xf32, #tpu.memory_space<vmem>>, vector<16xf32>,
        %get3A_472 = arith.index_cast %add3A_436 : i32 to index
        %get3A_473 = arith.constant 80 : index
        %get3A_474 = tpu.vector_load %arg14[%get3A_472, %get3A_473] {strides = array<i32>} : memref<256x128xf32, #tpu.memory_space<vmem>>, vector<16xf32>,
        %mul3A_475 = arith.mulf %get3A_474, %gather3A_434 : vector<16xf32>
        %swap3A_476 = arith.index_cast %add3A_436 : i32 to index
        %swap3A_477 = arith.constant 80 : index
        %swap3A_478 = tpu.vector_load %arg14[%swap3A_476, %swap3A_477] {strides = array<i32>} : memref<256x128xf32, #tpu.memory_space<vmem>>, vector<16xf32>,
        tpu.vector_store %arg14[%swap3A_476, %swap3A_477], %mul3A_475 {strides = array<i32>} : memref<256x128xf32, #tpu.memory_space<vmem>>, vector<16xf32>,
        %get3A_479 = arith.index_cast %add3A_436 : i32 to index
        %get3A_480 = arith.constant 96 : index
        %get3A_481 = tpu.vector_load %arg14[%get3A_479, %get3A_480] {strides = array<i32>} : memref<256x128xf32, #tpu.memory_space<vmem>>, vector<16xf32>,
        %mul3A_482 = arith.mulf %get3A_481, %gather3A_434 : vector<16xf32>
        %swap3A_483 = arith.index_cast %add3A_436 : i32 to index
        %swap3A_484 = arith.constant 96 : index
        %swap3A_485 = tpu.vector_load %arg14[%swap3A_483, %swap3A_484] {strides = array<i32>} : memref<256x128xf32, #tpu.memory_space<vmem>>, vector<16xf32>,
        tpu.vector_store %arg14[%swap3A_483, %swap3A_484], %mul3A_482 {strides = array<i32>} : memref<256x128xf32, #tpu.memory_space<vmem>>, vector<16xf32>,
        %get3A_486 = arith.index_cast %add3A_436 : i32 to index
        %get3A_487 = arith.constant 112 : index
        %get3A_488 = tpu.vector_load %arg14[%get3A_486, %get3A_487] {strides = array<i32>} : memref<256x128xf32, #tpu.memory_space<vmem>>, vector<16xf32>,
        %mul3A_489 = arith.mulf %get3A_488, %gather3A_434 : vector<16xf32>
        %swap3A_490 = arith.index_cast %add3A_436 : i32 to index
        %swap3A_491 = arith.constant 112 : index
        %swap3A_492 = tpu.vector_load %arg14[%swap3A_490, %swap3A_491] {strides = array<i32>} : memref<256x128xf32, #tpu.memory_space<vmem>>, vector<16xf32>,
        tpu.vector_store %arg14[%swap3A_490, %swap3A_491], %mul3A_489 {strides = array<i32>} : memref<256x128xf32, #tpu.memory_space<vmem>>, vector<16xf32>,
        %scan3A_493 = arith.constant 0 : i32
        scf.yield %scan3A_493 : i32
      }
      %scan3A_234 = arith.constant 128 : i32
      %run_scoped3A_235 = arith.constant 4 : i32
      "tpu.region"() ({
        %run_scoped3A_367 = tpu.sem_alloc : memref<!tpu.dma_semaphore, #tpu.memory_space<semaphore_mem>>
        %dma_start3A_368 = arith.constant 0 : i32
        %dma_start3A_369 = arith.constant 0 : i32
        %dma_start3A_370 = tpu.memref_slice %arg14[%dma_start3A_368, %dma_start3A_369] : memref<256x128xf32, #tpu.memory_space<vmem>> -> memref<128x128xf32, #tpu.memory_space<vmem>>
        %dma_start3A_371 = arith.constant 0 : i32
        %dma_start3A_372 = tpu.memref_slice %arg13[%run_scoped3A_235, %dma_start3A_371] : memref<10x128xi32, #tpu.memory_space<vmem>> -> memref<1x128xi32, #tpu.memory_space<vmem>>
        %dma_start3A_373 = tpu.memref_squeeze %dma_start3A_372 : memref<1x128xi32, #tpu.memory_space<vmem>> -> memref<128xi32, #tpu.memory_space<vmem>>
        %dma_start3A_374 = arith.constant 0 : i32
        %dma_start3A_375 = arith.constant 0 : i32
        %dma_start3A_376 = tpu.memref_slice %arg15[%dma_start3A_374, %dma_start3A_375] : memref<10112x128xf32, #tpu.memory_space<vmem_shared>> -> memref<10112x128xf32, #tpu.memory_space<vmem_shared>>
        tpu.enqueue_indirect_dma source(%dma_start3A_370 : memref<128x128xf32, #tpu.memory_space<vmem>>) target(%dma_start3A_376 : memref<10112x128xf32, #tpu.memory_space<vmem_shared>>) offsets(%dma_start3A_373 : memref<128xi32, #tpu.memory_space<vmem>>) semaphore(%run_scoped3A_367 : memref<!tpu.dma_semaphore, #tpu.memory_space<semaphore_mem>>) {add = true}
        %dma_wait3A_377 = arith.constant 0 : i32
        %dma_wait3A_378 = arith.constant 0 : i32
        %dma_wait3A_379 = tpu.memref_slice %arg14[%dma_wait3A_377, %dma_wait3A_378] : memref<256x128xf32, #tpu.memory_space<vmem>> -> memref<128x128xf32, #tpu.memory_space<vmem>>
        %dma_wait3A_380 = arith.constant 0 : i32
        %dma_wait3A_381 = tpu.memref_slice %arg13[%run_scoped3A_235, %dma_wait3A_380] : memref<10x128xi32, #tpu.memory_space<vmem>> -> memref<1x128xi32, #tpu.memory_space<vmem>>
        %dma_wait3A_382 = tpu.memref_squeeze %dma_wait3A_381 : memref<1x128xi32, #tpu.memory_space<vmem>> -> memref<128xi32, #tpu.memory_space<vmem>>
        %dma_wait3A_383 = arith.constant 0 : i32
        %dma_wait3A_384 = arith.constant 0 : i32
        %dma_wait3A_385 = tpu.memref_slice %arg15[%dma_wait3A_383, %dma_wait3A_384] : memref<10112x128xf32, #tpu.memory_space<vmem_shared>> -> memref<10112x128xf32, #tpu.memory_space<vmem_shared>>
        tpu.wait_indirect_dma semaphore(%run_scoped3A_367 : memref<!tpu.dma_semaphore, #tpu.memory_space<semaphore_mem>>) src(%dma_wait3A_379 : memref<128x128xf32, #tpu.memory_space<vmem>>) dst(%dma_wait3A_385 : memref<10112x128xf32, #tpu.memory_space<vmem_shared>>)
        tpu.yield
      }) : () -> ()
      %dma_wait3A_236 = arith.constant 5 : i32
      %dma_wait3A_237 = arith.constant 128 : i32
      %dma_wait3A_238 = arith.constant 0 : i32
      %dma_wait3A_239 = tpu.memref_slice %arg14[%dma_wait3A_237, %dma_wait3A_238] : memref<256x128xf32, #tpu.memory_space<vmem>> -> memref<128x128xf32, #tpu.memory_space<vmem>>
      %dma_wait3A_240 = arith.constant 0 : i32
      %dma_wait3A_241 = tpu.memref_slice %arg12[%dma_wait3A_236, %dma_wait3A_240] : memref<10x128xi32, #tpu.memory_space<vmem>> -> memref<1x128xi32, #tpu.memory_space<vmem>>
      %dma_wait3A_242 = tpu.memref_squeeze %dma_wait3A_241 : memref<1x128xi32, #tpu.memory_space<vmem>> -> memref<128xi32, #tpu.memory_space<vmem>>
      %dma_wait3A_243 = arith.constant 0 : i32
      %dma_wait3A_244 = arith.constant 0 : i32
      %dma_wait3A_245 = tpu.memref_slice %arg2[%dma_wait3A_243, %dma_wait3A_244] : memref<160000x128xf32, #tpu.memory_space<hbm>> -> memref<160000x128xf32, #tpu.memory_space<hbm>>
      tpu.wait_indirect_dma semaphore(%arg18 : memref<!tpu.dma_semaphore, #tpu.memory_space<semaphore_mem>>) src(%dma_wait3A_245 : memref<160000x128xf32, #tpu.memory_space<hbm>>) dst(%dma_wait3A_239 : memref<128x128xf32, #tpu.memory_space<vmem>>)
      %dma_start3A_246 = arith.constant 6 : i32
      %dma_start3A_247 = arith.constant 0 : i32
      %dma_start3A_248 = arith.constant 0 : i32
      %dma_start3A_249 = tpu.memref_slice %arg14[%dma_start3A_247, %dma_start3A_248] : memref<256x128xf32, #tpu.memory_space<vmem>> -> memref<128x128xf32, #tpu.memory_space<vmem>>
      %dma_start3A_250 = arith.constant 0 : i32
      %dma_start3A_251 = tpu.memref_slice %arg12[%dma_start3A_246, %dma_start3A_250] : memref<10x128xi32, #tpu.memory_space<vmem>> -> memref<1x128xi32, #tpu.memory_space<vmem>>
      %dma_start3A_252 = tpu.memref_squeeze %dma_start3A_251 : memref<1x128xi32, #tpu.memory_space<vmem>> -> memref<128xi32, #tpu.memory_space<vmem>>
      %dma_start3A_253 = arith.constant 0 : i32
      %dma_start3A_254 = arith.constant 0 : i32
      %dma_start3A_255 = tpu.memref_slice %arg2[%dma_start3A_253, %dma_start3A_254] : memref<160000x128xf32, #tpu.memory_space<hbm>> -> memref<160000x128xf32, #tpu.memory_space<hbm>>
      tpu.enqueue_indirect_dma source(%dma_start3A_255 : memref<160000x128xf32, #tpu.memory_space<hbm>>) target(%dma_start3A_249 : memref<128x128xf32, #tpu.memory_space<vmem>>) offsets(%dma_start3A_252 : memref<128xi32, #tpu.memory_space<vmem>>) semaphore(%arg17 : memref<!tpu.dma_semaphore, #tpu.memory_space<semaphore_mem>>)
      %scan3A_256 = arith.constant 0 : i32
      %scan3A_257 = arith.constant 0 : i32
      %scan3A_258 = arith.constant 128 : i32
      %scan3A_259 = arith.addi %scan3A_257, %scan3A_258 : i32
      %scan3A_260 = arith.constant 2 : i32
      %scan3A_261 = scf.for %scan3A_367 = %scan3A_257 to %scan3A_259 step %scan3A_260 iter_args(%scan3A_368 = %scan3A_256) -> (i32)  : i32 {
        %add3A_369 = arith.constant 640 : i32
        %add3A_370 = arith.addi %add3A_369, %scan3A_367 : i32
        %broadcast_in_dim3A_371 = vector.broadcast %add3A_370 : i32 to vector<16xi32>
        %gather3A = tpu.vector_load_idx %arg11[%broadcast_in_dim3A_371] : memref<1280xf32, #tpu.memory_space<vmem>>[vector<16xi32>], vector<16xf32>,
        %add3A_372 = arith.constant 128 : i32
        %add3A_373 = arith.addi %add3A_372, %scan3A_367 : i32
        %get3A = arith.index_cast %add3A_373 : i32 to index
        %get3A_374 = arith.constant 0 : index
        %get3A_375 = tpu.vector_load %arg14[%get3A, %get3A_374] {strides = array<i32>} : memref<256x128xf32, #tpu.memory_space<vmem>>, vector<16xf32>,
        %mul3A_376 = arith.mulf %get3A_375, %gather3A : vector<16xf32>
        %swap3A = arith.index_cast %add3A_373 : i32 to index
        %swap3A_377 = arith.constant 0 : index
        %swap3A_378 = tpu.vector_load %arg14[%swap3A, %swap3A_377] {strides = array<i32>} : memref<256x128xf32, #tpu.memory_space<vmem>>, vector<16xf32>,
        tpu.vector_store %arg14[%swap3A, %swap3A_377], %mul3A_376 {strides = array<i32>} : memref<256x128xf32, #tpu.memory_space<vmem>>, vector<16xf32>,
        %get3A_379 = arith.index_cast %add3A_373 : i32 to index
        %get3A_380 = arith.constant 16 : index
        %get3A_381 = tpu.vector_load %arg14[%get3A_379, %get3A_380] {strides = array<i32>} : memref<256x128xf32, #tpu.memory_space<vmem>>, vector<16xf32>,
        %mul3A_382 = arith.mulf %get3A_381, %gather3A : vector<16xf32>
        %swap3A_383 = arith.index_cast %add3A_373 : i32 to index
        %swap3A_384 = arith.constant 16 : index
        %swap3A_385 = tpu.vector_load %arg14[%swap3A_383, %swap3A_384] {strides = array<i32>} : memref<256x128xf32, #tpu.memory_space<vmem>>, vector<16xf32>,
        tpu.vector_store %arg14[%swap3A_383, %swap3A_384], %mul3A_382 {strides = array<i32>} : memref<256x128xf32, #tpu.memory_space<vmem>>, vector<16xf32>,
        %get3A_386 = arith.index_cast %add3A_373 : i32 to index
        %get3A_387 = arith.constant 32 : index
        %get3A_388 = tpu.vector_load %arg14[%get3A_386, %get3A_387] {strides = array<i32>} : memref<256x128xf32, #tpu.memory_space<vmem>>, vector<16xf32>,
        %mul3A_389 = arith.mulf %get3A_388, %gather3A : vector<16xf32>
        %swap3A_390 = arith.index_cast %add3A_373 : i32 to index
        %swap3A_391 = arith.constant 32 : index
        %swap3A_392 = tpu.vector_load %arg14[%swap3A_390, %swap3A_391] {strides = array<i32>} : memref<256x128xf32, #tpu.memory_space<vmem>>, vector<16xf32>,
        tpu.vector_store %arg14[%swap3A_390, %swap3A_391], %mul3A_389 {strides = array<i32>} : memref<256x128xf32, #tpu.memory_space<vmem>>, vector<16xf32>,
        %get3A_393 = arith.index_cast %add3A_373 : i32 to index
        %get3A_394 = arith.constant 48 : index
        %get3A_395 = tpu.vector_load %arg14[%get3A_393, %get3A_394] {strides = array<i32>} : memref<256x128xf32, #tpu.memory_space<vmem>>, vector<16xf32>,
        %mul3A_396 = arith.mulf %get3A_395, %gather3A : vector<16xf32>
        %swap3A_397 = arith.index_cast %add3A_373 : i32 to index
        %swap3A_398 = arith.constant 48 : index
        %swap3A_399 = tpu.vector_load %arg14[%swap3A_397, %swap3A_398] {strides = array<i32>} : memref<256x128xf32, #tpu.memory_space<vmem>>, vector<16xf32>,
        tpu.vector_store %arg14[%swap3A_397, %swap3A_398], %mul3A_396 {strides = array<i32>} : memref<256x128xf32, #tpu.memory_space<vmem>>, vector<16xf32>,
        %get3A_400 = arith.index_cast %add3A_373 : i32 to index
        %get3A_401 = arith.constant 64 : index
        %get3A_402 = tpu.vector_load %arg14[%get3A_400, %get3A_401] {strides = array<i32>} : memref<256x128xf32, #tpu.memory_space<vmem>>, vector<16xf32>,
        %mul3A_403 = arith.mulf %get3A_402, %gather3A : vector<16xf32>
        %swap3A_404 = arith.index_cast %add3A_373 : i32 to index
        %swap3A_405 = arith.constant 64 : index
        %swap3A_406 = tpu.vector_load %arg14[%swap3A_404, %swap3A_405] {strides = array<i32>} : memref<256x128xf32, #tpu.memory_space<vmem>>, vector<16xf32>,
        tpu.vector_store %arg14[%swap3A_404, %swap3A_405], %mul3A_403 {strides = array<i32>} : memref<256x128xf32, #tpu.memory_space<vmem>>, vector<16xf32>,
        %get3A_407 = arith.index_cast %add3A_373 : i32 to index
        %get3A_408 = arith.constant 80 : index
        %get3A_409 = tpu.vector_load %arg14[%get3A_407, %get3A_408] {strides = array<i32>} : memref<256x128xf32, #tpu.memory_space<vmem>>, vector<16xf32>,
        %mul3A_410 = arith.mulf %get3A_409, %gather3A : vector<16xf32>
        %swap3A_411 = arith.index_cast %add3A_373 : i32 to index
        %swap3A_412 = arith.constant 80 : index
        %swap3A_413 = tpu.vector_load %arg14[%swap3A_411, %swap3A_412] {strides = array<i32>} : memref<256x128xf32, #tpu.memory_space<vmem>>, vector<16xf32>,
        tpu.vector_store %arg14[%swap3A_411, %swap3A_412], %mul3A_410 {strides = array<i32>} : memref<256x128xf32, #tpu.memory_space<vmem>>, vector<16xf32>,
        %get3A_414 = arith.index_cast %add3A_373 : i32 to index
        %get3A_415 = arith.constant 96 : index
        %get3A_416 = tpu.vector_load %arg14[%get3A_414, %get3A_415] {strides = array<i32>} : memref<256x128xf32, #tpu.memory_space<vmem>>, vector<16xf32>,
        %mul3A_417 = arith.mulf %get3A_416, %gather3A : vector<16xf32>
        %swap3A_418 = arith.index_cast %add3A_373 : i32 to index
        %swap3A_419 = arith.constant 96 : index
        %swap3A_420 = tpu.vector_load %arg14[%swap3A_418, %swap3A_419] {strides = array<i32>} : memref<256x128xf32, #tpu.memory_space<vmem>>, vector<16xf32>,
        tpu.vector_store %arg14[%swap3A_418, %swap3A_419], %mul3A_417 {strides = array<i32>} : memref<256x128xf32, #tpu.memory_space<vmem>>, vector<16xf32>,
        %get3A_421 = arith.index_cast %add3A_373 : i32 to index
        %get3A_422 = arith.constant 112 : index
        %get3A_423 = tpu.vector_load %arg14[%get3A_421, %get3A_422] {strides = array<i32>} : memref<256x128xf32, #tpu.memory_space<vmem>>, vector<16xf32>,
        %mul3A_424 = arith.mulf %get3A_423, %gather3A : vector<16xf32>
        %swap3A_425 = arith.index_cast %add3A_373 : i32 to index
        %swap3A_426 = arith.constant 112 : index
        %swap3A_427 = tpu.vector_load %arg14[%swap3A_425, %swap3A_426] {strides = array<i32>} : memref<256x128xf32, #tpu.memory_space<vmem>>, vector<16xf32>,
        tpu.vector_store %arg14[%swap3A_425, %swap3A_426], %mul3A_424 {strides = array<i32>} : memref<256x128xf32, #tpu.memory_space<vmem>>, vector<16xf32>,
        %scan3A_428 = arith.constant 0 : i32
        %scan3A_429 = arith.constant 1 : i32
        %scan3A_430 = arith.addi %scan3A_367, %scan3A_429 : i32
        %add3A_431 = arith.constant 640 : i32
        %add3A_432 = arith.addi %add3A_431, %scan3A_430 : i32
        %broadcast_in_dim3A_433 = vector.broadcast %add3A_432 : i32 to vector<16xi32>
        %gather3A_434 = tpu.vector_load_idx %arg11[%broadcast_in_dim3A_433] : memref<1280xf32, #tpu.memory_space<vmem>>[vector<16xi32>], vector<16xf32>,
        %add3A_435 = arith.constant 128 : i32
        %add3A_436 = arith.addi %add3A_435, %scan3A_430 : i32
        %get3A_437 = arith.index_cast %add3A_436 : i32 to index
        %get3A_438 = arith.constant 0 : index
        %get3A_439 = tpu.vector_load %arg14[%get3A_437, %get3A_438] {strides = array<i32>} : memref<256x128xf32, #tpu.memory_space<vmem>>, vector<16xf32>,
        %mul3A_440 = arith.mulf %get3A_439, %gather3A_434 : vector<16xf32>
        %swap3A_441 = arith.index_cast %add3A_436 : i32 to index
        %swap3A_442 = arith.constant 0 : index
        %swap3A_443 = tpu.vector_load %arg14[%swap3A_441, %swap3A_442] {strides = array<i32>} : memref<256x128xf32, #tpu.memory_space<vmem>>, vector<16xf32>,
        tpu.vector_store %arg14[%swap3A_441, %swap3A_442], %mul3A_440 {strides = array<i32>} : memref<256x128xf32, #tpu.memory_space<vmem>>, vector<16xf32>,
        %get3A_444 = arith.index_cast %add3A_436 : i32 to index
        %get3A_445 = arith.constant 16 : index
        %get3A_446 = tpu.vector_load %arg14[%get3A_444, %get3A_445] {strides = array<i32>} : memref<256x128xf32, #tpu.memory_space<vmem>>, vector<16xf32>,
        %mul3A_447 = arith.mulf %get3A_446, %gather3A_434 : vector<16xf32>
        %swap3A_448 = arith.index_cast %add3A_436 : i32 to index
        %swap3A_449 = arith.constant 16 : index
        %swap3A_450 = tpu.vector_load %arg14[%swap3A_448, %swap3A_449] {strides = array<i32>} : memref<256x128xf32, #tpu.memory_space<vmem>>, vector<16xf32>,
        tpu.vector_store %arg14[%swap3A_448, %swap3A_449], %mul3A_447 {strides = array<i32>} : memref<256x128xf32, #tpu.memory_space<vmem>>, vector<16xf32>,
        %get3A_451 = arith.index_cast %add3A_436 : i32 to index
        %get3A_452 = arith.constant 32 : index
        %get3A_453 = tpu.vector_load %arg14[%get3A_451, %get3A_452] {strides = array<i32>} : memref<256x128xf32, #tpu.memory_space<vmem>>, vector<16xf32>,
        %mul3A_454 = arith.mulf %get3A_453, %gather3A_434 : vector<16xf32>
        %swap3A_455 = arith.index_cast %add3A_436 : i32 to index
        %swap3A_456 = arith.constant 32 : index
        %swap3A_457 = tpu.vector_load %arg14[%swap3A_455, %swap3A_456] {strides = array<i32>} : memref<256x128xf32, #tpu.memory_space<vmem>>, vector<16xf32>,
        tpu.vector_store %arg14[%swap3A_455, %swap3A_456], %mul3A_454 {strides = array<i32>} : memref<256x128xf32, #tpu.memory_space<vmem>>, vector<16xf32>,
        %get3A_458 = arith.index_cast %add3A_436 : i32 to index
        %get3A_459 = arith.constant 48 : index
        %get3A_460 = tpu.vector_load %arg14[%get3A_458, %get3A_459] {strides = array<i32>} : memref<256x128xf32, #tpu.memory_space<vmem>>, vector<16xf32>,
        %mul3A_461 = arith.mulf %get3A_460, %gather3A_434 : vector<16xf32>
        %swap3A_462 = arith.index_cast %add3A_436 : i32 to index
        %swap3A_463 = arith.constant 48 : index
        %swap3A_464 = tpu.vector_load %arg14[%swap3A_462, %swap3A_463] {strides = array<i32>} : memref<256x128xf32, #tpu.memory_space<vmem>>, vector<16xf32>,
        tpu.vector_store %arg14[%swap3A_462, %swap3A_463], %mul3A_461 {strides = array<i32>} : memref<256x128xf32, #tpu.memory_space<vmem>>, vector<16xf32>,
        %get3A_465 = arith.index_cast %add3A_436 : i32 to index
        %get3A_466 = arith.constant 64 : index
        %get3A_467 = tpu.vector_load %arg14[%get3A_465, %get3A_466] {strides = array<i32>} : memref<256x128xf32, #tpu.memory_space<vmem>>, vector<16xf32>,
        %mul3A_468 = arith.mulf %get3A_467, %gather3A_434 : vector<16xf32>
        %swap3A_469 = arith.index_cast %add3A_436 : i32 to index
        %swap3A_470 = arith.constant 64 : index
        %swap3A_471 = tpu.vector_load %arg14[%swap3A_469, %swap3A_470] {strides = array<i32>} : memref<256x128xf32, #tpu.memory_space<vmem>>, vector<16xf32>,
        tpu.vector_store %arg14[%swap3A_469, %swap3A_470], %mul3A_468 {strides = array<i32>} : memref<256x128xf32, #tpu.memory_space<vmem>>, vector<16xf32>,
        %get3A_472 = arith.index_cast %add3A_436 : i32 to index
        %get3A_473 = arith.constant 80 : index
        %get3A_474 = tpu.vector_load %arg14[%get3A_472, %get3A_473] {strides = array<i32>} : memref<256x128xf32, #tpu.memory_space<vmem>>, vector<16xf32>,
        %mul3A_475 = arith.mulf %get3A_474, %gather3A_434 : vector<16xf32>
        %swap3A_476 = arith.index_cast %add3A_436 : i32 to index
        %swap3A_477 = arith.constant 80 : index
        %swap3A_478 = tpu.vector_load %arg14[%swap3A_476, %swap3A_477] {strides = array<i32>} : memref<256x128xf32, #tpu.memory_space<vmem>>, vector<16xf32>,
        tpu.vector_store %arg14[%swap3A_476, %swap3A_477], %mul3A_475 {strides = array<i32>} : memref<256x128xf32, #tpu.memory_space<vmem>>, vector<16xf32>,
        %get3A_479 = arith.index_cast %add3A_436 : i32 to index
        %get3A_480 = arith.constant 96 : index
        %get3A_481 = tpu.vector_load %arg14[%get3A_479, %get3A_480] {strides = array<i32>} : memref<256x128xf32, #tpu.memory_space<vmem>>, vector<16xf32>,
        %mul3A_482 = arith.mulf %get3A_481, %gather3A_434 : vector<16xf32>
        %swap3A_483 = arith.index_cast %add3A_436 : i32 to index
        %swap3A_484 = arith.constant 96 : index
        %swap3A_485 = tpu.vector_load %arg14[%swap3A_483, %swap3A_484] {strides = array<i32>} : memref<256x128xf32, #tpu.memory_space<vmem>>, vector<16xf32>,
        tpu.vector_store %arg14[%swap3A_483, %swap3A_484], %mul3A_482 {strides = array<i32>} : memref<256x128xf32, #tpu.memory_space<vmem>>, vector<16xf32>,
        %get3A_486 = arith.index_cast %add3A_436 : i32 to index
        %get3A_487 = arith.constant 112 : index
        %get3A_488 = tpu.vector_load %arg14[%get3A_486, %get3A_487] {strides = array<i32>} : memref<256x128xf32, #tpu.memory_space<vmem>>, vector<16xf32>,
        %mul3A_489 = arith.mulf %get3A_488, %gather3A_434 : vector<16xf32>
        %swap3A_490 = arith.index_cast %add3A_436 : i32 to index
        %swap3A_491 = arith.constant 112 : index
        %swap3A_492 = tpu.vector_load %arg14[%swap3A_490, %swap3A_491] {strides = array<i32>} : memref<256x128xf32, #tpu.memory_space<vmem>>, vector<16xf32>,
        tpu.vector_store %arg14[%swap3A_490, %swap3A_491], %mul3A_489 {strides = array<i32>} : memref<256x128xf32, #tpu.memory_space<vmem>>, vector<16xf32>,
        %scan3A_493 = arith.constant 0 : i32
        scf.yield %scan3A_493 : i32
      }
      %scan3A_262 = arith.constant 128 : i32
      %run_scoped3A_263 = arith.constant 5 : i32
      "tpu.region"() ({
        %run_scoped3A_367 = tpu.sem_alloc : memref<!tpu.dma_semaphore, #tpu.memory_space<semaphore_mem>>
        %dma_start3A_368 = arith.constant 128 : i32
        %dma_start3A_369 = arith.constant 0 : i32
        %dma_start3A_370 = tpu.memref_slice %arg14[%dma_start3A_368, %dma_start3A_369] : memref<256x128xf32, #tpu.memory_space<vmem>> -> memref<128x128xf32, #tpu.memory_space<vmem>>
        %dma_start3A_371 = arith.constant 0 : i32
        %dma_start3A_372 = tpu.memref_slice %arg13[%run_scoped3A_263, %dma_start3A_371] : memref<10x128xi32, #tpu.memory_space<vmem>> -> memref<1x128xi32, #tpu.memory_space<vmem>>
        %dma_start3A_373 = tpu.memref_squeeze %dma_start3A_372 : memref<1x128xi32, #tpu.memory_space<vmem>> -> memref<128xi32, #tpu.memory_space<vmem>>
        %dma_start3A_374 = arith.constant 0 : i32
        %dma_start3A_375 = arith.constant 0 : i32
        %dma_start3A_376 = tpu.memref_slice %arg15[%dma_start3A_374, %dma_start3A_375] : memref<10112x128xf32, #tpu.memory_space<vmem_shared>> -> memref<10112x128xf32, #tpu.memory_space<vmem_shared>>
        tpu.enqueue_indirect_dma source(%dma_start3A_370 : memref<128x128xf32, #tpu.memory_space<vmem>>) target(%dma_start3A_376 : memref<10112x128xf32, #tpu.memory_space<vmem_shared>>) offsets(%dma_start3A_373 : memref<128xi32, #tpu.memory_space<vmem>>) semaphore(%run_scoped3A_367 : memref<!tpu.dma_semaphore, #tpu.memory_space<semaphore_mem>>) {add = true}
        %dma_wait3A_377 = arith.constant 128 : i32
        %dma_wait3A_378 = arith.constant 0 : i32
        %dma_wait3A_379 = tpu.memref_slice %arg14[%dma_wait3A_377, %dma_wait3A_378] : memref<256x128xf32, #tpu.memory_space<vmem>> -> memref<128x128xf32, #tpu.memory_space<vmem>>
        %dma_wait3A_380 = arith.constant 0 : i32
        %dma_wait3A_381 = tpu.memref_slice %arg13[%run_scoped3A_263, %dma_wait3A_380] : memref<10x128xi32, #tpu.memory_space<vmem>> -> memref<1x128xi32, #tpu.memory_space<vmem>>
        %dma_wait3A_382 = tpu.memref_squeeze %dma_wait3A_381 : memref<1x128xi32, #tpu.memory_space<vmem>> -> memref<128xi32, #tpu.memory_space<vmem>>
        %dma_wait3A_383 = arith.constant 0 : i32
        %dma_wait3A_384 = arith.constant 0 : i32
        %dma_wait3A_385 = tpu.memref_slice %arg15[%dma_wait3A_383, %dma_wait3A_384] : memref<10112x128xf32, #tpu.memory_space<vmem_shared>> -> memref<10112x128xf32, #tpu.memory_space<vmem_shared>>
        tpu.wait_indirect_dma semaphore(%run_scoped3A_367 : memref<!tpu.dma_semaphore, #tpu.memory_space<semaphore_mem>>) src(%dma_wait3A_379 : memref<128x128xf32, #tpu.memory_space<vmem>>) dst(%dma_wait3A_385 : memref<10112x128xf32, #tpu.memory_space<vmem_shared>>)
        tpu.yield
      }) : () -> ()
      %dma_wait3A_264 = arith.constant 6 : i32
      %dma_wait3A_265 = arith.constant 0 : i32
      %dma_wait3A_266 = arith.constant 0 : i32
      %dma_wait3A_267 = tpu.memref_slice %arg14[%dma_wait3A_265, %dma_wait3A_266] : memref<256x128xf32, #tpu.memory_space<vmem>> -> memref<128x128xf32, #tpu.memory_space<vmem>>
      %dma_wait3A_268 = arith.constant 0 : i32
      %dma_wait3A_269 = tpu.memref_slice %arg12[%dma_wait3A_264, %dma_wait3A_268] : memref<10x128xi32, #tpu.memory_space<vmem>> -> memref<1x128xi32, #tpu.memory_space<vmem>>
      %dma_wait3A_270 = tpu.memref_squeeze %dma_wait3A_269 : memref<1x128xi32, #tpu.memory_space<vmem>> -> memref<128xi32, #tpu.memory_space<vmem>>
      %dma_wait3A_271 = arith.constant 0 : i32
      %dma_wait3A_272 = arith.constant 0 : i32
      %dma_wait3A_273 = tpu.memref_slice %arg2[%dma_wait3A_271, %dma_wait3A_272] : memref<160000x128xf32, #tpu.memory_space<hbm>> -> memref<160000x128xf32, #tpu.memory_space<hbm>>
      tpu.wait_indirect_dma semaphore(%arg17 : memref<!tpu.dma_semaphore, #tpu.memory_space<semaphore_mem>>) src(%dma_wait3A_273 : memref<160000x128xf32, #tpu.memory_space<hbm>>) dst(%dma_wait3A_267 : memref<128x128xf32, #tpu.memory_space<vmem>>)
      %dma_start3A_274 = arith.constant 7 : i32
      %dma_start3A_275 = arith.constant 128 : i32
      %dma_start3A_276 = arith.constant 0 : i32
      %dma_start3A_277 = tpu.memref_slice %arg14[%dma_start3A_275, %dma_start3A_276] : memref<256x128xf32, #tpu.memory_space<vmem>> -> memref<128x128xf32, #tpu.memory_space<vmem>>
      %dma_start3A_278 = arith.constant 0 : i32
      %dma_start3A_279 = tpu.memref_slice %arg12[%dma_start3A_274, %dma_start3A_278] : memref<10x128xi32, #tpu.memory_space<vmem>> -> memref<1x128xi32, #tpu.memory_space<vmem>>
      %dma_start3A_280 = tpu.memref_squeeze %dma_start3A_279 : memref<1x128xi32, #tpu.memory_space<vmem>> -> memref<128xi32, #tpu.memory_space<vmem>>
      %dma_start3A_281 = arith.constant 0 : i32
      %dma_start3A_282 = arith.constant 0 : i32
      %dma_start3A_283 = tpu.memref_slice %arg2[%dma_start3A_281, %dma_start3A_282] : memref<160000x128xf32, #tpu.memory_space<hbm>> -> memref<160000x128xf32, #tpu.memory_space<hbm>>
      tpu.enqueue_indirect_dma source(%dma_start3A_283 : memref<160000x128xf32, #tpu.memory_space<hbm>>) target(%dma_start3A_277 : memref<128x128xf32, #tpu.memory_space<vmem>>) offsets(%dma_start3A_280 : memref<128xi32, #tpu.memory_space<vmem>>) semaphore(%arg18 : memref<!tpu.dma_semaphore, #tpu.memory_space<semaphore_mem>>)
      %scan3A_284 = arith.constant 0 : i32
      %scan3A_285 = arith.constant 0 : i32
      %scan3A_286 = arith.constant 128 : i32
      %scan3A_287 = arith.addi %scan3A_285, %scan3A_286 : i32
      %scan3A_288 = arith.constant 2 : i32
      %scan3A_289 = scf.for %scan3A_367 = %scan3A_285 to %scan3A_287 step %scan3A_288 iter_args(%scan3A_368 = %scan3A_284) -> (i32)  : i32 {
        %add3A_369 = arith.constant 768 : i32
        %add3A_370 = arith.addi %add3A_369, %scan3A_367 : i32
        %broadcast_in_dim3A_371 = vector.broadcast %add3A_370 : i32 to vector<16xi32>
        %gather3A = tpu.vector_load_idx %arg11[%broadcast_in_dim3A_371] : memref<1280xf32, #tpu.memory_space<vmem>>[vector<16xi32>], vector<16xf32>,
        %add3A_372 = arith.constant 0 : i32
        %add3A_373 = arith.addi %add3A_372, %scan3A_367 : i32
        %get3A = arith.index_cast %add3A_373 : i32 to index
        %get3A_374 = arith.constant 0 : index
        %get3A_375 = tpu.vector_load %arg14[%get3A, %get3A_374] {strides = array<i32>} : memref<256x128xf32, #tpu.memory_space<vmem>>, vector<16xf32>,
        %mul3A_376 = arith.mulf %get3A_375, %gather3A : vector<16xf32>
        %swap3A = arith.index_cast %add3A_373 : i32 to index
        %swap3A_377 = arith.constant 0 : index
        %swap3A_378 = tpu.vector_load %arg14[%swap3A, %swap3A_377] {strides = array<i32>} : memref<256x128xf32, #tpu.memory_space<vmem>>, vector<16xf32>,
        tpu.vector_store %arg14[%swap3A, %swap3A_377], %mul3A_376 {strides = array<i32>} : memref<256x128xf32, #tpu.memory_space<vmem>>, vector<16xf32>,
        %get3A_379 = arith.index_cast %add3A_373 : i32 to index
        %get3A_380 = arith.constant 16 : index
        %get3A_381 = tpu.vector_load %arg14[%get3A_379, %get3A_380] {strides = array<i32>} : memref<256x128xf32, #tpu.memory_space<vmem>>, vector<16xf32>,
        %mul3A_382 = arith.mulf %get3A_381, %gather3A : vector<16xf32>
        %swap3A_383 = arith.index_cast %add3A_373 : i32 to index
        %swap3A_384 = arith.constant 16 : index
        %swap3A_385 = tpu.vector_load %arg14[%swap3A_383, %swap3A_384] {strides = array<i32>} : memref<256x128xf32, #tpu.memory_space<vmem>>, vector<16xf32>,
        tpu.vector_store %arg14[%swap3A_383, %swap3A_384], %mul3A_382 {strides = array<i32>} : memref<256x128xf32, #tpu.memory_space<vmem>>, vector<16xf32>,
        %get3A_386 = arith.index_cast %add3A_373 : i32 to index
        %get3A_387 = arith.constant 32 : index
        %get3A_388 = tpu.vector_load %arg14[%get3A_386, %get3A_387] {strides = array<i32>} : memref<256x128xf32, #tpu.memory_space<vmem>>, vector<16xf32>,
        %mul3A_389 = arith.mulf %get3A_388, %gather3A : vector<16xf32>
        %swap3A_390 = arith.index_cast %add3A_373 : i32 to index
        %swap3A_391 = arith.constant 32 : index
        %swap3A_392 = tpu.vector_load %arg14[%swap3A_390, %swap3A_391] {strides = array<i32>} : memref<256x128xf32, #tpu.memory_space<vmem>>, vector<16xf32>,
        tpu.vector_store %arg14[%swap3A_390, %swap3A_391], %mul3A_389 {strides = array<i32>} : memref<256x128xf32, #tpu.memory_space<vmem>>, vector<16xf32>,
        %get3A_393 = arith.index_cast %add3A_373 : i32 to index
        %get3A_394 = arith.constant 48 : index
        %get3A_395 = tpu.vector_load %arg14[%get3A_393, %get3A_394] {strides = array<i32>} : memref<256x128xf32, #tpu.memory_space<vmem>>, vector<16xf32>,
        %mul3A_396 = arith.mulf %get3A_395, %gather3A : vector<16xf32>
        %swap3A_397 = arith.index_cast %add3A_373 : i32 to index
        %swap3A_398 = arith.constant 48 : index
        %swap3A_399 = tpu.vector_load %arg14[%swap3A_397, %swap3A_398] {strides = array<i32>} : memref<256x128xf32, #tpu.memory_space<vmem>>, vector<16xf32>,
        tpu.vector_store %arg14[%swap3A_397, %swap3A_398], %mul3A_396 {strides = array<i32>} : memref<256x128xf32, #tpu.memory_space<vmem>>, vector<16xf32>,
        %get3A_400 = arith.index_cast %add3A_373 : i32 to index
        %get3A_401 = arith.constant 64 : index
        %get3A_402 = tpu.vector_load %arg14[%get3A_400, %get3A_401] {strides = array<i32>} : memref<256x128xf32, #tpu.memory_space<vmem>>, vector<16xf32>,
        %mul3A_403 = arith.mulf %get3A_402, %gather3A : vector<16xf32>
        %swap3A_404 = arith.index_cast %add3A_373 : i32 to index
        %swap3A_405 = arith.constant 64 : index
        %swap3A_406 = tpu.vector_load %arg14[%swap3A_404, %swap3A_405] {strides = array<i32>} : memref<256x128xf32, #tpu.memory_space<vmem>>, vector<16xf32>,
        tpu.vector_store %arg14[%swap3A_404, %swap3A_405], %mul3A_403 {strides = array<i32>} : memref<256x128xf32, #tpu.memory_space<vmem>>, vector<16xf32>,
        %get3A_407 = arith.index_cast %add3A_373 : i32 to index
        %get3A_408 = arith.constant 80 : index
        %get3A_409 = tpu.vector_load %arg14[%get3A_407, %get3A_408] {strides = array<i32>} : memref<256x128xf32, #tpu.memory_space<vmem>>, vector<16xf32>,
        %mul3A_410 = arith.mulf %get3A_409, %gather3A : vector<16xf32>
        %swap3A_411 = arith.index_cast %add3A_373 : i32 to index
        %swap3A_412 = arith.constant 80 : index
        %swap3A_413 = tpu.vector_load %arg14[%swap3A_411, %swap3A_412] {strides = array<i32>} : memref<256x128xf32, #tpu.memory_space<vmem>>, vector<16xf32>,
        tpu.vector_store %arg14[%swap3A_411, %swap3A_412], %mul3A_410 {strides = array<i32>} : memref<256x128xf32, #tpu.memory_space<vmem>>, vector<16xf32>,
        %get3A_414 = arith.index_cast %add3A_373 : i32 to index
        %get3A_415 = arith.constant 96 : index
        %get3A_416 = tpu.vector_load %arg14[%get3A_414, %get3A_415] {strides = array<i32>} : memref<256x128xf32, #tpu.memory_space<vmem>>, vector<16xf32>,
        %mul3A_417 = arith.mulf %get3A_416, %gather3A : vector<16xf32>
        %swap3A_418 = arith.index_cast %add3A_373 : i32 to index
        %swap3A_419 = arith.constant 96 : index
        %swap3A_420 = tpu.vector_load %arg14[%swap3A_418, %swap3A_419] {strides = array<i32>} : memref<256x128xf32, #tpu.memory_space<vmem>>, vector<16xf32>,
        tpu.vector_store %arg14[%swap3A_418, %swap3A_419], %mul3A_417 {strides = array<i32>} : memref<256x128xf32, #tpu.memory_space<vmem>>, vector<16xf32>,
        %get3A_421 = arith.index_cast %add3A_373 : i32 to index
        %get3A_422 = arith.constant 112 : index
        %get3A_423 = tpu.vector_load %arg14[%get3A_421, %get3A_422] {strides = array<i32>} : memref<256x128xf32, #tpu.memory_space<vmem>>, vector<16xf32>,
        %mul3A_424 = arith.mulf %get3A_423, %gather3A : vector<16xf32>
        %swap3A_425 = arith.index_cast %add3A_373 : i32 to index
        %swap3A_426 = arith.constant 112 : index
        %swap3A_427 = tpu.vector_load %arg14[%swap3A_425, %swap3A_426] {strides = array<i32>} : memref<256x128xf32, #tpu.memory_space<vmem>>, vector<16xf32>,
        tpu.vector_store %arg14[%swap3A_425, %swap3A_426], %mul3A_424 {strides = array<i32>} : memref<256x128xf32, #tpu.memory_space<vmem>>, vector<16xf32>,
        %scan3A_428 = arith.constant 0 : i32
        %scan3A_429 = arith.constant 1 : i32
        %scan3A_430 = arith.addi %scan3A_367, %scan3A_429 : i32
        %add3A_431 = arith.constant 768 : i32
        %add3A_432 = arith.addi %add3A_431, %scan3A_430 : i32
        %broadcast_in_dim3A_433 = vector.broadcast %add3A_432 : i32 to vector<16xi32>
        %gather3A_434 = tpu.vector_load_idx %arg11[%broadcast_in_dim3A_433] : memref<1280xf32, #tpu.memory_space<vmem>>[vector<16xi32>], vector<16xf32>,
        %add3A_435 = arith.constant 0 : i32
        %add3A_436 = arith.addi %add3A_435, %scan3A_430 : i32
        %get3A_437 = arith.index_cast %add3A_436 : i32 to index
        %get3A_438 = arith.constant 0 : index
        %get3A_439 = tpu.vector_load %arg14[%get3A_437, %get3A_438] {strides = array<i32>} : memref<256x128xf32, #tpu.memory_space<vmem>>, vector<16xf32>,
        %mul3A_440 = arith.mulf %get3A_439, %gather3A_434 : vector<16xf32>
        %swap3A_441 = arith.index_cast %add3A_436 : i32 to index
        %swap3A_442 = arith.constant 0 : index
        %swap3A_443 = tpu.vector_load %arg14[%swap3A_441, %swap3A_442] {strides = array<i32>} : memref<256x128xf32, #tpu.memory_space<vmem>>, vector<16xf32>,
        tpu.vector_store %arg14[%swap3A_441, %swap3A_442], %mul3A_440 {strides = array<i32>} : memref<256x128xf32, #tpu.memory_space<vmem>>, vector<16xf32>,
        %get3A_444 = arith.index_cast %add3A_436 : i32 to index
        %get3A_445 = arith.constant 16 : index
        %get3A_446 = tpu.vector_load %arg14[%get3A_444, %get3A_445] {strides = array<i32>} : memref<256x128xf32, #tpu.memory_space<vmem>>, vector<16xf32>,
        %mul3A_447 = arith.mulf %get3A_446, %gather3A_434 : vector<16xf32>
        %swap3A_448 = arith.index_cast %add3A_436 : i32 to index
        %swap3A_449 = arith.constant 16 : index
        %swap3A_450 = tpu.vector_load %arg14[%swap3A_448, %swap3A_449] {strides = array<i32>} : memref<256x128xf32, #tpu.memory_space<vmem>>, vector<16xf32>,
        tpu.vector_store %arg14[%swap3A_448, %swap3A_449], %mul3A_447 {strides = array<i32>} : memref<256x128xf32, #tpu.memory_space<vmem>>, vector<16xf32>,
        %get3A_451 = arith.index_cast %add3A_436 : i32 to index
        %get3A_452 = arith.constant 32 : index
        %get3A_453 = tpu.vector_load %arg14[%get3A_451, %get3A_452] {strides = array<i32>} : memref<256x128xf32, #tpu.memory_space<vmem>>, vector<16xf32>,
        %mul3A_454 = arith.mulf %get3A_453, %gather3A_434 : vector<16xf32>
        %swap3A_455 = arith.index_cast %add3A_436 : i32 to index
        %swap3A_456 = arith.constant 32 : index
        %swap3A_457 = tpu.vector_load %arg14[%swap3A_455, %swap3A_456] {strides = array<i32>} : memref<256x128xf32, #tpu.memory_space<vmem>>, vector<16xf32>,
        tpu.vector_store %arg14[%swap3A_455, %swap3A_456], %mul3A_454 {strides = array<i32>} : memref<256x128xf32, #tpu.memory_space<vmem>>, vector<16xf32>,
        %get3A_458 = arith.index_cast %add3A_436 : i32 to index
        %get3A_459 = arith.constant 48 : index
        %get3A_460 = tpu.vector_load %arg14[%get3A_458, %get3A_459] {strides = array<i32>} : memref<256x128xf32, #tpu.memory_space<vmem>>, vector<16xf32>,
        %mul3A_461 = arith.mulf %get3A_460, %gather3A_434 : vector<16xf32>
        %swap3A_462 = arith.index_cast %add3A_436 : i32 to index
        %swap3A_463 = arith.constant 48 : index
        %swap3A_464 = tpu.vector_load %arg14[%swap3A_462, %swap3A_463] {strides = array<i32>} : memref<256x128xf32, #tpu.memory_space<vmem>>, vector<16xf32>,
        tpu.vector_store %arg14[%swap3A_462, %swap3A_463], %mul3A_461 {strides = array<i32>} : memref<256x128xf32, #tpu.memory_space<vmem>>, vector<16xf32>,
        %get3A_465 = arith.index_cast %add3A_436 : i32 to index
        %get3A_466 = arith.constant 64 : index
        %get3A_467 = tpu.vector_load %arg14[%get3A_465, %get3A_466] {strides = array<i32>} : memref<256x128xf32, #tpu.memory_space<vmem>>, vector<16xf32>,
        %mul3A_468 = arith.mulf %get3A_467, %gather3A_434 : vector<16xf32>
        %swap3A_469 = arith.index_cast %add3A_436 : i32 to index
        %swap3A_470 = arith.constant 64 : index
        %swap3A_471 = tpu.vector_load %arg14[%swap3A_469, %swap3A_470] {strides = array<i32>} : memref<256x128xf32, #tpu.memory_space<vmem>>, vector<16xf32>,
        tpu.vector_store %arg14[%swap3A_469, %swap3A_470], %mul3A_468 {strides = array<i32>} : memref<256x128xf32, #tpu.memory_space<vmem>>, vector<16xf32>,
        %get3A_472 = arith.index_cast %add3A_436 : i32 to index
        %get3A_473 = arith.constant 80 : index
        %get3A_474 = tpu.vector_load %arg14[%get3A_472, %get3A_473] {strides = array<i32>} : memref<256x128xf32, #tpu.memory_space<vmem>>, vector<16xf32>,
        %mul3A_475 = arith.mulf %get3A_474, %gather3A_434 : vector<16xf32>
        %swap3A_476 = arith.index_cast %add3A_436 : i32 to index
        %swap3A_477 = arith.constant 80 : index
        %swap3A_478 = tpu.vector_load %arg14[%swap3A_476, %swap3A_477] {strides = array<i32>} : memref<256x128xf32, #tpu.memory_space<vmem>>, vector<16xf32>,
        tpu.vector_store %arg14[%swap3A_476, %swap3A_477], %mul3A_475 {strides = array<i32>} : memref<256x128xf32, #tpu.memory_space<vmem>>, vector<16xf32>,
        %get3A_479 = arith.index_cast %add3A_436 : i32 to index
        %get3A_480 = arith.constant 96 : index
        %get3A_481 = tpu.vector_load %arg14[%get3A_479, %get3A_480] {strides = array<i32>} : memref<256x128xf32, #tpu.memory_space<vmem>>, vector<16xf32>,
        %mul3A_482 = arith.mulf %get3A_481, %gather3A_434 : vector<16xf32>
        %swap3A_483 = arith.index_cast %add3A_436 : i32 to index
        %swap3A_484 = arith.constant 96 : index
        %swap3A_485 = tpu.vector_load %arg14[%swap3A_483, %swap3A_484] {strides = array<i32>} : memref<256x128xf32, #tpu.memory_space<vmem>>, vector<16xf32>,
        tpu.vector_store %arg14[%swap3A_483, %swap3A_484], %mul3A_482 {strides = array<i32>} : memref<256x128xf32, #tpu.memory_space<vmem>>, vector<16xf32>,
        %get3A_486 = arith.index_cast %add3A_436 : i32 to index
        %get3A_487 = arith.constant 112 : index
        %get3A_488 = tpu.vector_load %arg14[%get3A_486, %get3A_487] {strides = array<i32>} : memref<256x128xf32, #tpu.memory_space<vmem>>, vector<16xf32>,
        %mul3A_489 = arith.mulf %get3A_488, %gather3A_434 : vector<16xf32>
        %swap3A_490 = arith.index_cast %add3A_436 : i32 to index
        %swap3A_491 = arith.constant 112 : index
        %swap3A_492 = tpu.vector_load %arg14[%swap3A_490, %swap3A_491] {strides = array<i32>} : memref<256x128xf32, #tpu.memory_space<vmem>>, vector<16xf32>,
        tpu.vector_store %arg14[%swap3A_490, %swap3A_491], %mul3A_489 {strides = array<i32>} : memref<256x128xf32, #tpu.memory_space<vmem>>, vector<16xf32>,
        %scan3A_493 = arith.constant 0 : i32
        scf.yield %scan3A_493 : i32
      }
      %scan3A_290 = arith.constant 128 : i32
      %run_scoped3A_291 = arith.constant 6 : i32
      "tpu.region"() ({
        %run_scoped3A_367 = tpu.sem_alloc : memref<!tpu.dma_semaphore, #tpu.memory_space<semaphore_mem>>
        %dma_start3A_368 = arith.constant 0 : i32
        %dma_start3A_369 = arith.constant 0 : i32
        %dma_start3A_370 = tpu.memref_slice %arg14[%dma_start3A_368, %dma_start3A_369] : memref<256x128xf32, #tpu.memory_space<vmem>> -> memref<128x128xf32, #tpu.memory_space<vmem>>
        %dma_start3A_371 = arith.constant 0 : i32
        %dma_start3A_372 = tpu.memref_slice %arg13[%run_scoped3A_291, %dma_start3A_371] : memref<10x128xi32, #tpu.memory_space<vmem>> -> memref<1x128xi32, #tpu.memory_space<vmem>>
        %dma_start3A_373 = tpu.memref_squeeze %dma_start3A_372 : memref<1x128xi32, #tpu.memory_space<vmem>> -> memref<128xi32, #tpu.memory_space<vmem>>
        %dma_start3A_374 = arith.constant 0 : i32
        %dma_start3A_375 = arith.constant 0 : i32
        %dma_start3A_376 = tpu.memref_slice %arg15[%dma_start3A_374, %dma_start3A_375] : memref<10112x128xf32, #tpu.memory_space<vmem_shared>> -> memref<10112x128xf32, #tpu.memory_space<vmem_shared>>
        tpu.enqueue_indirect_dma source(%dma_start3A_370 : memref<128x128xf32, #tpu.memory_space<vmem>>) target(%dma_start3A_376 : memref<10112x128xf32, #tpu.memory_space<vmem_shared>>) offsets(%dma_start3A_373 : memref<128xi32, #tpu.memory_space<vmem>>) semaphore(%run_scoped3A_367 : memref<!tpu.dma_semaphore, #tpu.memory_space<semaphore_mem>>) {add = true}
        %dma_wait3A_377 = arith.constant 0 : i32
        %dma_wait3A_378 = arith.constant 0 : i32
        %dma_wait3A_379 = tpu.memref_slice %arg14[%dma_wait3A_377, %dma_wait3A_378] : memref<256x128xf32, #tpu.memory_space<vmem>> -> memref<128x128xf32, #tpu.memory_space<vmem>>
        %dma_wait3A_380 = arith.constant 0 : i32
        %dma_wait3A_381 = tpu.memref_slice %arg13[%run_scoped3A_291, %dma_wait3A_380] : memref<10x128xi32, #tpu.memory_space<vmem>> -> memref<1x128xi32, #tpu.memory_space<vmem>>
        %dma_wait3A_382 = tpu.memref_squeeze %dma_wait3A_381 : memref<1x128xi32, #tpu.memory_space<vmem>> -> memref<128xi32, #tpu.memory_space<vmem>>
        %dma_wait3A_383 = arith.constant 0 : i32
        %dma_wait3A_384 = arith.constant 0 : i32
        %dma_wait3A_385 = tpu.memref_slice %arg15[%dma_wait3A_383, %dma_wait3A_384] : memref<10112x128xf32, #tpu.memory_space<vmem_shared>> -> memref<10112x128xf32, #tpu.memory_space<vmem_shared>>
        tpu.wait_indirect_dma semaphore(%run_scoped3A_367 : memref<!tpu.dma_semaphore, #tpu.memory_space<semaphore_mem>>) src(%dma_wait3A_379 : memref<128x128xf32, #tpu.memory_space<vmem>>) dst(%dma_wait3A_385 : memref<10112x128xf32, #tpu.memory_space<vmem_shared>>)
        tpu.yield
      }) : () -> ()
      %dma_wait3A_292 = arith.constant 7 : i32
      %dma_wait3A_293 = arith.constant 128 : i32
      %dma_wait3A_294 = arith.constant 0 : i32
      %dma_wait3A_295 = tpu.memref_slice %arg14[%dma_wait3A_293, %dma_wait3A_294] : memref<256x128xf32, #tpu.memory_space<vmem>> -> memref<128x128xf32, #tpu.memory_space<vmem>>
      %dma_wait3A_296 = arith.constant 0 : i32
      %dma_wait3A_297 = tpu.memref_slice %arg12[%dma_wait3A_292, %dma_wait3A_296] : memref<10x128xi32, #tpu.memory_space<vmem>> -> memref<1x128xi32, #tpu.memory_space<vmem>>
      %dma_wait3A_298 = tpu.memref_squeeze %dma_wait3A_297 : memref<1x128xi32, #tpu.memory_space<vmem>> -> memref<128xi32, #tpu.memory_space<vmem>>
      %dma_wait3A_299 = arith.constant 0 : i32
      %dma_wait3A_300 = arith.constant 0 : i32
      %dma_wait3A_301 = tpu.memref_slice %arg2[%dma_wait3A_299, %dma_wait3A_300] : memref<160000x128xf32, #tpu.memory_space<hbm>> -> memref<160000x128xf32, #tpu.memory_space<hbm>>
      tpu.wait_indirect_dma semaphore(%arg18 : memref<!tpu.dma_semaphore, #tpu.memory_space<semaphore_mem>>) src(%dma_wait3A_301 : memref<160000x128xf32, #tpu.memory_space<hbm>>) dst(%dma_wait3A_295 : memref<128x128xf32, #tpu.memory_space<vmem>>)
      %dma_start3A_302 = arith.constant 8 : i32
      %dma_start3A_303 = arith.constant 0 : i32
      %dma_start3A_304 = arith.constant 0 : i32
      %dma_start3A_305 = tpu.memref_slice %arg14[%dma_start3A_303, %dma_start3A_304] : memref<256x128xf32, #tpu.memory_space<vmem>> -> memref<128x128xf32, #tpu.memory_space<vmem>>
      %dma_start3A_306 = arith.constant 0 : i32
      %dma_start3A_307 = tpu.memref_slice %arg12[%dma_start3A_302, %dma_start3A_306] : memref<10x128xi32, #tpu.memory_space<vmem>> -> memref<1x128xi32, #tpu.memory_space<vmem>>
      %dma_start3A_308 = tpu.memref_squeeze %dma_start3A_307 : memref<1x128xi32, #tpu.memory_space<vmem>> -> memref<128xi32, #tpu.memory_space<vmem>>
      %dma_start3A_309 = arith.constant 0 : i32
      %dma_start3A_310 = arith.constant 0 : i32
      %dma_start3A_311 = tpu.memref_slice %arg2[%dma_start3A_309, %dma_start3A_310] : memref<160000x128xf32, #tpu.memory_space<hbm>> -> memref<160000x128xf32, #tpu.memory_space<hbm>>
      tpu.enqueue_indirect_dma source(%dma_start3A_311 : memref<160000x128xf32, #tpu.memory_space<hbm>>) target(%dma_start3A_305 : memref<128x128xf32, #tpu.memory_space<vmem>>) offsets(%dma_start3A_308 : memref<128xi32, #tpu.memory_space<vmem>>) semaphore(%arg17 : memref<!tpu.dma_semaphore, #tpu.memory_space<semaphore_mem>>)
      %scan3A_312 = arith.constant 0 : i32
      %scan3A_313 = arith.constant 0 : i32
      %scan3A_314 = arith.constant 128 : i32
      %scan3A_315 = arith.addi %scan3A_313, %scan3A_314 : i32
      %scan3A_316 = arith.constant 2 : i32
      %scan3A_317 = scf.for %scan3A_367 = %scan3A_313 to %scan3A_315 step %scan3A_316 iter_args(%scan3A_368 = %scan3A_312) -> (i32)  : i32 {
        %add3A_369 = arith.constant 896 : i32
        %add3A_370 = arith.addi %add3A_369, %scan3A_367 : i32
        %broadcast_in_dim3A_371 = vector.broadcast %add3A_370 : i32 to vector<16xi32>
        %gather3A = tpu.vector_load_idx %arg11[%broadcast_in_dim3A_371] : memref<1280xf32, #tpu.memory_space<vmem>>[vector<16xi32>], vector<16xf32>,
        %add3A_372 = arith.constant 128 : i32
        %add3A_373 = arith.addi %add3A_372, %scan3A_367 : i32
        %get3A = arith.index_cast %add3A_373 : i32 to index
        %get3A_374 = arith.constant 0 : index
        %get3A_375 = tpu.vector_load %arg14[%get3A, %get3A_374] {strides = array<i32>} : memref<256x128xf32, #tpu.memory_space<vmem>>, vector<16xf32>,
        %mul3A_376 = arith.mulf %get3A_375, %gather3A : vector<16xf32>
        %swap3A = arith.index_cast %add3A_373 : i32 to index
        %swap3A_377 = arith.constant 0 : index
        %swap3A_378 = tpu.vector_load %arg14[%swap3A, %swap3A_377] {strides = array<i32>} : memref<256x128xf32, #tpu.memory_space<vmem>>, vector<16xf32>,
        tpu.vector_store %arg14[%swap3A, %swap3A_377], %mul3A_376 {strides = array<i32>} : memref<256x128xf32, #tpu.memory_space<vmem>>, vector<16xf32>,
        %get3A_379 = arith.index_cast %add3A_373 : i32 to index
        %get3A_380 = arith.constant 16 : index
        %get3A_381 = tpu.vector_load %arg14[%get3A_379, %get3A_380] {strides = array<i32>} : memref<256x128xf32, #tpu.memory_space<vmem>>, vector<16xf32>,
        %mul3A_382 = arith.mulf %get3A_381, %gather3A : vector<16xf32>
        %swap3A_383 = arith.index_cast %add3A_373 : i32 to index
        %swap3A_384 = arith.constant 16 : index
        %swap3A_385 = tpu.vector_load %arg14[%swap3A_383, %swap3A_384] {strides = array<i32>} : memref<256x128xf32, #tpu.memory_space<vmem>>, vector<16xf32>,
        tpu.vector_store %arg14[%swap3A_383, %swap3A_384], %mul3A_382 {strides = array<i32>} : memref<256x128xf32, #tpu.memory_space<vmem>>, vector<16xf32>,
        %get3A_386 = arith.index_cast %add3A_373 : i32 to index
        %get3A_387 = arith.constant 32 : index
        %get3A_388 = tpu.vector_load %arg14[%get3A_386, %get3A_387] {strides = array<i32>} : memref<256x128xf32, #tpu.memory_space<vmem>>, vector<16xf32>,
        %mul3A_389 = arith.mulf %get3A_388, %gather3A : vector<16xf32>
        %swap3A_390 = arith.index_cast %add3A_373 : i32 to index
        %swap3A_391 = arith.constant 32 : index
        %swap3A_392 = tpu.vector_load %arg14[%swap3A_390, %swap3A_391] {strides = array<i32>} : memref<256x128xf32, #tpu.memory_space<vmem>>, vector<16xf32>,
        tpu.vector_store %arg14[%swap3A_390, %swap3A_391], %mul3A_389 {strides = array<i32>} : memref<256x128xf32, #tpu.memory_space<vmem>>, vector<16xf32>,
        %get3A_393 = arith.index_cast %add3A_373 : i32 to index
        %get3A_394 = arith.constant 48 : index
        %get3A_395 = tpu.vector_load %arg14[%get3A_393, %get3A_394] {strides = array<i32>} : memref<256x128xf32, #tpu.memory_space<vmem>>, vector<16xf32>,
        %mul3A_396 = arith.mulf %get3A_395, %gather3A : vector<16xf32>
        %swap3A_397 = arith.index_cast %add3A_373 : i32 to index
        %swap3A_398 = arith.constant 48 : index
        %swap3A_399 = tpu.vector_load %arg14[%swap3A_397, %swap3A_398] {strides = array<i32>} : memref<256x128xf32, #tpu.memory_space<vmem>>, vector<16xf32>,
        tpu.vector_store %arg14[%swap3A_397, %swap3A_398], %mul3A_396 {strides = array<i32>} : memref<256x128xf32, #tpu.memory_space<vmem>>, vector<16xf32>,
        %get3A_400 = arith.index_cast %add3A_373 : i32 to index
        %get3A_401 = arith.constant 64 : index
        %get3A_402 = tpu.vector_load %arg14[%get3A_400, %get3A_401] {strides = array<i32>} : memref<256x128xf32, #tpu.memory_space<vmem>>, vector<16xf32>,
        %mul3A_403 = arith.mulf %get3A_402, %gather3A : vector<16xf32>
        %swap3A_404 = arith.index_cast %add3A_373 : i32 to index
        %swap3A_405 = arith.constant 64 : index
        %swap3A_406 = tpu.vector_load %arg14[%swap3A_404, %swap3A_405] {strides = array<i32>} : memref<256x128xf32, #tpu.memory_space<vmem>>, vector<16xf32>,
        tpu.vector_store %arg14[%swap3A_404, %swap3A_405], %mul3A_403 {strides = array<i32>} : memref<256x128xf32, #tpu.memory_space<vmem>>, vector<16xf32>,
        %get3A_407 = arith.index_cast %add3A_373 : i32 to index
        %get3A_408 = arith.constant 80 : index
        %get3A_409 = tpu.vector_load %arg14[%get3A_407, %get3A_408] {strides = array<i32>} : memref<256x128xf32, #tpu.memory_space<vmem>>, vector<16xf32>,
        %mul3A_410 = arith.mulf %get3A_409, %gather3A : vector<16xf32>
        %swap3A_411 = arith.index_cast %add3A_373 : i32 to index
        %swap3A_412 = arith.constant 80 : index
        %swap3A_413 = tpu.vector_load %arg14[%swap3A_411, %swap3A_412] {strides = array<i32>} : memref<256x128xf32, #tpu.memory_space<vmem>>, vector<16xf32>,
        tpu.vector_store %arg14[%swap3A_411, %swap3A_412], %mul3A_410 {strides = array<i32>} : memref<256x128xf32, #tpu.memory_space<vmem>>, vector<16xf32>,
        %get3A_414 = arith.index_cast %add3A_373 : i32 to index
        %get3A_415 = arith.constant 96 : index
        %get3A_416 = tpu.vector_load %arg14[%get3A_414, %get3A_415] {strides = array<i32>} : memref<256x128xf32, #tpu.memory_space<vmem>>, vector<16xf32>,
        %mul3A_417 = arith.mulf %get3A_416, %gather3A : vector<16xf32>
        %swap3A_418 = arith.index_cast %add3A_373 : i32 to index
        %swap3A_419 = arith.constant 96 : index
        %swap3A_420 = tpu.vector_load %arg14[%swap3A_418, %swap3A_419] {strides = array<i32>} : memref<256x128xf32, #tpu.memory_space<vmem>>, vector<16xf32>,
        tpu.vector_store %arg14[%swap3A_418, %swap3A_419], %mul3A_417 {strides = array<i32>} : memref<256x128xf32, #tpu.memory_space<vmem>>, vector<16xf32>,
        %get3A_421 = arith.index_cast %add3A_373 : i32 to index
        %get3A_422 = arith.constant 112 : index
        %get3A_423 = tpu.vector_load %arg14[%get3A_421, %get3A_422] {strides = array<i32>} : memref<256x128xf32, #tpu.memory_space<vmem>>, vector<16xf32>,
        %mul3A_424 = arith.mulf %get3A_423, %gather3A : vector<16xf32>
        %swap3A_425 = arith.index_cast %add3A_373 : i32 to index
        %swap3A_426 = arith.constant 112 : index
        %swap3A_427 = tpu.vector_load %arg14[%swap3A_425, %swap3A_426] {strides = array<i32>} : memref<256x128xf32, #tpu.memory_space<vmem>>, vector<16xf32>,
        tpu.vector_store %arg14[%swap3A_425, %swap3A_426], %mul3A_424 {strides = array<i32>} : memref<256x128xf32, #tpu.memory_space<vmem>>, vector<16xf32>,
        %scan3A_428 = arith.constant 0 : i32
        %scan3A_429 = arith.constant 1 : i32
        %scan3A_430 = arith.addi %scan3A_367, %scan3A_429 : i32
        %add3A_431 = arith.constant 896 : i32
        %add3A_432 = arith.addi %add3A_431, %scan3A_430 : i32
        %broadcast_in_dim3A_433 = vector.broadcast %add3A_432 : i32 to vector<16xi32>
        %gather3A_434 = tpu.vector_load_idx %arg11[%broadcast_in_dim3A_433] : memref<1280xf32, #tpu.memory_space<vmem>>[vector<16xi32>], vector<16xf32>,
        %add3A_435 = arith.constant 128 : i32
        %add3A_436 = arith.addi %add3A_435, %scan3A_430 : i32
        %get3A_437 = arith.index_cast %add3A_436 : i32 to index
        %get3A_438 = arith.constant 0 : index
        %get3A_439 = tpu.vector_load %arg14[%get3A_437, %get3A_438] {strides = array<i32>} : memref<256x128xf32, #tpu.memory_space<vmem>>, vector<16xf32>,
        %mul3A_440 = arith.mulf %get3A_439, %gather3A_434 : vector<16xf32>
        %swap3A_441 = arith.index_cast %add3A_436 : i32 to index
        %swap3A_442 = arith.constant 0 : index
        %swap3A_443 = tpu.vector_load %arg14[%swap3A_441, %swap3A_442] {strides = array<i32>} : memref<256x128xf32, #tpu.memory_space<vmem>>, vector<16xf32>,
        tpu.vector_store %arg14[%swap3A_441, %swap3A_442], %mul3A_440 {strides = array<i32>} : memref<256x128xf32, #tpu.memory_space<vmem>>, vector<16xf32>,
        %get3A_444 = arith.index_cast %add3A_436 : i32 to index
        %get3A_445 = arith.constant 16 : index
        %get3A_446 = tpu.vector_load %arg14[%get3A_444, %get3A_445] {strides = array<i32>} : memref<256x128xf32, #tpu.memory_space<vmem>>, vector<16xf32>,
        %mul3A_447 = arith.mulf %get3A_446, %gather3A_434 : vector<16xf32>
        %swap3A_448 = arith.index_cast %add3A_436 : i32 to index
        %swap3A_449 = arith.constant 16 : index
        %swap3A_450 = tpu.vector_load %arg14[%swap3A_448, %swap3A_449] {strides = array<i32>} : memref<256x128xf32, #tpu.memory_space<vmem>>, vector<16xf32>,
        tpu.vector_store %arg14[%swap3A_448, %swap3A_449], %mul3A_447 {strides = array<i32>} : memref<256x128xf32, #tpu.memory_space<vmem>>, vector<16xf32>,
        %get3A_451 = arith.index_cast %add3A_436 : i32 to index
        %get3A_452 = arith.constant 32 : index
        %get3A_453 = tpu.vector_load %arg14[%get3A_451, %get3A_452] {strides = array<i32>} : memref<256x128xf32, #tpu.memory_space<vmem>>, vector<16xf32>,
        %mul3A_454 = arith.mulf %get3A_453, %gather3A_434 : vector<16xf32>
        %swap3A_455 = arith.index_cast %add3A_436 : i32 to index
        %swap3A_456 = arith.constant 32 : index
        %swap3A_457 = tpu.vector_load %arg14[%swap3A_455, %swap3A_456] {strides = array<i32>} : memref<256x128xf32, #tpu.memory_space<vmem>>, vector<16xf32>,
        tpu.vector_store %arg14[%swap3A_455, %swap3A_456], %mul3A_454 {strides = array<i32>} : memref<256x128xf32, #tpu.memory_space<vmem>>, vector<16xf32>,
        %get3A_458 = arith.index_cast %add3A_436 : i32 to index
        %get3A_459 = arith.constant 48 : index
        %get3A_460 = tpu.vector_load %arg14[%get3A_458, %get3A_459] {strides = array<i32>} : memref<256x128xf32, #tpu.memory_space<vmem>>, vector<16xf32>,
        %mul3A_461 = arith.mulf %get3A_460, %gather3A_434 : vector<16xf32>
        %swap3A_462 = arith.index_cast %add3A_436 : i32 to index
        %swap3A_463 = arith.constant 48 : index
        %swap3A_464 = tpu.vector_load %arg14[%swap3A_462, %swap3A_463] {strides = array<i32>} : memref<256x128xf32, #tpu.memory_space<vmem>>, vector<16xf32>,
        tpu.vector_store %arg14[%swap3A_462, %swap3A_463], %mul3A_461 {strides = array<i32>} : memref<256x128xf32, #tpu.memory_space<vmem>>, vector<16xf32>,
        %get3A_465 = arith.index_cast %add3A_436 : i32 to index
        %get3A_466 = arith.constant 64 : index
        %get3A_467 = tpu.vector_load %arg14[%get3A_465, %get3A_466] {strides = array<i32>} : memref<256x128xf32, #tpu.memory_space<vmem>>, vector<16xf32>,
        %mul3A_468 = arith.mulf %get3A_467, %gather3A_434 : vector<16xf32>
        %swap3A_469 = arith.index_cast %add3A_436 : i32 to index
        %swap3A_470 = arith.constant 64 : index
        %swap3A_471 = tpu.vector_load %arg14[%swap3A_469, %swap3A_470] {strides = array<i32>} : memref<256x128xf32, #tpu.memory_space<vmem>>, vector<16xf32>,
        tpu.vector_store %arg14[%swap3A_469, %swap3A_470], %mul3A_468 {strides = array<i32>} : memref<256x128xf32, #tpu.memory_space<vmem>>, vector<16xf32>,
        %get3A_472 = arith.index_cast %add3A_436 : i32 to index
        %get3A_473 = arith.constant 80 : index
        %get3A_474 = tpu.vector_load %arg14[%get3A_472, %get3A_473] {strides = array<i32>} : memref<256x128xf32, #tpu.memory_space<vmem>>, vector<16xf32>,
        %mul3A_475 = arith.mulf %get3A_474, %gather3A_434 : vector<16xf32>
        %swap3A_476 = arith.index_cast %add3A_436 : i32 to index
        %swap3A_477 = arith.constant 80 : index
        %swap3A_478 = tpu.vector_load %arg14[%swap3A_476, %swap3A_477] {strides = array<i32>} : memref<256x128xf32, #tpu.memory_space<vmem>>, vector<16xf32>,
        tpu.vector_store %arg14[%swap3A_476, %swap3A_477], %mul3A_475 {strides = array<i32>} : memref<256x128xf32, #tpu.memory_space<vmem>>, vector<16xf32>,
        %get3A_479 = arith.index_cast %add3A_436 : i32 to index
        %get3A_480 = arith.constant 96 : index
        %get3A_481 = tpu.vector_load %arg14[%get3A_479, %get3A_480] {strides = array<i32>} : memref<256x128xf32, #tpu.memory_space<vmem>>, vector<16xf32>,
        %mul3A_482 = arith.mulf %get3A_481, %gather3A_434 : vector<16xf32>
        %swap3A_483 = arith.index_cast %add3A_436 : i32 to index
        %swap3A_484 = arith.constant 96 : index
        %swap3A_485 = tpu.vector_load %arg14[%swap3A_483, %swap3A_484] {strides = array<i32>} : memref<256x128xf32, #tpu.memory_space<vmem>>, vector<16xf32>,
        tpu.vector_store %arg14[%swap3A_483, %swap3A_484], %mul3A_482 {strides = array<i32>} : memref<256x128xf32, #tpu.memory_space<vmem>>, vector<16xf32>,
        %get3A_486 = arith.index_cast %add3A_436 : i32 to index
        %get3A_487 = arith.constant 112 : index
        %get3A_488 = tpu.vector_load %arg14[%get3A_486, %get3A_487] {strides = array<i32>} : memref<256x128xf32, #tpu.memory_space<vmem>>, vector<16xf32>,
        %mul3A_489 = arith.mulf %get3A_488, %gather3A_434 : vector<16xf32>
        %swap3A_490 = arith.index_cast %add3A_436 : i32 to index
        %swap3A_491 = arith.constant 112 : index
        %swap3A_492 = tpu.vector_load %arg14[%swap3A_490, %swap3A_491] {strides = array<i32>} : memref<256x128xf32, #tpu.memory_space<vmem>>, vector<16xf32>,
        tpu.vector_store %arg14[%swap3A_490, %swap3A_491], %mul3A_489 {strides = array<i32>} : memref<256x128xf32, #tpu.memory_space<vmem>>, vector<16xf32>,
        %scan3A_493 = arith.constant 0 : i32
        scf.yield %scan3A_493 : i32
      }
      %scan3A_318 = arith.constant 128 : i32
      %run_scoped3A_319 = arith.constant 7 : i32
      "tpu.region"() ({
        %run_scoped3A_367 = tpu.sem_alloc : memref<!tpu.dma_semaphore, #tpu.memory_space<semaphore_mem>>
        %dma_start3A_368 = arith.constant 128 : i32
        %dma_start3A_369 = arith.constant 0 : i32
        %dma_start3A_370 = tpu.memref_slice %arg14[%dma_start3A_368, %dma_start3A_369] : memref<256x128xf32, #tpu.memory_space<vmem>> -> memref<128x128xf32, #tpu.memory_space<vmem>>
        %dma_start3A_371 = arith.constant 0 : i32
        %dma_start3A_372 = tpu.memref_slice %arg13[%run_scoped3A_319, %dma_start3A_371] : memref<10x128xi32, #tpu.memory_space<vmem>> -> memref<1x128xi32, #tpu.memory_space<vmem>>
        %dma_start3A_373 = tpu.memref_squeeze %dma_start3A_372 : memref<1x128xi32, #tpu.memory_space<vmem>> -> memref<128xi32, #tpu.memory_space<vmem>>
        %dma_start3A_374 = arith.constant 0 : i32
        %dma_start3A_375 = arith.constant 0 : i32
        %dma_start3A_376 = tpu.memref_slice %arg15[%dma_start3A_374, %dma_start3A_375] : memref<10112x128xf32, #tpu.memory_space<vmem_shared>> -> memref<10112x128xf32, #tpu.memory_space<vmem_shared>>
        tpu.enqueue_indirect_dma source(%dma_start3A_370 : memref<128x128xf32, #tpu.memory_space<vmem>>) target(%dma_start3A_376 : memref<10112x128xf32, #tpu.memory_space<vmem_shared>>) offsets(%dma_start3A_373 : memref<128xi32, #tpu.memory_space<vmem>>) semaphore(%run_scoped3A_367 : memref<!tpu.dma_semaphore, #tpu.memory_space<semaphore_mem>>) {add = true}
        %dma_wait3A_377 = arith.constant 128 : i32
        %dma_wait3A_378 = arith.constant 0 : i32
        %dma_wait3A_379 = tpu.memref_slice %arg14[%dma_wait3A_377, %dma_wait3A_378] : memref<256x128xf32, #tpu.memory_space<vmem>> -> memref<128x128xf32, #tpu.memory_space<vmem>>
        %dma_wait3A_380 = arith.constant 0 : i32
        %dma_wait3A_381 = tpu.memref_slice %arg13[%run_scoped3A_319, %dma_wait3A_380] : memref<10x128xi32, #tpu.memory_space<vmem>> -> memref<1x128xi32, #tpu.memory_space<vmem>>
        %dma_wait3A_382 = tpu.memref_squeeze %dma_wait3A_381 : memref<1x128xi32, #tpu.memory_space<vmem>> -> memref<128xi32, #tpu.memory_space<vmem>>
        %dma_wait3A_383 = arith.constant 0 : i32
        %dma_wait3A_384 = arith.constant 0 : i32
        %dma_wait3A_385 = tpu.memref_slice %arg15[%dma_wait3A_383, %dma_wait3A_384] : memref<10112x128xf32, #tpu.memory_space<vmem_shared>> -> memref<10112x128xf32, #tpu.memory_space<vmem_shared>>
        tpu.wait_indirect_dma semaphore(%run_scoped3A_367 : memref<!tpu.dma_semaphore, #tpu.memory_space<semaphore_mem>>) src(%dma_wait3A_379 : memref<128x128xf32, #tpu.memory_space<vmem>>) dst(%dma_wait3A_385 : memref<10112x128xf32, #tpu.memory_space<vmem_shared>>)
        tpu.yield
      }) : () -> ()
      %dma_wait3A_320 = arith.constant 8 : i32
      %dma_wait3A_321 = arith.constant 0 : i32
      %dma_wait3A_322 = arith.constant 0 : i32
      %dma_wait3A_323 = tpu.memref_slice %arg14[%dma_wait3A_321, %dma_wait3A_322] : memref<256x128xf32, #tpu.memory_space<vmem>> -> memref<128x128xf32, #tpu.memory_space<vmem>>
      %dma_wait3A_324 = arith.constant 0 : i32
      %dma_wait3A_325 = tpu.memref_slice %arg12[%dma_wait3A_320, %dma_wait3A_324] : memref<10x128xi32, #tpu.memory_space<vmem>> -> memref<1x128xi32, #tpu.memory_space<vmem>>
      %dma_wait3A_326 = tpu.memref_squeeze %dma_wait3A_325 : memref<1x128xi32, #tpu.memory_space<vmem>> -> memref<128xi32, #tpu.memory_space<vmem>>
      %dma_wait3A_327 = arith.constant 0 : i32
      %dma_wait3A_328 = arith.constant 0 : i32
      %dma_wait3A_329 = tpu.memref_slice %arg2[%dma_wait3A_327, %dma_wait3A_328] : memref<160000x128xf32, #tpu.memory_space<hbm>> -> memref<160000x128xf32, #tpu.memory_space<hbm>>
      tpu.wait_indirect_dma semaphore(%arg17 : memref<!tpu.dma_semaphore, #tpu.memory_space<semaphore_mem>>) src(%dma_wait3A_329 : memref<160000x128xf32, #tpu.memory_space<hbm>>) dst(%dma_wait3A_323 : memref<128x128xf32, #tpu.memory_space<vmem>>)
      %dma_start3A_330 = arith.constant 9 : i32
      %dma_start3A_331 = arith.constant 128 : i32
      %dma_start3A_332 = arith.constant 0 : i32
      %dma_start3A_333 = tpu.memref_slice %arg14[%dma_start3A_331, %dma_start3A_332] : memref<256x128xf32, #tpu.memory_space<vmem>> -> memref<128x128xf32, #tpu.memory_space<vmem>>
      %dma_start3A_334 = arith.constant 0 : i32
      %dma_start3A_335 = tpu.memref_slice %arg12[%dma_start3A_330, %dma_start3A_334] : memref<10x128xi32, #tpu.memory_space<vmem>> -> memref<1x128xi32, #tpu.memory_space<vmem>>
      %dma_start3A_336 = tpu.memref_squeeze %dma_start3A_335 : memref<1x128xi32, #tpu.memory_space<vmem>> -> memref<128xi32, #tpu.memory_space<vmem>>
      %dma_start3A_337 = arith.constant 0 : i32
      %dma_start3A_338 = arith.constant 0 : i32
      %dma_start3A_339 = tpu.memref_slice %arg2[%dma_start3A_337, %dma_start3A_338] : memref<160000x128xf32, #tpu.memory_space<hbm>> -> memref<160000x128xf32, #tpu.memory_space<hbm>>
      tpu.enqueue_indirect_dma source(%dma_start3A_339 : memref<160000x128xf32, #tpu.memory_space<hbm>>) target(%dma_start3A_333 : memref<128x128xf32, #tpu.memory_space<vmem>>) offsets(%dma_start3A_336 : memref<128xi32, #tpu.memory_space<vmem>>) semaphore(%arg18 : memref<!tpu.dma_semaphore, #tpu.memory_space<semaphore_mem>>)
      %scan3A_340 = arith.constant 0 : i32
      %scan3A_341 = arith.constant 0 : i32
      %scan3A_342 = arith.constant 128 : i32
      %scan3A_343 = arith.addi %scan3A_341, %scan3A_342 : i32
      %scan3A_344 = arith.constant 2 : i32
      %scan3A_345 = scf.for %scan3A_367 = %scan3A_341 to %scan3A_343 step %scan3A_344 iter_args(%scan3A_368 = %scan3A_340) -> (i32)  : i32 {
        %add3A_369 = arith.constant 1024 : i32
        %add3A_370 = arith.addi %add3A_369, %scan3A_367 : i32
        %broadcast_in_dim3A_371 = vector.broadcast %add3A_370 : i32 to vector<16xi32>
        %gather3A = tpu.vector_load_idx %arg11[%broadcast_in_dim3A_371] : memref<1280xf32, #tpu.memory_space<vmem>>[vector<16xi32>], vector<16xf32>,
        %add3A_372 = arith.constant 0 : i32
        %add3A_373 = arith.addi %add3A_372, %scan3A_367 : i32
        %get3A = arith.index_cast %add3A_373 : i32 to index
        %get3A_374 = arith.constant 0 : index
        %get3A_375 = tpu.vector_load %arg14[%get3A, %get3A_374] {strides = array<i32>} : memref<256x128xf32, #tpu.memory_space<vmem>>, vector<16xf32>,
        %mul3A_376 = arith.mulf %get3A_375, %gather3A : vector<16xf32>
        %swap3A = arith.index_cast %add3A_373 : i32 to index
        %swap3A_377 = arith.constant 0 : index
        %swap3A_378 = tpu.vector_load %arg14[%swap3A, %swap3A_377] {strides = array<i32>} : memref<256x128xf32, #tpu.memory_space<vmem>>, vector<16xf32>,
        tpu.vector_store %arg14[%swap3A, %swap3A_377], %mul3A_376 {strides = array<i32>} : memref<256x128xf32, #tpu.memory_space<vmem>>, vector<16xf32>,
        %get3A_379 = arith.index_cast %add3A_373 : i32 to index
        %get3A_380 = arith.constant 16 : index
        %get3A_381 = tpu.vector_load %arg14[%get3A_379, %get3A_380] {strides = array<i32>} : memref<256x128xf32, #tpu.memory_space<vmem>>, vector<16xf32>,
        %mul3A_382 = arith.mulf %get3A_381, %gather3A : vector<16xf32>
        %swap3A_383 = arith.index_cast %add3A_373 : i32 to index
        %swap3A_384 = arith.constant 16 : index
        %swap3A_385 = tpu.vector_load %arg14[%swap3A_383, %swap3A_384] {strides = array<i32>} : memref<256x128xf32, #tpu.memory_space<vmem>>, vector<16xf32>,
        tpu.vector_store %arg14[%swap3A_383, %swap3A_384], %mul3A_382 {strides = array<i32>} : memref<256x128xf32, #tpu.memory_space<vmem>>, vector<16xf32>,
        %get3A_386 = arith.index_cast %add3A_373 : i32 to index
        %get3A_387 = arith.constant 32 : index
        %get3A_388 = tpu.vector_load %arg14[%get3A_386, %get3A_387] {strides = array<i32>} : memref<256x128xf32, #tpu.memory_space<vmem>>, vector<16xf32>,
        %mul3A_389 = arith.mulf %get3A_388, %gather3A : vector<16xf32>
        %swap3A_390 = arith.index_cast %add3A_373 : i32 to index
        %swap3A_391 = arith.constant 32 : index
        %swap3A_392 = tpu.vector_load %arg14[%swap3A_390, %swap3A_391] {strides = array<i32>} : memref<256x128xf32, #tpu.memory_space<vmem>>, vector<16xf32>,
        tpu.vector_store %arg14[%swap3A_390, %swap3A_391], %mul3A_389 {strides = array<i32>} : memref<256x128xf32, #tpu.memory_space<vmem>>, vector<16xf32>,
        %get3A_393 = arith.index_cast %add3A_373 : i32 to index
        %get3A_394 = arith.constant 48 : index
        %get3A_395 = tpu.vector_load %arg14[%get3A_393, %get3A_394] {strides = array<i32>} : memref<256x128xf32, #tpu.memory_space<vmem>>, vector<16xf32>,
        %mul3A_396 = arith.mulf %get3A_395, %gather3A : vector<16xf32>
        %swap3A_397 = arith.index_cast %add3A_373 : i32 to index
        %swap3A_398 = arith.constant 48 : index
        %swap3A_399 = tpu.vector_load %arg14[%swap3A_397, %swap3A_398] {strides = array<i32>} : memref<256x128xf32, #tpu.memory_space<vmem>>, vector<16xf32>,
        tpu.vector_store %arg14[%swap3A_397, %swap3A_398], %mul3A_396 {strides = array<i32>} : memref<256x128xf32, #tpu.memory_space<vmem>>, vector<16xf32>,
        %get3A_400 = arith.index_cast %add3A_373 : i32 to index
        %get3A_401 = arith.constant 64 : index
        %get3A_402 = tpu.vector_load %arg14[%get3A_400, %get3A_401] {strides = array<i32>} : memref<256x128xf32, #tpu.memory_space<vmem>>, vector<16xf32>,
        %mul3A_403 = arith.mulf %get3A_402, %gather3A : vector<16xf32>
        %swap3A_404 = arith.index_cast %add3A_373 : i32 to index
        %swap3A_405 = arith.constant 64 : index
        %swap3A_406 = tpu.vector_load %arg14[%swap3A_404, %swap3A_405] {strides = array<i32>} : memref<256x128xf32, #tpu.memory_space<vmem>>, vector<16xf32>,
        tpu.vector_store %arg14[%swap3A_404, %swap3A_405], %mul3A_403 {strides = array<i32>} : memref<256x128xf32, #tpu.memory_space<vmem>>, vector<16xf32>,
        %get3A_407 = arith.index_cast %add3A_373 : i32 to index
        %get3A_408 = arith.constant 80 : index
        %get3A_409 = tpu.vector_load %arg14[%get3A_407, %get3A_408] {strides = array<i32>} : memref<256x128xf32, #tpu.memory_space<vmem>>, vector<16xf32>,
        %mul3A_410 = arith.mulf %get3A_409, %gather3A : vector<16xf32>
        %swap3A_411 = arith.index_cast %add3A_373 : i32 to index
        %swap3A_412 = arith.constant 80 : index
        %swap3A_413 = tpu.vector_load %arg14[%swap3A_411, %swap3A_412] {strides = array<i32>} : memref<256x128xf32, #tpu.memory_space<vmem>>, vector<16xf32>,
        tpu.vector_store %arg14[%swap3A_411, %swap3A_412], %mul3A_410 {strides = array<i32>} : memref<256x128xf32, #tpu.memory_space<vmem>>, vector<16xf32>,
        %get3A_414 = arith.index_cast %add3A_373 : i32 to index
        %get3A_415 = arith.constant 96 : index
        %get3A_416 = tpu.vector_load %arg14[%get3A_414, %get3A_415] {strides = array<i32>} : memref<256x128xf32, #tpu.memory_space<vmem>>, vector<16xf32>,
        %mul3A_417 = arith.mulf %get3A_416, %gather3A : vector<16xf32>
        %swap3A_418 = arith.index_cast %add3A_373 : i32 to index
        %swap3A_419 = arith.constant 96 : index
        %swap3A_420 = tpu.vector_load %arg14[%swap3A_418, %swap3A_419] {strides = array<i32>} : memref<256x128xf32, #tpu.memory_space<vmem>>, vector<16xf32>,
        tpu.vector_store %arg14[%swap3A_418, %swap3A_419], %mul3A_417 {strides = array<i32>} : memref<256x128xf32, #tpu.memory_space<vmem>>, vector<16xf32>,
        %get3A_421 = arith.index_cast %add3A_373 : i32 to index
        %get3A_422 = arith.constant 112 : index
        %get3A_423 = tpu.vector_load %arg14[%get3A_421, %get3A_422] {strides = array<i32>} : memref<256x128xf32, #tpu.memory_space<vmem>>, vector<16xf32>,
        %mul3A_424 = arith.mulf %get3A_423, %gather3A : vector<16xf32>
        %swap3A_425 = arith.index_cast %add3A_373 : i32 to index
        %swap3A_426 = arith.constant 112 : index
        %swap3A_427 = tpu.vector_load %arg14[%swap3A_425, %swap3A_426] {strides = array<i32>} : memref<256x128xf32, #tpu.memory_space<vmem>>, vector<16xf32>,
        tpu.vector_store %arg14[%swap3A_425, %swap3A_426], %mul3A_424 {strides = array<i32>} : memref<256x128xf32, #tpu.memory_space<vmem>>, vector<16xf32>,
        %scan3A_428 = arith.constant 0 : i32
        %scan3A_429 = arith.constant 1 : i32
        %scan3A_430 = arith.addi %scan3A_367, %scan3A_429 : i32
        %add3A_431 = arith.constant 1024 : i32
        %add3A_432 = arith.addi %add3A_431, %scan3A_430 : i32
        %broadcast_in_dim3A_433 = vector.broadcast %add3A_432 : i32 to vector<16xi32>
        %gather3A_434 = tpu.vector_load_idx %arg11[%broadcast_in_dim3A_433] : memref<1280xf32, #tpu.memory_space<vmem>>[vector<16xi32>], vector<16xf32>,
        %add3A_435 = arith.constant 0 : i32
        %add3A_436 = arith.addi %add3A_435, %scan3A_430 : i32
        %get3A_437 = arith.index_cast %add3A_436 : i32 to index
        %get3A_438 = arith.constant 0 : index
        %get3A_439 = tpu.vector_load %arg14[%get3A_437, %get3A_438] {strides = array<i32>} : memref<256x128xf32, #tpu.memory_space<vmem>>, vector<16xf32>,
        %mul3A_440 = arith.mulf %get3A_439, %gather3A_434 : vector<16xf32>
        %swap3A_441 = arith.index_cast %add3A_436 : i32 to index
        %swap3A_442 = arith.constant 0 : index
        %swap3A_443 = tpu.vector_load %arg14[%swap3A_441, %swap3A_442] {strides = array<i32>} : memref<256x128xf32, #tpu.memory_space<vmem>>, vector<16xf32>,
        tpu.vector_store %arg14[%swap3A_441, %swap3A_442], %mul3A_440 {strides = array<i32>} : memref<256x128xf32, #tpu.memory_space<vmem>>, vector<16xf32>,
        %get3A_444 = arith.index_cast %add3A_436 : i32 to index
        %get3A_445 = arith.constant 16 : index
        %get3A_446 = tpu.vector_load %arg14[%get3A_444, %get3A_445] {strides = array<i32>} : memref<256x128xf32, #tpu.memory_space<vmem>>, vector<16xf32>,
        %mul3A_447 = arith.mulf %get3A_446, %gather3A_434 : vector<16xf32>
        %swap3A_448 = arith.index_cast %add3A_436 : i32 to index
        %swap3A_449 = arith.constant 16 : index
        %swap3A_450 = tpu.vector_load %arg14[%swap3A_448, %swap3A_449] {strides = array<i32>} : memref<256x128xf32, #tpu.memory_space<vmem>>, vector<16xf32>,
        tpu.vector_store %arg14[%swap3A_448, %swap3A_449], %mul3A_447 {strides = array<i32>} : memref<256x128xf32, #tpu.memory_space<vmem>>, vector<16xf32>,
        %get3A_451 = arith.index_cast %add3A_436 : i32 to index
        %get3A_452 = arith.constant 32 : index
        %get3A_453 = tpu.vector_load %arg14[%get3A_451, %get3A_452] {strides = array<i32>} : memref<256x128xf32, #tpu.memory_space<vmem>>, vector<16xf32>,
        %mul3A_454 = arith.mulf %get3A_453, %gather3A_434 : vector<16xf32>
        %swap3A_455 = arith.index_cast %add3A_436 : i32 to index
        %swap3A_456 = arith.constant 32 : index
        %swap3A_457 = tpu.vector_load %arg14[%swap3A_455, %swap3A_456] {strides = array<i32>} : memref<256x128xf32, #tpu.memory_space<vmem>>, vector<16xf32>,
        tpu.vector_store %arg14[%swap3A_455, %swap3A_456], %mul3A_454 {strides = array<i32>} : memref<256x128xf32, #tpu.memory_space<vmem>>, vector<16xf32>,
        %get3A_458 = arith.index_cast %add3A_436 : i32 to index
        %get3A_459 = arith.constant 48 : index
        %get3A_460 = tpu.vector_load %arg14[%get3A_458, %get3A_459] {strides = array<i32>} : memref<256x128xf32, #tpu.memory_space<vmem>>, vector<16xf32>,
        %mul3A_461 = arith.mulf %get3A_460, %gather3A_434 : vector<16xf32>
        %swap3A_462 = arith.index_cast %add3A_436 : i32 to index
        %swap3A_463 = arith.constant 48 : index
        %swap3A_464 = tpu.vector_load %arg14[%swap3A_462, %swap3A_463] {strides = array<i32>} : memref<256x128xf32, #tpu.memory_space<vmem>>, vector<16xf32>,
        tpu.vector_store %arg14[%swap3A_462, %swap3A_463], %mul3A_461 {strides = array<i32>} : memref<256x128xf32, #tpu.memory_space<vmem>>, vector<16xf32>,
        %get3A_465 = arith.index_cast %add3A_436 : i32 to index
        %get3A_466 = arith.constant 64 : index
        %get3A_467 = tpu.vector_load %arg14[%get3A_465, %get3A_466] {strides = array<i32>} : memref<256x128xf32, #tpu.memory_space<vmem>>, vector<16xf32>,
        %mul3A_468 = arith.mulf %get3A_467, %gather3A_434 : vector<16xf32>
        %swap3A_469 = arith.index_cast %add3A_436 : i32 to index
        %swap3A_470 = arith.constant 64 : index
        %swap3A_471 = tpu.vector_load %arg14[%swap3A_469, %swap3A_470] {strides = array<i32>} : memref<256x128xf32, #tpu.memory_space<vmem>>, vector<16xf32>,
        tpu.vector_store %arg14[%swap3A_469, %swap3A_470], %mul3A_468 {strides = array<i32>} : memref<256x128xf32, #tpu.memory_space<vmem>>, vector<16xf32>,
        %get3A_472 = arith.index_cast %add3A_436 : i32 to index
        %get3A_473 = arith.constant 80 : index
        %get3A_474 = tpu.vector_load %arg14[%get3A_472, %get3A_473] {strides = array<i32>} : memref<256x128xf32, #tpu.memory_space<vmem>>, vector<16xf32>,
        %mul3A_475 = arith.mulf %get3A_474, %gather3A_434 : vector<16xf32>
        %swap3A_476 = arith.index_cast %add3A_436 : i32 to index
        %swap3A_477 = arith.constant 80 : index
        %swap3A_478 = tpu.vector_load %arg14[%swap3A_476, %swap3A_477] {strides = array<i32>} : memref<256x128xf32, #tpu.memory_space<vmem>>, vector<16xf32>,
        tpu.vector_store %arg14[%swap3A_476, %swap3A_477], %mul3A_475 {strides = array<i32>} : memref<256x128xf32, #tpu.memory_space<vmem>>, vector<16xf32>,
        %get3A_479 = arith.index_cast %add3A_436 : i32 to index
        %get3A_480 = arith.constant 96 : index
        %get3A_481 = tpu.vector_load %arg14[%get3A_479, %get3A_480] {strides = array<i32>} : memref<256x128xf32, #tpu.memory_space<vmem>>, vector<16xf32>,
        %mul3A_482 = arith.mulf %get3A_481, %gather3A_434 : vector<16xf32>
        %swap3A_483 = arith.index_cast %add3A_436 : i32 to index
        %swap3A_484 = arith.constant 96 : index
        %swap3A_485 = tpu.vector_load %arg14[%swap3A_483, %swap3A_484] {strides = array<i32>} : memref<256x128xf32, #tpu.memory_space<vmem>>, vector<16xf32>,
        tpu.vector_store %arg14[%swap3A_483, %swap3A_484], %mul3A_482 {strides = array<i32>} : memref<256x128xf32, #tpu.memory_space<vmem>>, vector<16xf32>,
        %get3A_486 = arith.index_cast %add3A_436 : i32 to index
        %get3A_487 = arith.constant 112 : index
        %get3A_488 = tpu.vector_load %arg14[%get3A_486, %get3A_487] {strides = array<i32>} : memref<256x128xf32, #tpu.memory_space<vmem>>, vector<16xf32>,
        %mul3A_489 = arith.mulf %get3A_488, %gather3A_434 : vector<16xf32>
        %swap3A_490 = arith.index_cast %add3A_436 : i32 to index
        %swap3A_491 = arith.constant 112 : index
        %swap3A_492 = tpu.vector_load %arg14[%swap3A_490, %swap3A_491] {strides = array<i32>} : memref<256x128xf32, #tpu.memory_space<vmem>>, vector<16xf32>,
        tpu.vector_store %arg14[%swap3A_490, %swap3A_491], %mul3A_489 {strides = array<i32>} : memref<256x128xf32, #tpu.memory_space<vmem>>, vector<16xf32>,
        %scan3A_493 = arith.constant 0 : i32
        scf.yield %scan3A_493 : i32
      }
      %scan3A_346 = arith.constant 128 : i32
      %run_scoped3A_347 = arith.constant 8 : i32
      "tpu.region"() ({
        %run_scoped3A_367 = tpu.sem_alloc : memref<!tpu.dma_semaphore, #tpu.memory_space<semaphore_mem>>
        %dma_start3A_368 = arith.constant 0 : i32
        %dma_start3A_369 = arith.constant 0 : i32
        %dma_start3A_370 = tpu.memref_slice %arg14[%dma_start3A_368, %dma_start3A_369] : memref<256x128xf32, #tpu.memory_space<vmem>> -> memref<128x128xf32, #tpu.memory_space<vmem>>
        %dma_start3A_371 = arith.constant 0 : i32
        %dma_start3A_372 = tpu.memref_slice %arg13[%run_scoped3A_347, %dma_start3A_371] : memref<10x128xi32, #tpu.memory_space<vmem>> -> memref<1x128xi32, #tpu.memory_space<vmem>>
        %dma_start3A_373 = tpu.memref_squeeze %dma_start3A_372 : memref<1x128xi32, #tpu.memory_space<vmem>> -> memref<128xi32, #tpu.memory_space<vmem>>
        %dma_start3A_374 = arith.constant 0 : i32
        %dma_start3A_375 = arith.constant 0 : i32
        %dma_start3A_376 = tpu.memref_slice %arg15[%dma_start3A_374, %dma_start3A_375] : memref<10112x128xf32, #tpu.memory_space<vmem_shared>> -> memref<10112x128xf32, #tpu.memory_space<vmem_shared>>
        tpu.enqueue_indirect_dma source(%dma_start3A_370 : memref<128x128xf32, #tpu.memory_space<vmem>>) target(%dma_start3A_376 : memref<10112x128xf32, #tpu.memory_space<vmem_shared>>) offsets(%dma_start3A_373 : memref<128xi32, #tpu.memory_space<vmem>>) semaphore(%run_scoped3A_367 : memref<!tpu.dma_semaphore, #tpu.memory_space<semaphore_mem>>) {add = true}
        %dma_wait3A_377 = arith.constant 0 : i32
        %dma_wait3A_378 = arith.constant 0 : i32
        %dma_wait3A_379 = tpu.memref_slice %arg14[%dma_wait3A_377, %dma_wait3A_378] : memref<256x128xf32, #tpu.memory_space<vmem>> -> memref<128x128xf32, #tpu.memory_space<vmem>>
        %dma_wait3A_380 = arith.constant 0 : i32
        %dma_wait3A_381 = tpu.memref_slice %arg13[%run_scoped3A_347, %dma_wait3A_380] : memref<10x128xi32, #tpu.memory_space<vmem>> -> memref<1x128xi32, #tpu.memory_space<vmem>>
        %dma_wait3A_382 = tpu.memref_squeeze %dma_wait3A_381 : memref<1x128xi32, #tpu.memory_space<vmem>> -> memref<128xi32, #tpu.memory_space<vmem>>
        %dma_wait3A_383 = arith.constant 0 : i32
        %dma_wait3A_384 = arith.constant 0 : i32
        %dma_wait3A_385 = tpu.memref_slice %arg15[%dma_wait3A_383, %dma_wait3A_384] : memref<10112x128xf32, #tpu.memory_space<vmem_shared>> -> memref<10112x128xf32, #tpu.memory_space<vmem_shared>>
        tpu.wait_indirect_dma semaphore(%run_scoped3A_367 : memref<!tpu.dma_semaphore, #tpu.memory_space<semaphore_mem>>) src(%dma_wait3A_379 : memref<128x128xf32, #tpu.memory_space<vmem>>) dst(%dma_wait3A_385 : memref<10112x128xf32, #tpu.memory_space<vmem_shared>>)
        tpu.yield
      }) : () -> ()
      %dma_wait3A_348 = arith.constant 9 : i32
      %dma_wait3A_349 = arith.constant 128 : i32
      %dma_wait3A_350 = arith.constant 0 : i32
      %dma_wait3A_351 = tpu.memref_slice %arg14[%dma_wait3A_349, %dma_wait3A_350] : memref<256x128xf32, #tpu.memory_space<vmem>> -> memref<128x128xf32, #tpu.memory_space<vmem>>
      %dma_wait3A_352 = arith.constant 0 : i32
      %dma_wait3A_353 = tpu.memref_slice %arg12[%dma_wait3A_348, %dma_wait3A_352] : memref<10x128xi32, #tpu.memory_space<vmem>> -> memref<1x128xi32, #tpu.memory_space<vmem>>
      %dma_wait3A_354 = tpu.memref_squeeze %dma_wait3A_353 : memref<1x128xi32, #tpu.memory_space<vmem>> -> memref<128xi32, #tpu.memory_space<vmem>>
      %dma_wait3A_355 = arith.constant 0 : i32
      %dma_wait3A_356 = arith.constant 0 : i32
      %dma_wait3A_357 = tpu.memref_slice %arg2[%dma_wait3A_355, %dma_wait3A_356] : memref<160000x128xf32, #tpu.memory_space<hbm>> -> memref<160000x128xf32, #tpu.memory_space<hbm>>
      tpu.wait_indirect_dma semaphore(%arg18 : memref<!tpu.dma_semaphore, #tpu.memory_space<semaphore_mem>>) src(%dma_wait3A_357 : memref<160000x128xf32, #tpu.memory_space<hbm>>) dst(%dma_wait3A_351 : memref<128x128xf32, #tpu.memory_space<vmem>>)
      %scan3A_358 = arith.constant 0 : i32
      %scan3A_359 = arith.constant 0 : i32
      %scan3A_360 = arith.constant 128 : i32
      %scan3A_361 = arith.addi %scan3A_359, %scan3A_360 : i32
      %scan3A_362 = arith.constant 2 : i32
      %scan3A_363 = scf.for %scan3A_367 = %scan3A_359 to %scan3A_361 step %scan3A_362 iter_args(%scan3A_368 = %scan3A_358) -> (i32)  : i32 {
        %add3A_369 = arith.constant 1152 : i32
        %add3A_370 = arith.addi %add3A_369, %scan3A_367 : i32
        %broadcast_in_dim3A_371 = vector.broadcast %add3A_370 : i32 to vector<16xi32>
        %gather3A = tpu.vector_load_idx %arg11[%broadcast_in_dim3A_371] : memref<1280xf32, #tpu.memory_space<vmem>>[vector<16xi32>], vector<16xf32>,
        %add3A_372 = arith.constant 128 : i32
        %add3A_373 = arith.addi %add3A_372, %scan3A_367 : i32
        %get3A = arith.index_cast %add3A_373 : i32 to index
        %get3A_374 = arith.constant 0 : index
        %get3A_375 = tpu.vector_load %arg14[%get3A, %get3A_374] {strides = array<i32>} : memref<256x128xf32, #tpu.memory_space<vmem>>, vector<16xf32>,
        %mul3A_376 = arith.mulf %get3A_375, %gather3A : vector<16xf32>
        %swap3A = arith.index_cast %add3A_373 : i32 to index
        %swap3A_377 = arith.constant 0 : index
        %swap3A_378 = tpu.vector_load %arg14[%swap3A, %swap3A_377] {strides = array<i32>} : memref<256x128xf32, #tpu.memory_space<vmem>>, vector<16xf32>,
        tpu.vector_store %arg14[%swap3A, %swap3A_377], %mul3A_376 {strides = array<i32>} : memref<256x128xf32, #tpu.memory_space<vmem>>, vector<16xf32>,
        %get3A_379 = arith.index_cast %add3A_373 : i32 to index
        %get3A_380 = arith.constant 16 : index
        %get3A_381 = tpu.vector_load %arg14[%get3A_379, %get3A_380] {strides = array<i32>} : memref<256x128xf32, #tpu.memory_space<vmem>>, vector<16xf32>,
        %mul3A_382 = arith.mulf %get3A_381, %gather3A : vector<16xf32>
        %swap3A_383 = arith.index_cast %add3A_373 : i32 to index
        %swap3A_384 = arith.constant 16 : index
        %swap3A_385 = tpu.vector_load %arg14[%swap3A_383, %swap3A_384] {strides = array<i32>} : memref<256x128xf32, #tpu.memory_space<vmem>>, vector<16xf32>,
        tpu.vector_store %arg14[%swap3A_383, %swap3A_384], %mul3A_382 {strides = array<i32>} : memref<256x128xf32, #tpu.memory_space<vmem>>, vector<16xf32>,
        %get3A_386 = arith.index_cast %add3A_373 : i32 to index
        %get3A_387 = arith.constant 32 : index
        %get3A_388 = tpu.vector_load %arg14[%get3A_386, %get3A_387] {strides = array<i32>} : memref<256x128xf32, #tpu.memory_space<vmem>>, vector<16xf32>,
        %mul3A_389 = arith.mulf %get3A_388, %gather3A : vector<16xf32>
        %swap3A_390 = arith.index_cast %add3A_373 : i32 to index
        %swap3A_391 = arith.constant 32 : index
        %swap3A_392 = tpu.vector_load %arg14[%swap3A_390, %swap3A_391] {strides = array<i32>} : memref<256x128xf32, #tpu.memory_space<vmem>>, vector<16xf32>,
        tpu.vector_store %arg14[%swap3A_390, %swap3A_391], %mul3A_389 {strides = array<i32>} : memref<256x128xf32, #tpu.memory_space<vmem>>, vector<16xf32>,
        %get3A_393 = arith.index_cast %add3A_373 : i32 to index
        %get3A_394 = arith.constant 48 : index
        %get3A_395 = tpu.vector_load %arg14[%get3A_393, %get3A_394] {strides = array<i32>} : memref<256x128xf32, #tpu.memory_space<vmem>>, vector<16xf32>,
        %mul3A_396 = arith.mulf %get3A_395, %gather3A : vector<16xf32>
        %swap3A_397 = arith.index_cast %add3A_373 : i32 to index
        %swap3A_398 = arith.constant 48 : index
        %swap3A_399 = tpu.vector_load %arg14[%swap3A_397, %swap3A_398] {strides = array<i32>} : memref<256x128xf32, #tpu.memory_space<vmem>>, vector<16xf32>,
        tpu.vector_store %arg14[%swap3A_397, %swap3A_398], %mul3A_396 {strides = array<i32>} : memref<256x128xf32, #tpu.memory_space<vmem>>, vector<16xf32>,
        %get3A_400 = arith.index_cast %add3A_373 : i32 to index
        %get3A_401 = arith.constant 64 : index
        %get3A_402 = tpu.vector_load %arg14[%get3A_400, %get3A_401] {strides = array<i32>} : memref<256x128xf32, #tpu.memory_space<vmem>>, vector<16xf32>,
        %mul3A_403 = arith.mulf %get3A_402, %gather3A : vector<16xf32>
        %swap3A_404 = arith.index_cast %add3A_373 : i32 to index
        %swap3A_405 = arith.constant 64 : index
        %swap3A_406 = tpu.vector_load %arg14[%swap3A_404, %swap3A_405] {strides = array<i32>} : memref<256x128xf32, #tpu.memory_space<vmem>>, vector<16xf32>,
        tpu.vector_store %arg14[%swap3A_404, %swap3A_405], %mul3A_403 {strides = array<i32>} : memref<256x128xf32, #tpu.memory_space<vmem>>, vector<16xf32>,
        %get3A_407 = arith.index_cast %add3A_373 : i32 to index
        %get3A_408 = arith.constant 80 : index
        %get3A_409 = tpu.vector_load %arg14[%get3A_407, %get3A_408] {strides = array<i32>} : memref<256x128xf32, #tpu.memory_space<vmem>>, vector<16xf32>,
        %mul3A_410 = arith.mulf %get3A_409, %gather3A : vector<16xf32>
        %swap3A_411 = arith.index_cast %add3A_373 : i32 to index
        %swap3A_412 = arith.constant 80 : index
        %swap3A_413 = tpu.vector_load %arg14[%swap3A_411, %swap3A_412] {strides = array<i32>} : memref<256x128xf32, #tpu.memory_space<vmem>>, vector<16xf32>,
        tpu.vector_store %arg14[%swap3A_411, %swap3A_412], %mul3A_410 {strides = array<i32>} : memref<256x128xf32, #tpu.memory_space<vmem>>, vector<16xf32>,
        %get3A_414 = arith.index_cast %add3A_373 : i32 to index
        %get3A_415 = arith.constant 96 : index
        %get3A_416 = tpu.vector_load %arg14[%get3A_414, %get3A_415] {strides = array<i32>} : memref<256x128xf32, #tpu.memory_space<vmem>>, vector<16xf32>,
        %mul3A_417 = arith.mulf %get3A_416, %gather3A : vector<16xf32>
        %swap3A_418 = arith.index_cast %add3A_373 : i32 to index
        %swap3A_419 = arith.constant 96 : index
        %swap3A_420 = tpu.vector_load %arg14[%swap3A_418, %swap3A_419] {strides = array<i32>} : memref<256x128xf32, #tpu.memory_space<vmem>>, vector<16xf32>,
        tpu.vector_store %arg14[%swap3A_418, %swap3A_419], %mul3A_417 {strides = array<i32>} : memref<256x128xf32, #tpu.memory_space<vmem>>, vector<16xf32>,
        %get3A_421 = arith.index_cast %add3A_373 : i32 to index
        %get3A_422 = arith.constant 112 : index
        %get3A_423 = tpu.vector_load %arg14[%get3A_421, %get3A_422] {strides = array<i32>} : memref<256x128xf32, #tpu.memory_space<vmem>>, vector<16xf32>,
        %mul3A_424 = arith.mulf %get3A_423, %gather3A : vector<16xf32>
        %swap3A_425 = arith.index_cast %add3A_373 : i32 to index
        %swap3A_426 = arith.constant 112 : index
        %swap3A_427 = tpu.vector_load %arg14[%swap3A_425, %swap3A_426] {strides = array<i32>} : memref<256x128xf32, #tpu.memory_space<vmem>>, vector<16xf32>,
        tpu.vector_store %arg14[%swap3A_425, %swap3A_426], %mul3A_424 {strides = array<i32>} : memref<256x128xf32, #tpu.memory_space<vmem>>, vector<16xf32>,
        %scan3A_428 = arith.constant 0 : i32
        %scan3A_429 = arith.constant 1 : i32
        %scan3A_430 = arith.addi %scan3A_367, %scan3A_429 : i32
        %add3A_431 = arith.constant 1152 : i32
        %add3A_432 = arith.addi %add3A_431, %scan3A_430 : i32
        %broadcast_in_dim3A_433 = vector.broadcast %add3A_432 : i32 to vector<16xi32>
        %gather3A_434 = tpu.vector_load_idx %arg11[%broadcast_in_dim3A_433] : memref<1280xf32, #tpu.memory_space<vmem>>[vector<16xi32>], vector<16xf32>,
        %add3A_435 = arith.constant 128 : i32
        %add3A_436 = arith.addi %add3A_435, %scan3A_430 : i32
        %get3A_437 = arith.index_cast %add3A_436 : i32 to index
        %get3A_438 = arith.constant 0 : index
        %get3A_439 = tpu.vector_load %arg14[%get3A_437, %get3A_438] {strides = array<i32>} : memref<256x128xf32, #tpu.memory_space<vmem>>, vector<16xf32>,
        %mul3A_440 = arith.mulf %get3A_439, %gather3A_434 : vector<16xf32>
        %swap3A_441 = arith.index_cast %add3A_436 : i32 to index
        %swap3A_442 = arith.constant 0 : index
        %swap3A_443 = tpu.vector_load %arg14[%swap3A_441, %swap3A_442] {strides = array<i32>} : memref<256x128xf32, #tpu.memory_space<vmem>>, vector<16xf32>,
        tpu.vector_store %arg14[%swap3A_441, %swap3A_442], %mul3A_440 {strides = array<i32>} : memref<256x128xf32, #tpu.memory_space<vmem>>, vector<16xf32>,
        %get3A_444 = arith.index_cast %add3A_436 : i32 to index
        %get3A_445 = arith.constant 16 : index
        %get3A_446 = tpu.vector_load %arg14[%get3A_444, %get3A_445] {strides = array<i32>} : memref<256x128xf32, #tpu.memory_space<vmem>>, vector<16xf32>,
        %mul3A_447 = arith.mulf %get3A_446, %gather3A_434 : vector<16xf32>
        %swap3A_448 = arith.index_cast %add3A_436 : i32 to index
        %swap3A_449 = arith.constant 16 : index
        %swap3A_450 = tpu.vector_load %arg14[%swap3A_448, %swap3A_449] {strides = array<i32>} : memref<256x128xf32, #tpu.memory_space<vmem>>, vector<16xf32>,
        tpu.vector_store %arg14[%swap3A_448, %swap3A_449], %mul3A_447 {strides = array<i32>} : memref<256x128xf32, #tpu.memory_space<vmem>>, vector<16xf32>,
        %get3A_451 = arith.index_cast %add3A_436 : i32 to index
        %get3A_452 = arith.constant 32 : index
        %get3A_453 = tpu.vector_load %arg14[%get3A_451, %get3A_452] {strides = array<i32>} : memref<256x128xf32, #tpu.memory_space<vmem>>, vector<16xf32>,
        %mul3A_454 = arith.mulf %get3A_453, %gather3A_434 : vector<16xf32>
        %swap3A_455 = arith.index_cast %add3A_436 : i32 to index
        %swap3A_456 = arith.constant 32 : index
        %swap3A_457 = tpu.vector_load %arg14[%swap3A_455, %swap3A_456] {strides = array<i32>} : memref<256x128xf32, #tpu.memory_space<vmem>>, vector<16xf32>,
        tpu.vector_store %arg14[%swap3A_455, %swap3A_456], %mul3A_454 {strides = array<i32>} : memref<256x128xf32, #tpu.memory_space<vmem>>, vector<16xf32>,
        %get3A_458 = arith.index_cast %add3A_436 : i32 to index
        %get3A_459 = arith.constant 48 : index
        %get3A_460 = tpu.vector_load %arg14[%get3A_458, %get3A_459] {strides = array<i32>} : memref<256x128xf32, #tpu.memory_space<vmem>>, vector<16xf32>,
        %mul3A_461 = arith.mulf %get3A_460, %gather3A_434 : vector<16xf32>
        %swap3A_462 = arith.index_cast %add3A_436 : i32 to index
        %swap3A_463 = arith.constant 48 : index
        %swap3A_464 = tpu.vector_load %arg14[%swap3A_462, %swap3A_463] {strides = array<i32>} : memref<256x128xf32, #tpu.memory_space<vmem>>, vector<16xf32>,
        tpu.vector_store %arg14[%swap3A_462, %swap3A_463], %mul3A_461 {strides = array<i32>} : memref<256x128xf32, #tpu.memory_space<vmem>>, vector<16xf32>,
        %get3A_465 = arith.index_cast %add3A_436 : i32 to index
        %get3A_466 = arith.constant 64 : index
        %get3A_467 = tpu.vector_load %arg14[%get3A_465, %get3A_466] {strides = array<i32>} : memref<256x128xf32, #tpu.memory_space<vmem>>, vector<16xf32>,
        %mul3A_468 = arith.mulf %get3A_467, %gather3A_434 : vector<16xf32>
        %swap3A_469 = arith.index_cast %add3A_436 : i32 to index
        %swap3A_470 = arith.constant 64 : index
        %swap3A_471 = tpu.vector_load %arg14[%swap3A_469, %swap3A_470] {strides = array<i32>} : memref<256x128xf32, #tpu.memory_space<vmem>>, vector<16xf32>,
        tpu.vector_store %arg14[%swap3A_469, %swap3A_470], %mul3A_468 {strides = array<i32>} : memref<256x128xf32, #tpu.memory_space<vmem>>, vector<16xf32>,
        %get3A_472 = arith.index_cast %add3A_436 : i32 to index
        %get3A_473 = arith.constant 80 : index
        %get3A_474 = tpu.vector_load %arg14[%get3A_472, %get3A_473] {strides = array<i32>} : memref<256x128xf32, #tpu.memory_space<vmem>>, vector<16xf32>,
        %mul3A_475 = arith.mulf %get3A_474, %gather3A_434 : vector<16xf32>
        %swap3A_476 = arith.index_cast %add3A_436 : i32 to index
        %swap3A_477 = arith.constant 80 : index
        %swap3A_478 = tpu.vector_load %arg14[%swap3A_476, %swap3A_477] {strides = array<i32>} : memref<256x128xf32, #tpu.memory_space<vmem>>, vector<16xf32>,
        tpu.vector_store %arg14[%swap3A_476, %swap3A_477], %mul3A_475 {strides = array<i32>} : memref<256x128xf32, #tpu.memory_space<vmem>>, vector<16xf32>,
        %get3A_479 = arith.index_cast %add3A_436 : i32 to index
        %get3A_480 = arith.constant 96 : index
        %get3A_481 = tpu.vector_load %arg14[%get3A_479, %get3A_480] {strides = array<i32>} : memref<256x128xf32, #tpu.memory_space<vmem>>, vector<16xf32>,
        %mul3A_482 = arith.mulf %get3A_481, %gather3A_434 : vector<16xf32>
        %swap3A_483 = arith.index_cast %add3A_436 : i32 to index
        %swap3A_484 = arith.constant 96 : index
        %swap3A_485 = tpu.vector_load %arg14[%swap3A_483, %swap3A_484] {strides = array<i32>} : memref<256x128xf32, #tpu.memory_space<vmem>>, vector<16xf32>,
        tpu.vector_store %arg14[%swap3A_483, %swap3A_484], %mul3A_482 {strides = array<i32>} : memref<256x128xf32, #tpu.memory_space<vmem>>, vector<16xf32>,
        %get3A_486 = arith.index_cast %add3A_436 : i32 to index
        %get3A_487 = arith.constant 112 : index
        %get3A_488 = tpu.vector_load %arg14[%get3A_486, %get3A_487] {strides = array<i32>} : memref<256x128xf32, #tpu.memory_space<vmem>>, vector<16xf32>,
        %mul3A_489 = arith.mulf %get3A_488, %gather3A_434 : vector<16xf32>
        %swap3A_490 = arith.index_cast %add3A_436 : i32 to index
        %swap3A_491 = arith.constant 112 : index
        %swap3A_492 = tpu.vector_load %arg14[%swap3A_490, %swap3A_491] {strides = array<i32>} : memref<256x128xf32, #tpu.memory_space<vmem>>, vector<16xf32>,
        tpu.vector_store %arg14[%swap3A_490, %swap3A_491], %mul3A_489 {strides = array<i32>} : memref<256x128xf32, #tpu.memory_space<vmem>>, vector<16xf32>,
        %scan3A_493 = arith.constant 0 : i32
        scf.yield %scan3A_493 : i32
      }
      %scan3A_364 = arith.constant 128 : i32
      %run_scoped3A_365 = arith.constant 9 : i32
      "tpu.region"() ({
        %run_scoped3A_367 = tpu.sem_alloc : memref<!tpu.dma_semaphore, #tpu.memory_space<semaphore_mem>>
        %dma_start3A_368 = arith.constant 128 : i32
        %dma_start3A_369 = arith.constant 0 : i32
        %dma_start3A_370 = tpu.memref_slice %arg14[%dma_start3A_368, %dma_start3A_369] : memref<256x128xf32, #tpu.memory_space<vmem>> -> memref<128x128xf32, #tpu.memory_space<vmem>>
        %dma_start3A_371 = arith.constant 0 : i32
        %dma_start3A_372 = tpu.memref_slice %arg13[%run_scoped3A_365, %dma_start3A_371] : memref<10x128xi32, #tpu.memory_space<vmem>> -> memref<1x128xi32, #tpu.memory_space<vmem>>
        %dma_start3A_373 = tpu.memref_squeeze %dma_start3A_372 : memref<1x128xi32, #tpu.memory_space<vmem>> -> memref<128xi32, #tpu.memory_space<vmem>>
        %dma_start3A_374 = arith.constant 0 : i32
        %dma_start3A_375 = arith.constant 0 : i32
        %dma_start3A_376 = tpu.memref_slice %arg15[%dma_start3A_374, %dma_start3A_375] : memref<10112x128xf32, #tpu.memory_space<vmem_shared>> -> memref<10112x128xf32, #tpu.memory_space<vmem_shared>>
        tpu.enqueue_indirect_dma source(%dma_start3A_370 : memref<128x128xf32, #tpu.memory_space<vmem>>) target(%dma_start3A_376 : memref<10112x128xf32, #tpu.memory_space<vmem_shared>>) offsets(%dma_start3A_373 : memref<128xi32, #tpu.memory_space<vmem>>) semaphore(%run_scoped3A_367 : memref<!tpu.dma_semaphore, #tpu.memory_space<semaphore_mem>>) {add = true}
        %dma_wait3A_377 = arith.constant 128 : i32
        %dma_wait3A_378 = arith.constant 0 : i32
        %dma_wait3A_379 = tpu.memref_slice %arg14[%dma_wait3A_377, %dma_wait3A_378] : memref<256x128xf32, #tpu.memory_space<vmem>> -> memref<128x128xf32, #tpu.memory_space<vmem>>
        %dma_wait3A_380 = arith.constant 0 : i32
        %dma_wait3A_381 = tpu.memref_slice %arg13[%run_scoped3A_365, %dma_wait3A_380] : memref<10x128xi32, #tpu.memory_space<vmem>> -> memref<1x128xi32, #tpu.memory_space<vmem>>
        %dma_wait3A_382 = tpu.memref_squeeze %dma_wait3A_381 : memref<1x128xi32, #tpu.memory_space<vmem>> -> memref<128xi32, #tpu.memory_space<vmem>>
        %dma_wait3A_383 = arith.constant 0 : i32
        %dma_wait3A_384 = arith.constant 0 : i32
        %dma_wait3A_385 = tpu.memref_slice %arg15[%dma_wait3A_383, %dma_wait3A_384] : memref<10112x128xf32, #tpu.memory_space<vmem_shared>> -> memref<10112x128xf32, #tpu.memory_space<vmem_shared>>
        tpu.wait_indirect_dma semaphore(%run_scoped3A_367 : memref<!tpu.dma_semaphore, #tpu.memory_space<semaphore_mem>>) src(%dma_wait3A_379 : memref<128x128xf32, #tpu.memory_space<vmem>>) dst(%dma_wait3A_385 : memref<10112x128xf32, #tpu.memory_space<vmem_shared>>)
        tpu.yield
      }) : () -> ()
      %scan3A_366 = arith.constant 0 : i32
      scf.yield %scan3A_366 : i32
    }
    %scan3A_33 = arith.constant 16 : i32
    %barrier3A_34 = arith.constant 0 : index
    tpu.barrier barrier_id(%barrier3A_34)
    %mul3A_35 = arith.constant 632 : i32
    %mul3A_36 = arith.muli %arg1, %mul3A_35 : i32
    %add3A_37 = arith.constant 0 : i32
    %add3A_38 = arith.addi %mul3A_36, %add3A_37 : i32
    %mul3A_39 = arith.constant 632 : i32
    %mul3A_40 = arith.muli %arg1, %mul3A_39 : i32
    %add3A_41 = arith.constant 0 : i32
    %add3A_42 = arith.addi %mul3A_40, %add3A_41 : i32
    "tpu.region"() ({
      %run_scoped3A = tpu.sem_alloc : memref<!tpu.dma_semaphore, #tpu.memory_space<semaphore_mem>>
      %dma_start3A = arith.constant 0 : i32
      %dma_start3A_75 = tpu.memref_slice %arg7[%arg0, %add3A_42, %dma_start3A] : memref<2x10112x128xf32, #tpu.memory_space<hbm>> -> memref<1x128x128xf32, #tpu.memory_space<hbm>>
      %dma_start3A_76 = tpu.memref_squeeze %dma_start3A_75 : memref<1x128x128xf32, #tpu.memory_space<hbm>> -> memref<128x128xf32, #tpu.memory_space<hbm>>
      %dma_start3A_77 = arith.constant 0 : i32
      %dma_start3A_78 = tpu.memref_slice %arg15[%add3A_38, %dma_start3A_77] : memref<10112x128xf32, #tpu.memory_space<vmem_shared>> -> memref<128x128xf32, #tpu.memory_space<vmem_shared>>
      tpu.enqueue_dma source(%dma_start3A_78 : memref<128x128xf32, #tpu.memory_space<vmem_shared>>) target(%dma_start3A_76 : memref<128x128xf32, #tpu.memory_space<hbm>>) target_semaphore(%run_scoped3A : memref<!tpu.dma_semaphore, #tpu.memory_space<semaphore_mem>>)
      %dma_wait3A = arith.constant 0 : i32
      %dma_wait3A_79 = tpu.memref_slice %arg7[%arg0, %add3A_42, %dma_wait3A] : memref<2x10112x128xf32, #tpu.memory_space<hbm>> -> memref<1x128x128xf32, #tpu.memory_space<hbm>>
      %dma_wait3A_80 = tpu.memref_squeeze %dma_wait3A_79 : memref<1x128x128xf32, #tpu.memory_space<hbm>> -> memref<128x128xf32, #tpu.memory_space<hbm>>
      %dma_wait3A_81 = arith.constant 0 : i32
      %dma_wait3A_82 = tpu.memref_slice %arg15[%add3A_38, %dma_wait3A_81] : memref<10112x128xf32, #tpu.memory_space<vmem_shared>> -> memref<128x128xf32, #tpu.memory_space<vmem_shared>>
      tpu.wait_dma2 semaphore(%run_scoped3A : memref<!tpu.dma_semaphore, #tpu.memory_space<semaphore_mem>>) src(%dma_wait3A_82 : memref<128x128xf32, #tpu.memory_space<vmem_shared>>) dst(%dma_wait3A_80 : memref<128x128xf32, #tpu.memory_space<hbm>>)
      tpu.yield
    }) : () -> ()
    %mul3A_43 = arith.constant 632 : i32
    %mul3A_44 = arith.muli %arg1, %mul3A_43 : i32
    %add3A_45 = arith.constant 128 : i32
    %add3A_46 = arith.addi %mul3A_44, %add3A_45 : i32
    %mul3A_47 = arith.constant 632 : i32
    %mul3A_48 = arith.muli %arg1, %mul3A_47 : i32
    %add3A_49 = arith.constant 128 : i32
    %add3A_50 = arith.addi %mul3A_48, %add3A_49 : i32
    "tpu.region"() ({
      %run_scoped3A = tpu.sem_alloc : memref<!tpu.dma_semaphore, #tpu.memory_space<semaphore_mem>>
      %dma_start3A = arith.constant 0 : i32
      %dma_start3A_75 = tpu.memref_slice %arg7[%arg0, %add3A_50, %dma_start3A] : memref<2x10112x128xf32, #tpu.memory_space<hbm>> -> memref<1x128x128xf32, #tpu.memory_space<hbm>>
      %dma_start3A_76 = tpu.memref_squeeze %dma_start3A_75 : memref<1x128x128xf32, #tpu.memory_space<hbm>> -> memref<128x128xf32, #tpu.memory_space<hbm>>
      %dma_start3A_77 = arith.constant 0 : i32
      %dma_start3A_78 = tpu.memref_slice %arg15[%add3A_46, %dma_start3A_77] : memref<10112x128xf32, #tpu.memory_space<vmem_shared>> -> memref<128x128xf32, #tpu.memory_space<vmem_shared>>
      tpu.enqueue_dma source(%dma_start3A_78 : memref<128x128xf32, #tpu.memory_space<vmem_shared>>) target(%dma_start3A_76 : memref<128x128xf32, #tpu.memory_space<hbm>>) target_semaphore(%run_scoped3A : memref<!tpu.dma_semaphore, #tpu.memory_space<semaphore_mem>>)
      %dma_wait3A = arith.constant 0 : i32
      %dma_wait3A_79 = tpu.memref_slice %arg7[%arg0, %add3A_50, %dma_wait3A] : memref<2x10112x128xf32, #tpu.memory_space<hbm>> -> memref<1x128x128xf32, #tpu.memory_space<hbm>>
      %dma_wait3A_80 = tpu.memref_squeeze %dma_wait3A_79 : memref<1x128x128xf32, #tpu.memory_space<hbm>> -> memref<128x128xf32, #tpu.memory_space<hbm>>
      %dma_wait3A_81 = arith.constant 0 : i32
      %dma_wait3A_82 = tpu.memref_slice %arg15[%add3A_46, %dma_wait3A_81] : memref<10112x128xf32, #tpu.memory_space<vmem_shared>> -> memref<128x128xf32, #tpu.memory_space<vmem_shared>>
      tpu.wait_dma2 semaphore(%run_scoped3A : memref<!tpu.dma_semaphore, #tpu.memory_space<semaphore_mem>>) src(%dma_wait3A_82 : memref<128x128xf32, #tpu.memory_space<vmem_shared>>) dst(%dma_wait3A_80 : memref<128x128xf32, #tpu.memory_space<hbm>>)
      tpu.yield
    }) : () -> ()
    %mul3A_51 = arith.constant 632 : i32
    %mul3A_52 = arith.muli %arg1, %mul3A_51 : i32
    %add3A_53 = arith.constant 256 : i32
    %add3A_54 = arith.addi %mul3A_52, %add3A_53 : i32
    %mul3A_55 = arith.constant 632 : i32
    %mul3A_56 = arith.muli %arg1, %mul3A_55 : i32
    %add3A_57 = arith.constant 256 : i32
    %add3A_58 = arith.addi %mul3A_56, %add3A_57 : i32
    "tpu.region"() ({
      %run_scoped3A = tpu.sem_alloc : memref<!tpu.dma_semaphore, #tpu.memory_space<semaphore_mem>>
      %dma_start3A = arith.constant 0 : i32
      %dma_start3A_75 = tpu.memref_slice %arg7[%arg0, %add3A_58, %dma_start3A] : memref<2x10112x128xf32, #tpu.memory_space<hbm>> -> memref<1x128x128xf32, #tpu.memory_space<hbm>>
      %dma_start3A_76 = tpu.memref_squeeze %dma_start3A_75 : memref<1x128x128xf32, #tpu.memory_space<hbm>> -> memref<128x128xf32, #tpu.memory_space<hbm>>
      %dma_start3A_77 = arith.constant 0 : i32
      %dma_start3A_78 = tpu.memref_slice %arg15[%add3A_54, %dma_start3A_77] : memref<10112x128xf32, #tpu.memory_space<vmem_shared>> -> memref<128x128xf32, #tpu.memory_space<vmem_shared>>
      tpu.enqueue_dma source(%dma_start3A_78 : memref<128x128xf32, #tpu.memory_space<vmem_shared>>) target(%dma_start3A_76 : memref<128x128xf32, #tpu.memory_space<hbm>>) target_semaphore(%run_scoped3A : memref<!tpu.dma_semaphore, #tpu.memory_space<semaphore_mem>>)
      %dma_wait3A = arith.constant 0 : i32
      %dma_wait3A_79 = tpu.memref_slice %arg7[%arg0, %add3A_58, %dma_wait3A] : memref<2x10112x128xf32, #tpu.memory_space<hbm>> -> memref<1x128x128xf32, #tpu.memory_space<hbm>>
      %dma_wait3A_80 = tpu.memref_squeeze %dma_wait3A_79 : memref<1x128x128xf32, #tpu.memory_space<hbm>> -> memref<128x128xf32, #tpu.memory_space<hbm>>
      %dma_wait3A_81 = arith.constant 0 : i32
      %dma_wait3A_82 = tpu.memref_slice %arg15[%add3A_54, %dma_wait3A_81] : memref<10112x128xf32, #tpu.memory_space<vmem_shared>> -> memref<128x128xf32, #tpu.memory_space<vmem_shared>>
      tpu.wait_dma2 semaphore(%run_scoped3A : memref<!tpu.dma_semaphore, #tpu.memory_space<semaphore_mem>>) src(%dma_wait3A_82 : memref<128x128xf32, #tpu.memory_space<vmem_shared>>) dst(%dma_wait3A_80 : memref<128x128xf32, #tpu.memory_space<hbm>>)
      tpu.yield
    }) : () -> ()
    %mul3A_59 = arith.constant 632 : i32
    %mul3A_60 = arith.muli %arg1, %mul3A_59 : i32
    %add3A_61 = arith.constant 384 : i32
    %add3A_62 = arith.addi %mul3A_60, %add3A_61 : i32
    %mul3A_63 = arith.constant 632 : i32
    %mul3A_64 = arith.muli %arg1, %mul3A_63 : i32
    %add3A_65 = arith.constant 384 : i32
    %add3A_66 = arith.addi %mul3A_64, %add3A_65 : i32
    "tpu.region"() ({
      %run_scoped3A = tpu.sem_alloc : memref<!tpu.dma_semaphore, #tpu.memory_space<semaphore_mem>>
      %dma_start3A = arith.constant 0 : i32
      %dma_start3A_75 = tpu.memref_slice %arg7[%arg0, %add3A_66, %dma_start3A] : memref<2x10112x128xf32, #tpu.memory_space<hbm>> -> memref<1x128x128xf32, #tpu.memory_space<hbm>>
      %dma_start3A_76 = tpu.memref_squeeze %dma_start3A_75 : memref<1x128x128xf32, #tpu.memory_space<hbm>> -> memref<128x128xf32, #tpu.memory_space<hbm>>
      %dma_start3A_77 = arith.constant 0 : i32
      %dma_start3A_78 = tpu.memref_slice %arg15[%add3A_62, %dma_start3A_77] : memref<10112x128xf32, #tpu.memory_space<vmem_shared>> -> memref<128x128xf32, #tpu.memory_space<vmem_shared>>
      tpu.enqueue_dma source(%dma_start3A_78 : memref<128x128xf32, #tpu.memory_space<vmem_shared>>) target(%dma_start3A_76 : memref<128x128xf32, #tpu.memory_space<hbm>>) target_semaphore(%run_scoped3A : memref<!tpu.dma_semaphore, #tpu.memory_space<semaphore_mem>>)
      %dma_wait3A = arith.constant 0 : i32
      %dma_wait3A_79 = tpu.memref_slice %arg7[%arg0, %add3A_66, %dma_wait3A] : memref<2x10112x128xf32, #tpu.memory_space<hbm>> -> memref<1x128x128xf32, #tpu.memory_space<hbm>>
      %dma_wait3A_80 = tpu.memref_squeeze %dma_wait3A_79 : memref<1x128x128xf32, #tpu.memory_space<hbm>> -> memref<128x128xf32, #tpu.memory_space<hbm>>
      %dma_wait3A_81 = arith.constant 0 : i32
      %dma_wait3A_82 = tpu.memref_slice %arg15[%add3A_62, %dma_wait3A_81] : memref<10112x128xf32, #tpu.memory_space<vmem_shared>> -> memref<128x128xf32, #tpu.memory_space<vmem_shared>>
      tpu.wait_dma2 semaphore(%run_scoped3A : memref<!tpu.dma_semaphore, #tpu.memory_space<semaphore_mem>>) src(%dma_wait3A_82 : memref<128x128xf32, #tpu.memory_space<vmem_shared>>) dst(%dma_wait3A_80 : memref<128x128xf32, #tpu.memory_space<hbm>>)
      tpu.yield
    }) : () -> ()
    %mul3A_67 = arith.constant 632 : i32
    %mul3A_68 = arith.muli %arg1, %mul3A_67 : i32
    %add3A_69 = arith.constant 512 : i32
    %add3A_70 = arith.addi %mul3A_68, %add3A_69 : i32
    %mul3A_71 = arith.constant 632 : i32
    %mul3A_72 = arith.muli %arg1, %mul3A_71 : i32
    %add3A_73 = arith.constant 512 : i32
    %add3A_74 = arith.addi %mul3A_72, %add3A_73 : i32
    "tpu.region"() ({
      %run_scoped3A = tpu.sem_alloc : memref<!tpu.dma_semaphore, #tpu.memory_space<semaphore_mem>>
      %dma_start3A = arith.constant 0 : i32
      %dma_start3A_75 = tpu.memref_slice %arg7[%arg0, %add3A_74, %dma_start3A] : memref<2x10112x128xf32, #tpu.memory_space<hbm>> -> memref<1x120x128xf32, #tpu.memory_space<hbm>>
      %dma_start3A_76 = tpu.memref_squeeze %dma_start3A_75 : memref<1x120x128xf32, #tpu.memory_space<hbm>> -> memref<120x128xf32, #tpu.memory_space<hbm>>
      %dma_start3A_77 = arith.constant 0 : i32
      %dma_start3A_78 = tpu.memref_slice %arg15[%add3A_70, %dma_start3A_77] : memref<10112x128xf32, #tpu.memory_space<vmem_shared>> -> memref<120x128xf32, #tpu.memory_space<vmem_shared>>
      tpu.enqueue_dma source(%dma_start3A_78 : memref<120x128xf32, #tpu.memory_space<vmem_shared>>) target(%dma_start3A_76 : memref<120x128xf32, #tpu.memory_space<hbm>>) target_semaphore(%run_scoped3A : memref<!tpu.dma_semaphore, #tpu.memory_space<semaphore_mem>>)
      %dma_wait3A = arith.constant 0 : i32
      %dma_wait3A_79 = tpu.memref_slice %arg7[%arg0, %add3A_74, %dma_wait3A] : memref<2x10112x128xf32, #tpu.memory_space<hbm>> -> memref<1x120x128xf32, #tpu.memory_space<hbm>>
      %dma_wait3A_80 = tpu.memref_squeeze %dma_wait3A_79 : memref<1x120x128xf32, #tpu.memory_space<hbm>> -> memref<120x128xf32, #tpu.memory_space<hbm>>
      %dma_wait3A_81 = arith.constant 0 : i32
      %dma_wait3A_82 = tpu.memref_slice %arg15[%add3A_70, %dma_wait3A_81] : memref<10112x128xf32, #tpu.memory_space<vmem_shared>> -> memref<120x128xf32, #tpu.memory_space<vmem_shared>>
      tpu.wait_dma2 semaphore(%run_scoped3A : memref<!tpu.dma_semaphore, #tpu.memory_space<semaphore_mem>>) src(%dma_wait3A_82 : memref<120x128xf32, #tpu.memory_space<vmem_shared>>) dst(%dma_wait3A_80 : memref<120x128xf32, #tpu.memory_space<hbm>>)
      tpu.yield
    }) : () -> ()
    return
  }
}

#map = affine_map<(d0, d1) -> (0)>
#map1 = affine_map<(d0, d1) -> (0, 0, 0)>
module attributes {stable_mosaic.version = 14 : i64} {
  func.func @body(%arg0: i32, %arg1: i32, %arg2: memref<327680xi32, #tpu.memory_space<hbm>>, %arg3: memref<327680xi32, #tpu.memory_space<hbm>>, %arg4: memref<2x640x128xi32, #tpu.memory_space<hbm>>, %arg5: memref<640x128xi32, #tpu.memory_space<vmem>>, %arg6: memref<2560xi32, #tpu.memory_space<vmem>>, %arg7: memref<2560xi32, #tpu.memory_space<vmem>>, %arg8: memref<5x128xi32, #tpu.memory_space<vmem>>, %arg9: memref<640x128xi32, #tpu.memory_space<vmem_shared>>) attributes {dimension_semantics = [#tpu.dimension_semantics<core_parallel>, #tpu.dimension_semantics<subcore_parallel>], iteration_bounds = array<i64: 2, 16>, scalar_prefetch = 0 : i64, scratch_operands = 5 : i64, tpu.core_type = #tpu.core_type<sc_vector_subcore>, window_params = [{transform_indices = #map}, {transform_indices = #map}, {transform_indices = #map1}]} {
    %mul3A = arith.constant 16 : i32
    %mul3A_0 = arith.muli %arg0, %mul3A : i32
    %add3A = arith.addi %mul3A_0, %arg1 : i32
    %iota3A = tpu.iota {dimensions = array<i32: 0>} : vector<16xi32>
    %broadcast_in_dim3A = arith.constant 0 : i32
    %broadcast_in_dim3A_1 = vector.broadcast %broadcast_in_dim3A : i32 to vector<16xi32>
    %scan3A = arith.constant 0 : i32
    %scan3A_2 = arith.constant 0 : i32
    %scan3A_3 = arith.constant 640 : i32
    %scan3A_4 = arith.addi %scan3A_2, %scan3A_3 : i32
    %scan3A_5 = arith.constant 1 : i32
    %scan3A_6 = scf.for %scan3A_305 = %scan3A_2 to %scan3A_4 step %scan3A_5 iter_args(%scan3A_306 = %scan3A) -> (i32)  : i32 {
      %swap3A_307 = arith.index_cast %scan3A_305 : i32 to index
      %swap3A_308 = arith.constant 0 : index
      %swap3A_309 = tpu.vector_load %arg5[%swap3A_307, %swap3A_308] {strides = array<i32>} : memref<640x128xi32, #tpu.memory_space<vmem>>, vector<16xi32>,
      tpu.vector_store %arg5[%swap3A_307, %swap3A_308], %broadcast_in_dim3A_1 {strides = array<i32>} : memref<640x128xi32, #tpu.memory_space<vmem>>, vector<16xi32>,
      %swap3A_310 = arith.index_cast %scan3A_305 : i32 to index
      %swap3A_311 = arith.constant 16 : index
      %swap3A_312 = tpu.vector_load %arg5[%swap3A_310, %swap3A_311] {strides = array<i32>} : memref<640x128xi32, #tpu.memory_space<vmem>>, vector<16xi32>,
      tpu.vector_store %arg5[%swap3A_310, %swap3A_311], %broadcast_in_dim3A_1 {strides = array<i32>} : memref<640x128xi32, #tpu.memory_space<vmem>>, vector<16xi32>,
      %swap3A_313 = arith.index_cast %scan3A_305 : i32 to index
      %swap3A_314 = arith.constant 32 : index
      %swap3A_315 = tpu.vector_load %arg5[%swap3A_313, %swap3A_314] {strides = array<i32>} : memref<640x128xi32, #tpu.memory_space<vmem>>, vector<16xi32>,
      tpu.vector_store %arg5[%swap3A_313, %swap3A_314], %broadcast_in_dim3A_1 {strides = array<i32>} : memref<640x128xi32, #tpu.memory_space<vmem>>, vector<16xi32>,
      %swap3A_316 = arith.index_cast %scan3A_305 : i32 to index
      %swap3A_317 = arith.constant 48 : index
      %swap3A_318 = tpu.vector_load %arg5[%swap3A_316, %swap3A_317] {strides = array<i32>} : memref<640x128xi32, #tpu.memory_space<vmem>>, vector<16xi32>,
      tpu.vector_store %arg5[%swap3A_316, %swap3A_317], %broadcast_in_dim3A_1 {strides = array<i32>} : memref<640x128xi32, #tpu.memory_space<vmem>>, vector<16xi32>,
      %swap3A_319 = arith.index_cast %scan3A_305 : i32 to index
      %swap3A_320 = arith.constant 64 : index
      %swap3A_321 = tpu.vector_load %arg5[%swap3A_319, %swap3A_320] {strides = array<i32>} : memref<640x128xi32, #tpu.memory_space<vmem>>, vector<16xi32>,
      tpu.vector_store %arg5[%swap3A_319, %swap3A_320], %broadcast_in_dim3A_1 {strides = array<i32>} : memref<640x128xi32, #tpu.memory_space<vmem>>, vector<16xi32>,
      %swap3A_322 = arith.index_cast %scan3A_305 : i32 to index
      %swap3A_323 = arith.constant 80 : index
      %swap3A_324 = tpu.vector_load %arg5[%swap3A_322, %swap3A_323] {strides = array<i32>} : memref<640x128xi32, #tpu.memory_space<vmem>>, vector<16xi32>,
      tpu.vector_store %arg5[%swap3A_322, %swap3A_323], %broadcast_in_dim3A_1 {strides = array<i32>} : memref<640x128xi32, #tpu.memory_space<vmem>>, vector<16xi32>,
      %swap3A_325 = arith.index_cast %scan3A_305 : i32 to index
      %swap3A_326 = arith.constant 96 : index
      %swap3A_327 = tpu.vector_load %arg5[%swap3A_325, %swap3A_326] {strides = array<i32>} : memref<640x128xi32, #tpu.memory_space<vmem>>, vector<16xi32>,
      tpu.vector_store %arg5[%swap3A_325, %swap3A_326], %broadcast_in_dim3A_1 {strides = array<i32>} : memref<640x128xi32, #tpu.memory_space<vmem>>, vector<16xi32>,
      %swap3A_328 = arith.index_cast %scan3A_305 : i32 to index
      %swap3A_329 = arith.constant 112 : index
      %swap3A_330 = tpu.vector_load %arg5[%swap3A_328, %swap3A_329] {strides = array<i32>} : memref<640x128xi32, #tpu.memory_space<vmem>>, vector<16xi32>,
      tpu.vector_store %arg5[%swap3A_328, %swap3A_329], %broadcast_in_dim3A_1 {strides = array<i32>} : memref<640x128xi32, #tpu.memory_space<vmem>>, vector<16xi32>,
      %scan3A_331 = arith.constant 0 : i32
      scf.yield %scan3A_331 : i32
    }
    %scan3A_7 = arith.constant 640 : i32
    %add3A_8 = arith.constant 0 : i32
    %add3A_9 = vector.broadcast %add3A_8 : i32 to vector<16xi32>
    %add3A_10 = arith.addi %iota3A, %add3A_9 : vector<16xi32>
    %swap3A = arith.constant 0 : i32
    %swap3A_11 = arith.index_cast %swap3A : i32 to index
    %swap3A_12 = arith.constant 0 : index
    %swap3A_13 = tpu.vector_load %arg8[%swap3A_11, %swap3A_12] {strides = array<i32>} : memref<5x128xi32, #tpu.memory_space<vmem>>, vector<16xi32>,
    tpu.vector_store %arg8[%swap3A_11, %swap3A_12], %add3A_10 {strides = array<i32>} : memref<5x128xi32, #tpu.memory_space<vmem>>, vector<16xi32>,
    %add3A_14 = arith.constant 16 : i32
    %add3A_15 = vector.broadcast %add3A_14 : i32 to vector<16xi32>
    %add3A_16 = arith.addi %iota3A, %add3A_15 : vector<16xi32>
    %swap3A_17 = arith.constant 0 : i32
    %swap3A_18 = arith.index_cast %swap3A_17 : i32 to index
    %swap3A_19 = arith.constant 16 : index
    %swap3A_20 = tpu.vector_load %arg8[%swap3A_18, %swap3A_19] {strides = array<i32>} : memref<5x128xi32, #tpu.memory_space<vmem>>, vector<16xi32>,
    tpu.vector_store %arg8[%swap3A_18, %swap3A_19], %add3A_16 {strides = array<i32>} : memref<5x128xi32, #tpu.memory_space<vmem>>, vector<16xi32>,
    %add3A_21 = arith.constant 32 : i32
    %add3A_22 = vector.broadcast %add3A_21 : i32 to vector<16xi32>
    %add3A_23 = arith.addi %iota3A, %add3A_22 : vector<16xi32>
    %swap3A_24 = arith.constant 0 : i32
    %swap3A_25 = arith.index_cast %swap3A_24 : i32 to index
    %swap3A_26 = arith.constant 32 : index
    %swap3A_27 = tpu.vector_load %arg8[%swap3A_25, %swap3A_26] {strides = array<i32>} : memref<5x128xi32, #tpu.memory_space<vmem>>, vector<16xi32>,
    tpu.vector_store %arg8[%swap3A_25, %swap3A_26], %add3A_23 {strides = array<i32>} : memref<5x128xi32, #tpu.memory_space<vmem>>, vector<16xi32>,
    %add3A_28 = arith.constant 48 : i32
    %add3A_29 = vector.broadcast %add3A_28 : i32 to vector<16xi32>
    %add3A_30 = arith.addi %iota3A, %add3A_29 : vector<16xi32>
    %swap3A_31 = arith.constant 0 : i32
    %swap3A_32 = arith.index_cast %swap3A_31 : i32 to index
    %swap3A_33 = arith.constant 48 : index
    %swap3A_34 = tpu.vector_load %arg8[%swap3A_32, %swap3A_33] {strides = array<i32>} : memref<5x128xi32, #tpu.memory_space<vmem>>, vector<16xi32>,
    tpu.vector_store %arg8[%swap3A_32, %swap3A_33], %add3A_30 {strides = array<i32>} : memref<5x128xi32, #tpu.memory_space<vmem>>, vector<16xi32>,
    %add3A_35 = arith.constant 64 : i32
    %add3A_36 = vector.broadcast %add3A_35 : i32 to vector<16xi32>
    %add3A_37 = arith.addi %iota3A, %add3A_36 : vector<16xi32>
    %swap3A_38 = arith.constant 0 : i32
    %swap3A_39 = arith.index_cast %swap3A_38 : i32 to index
    %swap3A_40 = arith.constant 64 : index
    %swap3A_41 = tpu.vector_load %arg8[%swap3A_39, %swap3A_40] {strides = array<i32>} : memref<5x128xi32, #tpu.memory_space<vmem>>, vector<16xi32>,
    tpu.vector_store %arg8[%swap3A_39, %swap3A_40], %add3A_37 {strides = array<i32>} : memref<5x128xi32, #tpu.memory_space<vmem>>, vector<16xi32>,
    %add3A_42 = arith.constant 80 : i32
    %add3A_43 = vector.broadcast %add3A_42 : i32 to vector<16xi32>
    %add3A_44 = arith.addi %iota3A, %add3A_43 : vector<16xi32>
    %swap3A_45 = arith.constant 0 : i32
    %swap3A_46 = arith.index_cast %swap3A_45 : i32 to index
    %swap3A_47 = arith.constant 80 : index
    %swap3A_48 = tpu.vector_load %arg8[%swap3A_46, %swap3A_47] {strides = array<i32>} : memref<5x128xi32, #tpu.memory_space<vmem>>, vector<16xi32>,
    tpu.vector_store %arg8[%swap3A_46, %swap3A_47], %add3A_44 {strides = array<i32>} : memref<5x128xi32, #tpu.memory_space<vmem>>, vector<16xi32>,
    %add3A_49 = arith.constant 96 : i32
    %add3A_50 = vector.broadcast %add3A_49 : i32 to vector<16xi32>
    %add3A_51 = arith.addi %iota3A, %add3A_50 : vector<16xi32>
    %swap3A_52 = arith.constant 0 : i32
    %swap3A_53 = arith.index_cast %swap3A_52 : i32 to index
    %swap3A_54 = arith.constant 96 : index
    %swap3A_55 = tpu.vector_load %arg8[%swap3A_53, %swap3A_54] {strides = array<i32>} : memref<5x128xi32, #tpu.memory_space<vmem>>, vector<16xi32>,
    tpu.vector_store %arg8[%swap3A_53, %swap3A_54], %add3A_51 {strides = array<i32>} : memref<5x128xi32, #tpu.memory_space<vmem>>, vector<16xi32>,
    %add3A_56 = arith.constant 112 : i32
    %add3A_57 = vector.broadcast %add3A_56 : i32 to vector<16xi32>
    %add3A_58 = arith.addi %iota3A, %add3A_57 : vector<16xi32>
    %swap3A_59 = arith.constant 0 : i32
    %swap3A_60 = arith.index_cast %swap3A_59 : i32 to index
    %swap3A_61 = arith.constant 112 : index
    %swap3A_62 = tpu.vector_load %arg8[%swap3A_60, %swap3A_61] {strides = array<i32>} : memref<5x128xi32, #tpu.memory_space<vmem>>, vector<16xi32>,
    tpu.vector_store %arg8[%swap3A_60, %swap3A_61], %add3A_58 {strides = array<i32>} : memref<5x128xi32, #tpu.memory_space<vmem>>, vector<16xi32>,
    %add3A_63 = arith.constant 128 : i32
    %add3A_64 = vector.broadcast %add3A_63 : i32 to vector<16xi32>
    %add3A_65 = arith.addi %iota3A, %add3A_64 : vector<16xi32>
    %swap3A_66 = arith.constant 1 : i32
    %swap3A_67 = arith.index_cast %swap3A_66 : i32 to index
    %swap3A_68 = arith.constant 0 : index
    %swap3A_69 = tpu.vector_load %arg8[%swap3A_67, %swap3A_68] {strides = array<i32>} : memref<5x128xi32, #tpu.memory_space<vmem>>, vector<16xi32>,
    tpu.vector_store %arg8[%swap3A_67, %swap3A_68], %add3A_65 {strides = array<i32>} : memref<5x128xi32, #tpu.memory_space<vmem>>, vector<16xi32>,
    %add3A_70 = arith.constant 144 : i32
    %add3A_71 = vector.broadcast %add3A_70 : i32 to vector<16xi32>
    %add3A_72 = arith.addi %iota3A, %add3A_71 : vector<16xi32>
    %swap3A_73 = arith.constant 1 : i32
    %swap3A_74 = arith.index_cast %swap3A_73 : i32 to index
    %swap3A_75 = arith.constant 16 : index
    %swap3A_76 = tpu.vector_load %arg8[%swap3A_74, %swap3A_75] {strides = array<i32>} : memref<5x128xi32, #tpu.memory_space<vmem>>, vector<16xi32>,
    tpu.vector_store %arg8[%swap3A_74, %swap3A_75], %add3A_72 {strides = array<i32>} : memref<5x128xi32, #tpu.memory_space<vmem>>, vector<16xi32>,
    %add3A_77 = arith.constant 160 : i32
    %add3A_78 = vector.broadcast %add3A_77 : i32 to vector<16xi32>
    %add3A_79 = arith.addi %iota3A, %add3A_78 : vector<16xi32>
    %swap3A_80 = arith.constant 1 : i32
    %swap3A_81 = arith.index_cast %swap3A_80 : i32 to index
    %swap3A_82 = arith.constant 32 : index
    %swap3A_83 = tpu.vector_load %arg8[%swap3A_81, %swap3A_82] {strides = array<i32>} : memref<5x128xi32, #tpu.memory_space<vmem>>, vector<16xi32>,
    tpu.vector_store %arg8[%swap3A_81, %swap3A_82], %add3A_79 {strides = array<i32>} : memref<5x128xi32, #tpu.memory_space<vmem>>, vector<16xi32>,
    %add3A_84 = arith.constant 176 : i32
    %add3A_85 = vector.broadcast %add3A_84 : i32 to vector<16xi32>
    %add3A_86 = arith.addi %iota3A, %add3A_85 : vector<16xi32>
    %swap3A_87 = arith.constant 1 : i32
    %swap3A_88 = arith.index_cast %swap3A_87 : i32 to index
    %swap3A_89 = arith.constant 48 : index
    %swap3A_90 = tpu.vector_load %arg8[%swap3A_88, %swap3A_89] {strides = array<i32>} : memref<5x128xi32, #tpu.memory_space<vmem>>, vector<16xi32>,
    tpu.vector_store %arg8[%swap3A_88, %swap3A_89], %add3A_86 {strides = array<i32>} : memref<5x128xi32, #tpu.memory_space<vmem>>, vector<16xi32>,
    %add3A_91 = arith.constant 192 : i32
    %add3A_92 = vector.broadcast %add3A_91 : i32 to vector<16xi32>
    %add3A_93 = arith.addi %iota3A, %add3A_92 : vector<16xi32>
    %swap3A_94 = arith.constant 1 : i32
    %swap3A_95 = arith.index_cast %swap3A_94 : i32 to index
    %swap3A_96 = arith.constant 64 : index
    %swap3A_97 = tpu.vector_load %arg8[%swap3A_95, %swap3A_96] {strides = array<i32>} : memref<5x128xi32, #tpu.memory_space<vmem>>, vector<16xi32>,
    tpu.vector_store %arg8[%swap3A_95, %swap3A_96], %add3A_93 {strides = array<i32>} : memref<5x128xi32, #tpu.memory_space<vmem>>, vector<16xi32>,
    %add3A_98 = arith.constant 208 : i32
    %add3A_99 = vector.broadcast %add3A_98 : i32 to vector<16xi32>
    %add3A_100 = arith.addi %iota3A, %add3A_99 : vector<16xi32>
    %swap3A_101 = arith.constant 1 : i32
    %swap3A_102 = arith.index_cast %swap3A_101 : i32 to index
    %swap3A_103 = arith.constant 80 : index
    %swap3A_104 = tpu.vector_load %arg8[%swap3A_102, %swap3A_103] {strides = array<i32>} : memref<5x128xi32, #tpu.memory_space<vmem>>, vector<16xi32>,
    tpu.vector_store %arg8[%swap3A_102, %swap3A_103], %add3A_100 {strides = array<i32>} : memref<5x128xi32, #tpu.memory_space<vmem>>, vector<16xi32>,
    %add3A_105 = arith.constant 224 : i32
    %add3A_106 = vector.broadcast %add3A_105 : i32 to vector<16xi32>
    %add3A_107 = arith.addi %iota3A, %add3A_106 : vector<16xi32>
    %swap3A_108 = arith.constant 1 : i32
    %swap3A_109 = arith.index_cast %swap3A_108 : i32 to index
    %swap3A_110 = arith.constant 96 : index
    %swap3A_111 = tpu.vector_load %arg8[%swap3A_109, %swap3A_110] {strides = array<i32>} : memref<5x128xi32, #tpu.memory_space<vmem>>, vector<16xi32>,
    tpu.vector_store %arg8[%swap3A_109, %swap3A_110], %add3A_107 {strides = array<i32>} : memref<5x128xi32, #tpu.memory_space<vmem>>, vector<16xi32>,
    %add3A_112 = arith.constant 240 : i32
    %add3A_113 = vector.broadcast %add3A_112 : i32 to vector<16xi32>
    %add3A_114 = arith.addi %iota3A, %add3A_113 : vector<16xi32>
    %swap3A_115 = arith.constant 1 : i32
    %swap3A_116 = arith.index_cast %swap3A_115 : i32 to index
    %swap3A_117 = arith.constant 112 : index
    %swap3A_118 = tpu.vector_load %arg8[%swap3A_116, %swap3A_117] {strides = array<i32>} : memref<5x128xi32, #tpu.memory_space<vmem>>, vector<16xi32>,
    tpu.vector_store %arg8[%swap3A_116, %swap3A_117], %add3A_114 {strides = array<i32>} : memref<5x128xi32, #tpu.memory_space<vmem>>, vector<16xi32>,
    %add3A_119 = arith.constant 256 : i32
    %add3A_120 = vector.broadcast %add3A_119 : i32 to vector<16xi32>
    %add3A_121 = arith.addi %iota3A, %add3A_120 : vector<16xi32>
    %swap3A_122 = arith.constant 2 : i32
    %swap3A_123 = arith.index_cast %swap3A_122 : i32 to index
    %swap3A_124 = arith.constant 0 : index
    %swap3A_125 = tpu.vector_load %arg8[%swap3A_123, %swap3A_124] {strides = array<i32>} : memref<5x128xi32, #tpu.memory_space<vmem>>, vector<16xi32>,
    tpu.vector_store %arg8[%swap3A_123, %swap3A_124], %add3A_121 {strides = array<i32>} : memref<5x128xi32, #tpu.memory_space<vmem>>, vector<16xi32>,
    %add3A_126 = arith.constant 272 : i32
    %add3A_127 = vector.broadcast %add3A_126 : i32 to vector<16xi32>
    %add3A_128 = arith.addi %iota3A, %add3A_127 : vector<16xi32>
    %swap3A_129 = arith.constant 2 : i32
    %swap3A_130 = arith.index_cast %swap3A_129 : i32 to index
    %swap3A_131 = arith.constant 16 : index
    %swap3A_132 = tpu.vector_load %arg8[%swap3A_130, %swap3A_131] {strides = array<i32>} : memref<5x128xi32, #tpu.memory_space<vmem>>, vector<16xi32>,
    tpu.vector_store %arg8[%swap3A_130, %swap3A_131], %add3A_128 {strides = array<i32>} : memref<5x128xi32, #tpu.memory_space<vmem>>, vector<16xi32>,
    %add3A_133 = arith.constant 288 : i32
    %add3A_134 = vector.broadcast %add3A_133 : i32 to vector<16xi32>
    %add3A_135 = arith.addi %iota3A, %add3A_134 : vector<16xi32>
    %swap3A_136 = arith.constant 2 : i32
    %swap3A_137 = arith.index_cast %swap3A_136 : i32 to index
    %swap3A_138 = arith.constant 32 : index
    %swap3A_139 = tpu.vector_load %arg8[%swap3A_137, %swap3A_138] {strides = array<i32>} : memref<5x128xi32, #tpu.memory_space<vmem>>, vector<16xi32>,
    tpu.vector_store %arg8[%swap3A_137, %swap3A_138], %add3A_135 {strides = array<i32>} : memref<5x128xi32, #tpu.memory_space<vmem>>, vector<16xi32>,
    %add3A_140 = arith.constant 304 : i32
    %add3A_141 = vector.broadcast %add3A_140 : i32 to vector<16xi32>
    %add3A_142 = arith.addi %iota3A, %add3A_141 : vector<16xi32>
    %swap3A_143 = arith.constant 2 : i32
    %swap3A_144 = arith.index_cast %swap3A_143 : i32 to index
    %swap3A_145 = arith.constant 48 : index
    %swap3A_146 = tpu.vector_load %arg8[%swap3A_144, %swap3A_145] {strides = array<i32>} : memref<5x128xi32, #tpu.memory_space<vmem>>, vector<16xi32>,
    tpu.vector_store %arg8[%swap3A_144, %swap3A_145], %add3A_142 {strides = array<i32>} : memref<5x128xi32, #tpu.memory_space<vmem>>, vector<16xi32>,
    %add3A_147 = arith.constant 320 : i32
    %add3A_148 = vector.broadcast %add3A_147 : i32 to vector<16xi32>
    %add3A_149 = arith.addi %iota3A, %add3A_148 : vector<16xi32>
    %swap3A_150 = arith.constant 2 : i32
    %swap3A_151 = arith.index_cast %swap3A_150 : i32 to index
    %swap3A_152 = arith.constant 64 : index
    %swap3A_153 = tpu.vector_load %arg8[%swap3A_151, %swap3A_152] {strides = array<i32>} : memref<5x128xi32, #tpu.memory_space<vmem>>, vector<16xi32>,
    tpu.vector_store %arg8[%swap3A_151, %swap3A_152], %add3A_149 {strides = array<i32>} : memref<5x128xi32, #tpu.memory_space<vmem>>, vector<16xi32>,
    %add3A_154 = arith.constant 336 : i32
    %add3A_155 = vector.broadcast %add3A_154 : i32 to vector<16xi32>
    %add3A_156 = arith.addi %iota3A, %add3A_155 : vector<16xi32>
    %swap3A_157 = arith.constant 2 : i32
    %swap3A_158 = arith.index_cast %swap3A_157 : i32 to index
    %swap3A_159 = arith.constant 80 : index
    %swap3A_160 = tpu.vector_load %arg8[%swap3A_158, %swap3A_159] {strides = array<i32>} : memref<5x128xi32, #tpu.memory_space<vmem>>, vector<16xi32>,
    tpu.vector_store %arg8[%swap3A_158, %swap3A_159], %add3A_156 {strides = array<i32>} : memref<5x128xi32, #tpu.memory_space<vmem>>, vector<16xi32>,
    %add3A_161 = arith.constant 352 : i32
    %add3A_162 = vector.broadcast %add3A_161 : i32 to vector<16xi32>
    %add3A_163 = arith.addi %iota3A, %add3A_162 : vector<16xi32>
    %swap3A_164 = arith.constant 2 : i32
    %swap3A_165 = arith.index_cast %swap3A_164 : i32 to index
    %swap3A_166 = arith.constant 96 : index
    %swap3A_167 = tpu.vector_load %arg8[%swap3A_165, %swap3A_166] {strides = array<i32>} : memref<5x128xi32, #tpu.memory_space<vmem>>, vector<16xi32>,
    tpu.vector_store %arg8[%swap3A_165, %swap3A_166], %add3A_163 {strides = array<i32>} : memref<5x128xi32, #tpu.memory_space<vmem>>, vector<16xi32>,
    %add3A_168 = arith.constant 368 : i32
    %add3A_169 = vector.broadcast %add3A_168 : i32 to vector<16xi32>
    %add3A_170 = arith.addi %iota3A, %add3A_169 : vector<16xi32>
    %swap3A_171 = arith.constant 2 : i32
    %swap3A_172 = arith.index_cast %swap3A_171 : i32 to index
    %swap3A_173 = arith.constant 112 : index
    %swap3A_174 = tpu.vector_load %arg8[%swap3A_172, %swap3A_173] {strides = array<i32>} : memref<5x128xi32, #tpu.memory_space<vmem>>, vector<16xi32>,
    tpu.vector_store %arg8[%swap3A_172, %swap3A_173], %add3A_170 {strides = array<i32>} : memref<5x128xi32, #tpu.memory_space<vmem>>, vector<16xi32>,
    %add3A_175 = arith.constant 384 : i32
    %add3A_176 = vector.broadcast %add3A_175 : i32 to vector<16xi32>
    %add3A_177 = arith.addi %iota3A, %add3A_176 : vector<16xi32>
    %swap3A_178 = arith.constant 3 : i32
    %swap3A_179 = arith.index_cast %swap3A_178 : i32 to index
    %swap3A_180 = arith.constant 0 : index
    %swap3A_181 = tpu.vector_load %arg8[%swap3A_179, %swap3A_180] {strides = array<i32>} : memref<5x128xi32, #tpu.memory_space<vmem>>, vector<16xi32>,
    tpu.vector_store %arg8[%swap3A_179, %swap3A_180], %add3A_177 {strides = array<i32>} : memref<5x128xi32, #tpu.memory_space<vmem>>, vector<16xi32>,
    %add3A_182 = arith.constant 400 : i32
    %add3A_183 = vector.broadcast %add3A_182 : i32 to vector<16xi32>
    %add3A_184 = arith.addi %iota3A, %add3A_183 : vector<16xi32>
    %swap3A_185 = arith.constant 3 : i32
    %swap3A_186 = arith.index_cast %swap3A_185 : i32 to index
    %swap3A_187 = arith.constant 16 : index
    %swap3A_188 = tpu.vector_load %arg8[%swap3A_186, %swap3A_187] {strides = array<i32>} : memref<5x128xi32, #tpu.memory_space<vmem>>, vector<16xi32>,
    tpu.vector_store %arg8[%swap3A_186, %swap3A_187], %add3A_184 {strides = array<i32>} : memref<5x128xi32, #tpu.memory_space<vmem>>, vector<16xi32>,
    %add3A_189 = arith.constant 416 : i32
    %add3A_190 = vector.broadcast %add3A_189 : i32 to vector<16xi32>
    %add3A_191 = arith.addi %iota3A, %add3A_190 : vector<16xi32>
    %swap3A_192 = arith.constant 3 : i32
    %swap3A_193 = arith.index_cast %swap3A_192 : i32 to index
    %swap3A_194 = arith.constant 32 : index
    %swap3A_195 = tpu.vector_load %arg8[%swap3A_193, %swap3A_194] {strides = array<i32>} : memref<5x128xi32, #tpu.memory_space<vmem>>, vector<16xi32>,
    tpu.vector_store %arg8[%swap3A_193, %swap3A_194], %add3A_191 {strides = array<i32>} : memref<5x128xi32, #tpu.memory_space<vmem>>, vector<16xi32>,
    %add3A_196 = arith.constant 432 : i32
    %add3A_197 = vector.broadcast %add3A_196 : i32 to vector<16xi32>
    %add3A_198 = arith.addi %iota3A, %add3A_197 : vector<16xi32>
    %swap3A_199 = arith.constant 3 : i32
    %swap3A_200 = arith.index_cast %swap3A_199 : i32 to index
    %swap3A_201 = arith.constant 48 : index
    %swap3A_202 = tpu.vector_load %arg8[%swap3A_200, %swap3A_201] {strides = array<i32>} : memref<5x128xi32, #tpu.memory_space<vmem>>, vector<16xi32>,
    tpu.vector_store %arg8[%swap3A_200, %swap3A_201], %add3A_198 {strides = array<i32>} : memref<5x128xi32, #tpu.memory_space<vmem>>, vector<16xi32>,
    %add3A_203 = arith.constant 448 : i32
    %add3A_204 = vector.broadcast %add3A_203 : i32 to vector<16xi32>
    %add3A_205 = arith.addi %iota3A, %add3A_204 : vector<16xi32>
    %swap3A_206 = arith.constant 3 : i32
    %swap3A_207 = arith.index_cast %swap3A_206 : i32 to index
    %swap3A_208 = arith.constant 64 : index
    %swap3A_209 = tpu.vector_load %arg8[%swap3A_207, %swap3A_208] {strides = array<i32>} : memref<5x128xi32, #tpu.memory_space<vmem>>, vector<16xi32>,
    tpu.vector_store %arg8[%swap3A_207, %swap3A_208], %add3A_205 {strides = array<i32>} : memref<5x128xi32, #tpu.memory_space<vmem>>, vector<16xi32>,
    %add3A_210 = arith.constant 464 : i32
    %add3A_211 = vector.broadcast %add3A_210 : i32 to vector<16xi32>
    %add3A_212 = arith.addi %iota3A, %add3A_211 : vector<16xi32>
    %swap3A_213 = arith.constant 3 : i32
    %swap3A_214 = arith.index_cast %swap3A_213 : i32 to index
    %swap3A_215 = arith.constant 80 : index
    %swap3A_216 = tpu.vector_load %arg8[%swap3A_214, %swap3A_215] {strides = array<i32>} : memref<5x128xi32, #tpu.memory_space<vmem>>, vector<16xi32>,
    tpu.vector_store %arg8[%swap3A_214, %swap3A_215], %add3A_212 {strides = array<i32>} : memref<5x128xi32, #tpu.memory_space<vmem>>, vector<16xi32>,
    %add3A_217 = arith.constant 480 : i32
    %add3A_218 = vector.broadcast %add3A_217 : i32 to vector<16xi32>
    %add3A_219 = arith.addi %iota3A, %add3A_218 : vector<16xi32>
    %swap3A_220 = arith.constant 3 : i32
    %swap3A_221 = arith.index_cast %swap3A_220 : i32 to index
    %swap3A_222 = arith.constant 96 : index
    %swap3A_223 = tpu.vector_load %arg8[%swap3A_221, %swap3A_222] {strides = array<i32>} : memref<5x128xi32, #tpu.memory_space<vmem>>, vector<16xi32>,
    tpu.vector_store %arg8[%swap3A_221, %swap3A_222], %add3A_219 {strides = array<i32>} : memref<5x128xi32, #tpu.memory_space<vmem>>, vector<16xi32>,
    %add3A_224 = arith.constant 496 : i32
    %add3A_225 = vector.broadcast %add3A_224 : i32 to vector<16xi32>
    %add3A_226 = arith.addi %iota3A, %add3A_225 : vector<16xi32>
    %swap3A_227 = arith.constant 3 : i32
    %swap3A_228 = arith.index_cast %swap3A_227 : i32 to index
    %swap3A_229 = arith.constant 112 : index
    %swap3A_230 = tpu.vector_load %arg8[%swap3A_228, %swap3A_229] {strides = array<i32>} : memref<5x128xi32, #tpu.memory_space<vmem>>, vector<16xi32>,
    tpu.vector_store %arg8[%swap3A_228, %swap3A_229], %add3A_226 {strides = array<i32>} : memref<5x128xi32, #tpu.memory_space<vmem>>, vector<16xi32>,
    %add3A_231 = arith.constant 512 : i32
    %add3A_232 = vector.broadcast %add3A_231 : i32 to vector<16xi32>
    %add3A_233 = arith.addi %iota3A, %add3A_232 : vector<16xi32>
    %swap3A_234 = arith.constant 4 : i32
    %swap3A_235 = arith.index_cast %swap3A_234 : i32 to index
    %swap3A_236 = arith.constant 0 : index
    %swap3A_237 = tpu.vector_load %arg8[%swap3A_235, %swap3A_236] {strides = array<i32>} : memref<5x128xi32, #tpu.memory_space<vmem>>, vector<16xi32>,
    tpu.vector_store %arg8[%swap3A_235, %swap3A_236], %add3A_233 {strides = array<i32>} : memref<5x128xi32, #tpu.memory_space<vmem>>, vector<16xi32>,
    %add3A_238 = arith.constant 528 : i32
    %add3A_239 = vector.broadcast %add3A_238 : i32 to vector<16xi32>
    %add3A_240 = arith.addi %iota3A, %add3A_239 : vector<16xi32>
    %swap3A_241 = arith.constant 4 : i32
    %swap3A_242 = arith.index_cast %swap3A_241 : i32 to index
    %swap3A_243 = arith.constant 16 : index
    %swap3A_244 = tpu.vector_load %arg8[%swap3A_242, %swap3A_243] {strides = array<i32>} : memref<5x128xi32, #tpu.memory_space<vmem>>, vector<16xi32>,
    tpu.vector_store %arg8[%swap3A_242, %swap3A_243], %add3A_240 {strides = array<i32>} : memref<5x128xi32, #tpu.memory_space<vmem>>, vector<16xi32>,
    %add3A_245 = arith.constant 544 : i32
    %add3A_246 = vector.broadcast %add3A_245 : i32 to vector<16xi32>
    %add3A_247 = arith.addi %iota3A, %add3A_246 : vector<16xi32>
    %swap3A_248 = arith.constant 4 : i32
    %swap3A_249 = arith.index_cast %swap3A_248 : i32 to index
    %swap3A_250 = arith.constant 32 : index
    %swap3A_251 = tpu.vector_load %arg8[%swap3A_249, %swap3A_250] {strides = array<i32>} : memref<5x128xi32, #tpu.memory_space<vmem>>, vector<16xi32>,
    tpu.vector_store %arg8[%swap3A_249, %swap3A_250], %add3A_247 {strides = array<i32>} : memref<5x128xi32, #tpu.memory_space<vmem>>, vector<16xi32>,
    %add3A_252 = arith.constant 560 : i32
    %add3A_253 = vector.broadcast %add3A_252 : i32 to vector<16xi32>
    %add3A_254 = arith.addi %iota3A, %add3A_253 : vector<16xi32>
    %swap3A_255 = arith.constant 4 : i32
    %swap3A_256 = arith.index_cast %swap3A_255 : i32 to index
    %swap3A_257 = arith.constant 48 : index
    %swap3A_258 = tpu.vector_load %arg8[%swap3A_256, %swap3A_257] {strides = array<i32>} : memref<5x128xi32, #tpu.memory_space<vmem>>, vector<16xi32>,
    tpu.vector_store %arg8[%swap3A_256, %swap3A_257], %add3A_254 {strides = array<i32>} : memref<5x128xi32, #tpu.memory_space<vmem>>, vector<16xi32>,
    %add3A_259 = arith.constant 576 : i32
    %add3A_260 = vector.broadcast %add3A_259 : i32 to vector<16xi32>
    %add3A_261 = arith.addi %iota3A, %add3A_260 : vector<16xi32>
    %swap3A_262 = arith.constant 4 : i32
    %swap3A_263 = arith.index_cast %swap3A_262 : i32 to index
    %swap3A_264 = arith.constant 64 : index
    %swap3A_265 = tpu.vector_load %arg8[%swap3A_263, %swap3A_264] {strides = array<i32>} : memref<5x128xi32, #tpu.memory_space<vmem>>, vector<16xi32>,
    tpu.vector_store %arg8[%swap3A_263, %swap3A_264], %add3A_261 {strides = array<i32>} : memref<5x128xi32, #tpu.memory_space<vmem>>, vector<16xi32>,
    %add3A_266 = arith.constant 592 : i32
    %add3A_267 = vector.broadcast %add3A_266 : i32 to vector<16xi32>
    %add3A_268 = arith.addi %iota3A, %add3A_267 : vector<16xi32>
    %swap3A_269 = arith.constant 4 : i32
    %swap3A_270 = arith.index_cast %swap3A_269 : i32 to index
    %swap3A_271 = arith.constant 80 : index
    %swap3A_272 = tpu.vector_load %arg8[%swap3A_270, %swap3A_271] {strides = array<i32>} : memref<5x128xi32, #tpu.memory_space<vmem>>, vector<16xi32>,
    tpu.vector_store %arg8[%swap3A_270, %swap3A_271], %add3A_268 {strides = array<i32>} : memref<5x128xi32, #tpu.memory_space<vmem>>, vector<16xi32>,
    %add3A_273 = arith.constant 608 : i32
    %add3A_274 = vector.broadcast %add3A_273 : i32 to vector<16xi32>
    %add3A_275 = arith.addi %iota3A, %add3A_274 : vector<16xi32>
    %swap3A_276 = arith.constant 4 : i32
    %swap3A_277 = arith.index_cast %swap3A_276 : i32 to index
    %swap3A_278 = arith.constant 96 : index
    %swap3A_279 = tpu.vector_load %arg8[%swap3A_277, %swap3A_278] {strides = array<i32>} : memref<5x128xi32, #tpu.memory_space<vmem>>, vector<16xi32>,
    tpu.vector_store %arg8[%swap3A_277, %swap3A_278], %add3A_275 {strides = array<i32>} : memref<5x128xi32, #tpu.memory_space<vmem>>, vector<16xi32>,
    %add3A_280 = arith.constant 624 : i32
    %add3A_281 = vector.broadcast %add3A_280 : i32 to vector<16xi32>
    %add3A_282 = arith.addi %iota3A, %add3A_281 : vector<16xi32>
    %swap3A_283 = arith.constant 4 : i32
    %swap3A_284 = arith.index_cast %swap3A_283 : i32 to index
    %swap3A_285 = arith.constant 112 : index
    %swap3A_286 = tpu.vector_load %arg8[%swap3A_284, %swap3A_285] {strides = array<i32>} : memref<5x128xi32, #tpu.memory_space<vmem>>, vector<16xi32>,
    tpu.vector_store %arg8[%swap3A_284, %swap3A_285], %add3A_282 {strides = array<i32>} : memref<5x128xi32, #tpu.memory_space<vmem>>, vector<16xi32>,
    %mul3A_287 = arith.constant 40 : i32
    %mul3A_288 = arith.muli %arg1, %mul3A_287 : i32
    "tpu.region"() ({
      %run_scoped3A_305 = tpu.sem_alloc : memref<!tpu.dma_semaphore, #tpu.memory_space<semaphore_mem>>
      %dma_start3A = arith.constant 0 : i32
      %dma_start3A_306 = arith.constant 0 : i32
      %dma_start3A_307 = tpu.memref_slice %arg5[%dma_start3A, %dma_start3A_306] : memref<640x128xi32, #tpu.memory_space<vmem>> -> memref<40x128xi32, #tpu.memory_space<vmem>>
      %dma_start3A_308 = arith.constant 0 : i32
      %dma_start3A_309 = tpu.memref_slice %arg9[%mul3A_288, %dma_start3A_308] : memref<640x128xi32, #tpu.memory_space<vmem_shared>> -> memref<40x128xi32, #tpu.memory_space<vmem_shared>>
      %dma_start3A_310 = arith.constant 0 : i32
      %dma_start3A_311 = tpu.memref_slice %arg9[%mul3A_288, %dma_start3A_310] : memref<640x128xi32, #tpu.memory_space<vmem_shared>> -> memref<40x128xi32, #tpu.memory_space<vmem_shared>>
      %dma_start3A_312 = arith.constant 0 : i32
      %dma_start3A_313 = arith.constant 0 : i32
      %dma_start3A_314 = tpu.memref_slice %arg5[%dma_start3A_312, %dma_start3A_313] : memref<640x128xi32, #tpu.memory_space<vmem>> -> memref<40x128xi32, #tpu.memory_space<vmem>>
      tpu.enqueue_dma source(%dma_start3A_314 : memref<40x128xi32, #tpu.memory_space<vmem>>) target(%dma_start3A_311 : memref<40x128xi32, #tpu.memory_space<vmem_shared>>) target_semaphore(%run_scoped3A_305 : memref<!tpu.dma_semaphore, #tpu.memory_space<semaphore_mem>>)
      %dma_wait3A = arith.constant 0 : i32
      %dma_wait3A_315 = arith.constant 0 : i32
      %dma_wait3A_316 = tpu.memref_slice %arg5[%dma_wait3A, %dma_wait3A_315] : memref<640x128xi32, #tpu.memory_space<vmem>> -> memref<40x128xi32, #tpu.memory_space<vmem>>
      %dma_wait3A_317 = arith.constant 0 : i32
      %dma_wait3A_318 = tpu.memref_slice %arg9[%mul3A_288, %dma_wait3A_317] : memref<640x128xi32, #tpu.memory_space<vmem_shared>> -> memref<40x128xi32, #tpu.memory_space<vmem_shared>>
      %dma_wait3A_319 = arith.constant 0 : i32
      %dma_wait3A_320 = tpu.memref_slice %arg9[%mul3A_288, %dma_wait3A_319] : memref<640x128xi32, #tpu.memory_space<vmem_shared>> -> memref<40x128xi32, #tpu.memory_space<vmem_shared>>
      %dma_wait3A_321 = arith.constant 0 : i32
      %dma_wait3A_322 = arith.constant 0 : i32
      %dma_wait3A_323 = tpu.memref_slice %arg5[%dma_wait3A_321, %dma_wait3A_322] : memref<640x128xi32, #tpu.memory_space<vmem>> -> memref<40x128xi32, #tpu.memory_space<vmem>>
      tpu.wait_dma2 semaphore(%run_scoped3A_305 : memref<!tpu.dma_semaphore, #tpu.memory_space<semaphore_mem>>) src(%dma_wait3A_323 : memref<40x128xi32, #tpu.memory_space<vmem>>) dst(%dma_wait3A_320 : memref<40x128xi32, #tpu.memory_space<vmem_shared>>)
      tpu.yield
    }) : () -> ()
    %barrier3A = arith.constant 0 : index
    tpu.barrier barrier_id(%barrier3A)
    %scan3A_289 = arith.constant 0 : i32
    %scan3A_290 = arith.constant 0 : i32
    %scan3A_291 = arith.constant 4 : i32
    %scan3A_292 = arith.addi %scan3A_290, %scan3A_291 : i32
    %scan3A_293 = arith.constant 1 : i32
    %scan3A_294 = scf.for %scan3A_305 = %scan3A_290 to %scan3A_292 step %scan3A_293 iter_args(%scan3A_306 = %scan3A_289) -> (i32)  : i32 {
      %mul3A_307 = arith.constant 10240 : i32
      %mul3A_308 = arith.muli %add3A, %mul3A_307 : i32
      %mul3A_309 = arith.constant 2560 : i32
      %mul3A_310 = arith.muli %scan3A_305, %mul3A_309 : i32
      %add3A_311 = arith.addi %mul3A_308, %mul3A_310 : i32
      "tpu.region"() ({
        %run_scoped3A_320 = tpu.sem_alloc : memref<!tpu.dma_semaphore, #tpu.memory_space<semaphore_mem>>
        %dma_start3A = tpu.memref_slice %arg2[%add3A_311] : memref<327680xi32, #tpu.memory_space<hbm>> -> memref<2560xi32, #tpu.memory_space<hbm>>
        %dma_start3A_321 = tpu.memref_slice %arg2[%add3A_311] : memref<327680xi32, #tpu.memory_space<hbm>> -> memref<2560xi32, #tpu.memory_space<hbm>>
        tpu.enqueue_dma source(%dma_start3A_321 : memref<2560xi32, #tpu.memory_space<hbm>>) target(%arg6 : memref<2560xi32, #tpu.memory_space<vmem>>) target_semaphore(%run_scoped3A_320 : memref<!tpu.dma_semaphore, #tpu.memory_space<semaphore_mem>>)
        %dma_wait3A = tpu.memref_slice %arg2[%add3A_311] : memref<327680xi32, #tpu.memory_space<hbm>> -> memref<2560xi32, #tpu.memory_space<hbm>>
        %dma_wait3A_322 = tpu.memref_slice %arg2[%add3A_311] : memref<327680xi32, #tpu.memory_space<hbm>> -> memref<2560xi32, #tpu.memory_space<hbm>>
        tpu.wait_dma2 semaphore(%run_scoped3A_320 : memref<!tpu.dma_semaphore, #tpu.memory_space<semaphore_mem>>) src(%dma_wait3A_322 : memref<2560xi32, #tpu.memory_space<hbm>>) dst(%arg6 : memref<2560xi32, #tpu.memory_space<vmem>>)
        tpu.yield
      }) : () -> ()
      "tpu.region"() ({
        %run_scoped3A_320 = tpu.sem_alloc : memref<!tpu.dma_semaphore, #tpu.memory_space<semaphore_mem>>
        %dma_start3A = tpu.memref_slice %arg3[%add3A_311] : memref<327680xi32, #tpu.memory_space<hbm>> -> memref<2560xi32, #tpu.memory_space<hbm>>
        %dma_start3A_321 = tpu.memref_slice %arg3[%add3A_311] : memref<327680xi32, #tpu.memory_space<hbm>> -> memref<2560xi32, #tpu.memory_space<hbm>>
        tpu.enqueue_dma source(%dma_start3A_321 : memref<2560xi32, #tpu.memory_space<hbm>>) target(%arg7 : memref<2560xi32, #tpu.memory_space<vmem>>) target_semaphore(%run_scoped3A_320 : memref<!tpu.dma_semaphore, #tpu.memory_space<semaphore_mem>>)
        %dma_wait3A = tpu.memref_slice %arg3[%add3A_311] : memref<327680xi32, #tpu.memory_space<hbm>> -> memref<2560xi32, #tpu.memory_space<hbm>>
        %dma_wait3A_322 = tpu.memref_slice %arg3[%add3A_311] : memref<327680xi32, #tpu.memory_space<hbm>> -> memref<2560xi32, #tpu.memory_space<hbm>>
        tpu.wait_dma2 semaphore(%run_scoped3A_320 : memref<!tpu.dma_semaphore, #tpu.memory_space<semaphore_mem>>) src(%dma_wait3A_322 : memref<2560xi32, #tpu.memory_space<hbm>>) dst(%arg7 : memref<2560xi32, #tpu.memory_space<vmem>>)
        tpu.yield
      }) : () -> ()
      %scan3A_312 = arith.constant 0 : i32
      %scan3A_313 = arith.constant 0 : i32
      %scan3A_314 = arith.constant 160 : i32
      %scan3A_315 = arith.addi %scan3A_313, %scan3A_314 : i32
      %scan3A_316 = arith.constant 1 : i32
      %scan3A_317 = scf.for %scan3A_320 = %scan3A_313 to %scan3A_315 step %scan3A_316 iter_args(%scan3A_321 = %scan3A_312) -> (i32)  : i32 {
        %mul3A_322 = arith.constant 16 : i32
        %mul3A_323 = arith.muli %scan3A_320, %mul3A_322 : i32
        %get3A = arith.index_cast %mul3A_323 : i32 to index
        %get3A_324 = tpu.vector_load %arg6[%get3A] {strides = array<i32>} : memref<2560xi32, #tpu.memory_space<vmem>>, vector<16xi32>,
        %mul3A_325 = arith.constant 16 : i32
        %mul3A_326 = arith.muli %scan3A_320, %mul3A_325 : i32
        %get3A_327 = arith.index_cast %mul3A_326 : i32 to index
        %get3A_328 = tpu.vector_load %arg7[%get3A_327] {strides = array<i32>} : memref<2560xi32, #tpu.memory_space<vmem>>, vector<16xi32>,
        %mul3A_329 = arith.constant 8 : i32
        %mul3A_330 = vector.broadcast %mul3A_329 : i32 to vector<16xi32>
        %mul3A_331 = arith.muli %get3A_324, %mul3A_330 : vector<16xi32>
        %add3A_332 = arith.addi %mul3A_331, %get3A_328 : vector<16xi32>
        %broadcast_in_dim3A_333 = arith.constant 1 : i32
        %broadcast_in_dim3A_334 = vector.broadcast %broadcast_in_dim3A_333 : i32 to vector<16xi32>
        %broadcast_in_dim3A_335 = arith.constant 0 : i32
        %broadcast_in_dim3A_336 = vector.broadcast %broadcast_in_dim3A_335 : i32 to vector<16xi32>
        %sub3A = arith.constant 1 : i32
        %sub3A_337 = vector.broadcast %sub3A : i32 to vector<16xi32>
        %sub3A_338 = arith.subi %iota3A, %sub3A_337 : vector<16xi32>
        %and3A = arith.constant 15 : i32
        %and3A_339 = vector.broadcast %and3A : i32 to vector<16xi32>
        %and3A_340 = arith.andi %sub3A_338, %and3A_339 : vector<16xi32>
        %lt3A = arith.constant 0 : i32
        %lt3A_341 = vector.broadcast %lt3A : i32 to vector<16xi32>
        %lt3A_342 = arith.cmpi slt, %and3A_340, %lt3A_341 : vector<16xi32>
        %add3A_343 = arith.constant 16 : i32
        %add3A_344 = vector.broadcast %add3A_343 : i32 to vector<16xi32>
        %add3A_345 = arith.addi %and3A_340, %add3A_344 : vector<16xi32>
        %select_n3A = arith.select %lt3A_342, %add3A_345, %and3A_340 : vector<16xi1>, vector<16xi32>
        %broadcast_in_dim3A_346 = vector.shape_cast %select_n3A : vector<16xi32> to vector<16x1xi32>
        %gather3A = vector.shape_cast %broadcast_in_dim3A_346 : vector<16x1xi32> to vector<16xi32>
        %gather3A_347 = tpu.dynamic_gather %add3A_332[%gather3A] in [0] : vector<16xi32>, vector<16xi32> -> vector<16xi32>
        %eq3A = arith.cmpi eq, %add3A_332, %gather3A_347 : vector<16xi32>
        %convert_element_type3A = arith.extui %eq3A : vector<16xi1> to vector<16xi32>
        %add3A_348 = arith.addi %broadcast_in_dim3A_334, %convert_element_type3A : vector<16xi32>
        %ge3A = arith.constant 1 : i32
        %ge3A_349 = vector.broadcast %ge3A : i32 to vector<16xi32>
        %ge3A_350 = arith.cmpi sge, %iota3A, %ge3A_349 : vector<16xi32>
        %jit3A = arith.constant 0 : i32
        %broadcast_in_dim3A_351 = vector.broadcast %jit3A : i32 to vector<16xi32>
        %select_n3A_352 = arith.select %ge3A_350, %convert_element_type3A, %broadcast_in_dim3A_351 : vector<16xi1>, vector<16xi32>
        %add3A_353 = arith.addi %broadcast_in_dim3A_336, %select_n3A_352 : vector<16xi32>
        %sub3A_354 = arith.constant 2 : i32
        %sub3A_355 = vector.broadcast %sub3A_354 : i32 to vector<16xi32>
        %sub3A_356 = arith.subi %iota3A, %sub3A_355 : vector<16xi32>
        %and3A_357 = arith.constant 15 : i32
        %and3A_358 = vector.broadcast %and3A_357 : i32 to vector<16xi32>
        %and3A_359 = arith.andi %sub3A_356, %and3A_358 : vector<16xi32>
        %lt3A_360 = arith.constant 0 : i32
        %lt3A_361 = vector.broadcast %lt3A_360 : i32 to vector<16xi32>
        %lt3A_362 = arith.cmpi slt, %and3A_359, %lt3A_361 : vector<16xi32>
        %add3A_363 = arith.constant 16 : i32
        %add3A_364 = vector.broadcast %add3A_363 : i32 to vector<16xi32>
        %add3A_365 = arith.addi %and3A_359, %add3A_364 : vector<16xi32>
        %select_n3A_366 = arith.select %lt3A_362, %add3A_365, %and3A_359 : vector<16xi1>, vector<16xi32>
        %broadcast_in_dim3A_367 = vector.shape_cast %select_n3A_366 : vector<16xi32> to vector<16x1xi32>
        %gather3A_368 = vector.shape_cast %broadcast_in_dim3A_367 : vector<16x1xi32> to vector<16xi32>
        %gather3A_369 = tpu.dynamic_gather %add3A_332[%gather3A_368] in [0] : vector<16xi32>, vector<16xi32> -> vector<16xi32>
        %eq3A_370 = arith.cmpi eq, %add3A_332, %gather3A_369 : vector<16xi32>
        %convert_element_type3A_371 = arith.extui %eq3A_370 : vector<16xi1> to vector<16xi32>
        %add3A_372 = arith.addi %add3A_348, %convert_element_type3A_371 : vector<16xi32>
        %ge3A_373 = arith.constant 2 : i32
        %ge3A_374 = vector.broadcast %ge3A_373 : i32 to vector<16xi32>
        %ge3A_375 = arith.cmpi sge, %iota3A, %ge3A_374 : vector<16xi32>
        %jit3A_376 = arith.constant 0 : i32
        %broadcast_in_dim3A_377 = vector.broadcast %jit3A_376 : i32 to vector<16xi32>
        %select_n3A_378 = arith.select %ge3A_375, %convert_element_type3A_371, %broadcast_in_dim3A_377 : vector<16xi1>, vector<16xi32>
        %add3A_379 = arith.addi %add3A_353, %select_n3A_378 : vector<16xi32>
        %sub3A_380 = arith.constant 3 : i32
        %sub3A_381 = vector.broadcast %sub3A_380 : i32 to vector<16xi32>
        %sub3A_382 = arith.subi %iota3A, %sub3A_381 : vector<16xi32>
        %and3A_383 = arith.constant 15 : i32
        %and3A_384 = vector.broadcast %and3A_383 : i32 to vector<16xi32>
        %and3A_385 = arith.andi %sub3A_382, %and3A_384 : vector<16xi32>
        %lt3A_386 = arith.constant 0 : i32
        %lt3A_387 = vector.broadcast %lt3A_386 : i32 to vector<16xi32>
        %lt3A_388 = arith.cmpi slt, %and3A_385, %lt3A_387 : vector<16xi32>
        %add3A_389 = arith.constant 16 : i32
        %add3A_390 = vector.broadcast %add3A_389 : i32 to vector<16xi32>
        %add3A_391 = arith.addi %and3A_385, %add3A_390 : vector<16xi32>
        %select_n3A_392 = arith.select %lt3A_388, %add3A_391, %and3A_385 : vector<16xi1>, vector<16xi32>
        %broadcast_in_dim3A_393 = vector.shape_cast %select_n3A_392 : vector<16xi32> to vector<16x1xi32>
        %gather3A_394 = vector.shape_cast %broadcast_in_dim3A_393 : vector<16x1xi32> to vector<16xi32>
        %gather3A_395 = tpu.dynamic_gather %add3A_332[%gather3A_394] in [0] : vector<16xi32>, vector<16xi32> -> vector<16xi32>
        %eq3A_396 = arith.cmpi eq, %add3A_332, %gather3A_395 : vector<16xi32>
        %convert_element_type3A_397 = arith.extui %eq3A_396 : vector<16xi1> to vector<16xi32>
        %add3A_398 = arith.addi %add3A_372, %convert_element_type3A_397 : vector<16xi32>
        %ge3A_399 = arith.constant 3 : i32
        %ge3A_400 = vector.broadcast %ge3A_399 : i32 to vector<16xi32>
        %ge3A_401 = arith.cmpi sge, %iota3A, %ge3A_400 : vector<16xi32>
        %jit3A_402 = arith.constant 0 : i32
        %broadcast_in_dim3A_403 = vector.broadcast %jit3A_402 : i32 to vector<16xi32>
        %select_n3A_404 = arith.select %ge3A_401, %convert_element_type3A_397, %broadcast_in_dim3A_403 : vector<16xi1>, vector<16xi32>
        %add3A_405 = arith.addi %add3A_379, %select_n3A_404 : vector<16xi32>
        %sub3A_406 = arith.constant 4 : i32
        %sub3A_407 = vector.broadcast %sub3A_406 : i32 to vector<16xi32>
        %sub3A_408 = arith.subi %iota3A, %sub3A_407 : vector<16xi32>
        %and3A_409 = arith.constant 15 : i32
        %and3A_410 = vector.broadcast %and3A_409 : i32 to vector<16xi32>
        %and3A_411 = arith.andi %sub3A_408, %and3A_410 : vector<16xi32>
        %lt3A_412 = arith.constant 0 : i32
        %lt3A_413 = vector.broadcast %lt3A_412 : i32 to vector<16xi32>
        %lt3A_414 = arith.cmpi slt, %and3A_411, %lt3A_413 : vector<16xi32>
        %add3A_415 = arith.constant 16 : i32
        %add3A_416 = vector.broadcast %add3A_415 : i32 to vector<16xi32>
        %add3A_417 = arith.addi %and3A_411, %add3A_416 : vector<16xi32>
        %select_n3A_418 = arith.select %lt3A_414, %add3A_417, %and3A_411 : vector<16xi1>, vector<16xi32>
        %broadcast_in_dim3A_419 = vector.shape_cast %select_n3A_418 : vector<16xi32> to vector<16x1xi32>
        %gather3A_420 = vector.shape_cast %broadcast_in_dim3A_419 : vector<16x1xi32> to vector<16xi32>
        %gather3A_421 = tpu.dynamic_gather %add3A_332[%gather3A_420] in [0] : vector<16xi32>, vector<16xi32> -> vector<16xi32>
        %eq3A_422 = arith.cmpi eq, %add3A_332, %gather3A_421 : vector<16xi32>
        %convert_element_type3A_423 = arith.extui %eq3A_422 : vector<16xi1> to vector<16xi32>
        %add3A_424 = arith.addi %add3A_398, %convert_element_type3A_423 : vector<16xi32>
        %ge3A_425 = arith.constant 4 : i32
        %ge3A_426 = vector.broadcast %ge3A_425 : i32 to vector<16xi32>
        %ge3A_427 = arith.cmpi sge, %iota3A, %ge3A_426 : vector<16xi32>
        %jit3A_428 = arith.constant 0 : i32
        %broadcast_in_dim3A_429 = vector.broadcast %jit3A_428 : i32 to vector<16xi32>
        %select_n3A_430 = arith.select %ge3A_427, %convert_element_type3A_423, %broadcast_in_dim3A_429 : vector<16xi1>, vector<16xi32>
        %add3A_431 = arith.addi %add3A_405, %select_n3A_430 : vector<16xi32>
        %sub3A_432 = arith.constant 5 : i32
        %sub3A_433 = vector.broadcast %sub3A_432 : i32 to vector<16xi32>
        %sub3A_434 = arith.subi %iota3A, %sub3A_433 : vector<16xi32>
        %and3A_435 = arith.constant 15 : i32
        %and3A_436 = vector.broadcast %and3A_435 : i32 to vector<16xi32>
        %and3A_437 = arith.andi %sub3A_434, %and3A_436 : vector<16xi32>
        %lt3A_438 = arith.constant 0 : i32
        %lt3A_439 = vector.broadcast %lt3A_438 : i32 to vector<16xi32>
        %lt3A_440 = arith.cmpi slt, %and3A_437, %lt3A_439 : vector<16xi32>
        %add3A_441 = arith.constant 16 : i32
        %add3A_442 = vector.broadcast %add3A_441 : i32 to vector<16xi32>
        %add3A_443 = arith.addi %and3A_437, %add3A_442 : vector<16xi32>
        %select_n3A_444 = arith.select %lt3A_440, %add3A_443, %and3A_437 : vector<16xi1>, vector<16xi32>
        %broadcast_in_dim3A_445 = vector.shape_cast %select_n3A_444 : vector<16xi32> to vector<16x1xi32>
        %gather3A_446 = vector.shape_cast %broadcast_in_dim3A_445 : vector<16x1xi32> to vector<16xi32>
        %gather3A_447 = tpu.dynamic_gather %add3A_332[%gather3A_446] in [0] : vector<16xi32>, vector<16xi32> -> vector<16xi32>
        %eq3A_448 = arith.cmpi eq, %add3A_332, %gather3A_447 : vector<16xi32>
        %convert_element_type3A_449 = arith.extui %eq3A_448 : vector<16xi1> to vector<16xi32>
        %add3A_450 = arith.addi %add3A_424, %convert_element_type3A_449 : vector<16xi32>
        %ge3A_451 = arith.constant 5 : i32
        %ge3A_452 = vector.broadcast %ge3A_451 : i32 to vector<16xi32>
        %ge3A_453 = arith.cmpi sge, %iota3A, %ge3A_452 : vector<16xi32>
        %jit3A_454 = arith.constant 0 : i32
        %broadcast_in_dim3A_455 = vector.broadcast %jit3A_454 : i32 to vector<16xi32>
        %select_n3A_456 = arith.select %ge3A_453, %convert_element_type3A_449, %broadcast_in_dim3A_455 : vector<16xi1>, vector<16xi32>
        %add3A_457 = arith.addi %add3A_431, %select_n3A_456 : vector<16xi32>
        %sub3A_458 = arith.constant 6 : i32
        %sub3A_459 = vector.broadcast %sub3A_458 : i32 to vector<16xi32>
        %sub3A_460 = arith.subi %iota3A, %sub3A_459 : vector<16xi32>
        %and3A_461 = arith.constant 15 : i32
        %and3A_462 = vector.broadcast %and3A_461 : i32 to vector<16xi32>
        %and3A_463 = arith.andi %sub3A_460, %and3A_462 : vector<16xi32>
        %lt3A_464 = arith.constant 0 : i32
        %lt3A_465 = vector.broadcast %lt3A_464 : i32 to vector<16xi32>
        %lt3A_466 = arith.cmpi slt, %and3A_463, %lt3A_465 : vector<16xi32>
        %add3A_467 = arith.constant 16 : i32
        %add3A_468 = vector.broadcast %add3A_467 : i32 to vector<16xi32>
        %add3A_469 = arith.addi %and3A_463, %add3A_468 : vector<16xi32>
        %select_n3A_470 = arith.select %lt3A_466, %add3A_469, %and3A_463 : vector<16xi1>, vector<16xi32>
        %broadcast_in_dim3A_471 = vector.shape_cast %select_n3A_470 : vector<16xi32> to vector<16x1xi32>
        %gather3A_472 = vector.shape_cast %broadcast_in_dim3A_471 : vector<16x1xi32> to vector<16xi32>
        %gather3A_473 = tpu.dynamic_gather %add3A_332[%gather3A_472] in [0] : vector<16xi32>, vector<16xi32> -> vector<16xi32>
        %eq3A_474 = arith.cmpi eq, %add3A_332, %gather3A_473 : vector<16xi32>
        %convert_element_type3A_475 = arith.extui %eq3A_474 : vector<16xi1> to vector<16xi32>
        %add3A_476 = arith.addi %add3A_450, %convert_element_type3A_475 : vector<16xi32>
        %ge3A_477 = arith.constant 6 : i32
        %ge3A_478 = vector.broadcast %ge3A_477 : i32 to vector<16xi32>
        %ge3A_479 = arith.cmpi sge, %iota3A, %ge3A_478 : vector<16xi32>
        %jit3A_480 = arith.constant 0 : i32
        %broadcast_in_dim3A_481 = vector.broadcast %jit3A_480 : i32 to vector<16xi32>
        %select_n3A_482 = arith.select %ge3A_479, %convert_element_type3A_475, %broadcast_in_dim3A_481 : vector<16xi1>, vector<16xi32>
        %add3A_483 = arith.addi %add3A_457, %select_n3A_482 : vector<16xi32>
        %sub3A_484 = arith.constant 7 : i32
        %sub3A_485 = vector.broadcast %sub3A_484 : i32 to vector<16xi32>
        %sub3A_486 = arith.subi %iota3A, %sub3A_485 : vector<16xi32>
        %and3A_487 = arith.constant 15 : i32
        %and3A_488 = vector.broadcast %and3A_487 : i32 to vector<16xi32>
        %and3A_489 = arith.andi %sub3A_486, %and3A_488 : vector<16xi32>
        %lt3A_490 = arith.constant 0 : i32
        %lt3A_491 = vector.broadcast %lt3A_490 : i32 to vector<16xi32>
        %lt3A_492 = arith.cmpi slt, %and3A_489, %lt3A_491 : vector<16xi32>
        %add3A_493 = arith.constant 16 : i32
        %add3A_494 = vector.broadcast %add3A_493 : i32 to vector<16xi32>
        %add3A_495 = arith.addi %and3A_489, %add3A_494 : vector<16xi32>
        %select_n3A_496 = arith.select %lt3A_492, %add3A_495, %and3A_489 : vector<16xi1>, vector<16xi32>
        %broadcast_in_dim3A_497 = vector.shape_cast %select_n3A_496 : vector<16xi32> to vector<16x1xi32>
        %gather3A_498 = vector.shape_cast %broadcast_in_dim3A_497 : vector<16x1xi32> to vector<16xi32>
        %gather3A_499 = tpu.dynamic_gather %add3A_332[%gather3A_498] in [0] : vector<16xi32>, vector<16xi32> -> vector<16xi32>
        %eq3A_500 = arith.cmpi eq, %add3A_332, %gather3A_499 : vector<16xi32>
        %convert_element_type3A_501 = arith.extui %eq3A_500 : vector<16xi1> to vector<16xi32>
        %add3A_502 = arith.addi %add3A_476, %convert_element_type3A_501 : vector<16xi32>
        %ge3A_503 = arith.constant 7 : i32
        %ge3A_504 = vector.broadcast %ge3A_503 : i32 to vector<16xi32>
        %ge3A_505 = arith.cmpi sge, %iota3A, %ge3A_504 : vector<16xi32>
        %jit3A_506 = arith.constant 0 : i32
        %broadcast_in_dim3A_507 = vector.broadcast %jit3A_506 : i32 to vector<16xi32>
        %select_n3A_508 = arith.select %ge3A_505, %convert_element_type3A_501, %broadcast_in_dim3A_507 : vector<16xi1>, vector<16xi32>
        %add3A_509 = arith.addi %add3A_483, %select_n3A_508 : vector<16xi32>
        %sub3A_510 = arith.constant 8 : i32
        %sub3A_511 = vector.broadcast %sub3A_510 : i32 to vector<16xi32>
        %sub3A_512 = arith.subi %iota3A, %sub3A_511 : vector<16xi32>
        %and3A_513 = arith.constant 15 : i32
        %and3A_514 = vector.broadcast %and3A_513 : i32 to vector<16xi32>
        %and3A_515 = arith.andi %sub3A_512, %and3A_514 : vector<16xi32>
        %lt3A_516 = arith.constant 0 : i32
        %lt3A_517 = vector.broadcast %lt3A_516 : i32 to vector<16xi32>
        %lt3A_518 = arith.cmpi slt, %and3A_515, %lt3A_517 : vector<16xi32>
        %add3A_519 = arith.constant 16 : i32
        %add3A_520 = vector.broadcast %add3A_519 : i32 to vector<16xi32>
        %add3A_521 = arith.addi %and3A_515, %add3A_520 : vector<16xi32>
        %select_n3A_522 = arith.select %lt3A_518, %add3A_521, %and3A_515 : vector<16xi1>, vector<16xi32>
        %broadcast_in_dim3A_523 = vector.shape_cast %select_n3A_522 : vector<16xi32> to vector<16x1xi32>
        %gather3A_524 = vector.shape_cast %broadcast_in_dim3A_523 : vector<16x1xi32> to vector<16xi32>
        %gather3A_525 = tpu.dynamic_gather %add3A_332[%gather3A_524] in [0] : vector<16xi32>, vector<16xi32> -> vector<16xi32>
        %eq3A_526 = arith.cmpi eq, %add3A_332, %gather3A_525 : vector<16xi32>
        %convert_element_type3A_527 = arith.extui %eq3A_526 : vector<16xi1> to vector<16xi32>
        %add3A_528 = arith.addi %add3A_502, %convert_element_type3A_527 : vector<16xi32>
        %ge3A_529 = arith.constant 8 : i32
        %ge3A_530 = vector.broadcast %ge3A_529 : i32 to vector<16xi32>
        %ge3A_531 = arith.cmpi sge, %iota3A, %ge3A_530 : vector<16xi32>
        %jit3A_532 = arith.constant 0 : i32
        %broadcast_in_dim3A_533 = vector.broadcast %jit3A_532 : i32 to vector<16xi32>
        %select_n3A_534 = arith.select %ge3A_531, %convert_element_type3A_527, %broadcast_in_dim3A_533 : vector<16xi1>, vector<16xi32>
        %add3A_535 = arith.addi %add3A_509, %select_n3A_534 : vector<16xi32>
        %sub3A_536 = arith.constant 9 : i32
        %sub3A_537 = vector.broadcast %sub3A_536 : i32 to vector<16xi32>
        %sub3A_538 = arith.subi %iota3A, %sub3A_537 : vector<16xi32>
        %and3A_539 = arith.constant 15 : i32
        %and3A_540 = vector.broadcast %and3A_539 : i32 to vector<16xi32>
        %and3A_541 = arith.andi %sub3A_538, %and3A_540 : vector<16xi32>
        %lt3A_542 = arith.constant 0 : i32
        %lt3A_543 = vector.broadcast %lt3A_542 : i32 to vector<16xi32>
        %lt3A_544 = arith.cmpi slt, %and3A_541, %lt3A_543 : vector<16xi32>
        %add3A_545 = arith.constant 16 : i32
        %add3A_546 = vector.broadcast %add3A_545 : i32 to vector<16xi32>
        %add3A_547 = arith.addi %and3A_541, %add3A_546 : vector<16xi32>
        %select_n3A_548 = arith.select %lt3A_544, %add3A_547, %and3A_541 : vector<16xi1>, vector<16xi32>
        %broadcast_in_dim3A_549 = vector.shape_cast %select_n3A_548 : vector<16xi32> to vector<16x1xi32>
        %gather3A_550 = vector.shape_cast %broadcast_in_dim3A_549 : vector<16x1xi32> to vector<16xi32>
        %gather3A_551 = tpu.dynamic_gather %add3A_332[%gather3A_550] in [0] : vector<16xi32>, vector<16xi32> -> vector<16xi32>
        %eq3A_552 = arith.cmpi eq, %add3A_332, %gather3A_551 : vector<16xi32>
        %convert_element_type3A_553 = arith.extui %eq3A_552 : vector<16xi1> to vector<16xi32>
        %add3A_554 = arith.addi %add3A_528, %convert_element_type3A_553 : vector<16xi32>
        %ge3A_555 = arith.constant 9 : i32
        %ge3A_556 = vector.broadcast %ge3A_555 : i32 to vector<16xi32>
        %ge3A_557 = arith.cmpi sge, %iota3A, %ge3A_556 : vector<16xi32>
        %jit3A_558 = arith.constant 0 : i32
        %broadcast_in_dim3A_559 = vector.broadcast %jit3A_558 : i32 to vector<16xi32>
        %select_n3A_560 = arith.select %ge3A_557, %convert_element_type3A_553, %broadcast_in_dim3A_559 : vector<16xi1>, vector<16xi32>
        %add3A_561 = arith.addi %add3A_535, %select_n3A_560 : vector<16xi32>
        %sub3A_562 = arith.constant 10 : i32
        %sub3A_563 = vector.broadcast %sub3A_562 : i32 to vector<16xi32>
        %sub3A_564 = arith.subi %iota3A, %sub3A_563 : vector<16xi32>
        %and3A_565 = arith.constant 15 : i32
        %and3A_566 = vector.broadcast %and3A_565 : i32 to vector<16xi32>
        %and3A_567 = arith.andi %sub3A_564, %and3A_566 : vector<16xi32>
        %lt3A_568 = arith.constant 0 : i32
        %lt3A_569 = vector.broadcast %lt3A_568 : i32 to vector<16xi32>
        %lt3A_570 = arith.cmpi slt, %and3A_567, %lt3A_569 : vector<16xi32>
        %add3A_571 = arith.constant 16 : i32
        %add3A_572 = vector.broadcast %add3A_571 : i32 to vector<16xi32>
        %add3A_573 = arith.addi %and3A_567, %add3A_572 : vector<16xi32>
        %select_n3A_574 = arith.select %lt3A_570, %add3A_573, %and3A_567 : vector<16xi1>, vector<16xi32>
        %broadcast_in_dim3A_575 = vector.shape_cast %select_n3A_574 : vector<16xi32> to vector<16x1xi32>
        %gather3A_576 = vector.shape_cast %broadcast_in_dim3A_575 : vector<16x1xi32> to vector<16xi32>
        %gather3A_577 = tpu.dynamic_gather %add3A_332[%gather3A_576] in [0] : vector<16xi32>, vector<16xi32> -> vector<16xi32>
        %eq3A_578 = arith.cmpi eq, %add3A_332, %gather3A_577 : vector<16xi32>
        %convert_element_type3A_579 = arith.extui %eq3A_578 : vector<16xi1> to vector<16xi32>
        %add3A_580 = arith.addi %add3A_554, %convert_element_type3A_579 : vector<16xi32>
        %ge3A_581 = arith.constant 10 : i32
        %ge3A_582 = vector.broadcast %ge3A_581 : i32 to vector<16xi32>
        %ge3A_583 = arith.cmpi sge, %iota3A, %ge3A_582 : vector<16xi32>
        %jit3A_584 = arith.constant 0 : i32
        %broadcast_in_dim3A_585 = vector.broadcast %jit3A_584 : i32 to vector<16xi32>
        %select_n3A_586 = arith.select %ge3A_583, %convert_element_type3A_579, %broadcast_in_dim3A_585 : vector<16xi1>, vector<16xi32>
        %add3A_587 = arith.addi %add3A_561, %select_n3A_586 : vector<16xi32>
        %sub3A_588 = arith.constant 11 : i32
        %sub3A_589 = vector.broadcast %sub3A_588 : i32 to vector<16xi32>
        %sub3A_590 = arith.subi %iota3A, %sub3A_589 : vector<16xi32>
        %and3A_591 = arith.constant 15 : i32
        %and3A_592 = vector.broadcast %and3A_591 : i32 to vector<16xi32>
        %and3A_593 = arith.andi %sub3A_590, %and3A_592 : vector<16xi32>
        %lt3A_594 = arith.constant 0 : i32
        %lt3A_595 = vector.broadcast %lt3A_594 : i32 to vector<16xi32>
        %lt3A_596 = arith.cmpi slt, %and3A_593, %lt3A_595 : vector<16xi32>
        %add3A_597 = arith.constant 16 : i32
        %add3A_598 = vector.broadcast %add3A_597 : i32 to vector<16xi32>
        %add3A_599 = arith.addi %and3A_593, %add3A_598 : vector<16xi32>
        %select_n3A_600 = arith.select %lt3A_596, %add3A_599, %and3A_593 : vector<16xi1>, vector<16xi32>
        %broadcast_in_dim3A_601 = vector.shape_cast %select_n3A_600 : vector<16xi32> to vector<16x1xi32>
        %gather3A_602 = vector.shape_cast %broadcast_in_dim3A_601 : vector<16x1xi32> to vector<16xi32>
        %gather3A_603 = tpu.dynamic_gather %add3A_332[%gather3A_602] in [0] : vector<16xi32>, vector<16xi32> -> vector<16xi32>
        %eq3A_604 = arith.cmpi eq, %add3A_332, %gather3A_603 : vector<16xi32>
        %convert_element_type3A_605 = arith.extui %eq3A_604 : vector<16xi1> to vector<16xi32>
        %add3A_606 = arith.addi %add3A_580, %convert_element_type3A_605 : vector<16xi32>
        %ge3A_607 = arith.constant 11 : i32
        %ge3A_608 = vector.broadcast %ge3A_607 : i32 to vector<16xi32>
        %ge3A_609 = arith.cmpi sge, %iota3A, %ge3A_608 : vector<16xi32>
        %jit3A_610 = arith.constant 0 : i32
        %broadcast_in_dim3A_611 = vector.broadcast %jit3A_610 : i32 to vector<16xi32>
        %select_n3A_612 = arith.select %ge3A_609, %convert_element_type3A_605, %broadcast_in_dim3A_611 : vector<16xi1>, vector<16xi32>
        %add3A_613 = arith.addi %add3A_587, %select_n3A_612 : vector<16xi32>
        %sub3A_614 = arith.constant 12 : i32
        %sub3A_615 = vector.broadcast %sub3A_614 : i32 to vector<16xi32>
        %sub3A_616 = arith.subi %iota3A, %sub3A_615 : vector<16xi32>
        %and3A_617 = arith.constant 15 : i32
        %and3A_618 = vector.broadcast %and3A_617 : i32 to vector<16xi32>
        %and3A_619 = arith.andi %sub3A_616, %and3A_618 : vector<16xi32>
        %lt3A_620 = arith.constant 0 : i32
        %lt3A_621 = vector.broadcast %lt3A_620 : i32 to vector<16xi32>
        %lt3A_622 = arith.cmpi slt, %and3A_619, %lt3A_621 : vector<16xi32>
        %add3A_623 = arith.constant 16 : i32
        %add3A_624 = vector.broadcast %add3A_623 : i32 to vector<16xi32>
        %add3A_625 = arith.addi %and3A_619, %add3A_624 : vector<16xi32>
        %select_n3A_626 = arith.select %lt3A_622, %add3A_625, %and3A_619 : vector<16xi1>, vector<16xi32>
        %broadcast_in_dim3A_627 = vector.shape_cast %select_n3A_626 : vector<16xi32> to vector<16x1xi32>
        %gather3A_628 = vector.shape_cast %broadcast_in_dim3A_627 : vector<16x1xi32> to vector<16xi32>
        %gather3A_629 = tpu.dynamic_gather %add3A_332[%gather3A_628] in [0] : vector<16xi32>, vector<16xi32> -> vector<16xi32>
        %eq3A_630 = arith.cmpi eq, %add3A_332, %gather3A_629 : vector<16xi32>
        %convert_element_type3A_631 = arith.extui %eq3A_630 : vector<16xi1> to vector<16xi32>
        %add3A_632 = arith.addi %add3A_606, %convert_element_type3A_631 : vector<16xi32>
        %ge3A_633 = arith.constant 12 : i32
        %ge3A_634 = vector.broadcast %ge3A_633 : i32 to vector<16xi32>
        %ge3A_635 = arith.cmpi sge, %iota3A, %ge3A_634 : vector<16xi32>
        %jit3A_636 = arith.constant 0 : i32
        %broadcast_in_dim3A_637 = vector.broadcast %jit3A_636 : i32 to vector<16xi32>
        %select_n3A_638 = arith.select %ge3A_635, %convert_element_type3A_631, %broadcast_in_dim3A_637 : vector<16xi1>, vector<16xi32>
        %add3A_639 = arith.addi %add3A_613, %select_n3A_638 : vector<16xi32>
        %sub3A_640 = arith.constant 13 : i32
        %sub3A_641 = vector.broadcast %sub3A_640 : i32 to vector<16xi32>
        %sub3A_642 = arith.subi %iota3A, %sub3A_641 : vector<16xi32>
        %and3A_643 = arith.constant 15 : i32
        %and3A_644 = vector.broadcast %and3A_643 : i32 to vector<16xi32>
        %and3A_645 = arith.andi %sub3A_642, %and3A_644 : vector<16xi32>
        %lt3A_646 = arith.constant 0 : i32
        %lt3A_647 = vector.broadcast %lt3A_646 : i32 to vector<16xi32>
        %lt3A_648 = arith.cmpi slt, %and3A_645, %lt3A_647 : vector<16xi32>
        %add3A_649 = arith.constant 16 : i32
        %add3A_650 = vector.broadcast %add3A_649 : i32 to vector<16xi32>
        %add3A_651 = arith.addi %and3A_645, %add3A_650 : vector<16xi32>
        %select_n3A_652 = arith.select %lt3A_648, %add3A_651, %and3A_645 : vector<16xi1>, vector<16xi32>
        %broadcast_in_dim3A_653 = vector.shape_cast %select_n3A_652 : vector<16xi32> to vector<16x1xi32>
        %gather3A_654 = vector.shape_cast %broadcast_in_dim3A_653 : vector<16x1xi32> to vector<16xi32>
        %gather3A_655 = tpu.dynamic_gather %add3A_332[%gather3A_654] in [0] : vector<16xi32>, vector<16xi32> -> vector<16xi32>
        %eq3A_656 = arith.cmpi eq, %add3A_332, %gather3A_655 : vector<16xi32>
        %convert_element_type3A_657 = arith.extui %eq3A_656 : vector<16xi1> to vector<16xi32>
        %add3A_658 = arith.addi %add3A_632, %convert_element_type3A_657 : vector<16xi32>
        %ge3A_659 = arith.constant 13 : i32
        %ge3A_660 = vector.broadcast %ge3A_659 : i32 to vector<16xi32>
        %ge3A_661 = arith.cmpi sge, %iota3A, %ge3A_660 : vector<16xi32>
        %jit3A_662 = arith.constant 0 : i32
        %broadcast_in_dim3A_663 = vector.broadcast %jit3A_662 : i32 to vector<16xi32>
        %select_n3A_664 = arith.select %ge3A_661, %convert_element_type3A_657, %broadcast_in_dim3A_663 : vector<16xi1>, vector<16xi32>
        %add3A_665 = arith.addi %add3A_639, %select_n3A_664 : vector<16xi32>
        %sub3A_666 = arith.constant 14 : i32
        %sub3A_667 = vector.broadcast %sub3A_666 : i32 to vector<16xi32>
        %sub3A_668 = arith.subi %iota3A, %sub3A_667 : vector<16xi32>
        %and3A_669 = arith.constant 15 : i32
        %and3A_670 = vector.broadcast %and3A_669 : i32 to vector<16xi32>
        %and3A_671 = arith.andi %sub3A_668, %and3A_670 : vector<16xi32>
        %lt3A_672 = arith.constant 0 : i32
        %lt3A_673 = vector.broadcast %lt3A_672 : i32 to vector<16xi32>
        %lt3A_674 = arith.cmpi slt, %and3A_671, %lt3A_673 : vector<16xi32>
        %add3A_675 = arith.constant 16 : i32
        %add3A_676 = vector.broadcast %add3A_675 : i32 to vector<16xi32>
        %add3A_677 = arith.addi %and3A_671, %add3A_676 : vector<16xi32>
        %select_n3A_678 = arith.select %lt3A_674, %add3A_677, %and3A_671 : vector<16xi1>, vector<16xi32>
        %broadcast_in_dim3A_679 = vector.shape_cast %select_n3A_678 : vector<16xi32> to vector<16x1xi32>
        %gather3A_680 = vector.shape_cast %broadcast_in_dim3A_679 : vector<16x1xi32> to vector<16xi32>
        %gather3A_681 = tpu.dynamic_gather %add3A_332[%gather3A_680] in [0] : vector<16xi32>, vector<16xi32> -> vector<16xi32>
        %eq3A_682 = arith.cmpi eq, %add3A_332, %gather3A_681 : vector<16xi32>
        %convert_element_type3A_683 = arith.extui %eq3A_682 : vector<16xi1> to vector<16xi32>
        %add3A_684 = arith.addi %add3A_658, %convert_element_type3A_683 : vector<16xi32>
        %ge3A_685 = arith.constant 14 : i32
        %ge3A_686 = vector.broadcast %ge3A_685 : i32 to vector<16xi32>
        %ge3A_687 = arith.cmpi sge, %iota3A, %ge3A_686 : vector<16xi32>
        %jit3A_688 = arith.constant 0 : i32
        %broadcast_in_dim3A_689 = vector.broadcast %jit3A_688 : i32 to vector<16xi32>
        %select_n3A_690 = arith.select %ge3A_687, %convert_element_type3A_683, %broadcast_in_dim3A_689 : vector<16xi1>, vector<16xi32>
        %add3A_691 = arith.addi %add3A_665, %select_n3A_690 : vector<16xi32>
        %sub3A_692 = arith.constant 15 : i32
        %sub3A_693 = vector.broadcast %sub3A_692 : i32 to vector<16xi32>
        %sub3A_694 = arith.subi %iota3A, %sub3A_693 : vector<16xi32>
        %and3A_695 = arith.constant 15 : i32
        %and3A_696 = vector.broadcast %and3A_695 : i32 to vector<16xi32>
        %and3A_697 = arith.andi %sub3A_694, %and3A_696 : vector<16xi32>
        %lt3A_698 = arith.constant 0 : i32
        %lt3A_699 = vector.broadcast %lt3A_698 : i32 to vector<16xi32>
        %lt3A_700 = arith.cmpi slt, %and3A_697, %lt3A_699 : vector<16xi32>
        %add3A_701 = arith.constant 16 : i32
        %add3A_702 = vector.broadcast %add3A_701 : i32 to vector<16xi32>
        %add3A_703 = arith.addi %and3A_697, %add3A_702 : vector<16xi32>
        %select_n3A_704 = arith.select %lt3A_700, %add3A_703, %and3A_697 : vector<16xi1>, vector<16xi32>
        %broadcast_in_dim3A_705 = vector.shape_cast %select_n3A_704 : vector<16xi32> to vector<16x1xi32>
        %gather3A_706 = vector.shape_cast %broadcast_in_dim3A_705 : vector<16x1xi32> to vector<16xi32>
        %gather3A_707 = tpu.dynamic_gather %add3A_332[%gather3A_706] in [0] : vector<16xi32>, vector<16xi32> -> vector<16xi32>
        %eq3A_708 = arith.cmpi eq, %add3A_332, %gather3A_707 : vector<16xi32>
        %convert_element_type3A_709 = arith.extui %eq3A_708 : vector<16xi1> to vector<16xi32>
        %add3A_710 = arith.addi %add3A_684, %convert_element_type3A_709 : vector<16xi32>
        %ge3A_711 = arith.constant 15 : i32
        %ge3A_712 = vector.broadcast %ge3A_711 : i32 to vector<16xi32>
        %ge3A_713 = arith.cmpi sge, %iota3A, %ge3A_712 : vector<16xi32>
        %jit3A_714 = arith.constant 0 : i32
        %broadcast_in_dim3A_715 = vector.broadcast %jit3A_714 : i32 to vector<16xi32>
        %select_n3A_716 = arith.select %ge3A_713, %convert_element_type3A_709, %broadcast_in_dim3A_715 : vector<16xi1>, vector<16xi32>
        %add3A_717 = arith.addi %add3A_691, %select_n3A_716 : vector<16xi32>
        %shift_right_arithmetic3A = arith.constant 7 : i32
        %shift_right_arithmetic3A_718 = vector.broadcast %shift_right_arithmetic3A : i32 to vector<16xi32>
        %shift_right_arithmetic3A_719 = arith.shrsi %add3A_332, %shift_right_arithmetic3A_718 : vector<16xi32>
        %and3A_720 = arith.constant 127 : i32
        %and3A_721 = vector.broadcast %and3A_720 : i32 to vector<16xi32>
        %and3A_722 = arith.andi %add3A_332, %and3A_721 : vector<16xi32>
        %eq3A_723 = arith.constant 0 : i32
        %eq3A_724 = vector.broadcast %eq3A_723 : i32 to vector<16xi32>
        %eq3A_725 = arith.cmpi eq, %add3A_717, %eq3A_724 : vector<16xi32>
        tpu.vector_store_idx %arg5[%shift_right_arithmetic3A_719, %and3A_722], %add3A_710 masked %eq3A_725 {add = true} : memref<640x128xi32, #tpu.memory_space<vmem>>[vector<16xi32>, vector<16xi32>], vector<16xi32>, vector<16xi1>
        %scan3A_726 = arith.constant 0 : i32
        scf.yield %scan3A_726 : i32
      }
      %scan3A_318 = arith.constant 160 : i32
      %scan3A_319 = arith.constant 0 : i32
      scf.yield %scan3A_319 : i32
    }
    %scan3A_295 = arith.constant 4 : i32
    %run_scoped3A = arith.constant 0 : i32
    "tpu.region"() ({
      %run_scoped3A_305 = tpu.sem_alloc : memref<!tpu.dma_semaphore, #tpu.memory_space<semaphore_mem>>
      %dma_start3A = arith.constant 0 : i32
      %dma_start3A_306 = arith.constant 0 : i32
      %dma_start3A_307 = tpu.memref_slice %arg5[%dma_start3A, %dma_start3A_306] : memref<640x128xi32, #tpu.memory_space<vmem>> -> memref<128x128xi32, #tpu.memory_space<vmem>>
      %dma_start3A_308 = arith.constant 0 : i32
      %dma_start3A_309 = tpu.memref_slice %arg8[%run_scoped3A, %dma_start3A_308] : memref<5x128xi32, #tpu.memory_space<vmem>> -> memref<1x128xi32, #tpu.memory_space<vmem>>
      %dma_start3A_310 = tpu.memref_squeeze %dma_start3A_309 : memref<1x128xi32, #tpu.memory_space<vmem>> -> memref<128xi32, #tpu.memory_space<vmem>>
      %dma_start3A_311 = arith.constant 0 : i32
      %dma_start3A_312 = arith.constant 0 : i32
      %dma_start3A_313 = tpu.memref_slice %arg9[%dma_start3A_311, %dma_start3A_312] : memref<640x128xi32, #tpu.memory_space<vmem_shared>> -> memref<640x128xi32, #tpu.memory_space<vmem_shared>>
      tpu.enqueue_indirect_dma source(%dma_start3A_307 : memref<128x128xi32, #tpu.memory_space<vmem>>) target(%dma_start3A_313 : memref<640x128xi32, #tpu.memory_space<vmem_shared>>) offsets(%dma_start3A_310 : memref<128xi32, #tpu.memory_space<vmem>>) semaphore(%run_scoped3A_305 : memref<!tpu.dma_semaphore, #tpu.memory_space<semaphore_mem>>) {add = true}
      %dma_wait3A = arith.constant 0 : i32
      %dma_wait3A_314 = arith.constant 0 : i32
      %dma_wait3A_315 = tpu.memref_slice %arg5[%dma_wait3A, %dma_wait3A_314] : memref<640x128xi32, #tpu.memory_space<vmem>> -> memref<128x128xi32, #tpu.memory_space<vmem>>
      %dma_wait3A_316 = arith.constant 0 : i32
      %dma_wait3A_317 = tpu.memref_slice %arg8[%run_scoped3A, %dma_wait3A_316] : memref<5x128xi32, #tpu.memory_space<vmem>> -> memref<1x128xi32, #tpu.memory_space<vmem>>
      %dma_wait3A_318 = tpu.memref_squeeze %dma_wait3A_317 : memref<1x128xi32, #tpu.memory_space<vmem>> -> memref<128xi32, #tpu.memory_space<vmem>>
      %dma_wait3A_319 = arith.constant 0 : i32
      %dma_wait3A_320 = arith.constant 0 : i32
      %dma_wait3A_321 = tpu.memref_slice %arg9[%dma_wait3A_319, %dma_wait3A_320] : memref<640x128xi32, #tpu.memory_space<vmem_shared>> -> memref<640x128xi32, #tpu.memory_space<vmem_shared>>
      tpu.wait_indirect_dma semaphore(%run_scoped3A_305 : memref<!tpu.dma_semaphore, #tpu.memory_space<semaphore_mem>>) src(%dma_wait3A_315 : memref<128x128xi32, #tpu.memory_space<vmem>>) dst(%dma_wait3A_321 : memref<640x128xi32, #tpu.memory_space<vmem_shared>>)
      tpu.yield
    }) : () -> ()
    %run_scoped3A_296 = arith.constant 1 : i32
    "tpu.region"() ({
      %run_scoped3A_305 = tpu.sem_alloc : memref<!tpu.dma_semaphore, #tpu.memory_space<semaphore_mem>>
      %dma_start3A = arith.constant 128 : i32
      %dma_start3A_306 = arith.constant 0 : i32
      %dma_start3A_307 = tpu.memref_slice %arg5[%dma_start3A, %dma_start3A_306] : memref<640x128xi32, #tpu.memory_space<vmem>> -> memref<128x128xi32, #tpu.memory_space<vmem>>
      %dma_start3A_308 = arith.constant 0 : i32
      %dma_start3A_309 = tpu.memref_slice %arg8[%run_scoped3A_296, %dma_start3A_308] : memref<5x128xi32, #tpu.memory_space<vmem>> -> memref<1x128xi32, #tpu.memory_space<vmem>>
      %dma_start3A_310 = tpu.memref_squeeze %dma_start3A_309 : memref<1x128xi32, #tpu.memory_space<vmem>> -> memref<128xi32, #tpu.memory_space<vmem>>
      %dma_start3A_311 = arith.constant 0 : i32
      %dma_start3A_312 = arith.constant 0 : i32
      %dma_start3A_313 = tpu.memref_slice %arg9[%dma_start3A_311, %dma_start3A_312] : memref<640x128xi32, #tpu.memory_space<vmem_shared>> -> memref<640x128xi32, #tpu.memory_space<vmem_shared>>
      tpu.enqueue_indirect_dma source(%dma_start3A_307 : memref<128x128xi32, #tpu.memory_space<vmem>>) target(%dma_start3A_313 : memref<640x128xi32, #tpu.memory_space<vmem_shared>>) offsets(%dma_start3A_310 : memref<128xi32, #tpu.memory_space<vmem>>) semaphore(%run_scoped3A_305 : memref<!tpu.dma_semaphore, #tpu.memory_space<semaphore_mem>>) {add = true}
      %dma_wait3A = arith.constant 128 : i32
      %dma_wait3A_314 = arith.constant 0 : i32
      %dma_wait3A_315 = tpu.memref_slice %arg5[%dma_wait3A, %dma_wait3A_314] : memref<640x128xi32, #tpu.memory_space<vmem>> -> memref<128x128xi32, #tpu.memory_space<vmem>>
      %dma_wait3A_316 = arith.constant 0 : i32
      %dma_wait3A_317 = tpu.memref_slice %arg8[%run_scoped3A_296, %dma_wait3A_316] : memref<5x128xi32, #tpu.memory_space<vmem>> -> memref<1x128xi32, #tpu.memory_space<vmem>>
      %dma_wait3A_318 = tpu.memref_squeeze %dma_wait3A_317 : memref<1x128xi32, #tpu.memory_space<vmem>> -> memref<128xi32, #tpu.memory_space<vmem>>
      %dma_wait3A_319 = arith.constant 0 : i32
      %dma_wait3A_320 = arith.constant 0 : i32
      %dma_wait3A_321 = tpu.memref_slice %arg9[%dma_wait3A_319, %dma_wait3A_320] : memref<640x128xi32, #tpu.memory_space<vmem_shared>> -> memref<640x128xi32, #tpu.memory_space<vmem_shared>>
      tpu.wait_indirect_dma semaphore(%run_scoped3A_305 : memref<!tpu.dma_semaphore, #tpu.memory_space<semaphore_mem>>) src(%dma_wait3A_315 : memref<128x128xi32, #tpu.memory_space<vmem>>) dst(%dma_wait3A_321 : memref<640x128xi32, #tpu.memory_space<vmem_shared>>)
      tpu.yield
    }) : () -> ()
    %run_scoped3A_297 = arith.constant 2 : i32
    "tpu.region"() ({
      %run_scoped3A_305 = tpu.sem_alloc : memref<!tpu.dma_semaphore, #tpu.memory_space<semaphore_mem>>
      %dma_start3A = arith.constant 256 : i32
      %dma_start3A_306 = arith.constant 0 : i32
      %dma_start3A_307 = tpu.memref_slice %arg5[%dma_start3A, %dma_start3A_306] : memref<640x128xi32, #tpu.memory_space<vmem>> -> memref<128x128xi32, #tpu.memory_space<vmem>>
      %dma_start3A_308 = arith.constant 0 : i32
      %dma_start3A_309 = tpu.memref_slice %arg8[%run_scoped3A_297, %dma_start3A_308] : memref<5x128xi32, #tpu.memory_space<vmem>> -> memref<1x128xi32, #tpu.memory_space<vmem>>
      %dma_start3A_310 = tpu.memref_squeeze %dma_start3A_309 : memref<1x128xi32, #tpu.memory_space<vmem>> -> memref<128xi32, #tpu.memory_space<vmem>>
      %dma_start3A_311 = arith.constant 0 : i32
      %dma_start3A_312 = arith.constant 0 : i32
      %dma_start3A_313 = tpu.memref_slice %arg9[%dma_start3A_311, %dma_start3A_312] : memref<640x128xi32, #tpu.memory_space<vmem_shared>> -> memref<640x128xi32, #tpu.memory_space<vmem_shared>>
      tpu.enqueue_indirect_dma source(%dma_start3A_307 : memref<128x128xi32, #tpu.memory_space<vmem>>) target(%dma_start3A_313 : memref<640x128xi32, #tpu.memory_space<vmem_shared>>) offsets(%dma_start3A_310 : memref<128xi32, #tpu.memory_space<vmem>>) semaphore(%run_scoped3A_305 : memref<!tpu.dma_semaphore, #tpu.memory_space<semaphore_mem>>) {add = true}
      %dma_wait3A = arith.constant 256 : i32
      %dma_wait3A_314 = arith.constant 0 : i32
      %dma_wait3A_315 = tpu.memref_slice %arg5[%dma_wait3A, %dma_wait3A_314] : memref<640x128xi32, #tpu.memory_space<vmem>> -> memref<128x128xi32, #tpu.memory_space<vmem>>
      %dma_wait3A_316 = arith.constant 0 : i32
      %dma_wait3A_317 = tpu.memref_slice %arg8[%run_scoped3A_297, %dma_wait3A_316] : memref<5x128xi32, #tpu.memory_space<vmem>> -> memref<1x128xi32, #tpu.memory_space<vmem>>
      %dma_wait3A_318 = tpu.memref_squeeze %dma_wait3A_317 : memref<1x128xi32, #tpu.memory_space<vmem>> -> memref<128xi32, #tpu.memory_space<vmem>>
      %dma_wait3A_319 = arith.constant 0 : i32
      %dma_wait3A_320 = arith.constant 0 : i32
      %dma_wait3A_321 = tpu.memref_slice %arg9[%dma_wait3A_319, %dma_wait3A_320] : memref<640x128xi32, #tpu.memory_space<vmem_shared>> -> memref<640x128xi32, #tpu.memory_space<vmem_shared>>
      tpu.wait_indirect_dma semaphore(%run_scoped3A_305 : memref<!tpu.dma_semaphore, #tpu.memory_space<semaphore_mem>>) src(%dma_wait3A_315 : memref<128x128xi32, #tpu.memory_space<vmem>>) dst(%dma_wait3A_321 : memref<640x128xi32, #tpu.memory_space<vmem_shared>>)
      tpu.yield
    }) : () -> ()
    %run_scoped3A_298 = arith.constant 3 : i32
    "tpu.region"() ({
      %run_scoped3A_305 = tpu.sem_alloc : memref<!tpu.dma_semaphore, #tpu.memory_space<semaphore_mem>>
      %dma_start3A = arith.constant 384 : i32
      %dma_start3A_306 = arith.constant 0 : i32
      %dma_start3A_307 = tpu.memref_slice %arg5[%dma_start3A, %dma_start3A_306] : memref<640x128xi32, #tpu.memory_space<vmem>> -> memref<128x128xi32, #tpu.memory_space<vmem>>
      %dma_start3A_308 = arith.constant 0 : i32
      %dma_start3A_309 = tpu.memref_slice %arg8[%run_scoped3A_298, %dma_start3A_308] : memref<5x128xi32, #tpu.memory_space<vmem>> -> memref<1x128xi32, #tpu.memory_space<vmem>>
      %dma_start3A_310 = tpu.memref_squeeze %dma_start3A_309 : memref<1x128xi32, #tpu.memory_space<vmem>> -> memref<128xi32, #tpu.memory_space<vmem>>
      %dma_start3A_311 = arith.constant 0 : i32
      %dma_start3A_312 = arith.constant 0 : i32
      %dma_start3A_313 = tpu.memref_slice %arg9[%dma_start3A_311, %dma_start3A_312] : memref<640x128xi32, #tpu.memory_space<vmem_shared>> -> memref<640x128xi32, #tpu.memory_space<vmem_shared>>
      tpu.enqueue_indirect_dma source(%dma_start3A_307 : memref<128x128xi32, #tpu.memory_space<vmem>>) target(%dma_start3A_313 : memref<640x128xi32, #tpu.memory_space<vmem_shared>>) offsets(%dma_start3A_310 : memref<128xi32, #tpu.memory_space<vmem>>) semaphore(%run_scoped3A_305 : memref<!tpu.dma_semaphore, #tpu.memory_space<semaphore_mem>>) {add = true}
      %dma_wait3A = arith.constant 384 : i32
      %dma_wait3A_314 = arith.constant 0 : i32
      %dma_wait3A_315 = tpu.memref_slice %arg5[%dma_wait3A, %dma_wait3A_314] : memref<640x128xi32, #tpu.memory_space<vmem>> -> memref<128x128xi32, #tpu.memory_space<vmem>>
      %dma_wait3A_316 = arith.constant 0 : i32
      %dma_wait3A_317 = tpu.memref_slice %arg8[%run_scoped3A_298, %dma_wait3A_316] : memref<5x128xi32, #tpu.memory_space<vmem>> -> memref<1x128xi32, #tpu.memory_space<vmem>>
      %dma_wait3A_318 = tpu.memref_squeeze %dma_wait3A_317 : memref<1x128xi32, #tpu.memory_space<vmem>> -> memref<128xi32, #tpu.memory_space<vmem>>
      %dma_wait3A_319 = arith.constant 0 : i32
      %dma_wait3A_320 = arith.constant 0 : i32
      %dma_wait3A_321 = tpu.memref_slice %arg9[%dma_wait3A_319, %dma_wait3A_320] : memref<640x128xi32, #tpu.memory_space<vmem_shared>> -> memref<640x128xi32, #tpu.memory_space<vmem_shared>>
      tpu.wait_indirect_dma semaphore(%run_scoped3A_305 : memref<!tpu.dma_semaphore, #tpu.memory_space<semaphore_mem>>) src(%dma_wait3A_315 : memref<128x128xi32, #tpu.memory_space<vmem>>) dst(%dma_wait3A_321 : memref<640x128xi32, #tpu.memory_space<vmem_shared>>)
      tpu.yield
    }) : () -> ()
    %run_scoped3A_299 = arith.constant 4 : i32
    "tpu.region"() ({
      %run_scoped3A_305 = tpu.sem_alloc : memref<!tpu.dma_semaphore, #tpu.memory_space<semaphore_mem>>
      %dma_start3A = arith.constant 512 : i32
      %dma_start3A_306 = arith.constant 0 : i32
      %dma_start3A_307 = tpu.memref_slice %arg5[%dma_start3A, %dma_start3A_306] : memref<640x128xi32, #tpu.memory_space<vmem>> -> memref<128x128xi32, #tpu.memory_space<vmem>>
      %dma_start3A_308 = arith.constant 0 : i32
      %dma_start3A_309 = tpu.memref_slice %arg8[%run_scoped3A_299, %dma_start3A_308] : memref<5x128xi32, #tpu.memory_space<vmem>> -> memref<1x128xi32, #tpu.memory_space<vmem>>
      %dma_start3A_310 = tpu.memref_squeeze %dma_start3A_309 : memref<1x128xi32, #tpu.memory_space<vmem>> -> memref<128xi32, #tpu.memory_space<vmem>>
      %dma_start3A_311 = arith.constant 0 : i32
      %dma_start3A_312 = arith.constant 0 : i32
      %dma_start3A_313 = tpu.memref_slice %arg9[%dma_start3A_311, %dma_start3A_312] : memref<640x128xi32, #tpu.memory_space<vmem_shared>> -> memref<640x128xi32, #tpu.memory_space<vmem_shared>>
      tpu.enqueue_indirect_dma source(%dma_start3A_307 : memref<128x128xi32, #tpu.memory_space<vmem>>) target(%dma_start3A_313 : memref<640x128xi32, #tpu.memory_space<vmem_shared>>) offsets(%dma_start3A_310 : memref<128xi32, #tpu.memory_space<vmem>>) semaphore(%run_scoped3A_305 : memref<!tpu.dma_semaphore, #tpu.memory_space<semaphore_mem>>) {add = true}
      %dma_wait3A = arith.constant 512 : i32
      %dma_wait3A_314 = arith.constant 0 : i32
      %dma_wait3A_315 = tpu.memref_slice %arg5[%dma_wait3A, %dma_wait3A_314] : memref<640x128xi32, #tpu.memory_space<vmem>> -> memref<128x128xi32, #tpu.memory_space<vmem>>
      %dma_wait3A_316 = arith.constant 0 : i32
      %dma_wait3A_317 = tpu.memref_slice %arg8[%run_scoped3A_299, %dma_wait3A_316] : memref<5x128xi32, #tpu.memory_space<vmem>> -> memref<1x128xi32, #tpu.memory_space<vmem>>
      %dma_wait3A_318 = tpu.memref_squeeze %dma_wait3A_317 : memref<1x128xi32, #tpu.memory_space<vmem>> -> memref<128xi32, #tpu.memory_space<vmem>>
      %dma_wait3A_319 = arith.constant 0 : i32
      %dma_wait3A_320 = arith.constant 0 : i32
      %dma_wait3A_321 = tpu.memref_slice %arg9[%dma_wait3A_319, %dma_wait3A_320] : memref<640x128xi32, #tpu.memory_space<vmem_shared>> -> memref<640x128xi32, #tpu.memory_space<vmem_shared>>
      tpu.wait_indirect_dma semaphore(%run_scoped3A_305 : memref<!tpu.dma_semaphore, #tpu.memory_space<semaphore_mem>>) src(%dma_wait3A_315 : memref<128x128xi32, #tpu.memory_space<vmem>>) dst(%dma_wait3A_321 : memref<640x128xi32, #tpu.memory_space<vmem_shared>>)
      tpu.yield
    }) : () -> ()
    %barrier3A_300 = arith.constant 0 : index
    tpu.barrier barrier_id(%barrier3A_300)
    %mul3A_301 = arith.constant 40 : i32
    %mul3A_302 = arith.muli %arg1, %mul3A_301 : i32
    %mul3A_303 = arith.constant 40 : i32
    %mul3A_304 = arith.muli %arg1, %mul3A_303 : i32
    "tpu.region"() ({
      %run_scoped3A_305 = tpu.sem_alloc : memref<!tpu.dma_semaphore, #tpu.memory_space<semaphore_mem>>
      %dma_start3A = arith.constant 0 : i32
      %dma_start3A_306 = tpu.memref_slice %arg4[%arg0, %mul3A_304, %dma_start3A] : memref<2x640x128xi32, #tpu.memory_space<hbm>> -> memref<1x40x128xi32, #tpu.memory_space<hbm>>
      %dma_start3A_307 = tpu.memref_squeeze %dma_start3A_306 : memref<1x40x128xi32, #tpu.memory_space<hbm>> -> memref<40x128xi32, #tpu.memory_space<hbm>>
      %dma_start3A_308 = arith.constant 0 : i32
      %dma_start3A_309 = tpu.memref_slice %arg9[%mul3A_302, %dma_start3A_308] : memref<640x128xi32, #tpu.memory_space<vmem_shared>> -> memref<40x128xi32, #tpu.memory_space<vmem_shared>>
      tpu.enqueue_dma source(%dma_start3A_309 : memref<40x128xi32, #tpu.memory_space<vmem_shared>>) target(%dma_start3A_307 : memref<40x128xi32, #tpu.memory_space<hbm>>) target_semaphore(%run_scoped3A_305 : memref<!tpu.dma_semaphore, #tpu.memory_space<semaphore_mem>>)
      %dma_wait3A = arith.constant 0 : i32
      %dma_wait3A_310 = tpu.memref_slice %arg4[%arg0, %mul3A_304, %dma_wait3A] : memref<2x640x128xi32, #tpu.memory_space<hbm>> -> memref<1x40x128xi32, #tpu.memory_space<hbm>>
      %dma_wait3A_311 = tpu.memref_squeeze %dma_wait3A_310 : memref<1x40x128xi32, #tpu.memory_space<hbm>> -> memref<40x128xi32, #tpu.memory_space<hbm>>
      %dma_wait3A_312 = arith.constant 0 : i32
      %dma_wait3A_313 = tpu.memref_slice %arg9[%mul3A_302, %dma_wait3A_312] : memref<640x128xi32, #tpu.memory_space<vmem_shared>> -> memref<40x128xi32, #tpu.memory_space<vmem_shared>>
      tpu.wait_dma2 semaphore(%run_scoped3A_305 : memref<!tpu.dma_semaphore, #tpu.memory_space<semaphore_mem>>) src(%dma_wait3A_313 : memref<40x128xi32, #tpu.memory_space<vmem_shared>>) dst(%dma_wait3A_311 : memref<40x128xi32, #tpu.memory_space<hbm>>)
      tpu.yield
    }) : () -> ()
    return
  }
}

#map = affine_map<(d0, d1) -> (0)>
#map1 = affine_map<(d0, d1) -> (0, 0)>
module attributes {stable_mosaic.version = 14 : i64} {
  func.func @body(%arg0: i32, %arg1: i32, %arg2: memref<327680xi32, #tpu.memory_space<hbm>>, %arg3: memref<327680xi32, #tpu.memory_space<hbm>>, %arg4: memref<640x128xf32, #tpu.memory_space<hbm>>, %arg5: memref<327680xf32, #tpu.memory_space<hbm>>, %arg6: memref<640x128xf32, #tpu.memory_space<vmem>>, %arg7: memref<2560xi32, #tpu.memory_space<vmem>>, %arg8: memref<2560xi32, #tpu.memory_space<vmem>>, %arg9: memref<2560xf32, #tpu.memory_space<vmem>>) attributes {dimension_semantics = [#tpu.dimension_semantics<core_parallel>, #tpu.dimension_semantics<subcore_parallel>], iteration_bounds = array<i64: 2, 16>, scalar_prefetch = 0 : i64, scratch_operands = 4 : i64, tpu.core_type = #tpu.core_type<sc_vector_subcore>, window_params = [{transform_indices = #map}, {transform_indices = #map}, {transform_indices = #map1}, {transform_indices = #map}]} {
    %mul3A = arith.constant 16 : i32
    %mul3A_0 = arith.muli %arg0, %mul3A : i32
    %add3A = arith.addi %mul3A_0, %arg1 : i32
    "tpu.region"() ({
      %run_scoped3A = tpu.sem_alloc : memref<!tpu.dma_semaphore, #tpu.memory_space<semaphore_mem>>
      tpu.enqueue_dma source(%arg4 : memref<640x128xf32, #tpu.memory_space<hbm>>) target(%arg6 : memref<640x128xf32, #tpu.memory_space<vmem>>) target_semaphore(%run_scoped3A : memref<!tpu.dma_semaphore, #tpu.memory_space<semaphore_mem>>)
      tpu.wait_dma2 semaphore(%run_scoped3A : memref<!tpu.dma_semaphore, #tpu.memory_space<semaphore_mem>>) src(%arg4 : memref<640x128xf32, #tpu.memory_space<hbm>>) dst(%arg6 : memref<640x128xf32, #tpu.memory_space<vmem>>)
      tpu.yield
    }) : () -> ()
    %scan3A = arith.constant 0 : i32
    %scan3A_1 = arith.constant 0 : i32
    %scan3A_2 = arith.constant 4 : i32
    %scan3A_3 = arith.addi %scan3A_1, %scan3A_2 : i32
    %scan3A_4 = arith.constant 1 : i32
    %scan3A_5 = scf.for %scan3A_7 = %scan3A_1 to %scan3A_3 step %scan3A_4 iter_args(%scan3A_8 = %scan3A) -> (i32)  : i32 {
      %mul3A_9 = arith.constant 10240 : i32
      %mul3A_10 = arith.muli %add3A, %mul3A_9 : i32
      %mul3A_11 = arith.constant 2560 : i32
      %mul3A_12 = arith.muli %scan3A_7, %mul3A_11 : i32
      %add3A_13 = arith.addi %mul3A_10, %mul3A_12 : i32
      "tpu.region"() ({
        %run_scoped3A = tpu.sem_alloc : memref<!tpu.dma_semaphore, #tpu.memory_space<semaphore_mem>>
        %dma_start3A = tpu.memref_slice %arg2[%add3A_13] : memref<327680xi32, #tpu.memory_space<hbm>> -> memref<2560xi32, #tpu.memory_space<hbm>>
        %dma_start3A_22 = tpu.memref_slice %arg2[%add3A_13] : memref<327680xi32, #tpu.memory_space<hbm>> -> memref<2560xi32, #tpu.memory_space<hbm>>
        tpu.enqueue_dma source(%dma_start3A_22 : memref<2560xi32, #tpu.memory_space<hbm>>) target(%arg7 : memref<2560xi32, #tpu.memory_space<vmem>>) target_semaphore(%run_scoped3A : memref<!tpu.dma_semaphore, #tpu.memory_space<semaphore_mem>>)
        %dma_wait3A = tpu.memref_slice %arg2[%add3A_13] : memref<327680xi32, #tpu.memory_space<hbm>> -> memref<2560xi32, #tpu.memory_space<hbm>>
        %dma_wait3A_23 = tpu.memref_slice %arg2[%add3A_13] : memref<327680xi32, #tpu.memory_space<hbm>> -> memref<2560xi32, #tpu.memory_space<hbm>>
        tpu.wait_dma2 semaphore(%run_scoped3A : memref<!tpu.dma_semaphore, #tpu.memory_space<semaphore_mem>>) src(%dma_wait3A_23 : memref<2560xi32, #tpu.memory_space<hbm>>) dst(%arg7 : memref<2560xi32, #tpu.memory_space<vmem>>)
        tpu.yield
      }) : () -> ()
      "tpu.region"() ({
        %run_scoped3A = tpu.sem_alloc : memref<!tpu.dma_semaphore, #tpu.memory_space<semaphore_mem>>
        %dma_start3A = tpu.memref_slice %arg3[%add3A_13] : memref<327680xi32, #tpu.memory_space<hbm>> -> memref<2560xi32, #tpu.memory_space<hbm>>
        %dma_start3A_22 = tpu.memref_slice %arg3[%add3A_13] : memref<327680xi32, #tpu.memory_space<hbm>> -> memref<2560xi32, #tpu.memory_space<hbm>>
        tpu.enqueue_dma source(%dma_start3A_22 : memref<2560xi32, #tpu.memory_space<hbm>>) target(%arg8 : memref<2560xi32, #tpu.memory_space<vmem>>) target_semaphore(%run_scoped3A : memref<!tpu.dma_semaphore, #tpu.memory_space<semaphore_mem>>)
        %dma_wait3A = tpu.memref_slice %arg3[%add3A_13] : memref<327680xi32, #tpu.memory_space<hbm>> -> memref<2560xi32, #tpu.memory_space<hbm>>
        %dma_wait3A_23 = tpu.memref_slice %arg3[%add3A_13] : memref<327680xi32, #tpu.memory_space<hbm>> -> memref<2560xi32, #tpu.memory_space<hbm>>
        tpu.wait_dma2 semaphore(%run_scoped3A : memref<!tpu.dma_semaphore, #tpu.memory_space<semaphore_mem>>) src(%dma_wait3A_23 : memref<2560xi32, #tpu.memory_space<hbm>>) dst(%arg8 : memref<2560xi32, #tpu.memory_space<vmem>>)
        tpu.yield
      }) : () -> ()
      %scan3A_14 = arith.constant 0 : i32
      %scan3A_15 = arith.constant 0 : i32
      %scan3A_16 = arith.constant 160 : i32
      %scan3A_17 = arith.addi %scan3A_15, %scan3A_16 : i32
      %scan3A_18 = arith.constant 1 : i32
      %scan3A_19 = scf.for %scan3A_22 = %scan3A_15 to %scan3A_17 step %scan3A_18 iter_args(%scan3A_23 = %scan3A_14) -> (i32)  : i32 {
        %mul3A_24 = arith.constant 16 : i32
        %mul3A_25 = arith.muli %scan3A_22, %mul3A_24 : i32
        %get3A = arith.index_cast %mul3A_25 : i32 to index
        %get3A_26 = tpu.vector_load %arg7[%get3A] {strides = array<i32>} : memref<2560xi32, #tpu.memory_space<vmem>>, vector<16xi32>,
        %mul3A_27 = arith.constant 8 : i32
        %mul3A_28 = vector.broadcast %mul3A_27 : i32 to vector<16xi32>
        %mul3A_29 = arith.muli %get3A_26, %mul3A_28 : vector<16xi32>
        %get3A_30 = arith.index_cast %mul3A_25 : i32 to index
        %get3A_31 = tpu.vector_load %arg8[%get3A_30] {strides = array<i32>} : memref<2560xi32, #tpu.memory_space<vmem>>, vector<16xi32>,
        %add3A_32 = arith.addi %mul3A_29, %get3A_31 : vector<16xi32>
        %shift_right_arithmetic3A = arith.constant 7 : i32
        %shift_right_arithmetic3A_33 = vector.broadcast %shift_right_arithmetic3A : i32 to vector<16xi32>
        %shift_right_arithmetic3A_34 = arith.shrsi %add3A_32, %shift_right_arithmetic3A_33 : vector<16xi32>
        %and3A = arith.constant 127 : i32
        %and3A_35 = vector.broadcast %and3A : i32 to vector<16xi32>
        %and3A_36 = arith.andi %add3A_32, %and3A_35 : vector<16xi32>
        %gather3A = tpu.vector_load_idx %arg6[%shift_right_arithmetic3A_34, %and3A_36] : memref<640x128xf32, #tpu.memory_space<vmem>>[vector<16xi32>, vector<16xi32>], vector<16xf32>,
        %swap3A = arith.index_cast %mul3A_25 : i32 to index
        %swap3A_37 = tpu.vector_load %arg9[%swap3A] {strides = array<i32>} : memref<2560xf32, #tpu.memory_space<vmem>>, vector<16xf32>,
        tpu.vector_store %arg9[%swap3A], %gather3A {strides = array<i32>} : memref<2560xf32, #tpu.memory_space<vmem>>, vector<16xf32>,
        %scan3A_38 = arith.constant 0 : i32
        scf.yield %scan3A_38 : i32
      }
      %scan3A_20 = arith.constant 160 : i32
      "tpu.region"() ({
        %run_scoped3A = tpu.sem_alloc : memref<!tpu.dma_semaphore, #tpu.memory_space<semaphore_mem>>
        %dma_start3A = tpu.memref_slice %arg5[%add3A_13] : memref<327680xf32, #tpu.memory_space<hbm>> -> memref<2560xf32, #tpu.memory_space<hbm>>
        %dma_start3A_22 = tpu.memref_slice %arg5[%add3A_13] : memref<327680xf32, #tpu.memory_space<hbm>> -> memref<2560xf32, #tpu.memory_space<hbm>>
        tpu.enqueue_dma source(%arg9 : memref<2560xf32, #tpu.memory_space<vmem>>) target(%dma_start3A_22 : memref<2560xf32, #tpu.memory_space<hbm>>) target_semaphore(%run_scoped3A : memref<!tpu.dma_semaphore, #tpu.memory_space<semaphore_mem>>)
        %dma_wait3A = tpu.memref_slice %arg5[%add3A_13] : memref<327680xf32, #tpu.memory_space<hbm>> -> memref<2560xf32, #tpu.memory_space<hbm>>
        %dma_wait3A_23 = tpu.memref_slice %arg5[%add3A_13] : memref<327680xf32, #tpu.memory_space<hbm>> -> memref<2560xf32, #tpu.memory_space<hbm>>
        tpu.wait_dma2 semaphore(%run_scoped3A : memref<!tpu.dma_semaphore, #tpu.memory_space<semaphore_mem>>) src(%arg9 : memref<2560xf32, #tpu.memory_space<vmem>>) dst(%dma_wait3A_23 : memref<2560xf32, #tpu.memory_space<hbm>>)
        tpu.yield
      }) : () -> ()
      %scan3A_21 = arith.constant 0 : i32
      scf.yield %scan3A_21 : i32
    }
    %scan3A_6 = arith.constant 4 : i32
    return
  }
}

module attributes {stable_mosaic.version = 14 : i64} {
  func.func @_recip_body(%arg0: memref<640x128xi32, #tpu.memory_space<vmem>>, %arg1: memref<640x128xi32, #tpu.memory_space<vmem>>, %arg2: memref<640x128xf32, #tpu.memory_space<vmem>>) attributes {dimension_semantics = [], scalar_prefetch = 0 : i64, scratch_operands = 0 : i64, tpu.core_type = #tpu.core_type<tc>} {
    %get3A = arith.constant 0 : index
    %get3A_0 = arith.constant 0 : index
    %get3A_1 = vector.load %arg0[%get3A, %get3A_0] : memref<640x128xi32, #tpu.memory_space<vmem>>, vector<640x128xi32>
    %get3A_2 = arith.constant 0 : index
    %get3A_3 = arith.constant 0 : index
    %get3A_4 = vector.load %arg1[%get3A_2, %get3A_3] : memref<640x128xi32, #tpu.memory_space<vmem>>, vector<640x128xi32>
    %add3A = arith.addi %get3A_1, %get3A_4 : vector<640x128xi32>
    %convert_element_type3A = arith.sitofp %add3A : vector<640x128xi32> to vector<640x128xf32>
    %max3A = arith.constant 1.000000e+00 : f32
    %max3A_5 = vector.broadcast %max3A : f32 to vector<640x128xf32>
    %max3A_6 = arith.maximumf %convert_element_type3A, %max3A_5 : vector<640x128xf32>
    %div3A = arith.constant 1.000000e+00 : f32
    %div3A_7 = vector.broadcast %div3A : f32 to vector<640x128xf32>
    %div3A_8 = arith.divf %div3A_7, %max3A_6 : vector<640x128xf32>
    %swap3A = arith.constant 0 : index
    %swap3A_9 = arith.constant 0 : index
    %swap3A_10 = vector.load %arg2[%swap3A, %swap3A_9] : memref<640x128xf32, #tpu.memory_space<vmem>>, vector<640x128xf32>
    tpu.vector_store %arg2[%swap3A, %swap3A_9], %div3A_8 {strides = array<i32>} : memref<640x128xf32, #tpu.memory_space<vmem>>, vector<640x128xf32>,
    return
  }
}

module attributes {stable_mosaic.version = 14 : i64} {
  func.func @_xw_body(%arg0: i32, %arg1: i32, %arg2: i32, %arg3: memref<1000x128xf32, #tpu.memory_space<vmem>>, %arg4: memref<1x1x128x128xf32, #tpu.memory_space<vmem>>, %arg5: memref<1000x128xf32, #tpu.memory_space<vmem>>) attributes {dimension_semantics = [#tpu.dimension_semantics<arbitrary>, #tpu.dimension_semantics<arbitrary>, #tpu.dimension_semantics<arbitrary>], iteration_bounds = array<i64: 10, 2, 8>, scalar_prefetch = 0 : i64, scratch_operands = 0 : i64, tpu.core_type = #tpu.core_type<tc>, window_params = [{transform_indices = @transform_0, window_bounds = array<i64: 1000, 128>}, {transform_indices = @transform_1, window_bounds = array<i64: 1, 1, 128, 128>}, {transform_indices = @transform_2, window_bounds = array<i64: 1000, 128>}]} {
    %get3A = arith.constant 0 : index
    %get3A_0 = arith.constant 0 : index
    %get3A_1 = vector.load %arg3[%get3A, %get3A_0] : memref<1000x128xf32, #tpu.memory_space<vmem>>, vector<1000x128xf32>
    %get3A_2 = arith.constant 0 : index
    %get3A_3 = arith.constant 0 : index
    %get3A_4 = arith.constant 0 : index
    %get3A_5 = arith.constant 0 : index
    %get3A_6 = vector.load %arg4[%get3A_2, %get3A_3, %get3A_4, %get3A_5] : memref<1x1x128x128xf32, #tpu.memory_space<vmem>>, vector<1x1x128x128xf32>
    %get3A_7 = vector.shape_cast %get3A_6 : vector<1x1x128x128xf32> to vector<128x128xf32>
    %dot_general3A = arith.constant dense<0.000000e+00> : vector<1000x128xf32>
    %dot_general3A_8 = tpu.matmul %get3A_1, %get3A_7, %dot_general3A {dimension_numbers = #tpu.dot_dimension_numbers<[1], [0], [0], [1], [0, 0, 1, 1], [], []>, transpose_lhs_hint = false} : vector<1000x128xf32>, vector<128x128xf32>, vector<1000x128xf32> -> vector<1000x128xf32>
    %swap3A = arith.constant 0 : index
    %swap3A_9 = arith.constant 0 : index
    %swap3A_10 = vector.load %arg5[%swap3A, %swap3A_9] : memref<1000x128xf32, #tpu.memory_space<vmem>>, vector<1000x128xf32>
    tpu.vector_store %arg5[%swap3A, %swap3A_9], %dot_general3A_8 {strides = array<i32>} : memref<1000x128xf32, #tpu.memory_space<vmem>>, vector<1000x128xf32>,
    return
  }
  func.func @transform_0(%arg0: i32, %arg1: i32, %arg2: i32) -> (i32, i32) {
    %c0_i32 = arith.constant 0 : i32
    %c0_i32_0 = arith.constant 0 : i32
    return %arg0, %c0_i32 : i32, i32
  }
  func.func @transform_1(%arg0: i32, %arg1: i32, %arg2: i32) -> (i32, i32, i32, i32) {
    %c0_i32 = arith.constant 0 : i32
    %c0_i32_0 = arith.constant 0 : i32
    %c0_i32_1 = arith.constant 0 : i32
    return %arg1, %arg2, %c0_i32, %c0_i32_0 : i32, i32, i32, i32
  }
  func.func @transform_2(%arg0: i32, %arg1: i32, %arg2: i32) -> (i32, i32) {
    %mul3A = arith.constant 8 : i32
    %mul3A_0 = arith.muli %arg1, %mul3A : i32
    %add3A = arith.addi %mul3A_0, %arg2 : i32
    %mul3A_1 = arith.constant 10 : i32
    %mul3A_2 = arith.muli %add3A, %mul3A_1 : i32
    %add3A_3 = arith.addi %mul3A_2, %arg0 : i32
    %c0_i32 = arith.constant 0 : i32
    %c0_i32_4 = arith.constant 0 : i32
    return %add3A_3, %c0_i32 : i32, i32
  }
}

module attributes {stable_mosaic.version = 14 : i64} {
  func.func @_final_body(%arg0: i32, %arg1: memref<1000x128xf32, #tpu.memory_space<vmem>>, %arg2: memref<1000x128xf32, #tpu.memory_space<vmem>>, %arg3: memref<1000x128xf32, #tpu.memory_space<vmem>>, %arg4: memref<128x128xf32, #tpu.memory_space<vmem>>, %arg5: memref<128x128xf32, #tpu.memory_space<vmem>>, %arg6: memref<1x128xf32, #tpu.memory_space<vmem>>, %arg7: memref<1x128xf32, #tpu.memory_space<vmem>>, %arg8: memref<1000x128xf32, #tpu.memory_space<vmem>>) attributes {dimension_semantics = [#tpu.dimension_semantics<arbitrary>], iteration_bounds = array<i64: 10>, scalar_prefetch = 0 : i64, scratch_operands = 0 : i64, tpu.core_type = #tpu.core_type<tc>, window_params = [{transform_indices = @transform_0, window_bounds = array<i64: 1000, 128>}, {transform_indices = @transform_1, window_bounds = array<i64: 1000, 128>}, {transform_indices = @transform_2, window_bounds = array<i64: 1000, 128>}, {pipeline_mode = #tpu.pipeline_mode<synchronous>, transform_indices = @transform_3, window_bounds = array<i64: 128, 128>}, {pipeline_mode = #tpu.pipeline_mode<synchronous>, transform_indices = @transform_4, window_bounds = array<i64: 128, 128>}, {pipeline_mode = #tpu.pipeline_mode<synchronous>, transform_indices = @transform_5, window_bounds = array<i64: 1, 128>}, {pipeline_mode = #tpu.pipeline_mode<synchronous>, transform_indices = @transform_6, window_bounds = array<i64: 1, 128>}, {transform_indices = @transform_7, window_bounds = array<i64: 1000, 128>}]} {
    %get3A = arith.constant 0 : index
    %get3A_0 = arith.constant 0 : index
    %get3A_1 = vector.load %arg1[%get3A, %get3A_0] : memref<1000x128xf32, #tpu.memory_space<vmem>>, vector<1000x128xf32>
    %get3A_2 = arith.constant 0 : index
    %get3A_3 = arith.constant 0 : index
    %get3A_4 = vector.load %arg4[%get3A_2, %get3A_3] : memref<128x128xf32, #tpu.memory_space<vmem>>, vector<128x128xf32>
    %dot_general3A = arith.constant dense<0.000000e+00> : vector<1000x128xf32>
    %dot_general3A_5 = tpu.matmul %get3A_1, %get3A_4, %dot_general3A {dimension_numbers = #tpu.dot_dimension_numbers<[1], [0], [0], [1], [0, 0, 1, 1], [], []>, transpose_lhs_hint = false} : vector<1000x128xf32>, vector<128x128xf32>, vector<1000x128xf32> -> vector<1000x128xf32>
    %get3A_6 = arith.constant 0 : index
    %get3A_7 = arith.constant 0 : index
    %get3A_8 = vector.load %arg2[%get3A_6, %get3A_7] : memref<1000x128xf32, #tpu.memory_space<vmem>>, vector<1000x128xf32>
    %add3A = arith.addf %dot_general3A_5, %get3A_8 : vector<1000x128xf32>
    %get3A_9 = arith.constant 0 : index
    %get3A_10 = arith.constant 0 : index
    %get3A_11 = vector.load %arg6[%get3A_9, %get3A_10] : memref<1x128xf32, #tpu.memory_space<vmem>>, vector<1x128xf32>
    %add3A_12 = vector.broadcast %get3A_11 : vector<1x128xf32> to vector<1000x128xf32>
    %add3A_13 = arith.addf %add3A, %add3A_12 : vector<1000x128xf32>
    %max3A = arith.constant 0.000000e+00 : f32
    %max3A_14 = vector.broadcast %max3A : f32 to vector<1000x128xf32>
    %max3A_15 = arith.maximumf %add3A_13, %max3A_14 : vector<1000x128xf32>
    %get3A_16 = arith.constant 0 : index
    %get3A_17 = arith.constant 0 : index
    %get3A_18 = vector.load %arg5[%get3A_16, %get3A_17] : memref<128x128xf32, #tpu.memory_space<vmem>>, vector<128x128xf32>
    %dot_general3A_19 = arith.constant dense<0.000000e+00> : vector<1000x128xf32>
    %dot_general3A_20 = tpu.matmul %max3A_15, %get3A_18, %dot_general3A_19 {dimension_numbers = #tpu.dot_dimension_numbers<[1], [0], [0], [1], [0, 0, 1, 1], [], []>, transpose_lhs_hint = false} : vector<1000x128xf32>, vector<128x128xf32>, vector<1000x128xf32> -> vector<1000x128xf32>
    %get3A_21 = arith.constant 0 : index
    %get3A_22 = arith.constant 0 : index
    %get3A_23 = vector.load %arg3[%get3A_21, %get3A_22] : memref<1000x128xf32, #tpu.memory_space<vmem>>, vector<1000x128xf32>
    %add3A_24 = arith.addf %dot_general3A_20, %get3A_23 : vector<1000x128xf32>
    %get3A_25 = arith.constant 0 : index
    %get3A_26 = arith.constant 0 : index
    %get3A_27 = vector.load %arg7[%get3A_25, %get3A_26] : memref<1x128xf32, #tpu.memory_space<vmem>>, vector<1x128xf32>
    %add3A_28 = vector.broadcast %get3A_27 : vector<1x128xf32> to vector<1000x128xf32>
    %add3A_29 = arith.addf %add3A_24, %add3A_28 : vector<1000x128xf32>
    %swap3A = arith.constant 0 : index
    %swap3A_30 = arith.constant 0 : index
    %swap3A_31 = vector.load %arg8[%swap3A, %swap3A_30] : memref<1000x128xf32, #tpu.memory_space<vmem>>, vector<1000x128xf32>
    tpu.vector_store %arg8[%swap3A, %swap3A_30], %add3A_29 {strides = array<i32>} : memref<1000x128xf32, #tpu.memory_space<vmem>>, vector<1000x128xf32>,
    return
  }
  func.func @transform_0(%arg0: i32) -> (i32, i32) {
    %c0_i32 = arith.constant 0 : i32
    %c0_i32_0 = arith.constant 0 : i32
    return %arg0, %c0_i32 : i32, i32
  }
  func.func @transform_1(%arg0: i32) -> (i32, i32) {
    %c0_i32 = arith.constant 0 : i32
    %c0_i32_0 = arith.constant 0 : i32
    return %arg0, %c0_i32 : i32, i32
  }
  func.func @transform_2(%arg0: i32) -> (i32, i32) {
    %c0_i32 = arith.constant 0 : i32
    %c0_i32_0 = arith.constant 0 : i32
    return %arg0, %c0_i32 : i32, i32
  }
  func.func @transform_3(%arg0: i32) -> (i32, i32) {
    %c0_i32 = arith.constant 0 : i32
    %c0_i32_0 = arith.constant 0 : i32
    %c0_i32_1 = arith.constant 0 : i32
    return %c0_i32, %c0_i32_0 : i32, i32
  }
  func.func @transform_4(%arg0: i32) -> (i32, i32) {
    %c0_i32 = arith.constant 0 : i32
    %c0_i32_0 = arith.constant 0 : i32
    %c0_i32_1 = arith.constant 0 : i32
    return %c0_i32, %c0_i32_0 : i32, i32
  }
  func.func @transform_5(%arg0: i32) -> (i32, i32) {
    %c0_i32 = arith.constant 0 : i32
    %c0_i32_0 = arith.constant 0 : i32
    %c0_i32_1 = arith.constant 0 : i32
    return %c0_i32, %c0_i32_0 : i32, i32
  }
  func.func @transform_6(%arg0: i32) -> (i32, i32) {
    %c0_i32 = arith.constant 0 : i32
    %c0_i32_0 = arith.constant 0 : i32
    %c0_i32_1 = arith.constant 0 : i32
    return %c0_i32, %c0_i32_0 : i32, i32
  }
  func.func @transform_7(%arg0: i32) -> (i32, i32) {
    %c0_i32 = arith.constant 0 : i32
    %c0_i32_0 = arith.constant 0 : i32
    return %arg0, %c0_i32 : i32, i32
  }
}

</mosaic_0001>

<sc_bundles>
// kernel: kernel.11.cloned.1.call-start
scs
__scs_entry_jumppad:
0x0: {  	(pc) =	sbr.rel $0x88, $3  }
0x1: {  	(tag) =	ssettag $0x0;
	lr =	simm.s32 $0x1  }
0x2: {  	[smem:$0x3F98] =	sst lr;
	_ =	strace $0xD0000000  }
0x3: {  	_ = 	snop  }
0x4: {  	_ = 	snop  }
0x5: {  	_ = 	snop  }
0x6: {  	_ = 	snop  }
0x7: {  	_ = 	snop  }
__scs_overlays_trampoline_lowered:
0x8: {  	[smem:$0x3FA7] =	sst s0  }
0x9: {  	[smem:$0x3FA8] =	sst s1  }
0xa: {  	[smem:$0x3FA9] =	sst s2  }
0xb: {  	[smem:$0x3FAA] =	sst s3  }
0xc: {  	[smem:$0x3FAB] =	sst s4  }
0xd: {  	[smem:$0x3FAC] =	sst s5  }
0xe: {  	[smem:$0x3FAD] =	sst s6  }
0xf: {  	[smem:$0x3FAE] =	sst s7  }
0x10: {  	[smem:$0x3FAF] =	sst s8  }
0x11: {  	[smem:$0x3FB0] =	sst s9;
	s0 =	simm.s32 @!p0 $0x0  }
0x12: {  	s1 =	sld [smem:$0x3F96];
	s0 =	simm.s32 @p0 $0x1  }
0x13: {  	[smem:$0x3FB1] =	sst s0;
	s0 =	simm.s32 @!p1 $0x0  }
0x14: {  	s2 =	sld [smem:$0x3F95];
	s0 =	simm.s32 @p1 $0x1  }
0x15: {  	[smem:$0x3FB2] =	sst s0;
	s0 =	simm.s32 @!p2 $0x0  }
0x16: {  	s3 =	sld [smem:$0x3FDB];
	s0 =	simm.s32 @p2 $0x1  }
0x17: {  	s4 =	simm.s32 $0x1BF5;
	[smem:$0x3FB4] =	sst s0  }
0x18: {  	s0 =	sld [smem:$0x3F97];
	_ =	swait.ge [sflag:s4], $0x0  }
0x19: {  	s7 =	sld [smem:$0x3F98]  }
0x1a: {  	s8 =	sadd.s32 $0xFFFFE003, lr  }
0x1b: {  	s9 =	sadd.s32 $0xFFFFFEF7, lr;
	s5 =	simm.s32 $0xFFFFFFFF;
	p2 =	slt.u32 s8, $0xFFFFF086  }
0x1c: {  	p1 =	slt.u32 s9, $0xF7A;
	s5 =	simm.s32 @!p2 $0x0  }
0x1d: {  	s5 =	simm.s32 @p1 $0x1;
	p0 =	seq.s32 s7, s2  }
0x1e: {  	s7 =	smul.u32 @!p0 $0xF7A, s2;
	p2 =	seq.s32 @!p0 s5, $0x0  }
0x1f: {  	s9 =	smul.u32 $0xF7A, s1;
	s8 =	simm.s32 @!p0 $0x1BF5;
	p2 =	por !p2, p0  }
0x20: {  	[sflag:s8] =	ssyncset.s32 @!p0 $0xFFFFF086;
	s6 =	sadd.s32 @!p0 s3, s7;
	s7 =	simm.s32 @!p0 $0x108  }
0x21: {  	s3 =	sadd.s32 s3, s9;
	s6 =	sadd.s32 @!p0 $0x88, s6;
	s7 =	simm.s32 @p2 $0x1082  }
0x22: {  	[simem:s7], [sflag:s8] =	dma.local @!p0 [hbm:s6], $0xF7A  }
0x23: {  	s9 =	sor.u32 $0xD0000000, s2;
	s6 =	simm.s32 $0x108;
	_ =	swait.ge @!p0 [sflag:s8], $0x0  }
0x24: {  	s3 =	sadd.s32 $0x88, s3;
	s6 =	simm.s32 @!p1 $0x1082;
	[sflag:s4] =	ssyncset.s32 $0xFFFFF086  }
0x25: {  	[simem:s6], [sflag:s4] =	dma.local [hbm:s3], $0xF7A  }
0x26: {  	[smem:$0x3F98] =	sst s1;
	(tag) =	ssettag s2;
	_ =	strace s9  }
0x27: {  	s1 =	sld [smem:$0x3FA8]  }
0x28: {  	s2 =	sld [smem:$0x3FA9]  }
0x29: {  	s4 =	sld [smem:$0x3FAB]  }
0x2a: {  	p0 =	seq.s32 s5, $0x0;
	s5 =	sld [smem:$0x3FAC]  }
0x2b: {  	s6 =	sld [smem:$0x3FAD]  }
0x2c: {  	s7 =	sld [smem:$0x3FAE]  }
0x2d: {  	s3 =	simm.s32 $0x108;
	s8 =	sld [smem:$0x3FAF]  }
0x2e: {  	s3 =	simm.s32 @!p0 $0x1082;
	s9 =	sld [smem:$0x3FB0]  }
0x2f: {  	lr =	sadd.s32 s0, s3;
	s0 =	sld [smem:$0x3FA7]  }
0x30: {  	s3 =	sld [smem:$0x3FAA]  }
0x31: {  	[smem:$0x3FB3] =	sst s10  }
0x32: {  	s10 =	sld [smem:$0x3FB1];
	_ =	sdelay $0x3  }
0x33: {  	p0 =	seq.s32 s10, $0x1;
	s10 =	sld [smem:$0x3FB3];
	_ =	sdelay $0x3  }
0x34: {  	[smem:$0x3FB3] =	sst s10  }
0x35: {  	s10 =	sld [smem:$0x3FB2];
	_ =	sdelay $0x3  }
0x36: {  	p1 =	seq.s32 s10, $0x1;
	s10 =	sld [smem:$0x3FB3];
	_ =	sdelay $0x3  }
0x37: {  	[smem:$0x3FB3] =	sst s10  }
0x38: {  	s10 =	sld [smem:$0x3FB4]  }
0x39: {  	_ = 	snop;
	(pc) =	sbr.ind lr, $3  }
0x3a: {  	_ = 	snop  }
0x3b: {  	_ = 	snop  }
0x3c: {  	p2 =	seq.s32 s10, $0x1;
	s10 =	sld [smem:$0x3FB3]  }
0x3d: {  	_ =	shalt  }
0x3e: {  	_ =	shalt  }
0x3f: {  	_ =	shalt  }
0x40: {  	_ =	shalt  }
0x41: {  	_ =	shalt  }
0x42: {  	_ =	shalt  }
0x43: {  	_ =	shalt  }
0x44: {  	_ =	shalt  }
0x45: {  	_ =	shalt  }
0x46: {  	_ =	shalt  }
0x47: {  	_ =	shalt  }
0x48: {  	_ =	shalt  }
0x49: {  	_ =	shalt  }
0x4a: {  	_ =	shalt  }
0x4b: {  	_ =	shalt  }
0x4c: {  	_ =	shalt  }
0x4d: {  	_ =	shalt  }
0x4e: {  	_ =	shalt  }
0x4f: {  	_ =	shalt  }
0x50: {  	_ =	shalt  }
0x51: {  	_ =	shalt  }
0x52: {  	_ =	shalt  }
0x53: {  	_ =	shalt  }
0x54: {  	_ =	shalt  }
0x55: {  	_ =	shalt  }
0x56: {  	_ =	shalt  }
0x57: {  	_ =	shalt  }
0x58: {  	_ =	shalt  }
0x59: {  	_ =	shalt  }
0x5a: {  	_ =	shalt  }
0x5b: {  	_ =	shalt  }
0x5c: {  	_ =	shalt  }
0x5d: {  	_ =	shalt  }
0x5e: {  	_ =	shalt  }
0x5f: {  	_ =	shalt  }
0x60: {  	_ =	shalt  }
0x61: {  	_ =	shalt  }
0x62: {  	_ =	shalt  }
0x63: {  	_ =	shalt  }
0x64: {  	_ =	shalt  }
0x65: {  	_ =	shalt  }
0x66: {  	_ =	shalt  }
0x67: {  	_ =	shalt  }
0x68: {  	_ =	shalt  }
0x69: {  	_ =	shalt  }
0x6a: {  	_ =	shalt  }
0x6b: {  	_ =	shalt  }
0x6c: {  	_ =	shalt  }
0x6d: {  	_ =	shalt  }
0x6e: {  	_ =	shalt  }
0x6f: {  	_ =	shalt  }
0x70: {  	_ =	shalt  }
0x71: {  	_ =	shalt  }
0x72: {  	_ =	shalt  }
0x73: {  	_ =	shalt  }
0x74: {  	_ =	shalt  }
0x75: {  	_ =	shalt  }
0x76: {  	_ =	shalt  }
0x77: {  	_ =	shalt  }
0x78: {  	_ =	shalt  }
0x79: {  	_ =	shalt  }
0x7a: {  	_ =	shalt  }
0x7b: {  	_ =	shalt  }
0x7c: {  	_ =	shalt  }
0x7d: {  	_ =	shalt  }
0x7e: {  	_ =	shalt  }
0x7f: {  	_ =	shalt  }
0x80: {  	_ =	shalt  }
0x81: {  	_ =	shalt  }
0x82: {  	_ =	shalt  }
0x83: {  	_ =	shalt  }
0x84: {  	_ =	shalt  }
0x85: {  	_ =	shalt  }
0x86: {  	_ =	shalt  }
0x87: {  	_ =	shalt  }
.Lfunc_end0:
.L_simem_size_0:
called_computation.1_lowered:
.L_overlay_start_0:
0x88: {  	s2 =	sld [smem:$0x3FD9]  }
0x89: {  	s3 =	sld [smem:$0x3FFE];
	_ =	sdelay $0x1  }
0x8a: {  	s1 =	srdreg.scid  }
0x8b: {  	s0 =	sand.u32 $0x1, s1  }
0x8c: {  	s16 =	sshll.u32 s0, $0xA;
	s2 =	sadd.s32 s3, s2  }
0x8d: {  	s2 =	sadd.s32 s2, s16  }
0x8e: {  	[smem:$0x3FBF] =	sst s2  }
0x8f: {  	_ = 	snop  }
0x90: {  	(tm) =	ssettm $0x1  }
0x91: {  	s17 =	sld [smem:$0x3FFB];
	_ =	sdelay $0x3  }
0x92: {  	_ =	strace s17  }
0x93: {  	s2 =	sld [smem:$0x3FFC];
	_ =	sdelay $0x3  }
0x94: {  	_ =	strace s2  }
0x95: {  	s2 =	sld [smem:$0x3FFD];
	_ =	sdelay $0x3  }
0x96: {  	_ =	strace s2  }
0x97: {  	_ =	strace $0x8FFFFFFF  }
0x98: {  	s18 =	sld [smem:$0x3FDB];
	_ =	sdelay $0x1  }
0x99: {  	s19 =	simm.s32 $_scs_section_size  }
0x9a: {  	s4 =	simm.s32 $_size__tile_overlayer_lowered;
	s5 =	simm.s32 $_tile_overlayer_lowered  }
0x9b: {  	s22 =	simm.s32 $0x1BFF;
	s21 =	sshll.u32 s5, $0x1;
	s2 =	sadd.s32 s19, s18  }
0x9c: {  	s6 =	simm.s32 $0x0;
	s20 =	sshll.u32 s4, $0x1;
	s4 =	sadd.s32 s21, s2  }
0x9d: {  	[timem:s6], [sflag:s22] =	dma.local [hbm:s4], s20  }
0x9e: {  	_ =	swait.ge [sflag:s22], s20  }
0x9f: {  	s3 =	ssub.s32 $0x0, s20;
	[sflag:s22] =	ssyncset.done $0x0  }
0xa0: {  	[sflag:s22] =	ssyncadd.s32 s3;
	_ =	sdelay $0x1  }
0xa1: {  	s23 =	simm.s32 $0x1B8B  }
0xa2: {  	_ =	swait.ge [sflag:s23], $0x1  }
0xa3: {  	[sflag:s23] =	ssyncset.done $0x0  }
0xa4: {  	s25 =	simm.s32 $0x1B8E;
	s24 =	sld [smem:$0x3FFE];
	[sflag:s23] =	ssyncadd.s32 $0xFFFFFFFF  }
0xa5: {  	s26 =	simm.s32 $execute0_lowered;
	[smem:$0x3FD2] =	sst s25  }
0xa6: {  	s4 =	sshll.u32 s26, $0x1;
	_ =	strace $0x80000049;
	[dreg:$0x1] =	wrdreg $0xFFFFFFFF  }
0xa7: {  	s28 =	simm.s32 $_size_execute0_lowered;
	s2 =	sadd.s32 s2, s4;
	[dreg:$0x0] =	wrdreg $0x0  }
0xa8: {  	s4 =	sshll.u32 s28, $0x1;
	[dreg:$0x2] =	wrdreg s2  }
0xa9: {  	[dreg:$0x3] =	wrdreg s4  }
0xaa: {  	[dreg:$0x4] =	wrdreg $0xC0  }
0xab: {  	_ =	task [dreg:s6], $0x5FFFF  }
0xac: {  	[dreg:$0x1] =	wrdreg $0xFFFFFFFF  }
0xad: {  	[dreg:$0x0] =	wrdreg $0x60  }
0xae: {  	[dreg:$0x2] =	wrdreg s24  }
0xaf: {  	[dreg:$0x3] =	wrdreg $0x9  }
0xb0: {  	_ =	task.clear_ibuf [dreg:s6], $0x4FFFF;
	_ =	strace $0x90000049  }
0xb1: {  	s29 =	simm.s32 $0x9;
	_ =	strace $0x8000004B  }
0xb2: {  	_ =	swait.ge [sflag:s29], $0x1  }
0xb3: {  	[sflag:s29] =	ssyncadd.s32 $0xFFFFFFFF  }
0xb4: {  	_ =	strace $0x9000004B  }
0xb5: {  	_ =	sfence  }
0xb6: {  	s30 =	sld [smem:$0x0];
	_ =	sdelay $0x2  }
0xb7: {  	s31 =	sshll.u32 s1, $0xD;
	s1 =	sshrl.u32 s1, $0x2  }
0xb8: {  	s3 =	sand.u32 $0x4000, s31;
	s1 =	sadd.s32 s1, s30  }
0xb9: {  	s0 =	sor.u32 s3, s0;
	s1 =	sshll.u32 s1, $0x11  }
0xba: {  	s0 =	sor.u32 s1, s0  }
0xbb: {  	s0 =	sadd.s32 $0x8F2B, s0  }
0xbc: {  	[sflag:s0] =	ssyncadd.remote.s32 $0x1  }
0xbd: {  	_ =	sfence.sel $0xFFFF  }
0xbe: {  	[dreg:$0x0] =	wrdreg $0xFFFFFFFF;
	(pc) =	sbr.abs _section_cstart, $3  }
0xbf: {  	[dreg:$0x1] =	wrdreg $0xFFFFFFFF  }
0xc0: {  	_ =	task.clear_ibuf [dreg:s6], $0x2FFFF;
	_ =	strace $0x9FFFFFFF  }
0xc1: {  	(tm) =	ssettm $0x7FFFFFFF  }
tec
execute0_lowered:
.L_overlay_start_1:
0x0: {  	(tag) =	ssettag $0x1  }
0x1: {  	s6 =	rddreg [dreg:$0x0]  }
0x2: {  	s0 =	rddreg [dreg:$0x1];
	s1 =	simm.s32 $0x0  }
0x3: {  	s2 =	srdreg.scid;
	s10 =	simm.s32 $0x14000;
	s11 =	simm.s32 $0x14A00  }
0x4: {  	s12 =	simm.s32 $0x15400;
	s13 =	simm.s32 $0x0;
	[smem:$0x7FF] =	sst s1  }
0x5: {  	s3 =	sadd.s32 $0xC000, s6;
	s4 =	sadd.s32 $0x2000, s6;
	s5 =	sand.u32 $0x1, s2  }
0x6: {  	s2 =	stileid.u32;
	_ =	strace $0x8000004A;
	s7 =	ssub.s32 $0x2, s5  }
0x7: {  	s8 =	sshll.u32 s5, $0x4;
	s5 =	sadd.s32 $0x16000, s6;
	s9 =	sshrl.u32 s7, $0x1  }
0x8: {  	s6 =	sadd.s32 $0x18800, s6;
	s8 =	sor.u32 s2, s8;
	s9 =	ssub.s32 s7, s9  }
0x9: {  	s7 =	smul.u32 $0x2800, s8;
	s8 =	smax.u32 s9, $0x1;
	s9 =	simm.s32 $0x1  }
.LBB2_1:
0xa: {  	[tilespmem:s1], [sflag:$0x1] =	stream.linear.gather [hbm4b:s5+s1], $0x14000, $0x38;
	[tilespmem:$0x15E00] =	vst v63  }
0xb: {  	_ =	swait.ge [sflag:s9], $0x14000  }
0xc: {  	[sflag:s9] =	ssyncset.done $0x0  }
0xd: {  	s14 =	simm.s32 $0x0;
	[sflag:s9] =	ssyncadd.s32 $0xFFFEC000  }
.LBB2_2:
0xe: {  	s15 =	smul.u32 $0xA00, s14;
	_ =	sdelay $0x1  }
0xf: {  	s15 =	sadd.s32 s7, s15  }
0x10: {  	s15 =	sshrl.u32 s15, $0x3  }
0x11: {  	s17 =	simm.s32 $0x0;
	s16 =	sadd.s32 s3, s15  }
0x12: {  	[tilespmem:s10], [sflag:$0x1] =	stream.linear.gather [hbm4b:s16+s17], $0xA00, $0x38;
	[tilespmem:$0x15E00] =	vst v63  }
0x13: {  	_ =	swait.ge [sflag:s9], $0xA00  }
0x14: {  	[sflag:s9] =	ssyncset.done $0x0  }
0x15: {  	s31 =	sadd.s32 s4, s15;
	[sflag:s9] =	ssyncadd.s32 $0xFFFFF600  }
0x16: {  	[tilespmem:s11], [sflag:$0x1] =	stream.linear.gather [hbm4b:s31+s17], $0xA00, $0x38;
	[tilespmem:$0x15E00] =	vst v63  }
0x17: {  	_ =	swait.ge [sflag:s9], $0xA00  }
0x18: {  	[sflag:s9] =	ssyncset.done $0x0  }
0x19: {  	s17 =	simm.s32 $0x0;
	[sflag:s9] =	ssyncadd.s32 $0xFFFFF600  }
0x1a: {  	v0 =	vld [tilespmem:s17+$0x14000]  }
0x1b: {  	v1 =	vld [tilespmem:s17+$0x14A00];
	_ =	sdelay $0x3  }
0x1c: {  	s16 =	simm.s32 $0x10;
	v0 =	vshll.u32 v0, $0x3  }
0x1d: {  	v2 =	vld [tilespmem:s16+$0x14000];
	v0 =	vadd.s32 v1, v0  }
0x1e: {  	v1 =	vld [tilespmem:s16+$0x14A00];
	_ =	sdelay $0x3  }
0x1f: {  	v2 =	vshll.u32 v2, $0x3;
	v0 =	vld.idx.msk [tilespmem:v0+s1+$0x0], $0xffff  }
0x20: {  	s18 =	simm.s32 $0x20;
	s19 =	simm.s32 $0xC0;
	v1 =	vadd.s32 v1, v2  }
.LBB2_3:
0x21: {  	p0 =	sne.s32 s19, $0x27C0;
	v2 =	vld [tilespmem:s18+$0x14000]  }
0x22: {  	v3 =	vld [tilespmem:s18+$0x14A00]  }
.Ltmp0:
0x23: {  	(pc) =	sbr.rel @p0 .LBB2_3-.Ltmp0, $4  }
0x24: {  	[tilespmem:s17+$0x15400] =	vst v0;
	s17 =	smov.u32 s16;
	s16 =	smov.u32 s18  }
0x25: {  	v0 =	vld.idx.msk [tilespmem:v1+s1+$0x0], $0xffff  }
0x26: {  	v1 =	vshll.u32 v2, $0x3  }
0x27: {  	s18 =	sshra.s32 s19, $0x2;
	s19 =	sadd.s32 $0x40, s19;
	v1 =	vadd.s32 v3, v1  }
0x28: {  	v2 =	vld [tilespmem:s18+$0x14000]  }
0x29: {  	v3 =	vld [tilespmem:s18+$0x14A00];
	_ =	sdelay $0x2  }
0x2a: {  	[tilespmem:s17+$0x15400] =	vst v0  }
0x2b: {  	v0 =	vld.idx.msk [tilespmem:v1+s1+$0x0], $0xffff;
	v63 =	vshll.u32 v2, $0x3  }
0x2c: {  	v1 =	vadd.s32 v3, v63;
	_ =	sdelay $0x3  }
0x2d: {  	[tilespmem:s16+$0x15400] =	vst v0  }
0x2e: {  	v0 =	vld.idx.msk [tilespmem:v1+s1+$0x0], $0xffff;
	_ =	sdelay $0x2  }
0x2f: {  	s14 =	sadd.s32 $0x1, s14  }
0x30: {  	p0 =	sne.s32 s14, $0x4  }
.Ltmp1:
0x31: {  	s15 =	sadd.s32 s6, s15;
	[tilespmem:s18+$0x15400] =	vst v0;
	(pc) =	sbr.rel @p0 .LBB2_2-.Ltmp1, $4  }
0x32: {  	[hbm4b:s15+s1] =	stream.linear.scatter [tilespmem:s12], [sflag:$0x1], $0xA00, $0x38;
	[tilespmem:$0x15E00] =	vst v63  }
0x33: {  	_ =	swait.ge [sflag:s9], $0xA00  }
0x34: {  	[sflag:s9] =	ssyncset.done $0x0  }
0x35: {  	[sflag:s9] =	ssyncadd.s32 $0xFFFFF600  }
0x36: {  	s13 =	sadd.s32 $0x1, s13  }
0x37: {  	p0 =	sne.s32 s13, s8  }
.Ltmp2:
0x38: {  	_ = 	snop;
	(pc) =	sbr.rel @p0 .LBB2_1-.Ltmp2, $1  }
0x39: {  	_ =	sdelay $0x3  }
0x3a: {  	_ =	sfence.sel $0x180000  }
0x3b: {  	[bflag:$0x0] =	sbarrier.arrive $0xFFFF  }
0x3c: {  	p0 =	sne.s32 s2, $0x0;
	_ =	strace $0x9000004A  }
0x3d: {  	s0 =	sadd.s32 @!p0 $0x100000, s0;
	[bflag:$0x2] =	sbarrier.arrive $0xFFFF  }
0x3e: {  	[sflag:s0] =	ssyncadd.tile.s32 @!p0 $0x1;
	_ =	shalt  }
.Lfunc_end2:
_tile_overlayer_lowered:
.L_overlay_start_2:
0x3f: {  	(tag) =	ssettag $0x2  }
0x40: {  	s0 =	rddreg [dreg:$0x0];
	s2 =	stileid.u32  }
0x41: {  	s1 =	rddreg [dreg:$0x1];
	p0 =	sne.s32 s2, $0x0  }
0x42: {  	s3 =	rddreg [dreg:$0x2];
	[bflag:$0x3] =	sbarrier.arrive $0xFFFF;
	s2 =	simm.s32 @!p0 $0x1C01  }
0x43: {  	[timem:s3], [sflag:s2] =	dma.local @!p0 [hbm:s0], s1  }
0x44: {  	s0 =	simm.s32 @!p0 $0x1  }
0x45: {  	_ =	swait.ge @!p0 [sflag:s0], s1  }
0x46: {  	s1 =	ssub.s32 @!p0 $0x0, s1;
	[sflag:s0] =	ssyncset.done @!p0 $0x0  }
0x47: {  	[sflag:s0] =	ssyncadd.s32 @!p0 s1  }
0x48: {  	[bflag:$0x3] =	sbarrier.arrive $0xFFFF  }
0x49: {  	_ =	shalt  }

// kernel: kernel.14.cloned.1.call-start
scs
__scs_entry_jumppad:
0x0: {  	(pc) =	sbr.rel $0x88, $3  }
0x1: {  	(tag) =	ssettag $0x0;
	lr =	simm.s32 $0x1  }
0x2: {  	[smem:$0x3F98] =	sst lr;
	_ =	strace $0xD0000000  }
0x3: {  	_ = 	snop  }
0x4: {  	_ = 	snop  }
0x5: {  	_ = 	snop  }
0x6: {  	_ = 	snop  }
0x7: {  	_ = 	snop  }
__scs_overlays_trampoline_lowered:
0x8: {  	[smem:$0x3FA7] =	sst s0  }
0x9: {  	[smem:$0x3FA8] =	sst s1  }
0xa: {  	[smem:$0x3FA9] =	sst s2  }
0xb: {  	[smem:$0x3FAA] =	sst s3  }
0xc: {  	[smem:$0x3FAB] =	sst s4  }
0xd: {  	[smem:$0x3FAC] =	sst s5  }
0xe: {  	[smem:$0x3FAD] =	sst s6  }
0xf: {  	[smem:$0x3FAE] =	sst s7  }
0x10: {  	[smem:$0x3FAF] =	sst s8  }
0x11: {  	[smem:$0x3FB0] =	sst s9;
	s0 =	simm.s32 @!p0 $0x0  }
0x12: {  	s1 =	sld [smem:$0x3F96];
	s0 =	simm.s32 @p0 $0x1  }
0x13: {  	[smem:$0x3FB1] =	sst s0;
	s0 =	simm.s32 @!p1 $0x0  }
0x14: {  	s2 =	sld [smem:$0x3F95];
	s0 =	simm.s32 @p1 $0x1  }
0x15: {  	[smem:$0x3FB2] =	sst s0;
	s0 =	simm.s32 @!p2 $0x0  }
0x16: {  	s3 =	sld [smem:$0x3FDB];
	s0 =	simm.s32 @p2 $0x1  }
0x17: {  	s4 =	simm.s32 $0x1BF5;
	[smem:$0x3FB4] =	sst s0  }
0x18: {  	s0 =	sld [smem:$0x3F97];
	_ =	swait.ge [sflag:s4], $0x0  }
0x19: {  	s7 =	sld [smem:$0x3F98]  }
0x1a: {  	s8 =	sadd.s32 $0xFFFFE003, lr  }
0x1b: {  	s9 =	sadd.s32 $0xFFFFFEF7, lr;
	s5 =	simm.s32 $0xFFFFFFFF;
	p2 =	slt.u32 s8, $0xFFFFF086  }
0x1c: {  	p1 =	slt.u32 s9, $0xF7A;
	s5 =	simm.s32 @!p2 $0x0  }
0x1d: {  	s5 =	simm.s32 @p1 $0x1;
	p0 =	seq.s32 s7, s2  }
0x1e: {  	s7 =	smul.u32 @!p0 $0xF7A, s2;
	p2 =	seq.s32 @!p0 s5, $0x0  }
0x1f: {  	s9 =	smul.u32 $0xF7A, s1;
	s8 =	simm.s32 @!p0 $0x1BF5;
	p2 =	por !p2, p0  }
0x20: {  	[sflag:s8] =	ssyncset.s32 @!p0 $0xFFFFF086;
	s6 =	sadd.s32 @!p0 s3, s7;
	s7 =	simm.s32 @!p0 $0x108  }
0x21: {  	s3 =	sadd.s32 s3, s9;
	s6 =	sadd.s32 @!p0 $0x88, s6;
	s7 =	simm.s32 @p2 $0x1082  }
0x22: {  	[simem:s7], [sflag:s8] =	dma.local @!p0 [hbm:s6], $0xF7A  }
0x23: {  	s9 =	sor.u32 $0xD0000000, s2;
	s6 =	simm.s32 $0x108;
	_ =	swait.ge @!p0 [sflag:s8], $0x0  }
0x24: {  	s3 =	sadd.s32 $0x88, s3;
	s6 =	simm.s32 @!p1 $0x1082;
	[sflag:s4] =	ssyncset.s32 $0xFFFFF086  }
0x25: {  	[simem:s6], [sflag:s4] =	dma.local [hbm:s3], $0xF7A  }
0x26: {  	[smem:$0x3F98] =	sst s1;
	(tag) =	ssettag s2;
	_ =	strace s9  }
0x27: {  	s1 =	sld [smem:$0x3FA8]  }
0x28: {  	s2 =	sld [smem:$0x3FA9]  }
0x29: {  	s4 =	sld [smem:$0x3FAB]  }
0x2a: {  	p0 =	seq.s32 s5, $0x0;
	s5 =	sld [smem:$0x3FAC]  }
0x2b: {  	s6 =	sld [smem:$0x3FAD]  }
0x2c: {  	s7 =	sld [smem:$0x3FAE]  }
0x2d: {  	s3 =	simm.s32 $0x108;
	s8 =	sld [smem:$0x3FAF]  }
0x2e: {  	s3 =	simm.s32 @!p0 $0x1082;
	s9 =	sld [smem:$0x3FB0]  }
0x2f: {  	lr =	sadd.s32 s0, s3;
	s0 =	sld [smem:$0x3FA7]  }
0x30: {  	s3 =	sld [smem:$0x3FAA]  }
0x31: {  	[smem:$0x3FB3] =	sst s10  }
0x32: {  	s10 =	sld [smem:$0x3FB1];
	_ =	sdelay $0x3  }
0x33: {  	p0 =	seq.s32 s10, $0x1;
	s10 =	sld [smem:$0x3FB3];
	_ =	sdelay $0x3  }
0x34: {  	[smem:$0x3FB3] =	sst s10  }
0x35: {  	s10 =	sld [smem:$0x3FB2];
	_ =	sdelay $0x3  }
0x36: {  	p1 =	seq.s32 s10, $0x1;
	s10 =	sld [smem:$0x3FB3];
	_ =	sdelay $0x3  }
0x37: {  	[smem:$0x3FB3] =	sst s10  }
0x38: {  	s10 =	sld [smem:$0x3FB4]  }
0x39: {  	_ = 	snop;
	(pc) =	sbr.ind lr, $3  }
0x3a: {  	_ = 	snop  }
0x3b: {  	_ = 	snop  }
0x3c: {  	p2 =	seq.s32 s10, $0x1;
	s10 =	sld [smem:$0x3FB3]  }
0x3d: {  	_ =	shalt  }
0x3e: {  	_ =	shalt  }
0x3f: {  	_ =	shalt  }
0x40: {  	_ =	shalt  }
0x41: {  	_ =	shalt  }
0x42: {  	_ =	shalt  }
0x43: {  	_ =	shalt  }
0x44: {  	_ =	shalt  }
0x45: {  	_ =	shalt  }
0x46: {  	_ =	shalt  }
0x47: {  	_ =	shalt  }
0x48: {  	_ =	shalt  }
0x49: {  	_ =	shalt  }
0x4a: {  	_ =	shalt  }
0x4b: {  	_ =	shalt  }
0x4c: {  	_ =	shalt  }
0x4d: {  	_ =	shalt  }
0x4e: {  	_ =	shalt  }
0x4f: {  	_ =	shalt  }
0x50: {  	_ =	shalt  }
0x51: {  	_ =	shalt  }
0x52: {  	_ =	shalt  }
0x53: {  	_ =	shalt  }
0x54: {  	_ =	shalt  }
0x55: {  	_ =	shalt  }
0x56: {  	_ =	shalt  }
0x57: {  	_ =	shalt  }
0x58: {  	_ =	shalt  }
0x59: {  	_ =	shalt  }
0x5a: {  	_ =	shalt  }
0x5b: {  	_ =	shalt  }
0x5c: {  	_ =	shalt  }
0x5d: {  	_ =	shalt  }
0x5e: {  	_ =	shalt  }
0x5f: {  	_ =	shalt  }
0x60: {  	_ =	shalt  }
0x61: {  	_ =	shalt  }
0x62: {  	_ =	shalt  }
0x63: {  	_ =	shalt  }
0x64: {  	_ =	shalt  }
0x65: {  	_ =	shalt  }
0x66: {  	_ =	shalt  }
0x67: {  	_ =	shalt  }
0x68: {  	_ =	shalt  }
0x69: {  	_ =	shalt  }
0x6a: {  	_ =	shalt  }
0x6b: {  	_ =	shalt  }
0x6c: {  	_ =	shalt  }
0x6d: {  	_ =	shalt  }
0x6e: {  	_ =	shalt  }
0x6f: {  	_ =	shalt  }
0x70: {  	_ =	shalt  }
0x71: {  	_ =	shalt  }
0x72: {  	_ =	shalt  }
0x73: {  	_ =	shalt  }
0x74: {  	_ =	shalt  }
0x75: {  	_ =	shalt  }
0x76: {  	_ =	shalt  }
0x77: {  	_ =	shalt  }
0x78: {  	_ =	shalt  }
0x79: {  	_ =	shalt  }
0x7a: {  	_ =	shalt  }
0x7b: {  	_ =	shalt  }
0x7c: {  	_ =	shalt  }
0x7d: {  	_ =	shalt  }
0x7e: {  	_ =	shalt  }
0x7f: {  	_ =	shalt  }
0x80: {  	_ =	shalt  }
0x81: {  	_ =	shalt  }
0x82: {  	_ =	shalt  }
0x83: {  	_ =	shalt  }
0x84: {  	_ =	shalt  }
0x85: {  	_ =	shalt  }
0x86: {  	_ =	shalt  }
0x87: {  	_ =	shalt  }
.Lfunc_end0:
.L_simem_size_0:
called_computation.2_lowered:
.L_overlay_start_0:
0x88: {  	s2 =	sld [smem:$0x3FD9]  }
0x89: {  	s3 =	sld [smem:$0x3FFE];
	_ =	sdelay $0x1  }
0x8a: {  	s1 =	srdreg.scid  }
0x8b: {  	s0 =	sand.u32 $0x1, s1  }
0x8c: {  	s17 =	sshll.u32 s0, $0xA;
	s2 =	sadd.s32 s3, s2  }
0x8d: {  	s2 =	sadd.s32 s2, s17  }
0x8e: {  	[smem:$0x3FBF] =	sst s2  }
0x8f: {  	_ = 	snop  }
0x90: {  	s2 =	sld [smem:$0x3FD0];
	(tm) =	ssettm $0x1  }
0x91: {  	s18 =	sld [smem:$0x3FFB];
	_ =	sdelay $0x3  }
0x92: {  	_ =	strace s18  }
0x93: {  	s3 =	sld [smem:$0x3FFC];
	_ =	sdelay $0x3  }
0x94: {  	_ =	strace s3  }
0x95: {  	s3 =	sld [smem:$0x3FFD];
	_ =	sdelay $0x3  }
0x96: {  	_ =	strace s3  }
0x97: {  	_ =	strace $0x8FFFFFFF  }
0x98: {  	s19 =	sld [smem:$0x3FDB];
	_ =	sdelay $0x1  }
0x99: {  	s4 =	simm.s32 $_scs_section_size  }
0x9a: {  	s5 =	simm.s32 $_size__tile_overlayer_lowered;
	s6 =	simm.s32 $_tile_overlayer_lowered  }
0x9b: {  	s22 =	simm.s32 $0x1BFF;
	s21 =	sshll.u32 s6, $0x1;
	s3 =	sadd.s32 s4, s19  }
0x9c: {  	s7 =	simm.s32 $0x0;
	s20 =	sshll.u32 s5, $0x1;
	s5 =	sadd.s32 s21, s3  }
0x9d: {  	[timem:s7], [sflag:s22] =	dma.local [hbm:s5], s20  }
0x9e: {  	_ =	swait.ge [sflag:s22], s20  }
0x9f: {  	s4 =	ssub.s32 $0x0, s20;
	[sflag:s22] =	ssyncset.done $0x0  }
0xa0: {  	[sflag:s22] =	ssyncadd.s32 s4;
	_ =	sdelay $0x1  }
0xa1: {  	s23 =	simm.s32 $0x1B8B  }
0xa2: {  	_ =	swait.ge [sflag:s23], $0x1  }
0xa3: {  	[sflag:s23] =	ssyncset.done $0x0  }
0xa4: {  	s25 =	simm.s32 $0x1B8E;
	s24 =	sld [smem:$0x3FFE];
	[sflag:s23] =	ssyncadd.s32 $0xFFFFFFFF  }
0xa5: {  	s26 =	simm.s32 $execute0_lowered;
	[smem:$0x3FD2] =	sst s25  }
0xa6: {  	s5 =	sshll.u32 s26, $0x1;
	_ =	strace $0x8000004C;
	[dreg:$0x1] =	wrdreg $0xFFFFFFFF  }
0xa7: {  	s28 =	simm.s32 $_size_execute0_lowered;
	s3 =	sadd.s32 s3, s5;
	[dreg:$0x0] =	wrdreg $0x0  }
0xa8: {  	s5 =	sshll.u32 s28, $0x1;
	[dreg:$0x2] =	wrdreg s3  }
0xa9: {  	[dreg:$0x3] =	wrdreg s5  }
0xaa: {  	[dreg:$0x4] =	wrdreg $0xC0  }
0xab: {  	_ =	task [dreg:s7], $0x5FFFF  }
0xac: {  	[dreg:$0x1] =	wrdreg $0xFFFFFFFF  }
0xad: {  	[dreg:$0x0] =	wrdreg $0x60  }
0xae: {  	[dreg:$0x2] =	wrdreg s24  }
0xaf: {  	[dreg:$0x3] =	wrdreg s2  }
0xb0: {  	[dreg:$0x4] =	wrdreg $0xA4000  }
0xb1: {  	[dreg:$0x5] =	wrdreg $0x9  }
0xb2: {  	_ =	task.clear_ibuf [dreg:s7], $0x6FFFF;
	_ =	strace $0x9000004C  }
0xb3: {  	s29 =	simm.s32 $0x9;
	_ =	strace $0x8000004E  }
0xb4: {  	_ =	swait.ge [sflag:s29], $0x1  }
0xb5: {  	[sflag:s29] =	ssyncadd.s32 $0xFFFFFFFF  }
0xb6: {  	_ =	strace $0x9000004E  }
0xb7: {  	_ =	sfence  }
0xb8: {  	s30 =	sld [smem:$0x0];
	_ =	sdelay $0x2  }
0xb9: {  	s31 =	sshll.u32 s1, $0xD;
	s1 =	sshrl.u32 s1, $0x2  }
0xba: {  	s3 =	sand.u32 $0x4000, s31;
	s1 =	sadd.s32 s1, s30  }
0xbb: {  	s0 =	sor.u32 s3, s0;
	s1 =	sshll.u32 s1, $0x11  }
0xbc: {  	s0 =	sor.u32 s1, s0  }
0xbd: {  	s0 =	sadd.s32 $0x8F2B, s0  }
0xbe: {  	[sflag:s0] =	ssyncadd.remote.s32 $0x1  }
0xbf: {  	_ =	sfence.sel $0xFFFF  }
0xc0: {  	[dreg:$0x0] =	wrdreg $0xFFFFFFFF;
	(pc) =	sbr.abs _section_cstart, $3  }
0xc1: {  	[dreg:$0x1] =	wrdreg $0xFFFFFFFF  }
0xc2: {  	_ =	task.clear_ibuf [dreg:s7], $0x2FFFF;
	_ =	strace $0x9FFFFFFF  }
0xc3: {  	(tm) =	ssettm $0x7FFFFFFF  }
tec
execute0_lowered:
.L_overlay_start_1:
0x0: {  	(tag) =	ssettag $0x1  }
0x1: {  	s0 =	rddreg [dreg:$0x0]  }
0x2: {  	s2 =	rddreg [dreg:$0x2];
	s16 =	simm.s32 $0x0;
	s14 =	stileid.u32  }
0x3: {  	s1 =	srdreg.scid;
	s29 =	simm.s32 $0x1;
	s31 =	simm.s32 $0x6400  }
0x4: {  	s28 =	simm.s32 $0x2000;
	s30 =	simm.s32 $0x2080;
	[smem:$0x7FF] =	sst s16  }
0x5: {  	s5 =	sadd.s32 $0x22800, s0;
	s6 =	sadd.s32 $0x2000, s0;
	s3 =	smul.u32 $0x4F000, s14  }
0x6: {  	s7 =	sadd.s32 $0xC000, s0;
	s1 =	sand.u32 $0x1, s1;
	s4 =	smul.u32 $0x13C00, s14  }
0x7: {  	s8 =	sadd.s32 $0x18800, s0;
	s0 =	sadd.s32 $0x293800, s0;
	s14 =	smul.u32 $0x5000, s14  }
0x8: {  	_ =	strace $0x8000004D;
	s9 =	ssub.s32 $0x2, s1;
	s12 =	smul.u32 $0x13C000, s1  }
0x9: {  	s10 =	sshrl.u32 s9, $0x1;
	s3 =	sshrl.u32 s3, $0x2;
	s11 =	sadd.s32 $0x4000, s4  }
0xa: {  	s24 =	sadd.s32 $0x8000, s4;
	s25 =	sadd.s32 $0xC000, s4;
	s26 =	sadd.s32 $0x10000, s4  }
0xb: {  	s9 =	ssub.s32 s9, s10;
	s17 =	sadd.s32 s3, s2;
	s18 =	sadd.s32 s11, s2  }
0xc: {  	s19 =	sadd.s32 s24, s2;
	s13 =	sadd.s32 s25, s2;
	s15 =	sadd.s32 s26, s2  }
0xd: {  	s4 =	sadd.s32 s4, s12;
	s11 =	sadd.s32 s12, s11;
	s22 =	sadd.s32 s12, s24  }
0xe: {  	s23 =	sadd.s32 s12, s25;
	s24 =	sadd.s32 s12, s26;
	[dreg:$0x8] =	wrdreg s13  }
0xf: {  	s10 =	simm.s32 $0x1E00;
	s12 =	simm.s32 $0x1E80;
	[dreg:$0x9] =	wrdreg s15  }
0x10: {  	s15 =	smul.u32 $0x13880, s1;
	s4 =	sshrl.u32 s4, $0x3;
	s20 =	sshrl.u32 s11, $0x3  }
0x11: {  	s3 =	sshrl.u32 s23, $0x3;
	s26 =	smax.u32 s9, $0x1;
	[dreg:$0x5] =	wrdreg s17  }
0x12: {  	s9 =	simm.s32 $0x1680;
	s11 =	simm.s32 $0x1700;
	[dreg:$0x6] =	wrdreg s18  }
0x13: {  	s13 =	simm.s32 $0x1780;
	s23 =	simm.s32 $0x1F80;
	[dreg:$0x7] =	wrdreg s19  }
0x14: {  	s1 =	sadd.s32 s0, s4;
	s21 =	sadd.s32 s0, s20;
	[dreg:$0xf] =	wrdreg s26  }
0x15: {  	s4 =	sshrl.u32 s24, $0x3;
	s25 =	sadd.s32 s0, s3;
	[dreg:$0xa] =	wrdreg s1  }
0x16: {  	s26 =	simm.s32 $0x80;
	s3 =	simm.s32 $0x2;
	[dreg:$0xb] =	wrdreg s21  }
0x17: {  	s24 =	simm.s32 $0x1880;
	s1 =	sshrl.u32 s22, $0x3;
	[dreg:$0xd] =	wrdreg s25  }
0x18: {  	s21 =	simm.s32 $0x2400;
	s22 =	simm.s32 $0x3;
	s1 =	sadd.s32 s0, s1  }
0x19: {  	s25 =	simm.s32 $0xF00;
	s0 =	sadd.s32 s0, s4;
	[dreg:$0xc] =	wrdreg s1  }
0x1a: {  	v1 =	vimm.f32 $0.0e+00;
	v0 =	vmov s15;
	s4 =	simm.s32 $0x1F00;
	[dreg:$0xe] =	wrdreg s0;
	s1 =	simm.s32 $0x1800  }
.LBB2_1:
0x1b: {  	[dreg:$0x4] =	wrdreg s16;
	s0 =	simm.s32 $0x0;
	s15 =	simm.s32 $0x200  }
.LBB2_2:
0x1c: {  	p0 =	sne.s32 s15, $0xFE00;
	[tilespmem:s0+$0x2470] =	vst v1  }
0x1d: {  	[tilespmem:s0+$0x2400] =	vst v1  }
0x1e: {  	[tilespmem:s0+$0x2410] =	vst v1  }
.Ltmp0:
0x1f: {  	[tilespmem:s0+$0x2420] =	vst v1;
	(pc) =	sbr.rel @p0 .LBB2_2-.Ltmp0, $4  }
0x20: {  	[tilespmem:s0+$0x2430] =	vst v1  }
0x21: {  	[tilespmem:s0+$0x2440] =	vst v1  }
0x22: {  	[tilespmem:s0+$0x2450] =	vst v1  }
0x23: {  	[tilespmem:s0+$0x2460] =	vst v1;
	s0 =	sshra.s32 s15, $0x2;
	s15 =	sadd.s32 $0x200, s15  }
0x24: {  	[tilespmem:s0+$0x2470] =	vst v1  }
0x25: {  	[tilespmem:s0+$0x2400] =	vst v1  }
0x26: {  	[tilespmem:s0+$0x2410] =	vst v1  }
0x27: {  	[tilespmem:s0+$0x2420] =	vst v1  }
0x28: {  	[tilespmem:s0+$0x2430] =	vst v1  }
0x29: {  	[tilespmem:s0+$0x2440] =	vst v1  }
0x2a: {  	[tilespmem:s0+$0x2450] =	vst v1  }
0x2b: {  	[tilespmem:s0+$0x2460] =	vst v1  }
0x2c: {  	[spmem:s17] =	stream.linear.scatter [tilespmem:s21], [sflag:$0x3], $0x4000, $0x38;
	[tilespmem:$0x1E000] =	vst v63  }
0x2d: {  	_ =	swait.ge [sflag:s22], $0x4000  }
0x2e: {  	[sflag:s22] =	ssyncset.done $0x0  }
0x2f: {  	[sflag:s22] =	ssyncadd.s32 $0xFFFFC000  }
0x30: {  	[spmem:s18] =	stream.linear.scatter [tilespmem:s21], [sflag:$0x3], $0x4000, $0x38;
	[tilespmem:$0x1E000] =	vst v63  }
0x31: {  	_ =	swait.ge [sflag:s22], $0x4000  }
0x32: {  	[sflag:s22] =	ssyncset.done $0x0  }
0x33: {  	[sflag:s22] =	ssyncadd.s32 $0xFFFFC000  }
0x34: {  	[spmem:s19] =	stream.linear.scatter [tilespmem:s21], [sflag:$0x3], $0x4000, $0x38;
	[tilespmem:$0x1E000] =	vst v63  }
0x35: {  	_ =	swait.ge [sflag:s22], $0x4000  }
0x36: {  	[sflag:s22] =	ssyncset.done $0x0  }
0x37: {  	s19 =	rddreg [dreg:$0x8];
	[sflag:s22] =	ssyncadd.s32 $0xFFFFC000  }
0x38: {  	[spmem:s19] =	stream.linear.scatter [tilespmem:s21], [sflag:$0x3], $0x4000, $0x38;
	[tilespmem:$0x1E000] =	vst v63  }
0x39: {  	_ =	swait.ge [sflag:s22], $0x4000  }
0x3a: {  	[sflag:s22] =	ssyncset.done $0x0  }
0x3b: {  	s20 =	rddreg [dreg:$0x9];
	[sflag:s22] =	ssyncadd.s32 $0xFFFFC000  }
0x3c: {  	[spmem:s20] =	stream.linear.scatter [tilespmem:s21], [sflag:$0x3], $0x3C00, $0x38;
	[tilespmem:$0x1E000] =	vst v63  }
0x3d: {  	_ =	swait.ge [sflag:s22], $0x3C00  }
0x3e: {  	[sflag:s22] =	ssyncset.done $0x0  }
0x3f: {  	[sflag:s22] =	ssyncadd.s32 $0xFFFFC400  }
0x40: {  	s0 =	simm.s32 $0x0;
	s15 =	simm.s32 $0x0;
	[bflag:$0x0] =	sbarrier.arrive $0xFFFF  }
.LBB2_4:
0x41: {  	s16 =	smul.u32 $0x500, s15;
	_ =	sdelay $0x1  }
0x42: {  	s16 =	sadd.s32 s14, s16  }
0x43: {  	s17 =	rddreg [dreg:$0x1];
	s16 =	sshrl.u32 s16, $0x3  }
0x44: {  	s17 =	sadd.s32 s17, s16  }
0x45: {  	[tilespmem:s0], [sflag:$0x3] =	stream.linear.gather [hbm4b:s17+s0], $0x500, $0x38;
	[tilespmem:$0x1E000] =	vst v63  }
0x46: {  	_ =	swait.ge [sflag:s22], $0x500  }
0x47: {  	[sflag:s22] =	ssyncset.done $0x0  }
0x48: {  	s18 =	simm.s32 $0x500;
	s20 =	sadd.s32 s6, s16;
	[sflag:s22] =	ssyncadd.s32 $0xFFFFFB00  }
0x49: {  	[tilespmem:s18], [sflag:$0x3] =	stream.linear.gather [hbm4b:s20+s0], $0x500, $0x38;
	[tilespmem:$0x1E000] =	vst v63  }
0x4a: {  	_ =	swait.ge [sflag:s22], $0x500  }
0x4b: {  	[sflag:s22] =	ssyncset.done $0x0  }
0x4c: {  	s19 =	sadd.s32 s7, s16;
	s20 =	simm.s32 $0xA00;
	[sflag:s22] =	ssyncadd.s32 $0xFFFFFB00  }
0x4d: {  	[tilespmem:s20], [sflag:$0x3] =	stream.linear.gather [hbm4b:s19+s0], $0x500, $0x38;
	[tilespmem:$0x1E000] =	vst v63  }
0x4e: {  	_ =	swait.ge [sflag:s22], $0x500  }
0x4f: {  	[sflag:s22] =	ssyncset.done $0x0  }
0x50: {  	s16 =	sadd.s32 s8, s16;
	[sflag:s22] =	ssyncadd.s32 $0xFFFFFB00  }
0x51: {  	[tilespmem:s25], [sflag:$0x3] =	stream.linear.gather [hbm4b:s16+s0], $0x500, $0x38;
	[tilespmem:$0x1E000] =	vst v63  }
0x52: {  	_ =	swait.ge [sflag:s22], $0x500  }
0x53: {  	[sflag:s22] =	ssyncset.done $0x0  }
0x54: {  	s16 =	simm.s32 $0x0;
	[sflag:s22] =	ssyncadd.s32 $0xFFFFFB00  }
0x55: {  	v3 =	vld [tilespmem:s16+$0x500]  }
0x56: {  	v2 =	vld [tilespmem:s16+$0xA00];
	_ =	sdelay $0x1  }
0x57: {  	s17 =	simm.s32 $0x40;
	v4 =	vld [tilespmem:s16+$0x0]  }
.LBB2_5:
0x58: {  	p0 =	sne.s32 s17, $0x13C0  }
.Ltmp1:
0x59: {  	s18 =	sshra.s32 s17, $0x2;
	s17 =	sadd.s32 $0x40, s17;
	v5 =	vmul.u32 $0x2710, v3;
	(pc) =	sbr.rel @p0 .LBB2_5-.Ltmp1, $4  }
0x5a: {  	v3 =	vld [tilespmem:s18+$0x500];
	[tilespmem:s16+$0x1C00] =	vst v2  }
0x5b: {  	v2 =	vld [tilespmem:s18+$0xA00];
	v5 =	vadd.s32 v0, v5  }
0x5c: {  	v5 =	vadd.s32 v4, v5  }
0x5d: {  	v4 =	vld [tilespmem:s18+$0x0];
	[tilespmem:s16+$0x1400] =	vst v5;
	s16 =	smov.u32 s18  }
0x5e: {  	_ = 	snop  }
0x5f: {  	v3 =	vmul.u32 $0x2710, v3;
	_ =	sdelay $0x1  }
0x60: {  	v3 =	vadd.s32 v0, v3  }
0x61: {  	s19 =	simm.s32 $0x0;
	[tilespmem:s16+$0x1C00] =	vst v2;
	v2 =	vadd.s32 v4, v3  }
0x62: {  	[tilespmem:s16+$0x1400] =	vst v2;
	v2 =	vmov s19  }
0x63: {  	s18 =	simm.s32 $0x1400;
	v2 =	vand.u32 $0xFFFFFFFE, v2  }
0x64: {  	[tilespmem:s21], [sflag:$0x1] =	stream.indirect.gather [hbm4b:s5+s26], $0x80, s18, s26, $0xb8;
	v3 =	vbroadcast v2, $0x0;
	[tilespmem:$0x1E000] =	vst v63  }
0x65: {  	_ =	swait.ge [sflag:s29], $0x4000  }
0x66: {  	[sflag:s29] =	ssyncset.done $0x0  }
0x67: {  	s20 =	simm.s32 $0x1480;
	s16 =	simm.s32 $0x2480;
	[sflag:s29] =	ssyncadd.s32 $0xFFFFC000  }
0x68: {  	[tilespmem:s31], [sflag:$0x2] =	stream.indirect.gather [hbm4b:s5+s26], $0x80, s20, s26, $0xb8;
	[tilespmem:$0x1E000] =	vst v63  }
0x69: {  	v6 =	vld [tilespmem:s16+$0xFFFFFFF0]  }
0x6a: {  	v7 =	vld.idx.msk [tilespmem:v3+s25+$0x0], $0xffff  }
0x6b: {  	v8 =	vld [tilespmem:s16+$0xFFFFFF80]  }
0x6c: {  	v9 =	vld [tilespmem:s16+$0xFFFFFFA0]  }
0x6d: {  	v5 =	vld [tilespmem:s16+$0xFFFFFFB0]  }
0x6e: {  	v4 =	vld [tilespmem:s16+$0xFFFFFFD0]  }
0x6f: {  	v11 =	vld [tilespmem:s16+$0xFFFFFF90];
	v6 =	vmul.f32 v6, v7  }
0x70: {  	v10 =	vld [tilespmem:s16+$0xFFFFFFE0];
	v8 =	vmul.f32 v8, v7  }
0x71: {  	v12 =	vld [tilespmem:s16+$0xFFFFFFC0];
	v9 =	vmul.f32 v9, v7;
	[tilespmem:s16+$0xFFFFFFF0] =	vst v6  }
0x72: {  	v5 =	vmul.f32 v5, v7;
	[tilespmem:s16+$0xFFFFFF80] =	vst v8  }
0x73: {  	s17 =	simm.s32 $0x1;
	v4 =	vmul.f32 v4, v7;
	[tilespmem:s16+$0xFFFFFFA0] =	vst v9  }
0x74: {  	v6 =	vmul.f32 v11, v7;
	[tilespmem:s16+$0xFFFFFFB0] =	vst v5;
	v8 =	vmov s17  }
0x75: {  	v2 =	vld [tilespmem:s16+$0x0];
	v5 =	vmul.f32 v10, v7;
	[tilespmem:s16+$0xFFFFFFD0] =	vst v4  }
0x76: {  	v3 =	vld [tilespmem:s16+$0x10];
	v4 =	vmul.f32 v12, v7;
	[tilespmem:s16+$0xFFFFFF90] =	vst v6  }
0x77: {  	[tilespmem:s16+$0xFFFFFFE0] =	vst v5;
	v6 =	vld [tilespmem:s16+$0x30]  }
0x78: {  	[tilespmem:s16+$0xFFFFFFC0] =	vst v4;
	v5 =	vld [tilespmem:s16+$0x70]  }
0x79: {  	s18 =	simm.s32 $0x2480;
	s17 =	simm.s32 $0x2;
	v4 =	vld.idx.msk [tilespmem:v8+s25+$0x0], $0xffff  }
.LBB2_7:
0x7a: {  	p0 =	slt.u32 s17, $0x7E  }
0x7b: {  	v7 =	vld [tilespmem:s16+$0x20];
	s18 =	sadd.s32 $0x100, s18;
	s19 =	smov.u32 s17;
	s17 =	sadd.s32 $0x2, s17  }
0x7c: {  	v8 =	vld [tilespmem:s16+$0x40]  }
0x7d: {  	v9 =	vld [tilespmem:s16+$0x50]  }
0x7e: {  	v10 =	vld [tilespmem:s16+$0x60];
	_ =	sdelay $0x1  }
0x7f: {  	v2 =	vmul.f32 v2, v4;
	v3 =	vmul.f32 v3, v4  }
0x80: {  	v6 =	vmul.f32 v6, v4;
	v7 =	vmul.f32 v7, v4  }
0x81: {  	v11 =	vmov s19;
	v8 =	vmul.f32 v8, v4;
	[tilespmem:s16+$0x0] =	vst v2;
	v9 =	vmul.f32 v9, v4  }
0x82: {  	v11 =	vand.u32 $0xFFFFFFFE, v11;
	v2 =	vld [tilespmem:s18+$0x0];
	[tilespmem:s16+$0x30] =	vst v6;
	v6 =	vmul.f32 v10, v4;
	v4 =	vmul.f32 v5, v4  }
0x83: {  	v5 =	vbroadcast v11, $0x0;
	[tilespmem:s16+$0x10] =	vst v3  }
0x84: {  	[tilespmem:s16+$0x70] =	vst v4  }
0x85: {  	v4 =	vld [tilespmem:s18+$0xFFFFFFD0];
	[tilespmem:s16+$0x20] =	vst v7  }
0x86: {  	v7 =	vld [tilespmem:s18+$0xFFFFFFB0];
	[tilespmem:s16+$0x60] =	vst v6  }
0x87: {  	v6 =	vld [tilespmem:s18+$0xFFFFFFE0];
	[tilespmem:s16+$0x40] =	vst v8  }
0x88: {  	v8 =	vld [tilespmem:s18+$0xFFFFFFF0];
	[tilespmem:s16+$0x50] =	vst v9;
	s16 =	smov.u32 s18  }
0x89: {  	v5 =	vld.idx.msk [tilespmem:v5+s25+$0x0], $0xffff  }
0x8a: {  	v9 =	vld [tilespmem:s18+$0xFFFFFF80]  }
0x8b: {  	v10 =	vld [tilespmem:s18+$0xFFFFFFA0]  }
0x8c: {  	v11 =	vld [tilespmem:s18+$0xFFFFFF90]  }
0x8d: {  	v12 =	vld [tilespmem:s18+$0xFFFFFFC0]  }
0x8e: {  	v3 =	vld [tilespmem:s18+$0x10]  }
0x8f: {  	v8 =	vmul.f32 v8, v5;
	v9 =	vmul.f32 v9, v5  }
0x90: {  	v6 =	vmul.f32 v6, v5;
	v10 =	vmul.f32 v10, v5  }
0x91: {  	v7 =	vmul.f32 v7, v5;
	v11 =	vmul.f32 v11, v5;
	[tilespmem:s18+$0xFFFFFFF0] =	vst v8  }
0x92: {  	v4 =	vmul.f32 v4, v5;
	[tilespmem:s18+$0xFFFFFF80] =	vst v9;
	v8 =	vmul.f32 v12, v5  }
0x93: {  	s19 =	sadd.s32 $0x1, s19;
	[tilespmem:s18+$0xFFFFFFA0] =	vst v10  }
0x94: {  	[tilespmem:s18+$0xFFFFFFB0] =	vst v7;
	v7 =	vmov s19  }
.Ltmp2:
0x95: {  	[tilespmem:s18+$0xFFFFFFD0] =	vst v4;
	(pc) =	sbr.rel @p0 .LBB2_7-.Ltmp2, $4  }
0x96: {  	[tilespmem:s18+$0xFFFFFF90] =	vst v11  }
0x97: {  	[tilespmem:s18+$0xFFFFFFE0] =	vst v6;
	v6 =	vld [tilespmem:s18+$0x30]  }
0x98: {  	[tilespmem:s18+$0xFFFFFFC0] =	vst v8;
	v5 =	vld [tilespmem:s18+$0x70]  }
0x99: {  	v4 =	vld.idx.msk [tilespmem:v7+s25+$0x0], $0xffff  }
0x9a: {  	_ =	sdelay $0x2  }
0x9b: {  	v7 =	vld [tilespmem:s16+$0x20]  }
0x9c: {  	v8 =	vld [tilespmem:s16+$0x60];
	v2 =	vmul.f32 v2, v4  }
0x9d: {  	v9 =	vld [tilespmem:s16+$0x40];
	v6 =	vmul.f32 v6, v4  }
0x9e: {  	v10 =	vld [tilespmem:s16+$0x50];
	v3 =	vmul.f32 v3, v4;
	[tilespmem:s16+$0x0] =	vst v2  }
0x9f: {  	[tilespmem:s16+$0x30] =	vst v6;
	v2 =	vmul.f32 v5, v4  }
0xa0: {  	v5 =	vmul.f32 v7, v4;
	[tilespmem:s16+$0x10] =	vst v3  }
0xa1: {  	v3 =	vmul.f32 v8, v4;
	[tilespmem:s16+$0x70] =	vst v2  }
0xa2: {  	v2 =	vmul.f32 v9, v4;
	[tilespmem:s16+$0x20] =	vst v5  }
0xa3: {  	v4 =	vmul.f32 v10, v4;
	[tilespmem:s16+$0x60] =	vst v3  }
0xa4: {  	[tilespmem:s16+$0x40] =	vst v2  }
0xa5: {  	s18 =	simm.s32 $0x1C00;
	s19 =	simm.s32 $0x80;
	[tilespmem:s16+$0x50] =	vst v4  }
0xa6: {  	[spmem:s2] =	stream.indirect.scatter.add.f32 [tilespmem:s21], [sflag:$0x3], $0x80, s18, s26, $0xb8;
	[tilespmem:$0x1E000] =	vst v63  }
0xa7: {  	v2 =	vmov s19;
	_ =	swait.ge [sflag:s22], $0x4000  }
0xa8: {  	v2 =	vand.u32 $0xFFFFFFFE, v2;
	[sflag:s22] =	ssyncset.done $0x0  }
0xa9: {  	v3 =	vbroadcast v2, $0x0;
	[sflag:s22] =	ssyncadd.s32 $0xFFFFC000  }
0xaa: {  	_ =	swait.ge [sflag:s3], $0x4000  }
0xab: {  	[sflag:s3] =	ssyncset.done $0x0  }
0xac: {  	s20 =	simm.s32 $0x1500;
	s16 =	simm.s32 $0x6400;
	[sflag:s3] =	ssyncadd.s32 $0xFFFFC000  }
0xad: {  	[tilespmem:s21], [sflag:$0x1] =	stream.indirect.gather [hbm4b:s5+s26], $0x80, s20, s26, $0xb8;
	[tilespmem:$0x1E000] =	vst v63  }
0xae: {  	v6 =	vld [tilespmem:s16+$0x70]  }
0xaf: {  	v7 =	vld.idx.msk [tilespmem:v3+s25+$0x0], $0xffff  }
0xb0: {  	v8 =	vld [tilespmem:s16+$0x0]  }
0xb1: {  	v62 =	vld [tilespmem:s16+$0x20]  }
0xb2: {  	v5 =	vld [tilespmem:s16+$0x30]  }
0xb3: {  	v4 =	vld [tilespmem:s16+$0x50]  }
0xb4: {  	v11 =	vld [tilespmem:s16+$0x10];
	v6 =	vmul.f32 v6, v7  }
0xb5: {  	v63 =	vld [tilespmem:s16+$0x60];
	v8 =	vmul.f32 v8, v7  }
0xb6: {  	v12 =	vld [tilespmem:s16+$0x40];
	v9 =	vmul.f32 v62, v7;
	[tilespmem:s16+$0x70] =	vst v6  }
0xb7: {  	v5 =	vmul.f32 v5, v7;
	[tilespmem:s16+$0x0] =	vst v8  }
0xb8: {  	s17 =	simm.s32 $0x81;
	v4 =	vmul.f32 v4, v7;
	[tilespmem:s16+$0x20] =	vst v9  }
0xb9: {  	v6 =	vmul.f32 v11, v7;
	[tilespmem:s16+$0x30] =	vst v5;
	v8 =	vmov s17  }
0xba: {  	v2 =	vld [tilespmem:s16+$0x80];
	v5 =	vmul.f32 v63, v7;
	[tilespmem:s16+$0x50] =	vst v4  }
0xbb: {  	v3 =	vld [tilespmem:s16+$0x90];
	v4 =	vmul.f32 v12, v7;
	[tilespmem:s16+$0x10] =	vst v6  }
0xbc: {  	[tilespmem:s16+$0x60] =	vst v5;
	v6 =	vld [tilespmem:s16+$0xB0]  }
0xbd: {  	[tilespmem:s16+$0x40] =	vst v4;
	v5 =	vld [tilespmem:s16+$0xF0]  }
0xbe: {  	s18 =	simm.s32 $0x6400;
	s17 =	simm.s32 $0x0;
	v4 =	vld.idx.msk [tilespmem:v8+s25+$0x0], $0xffff  }
.LBB2_9:
0xbf: {  	v7 =	vld [tilespmem:s16+$0xA0];
	s18 =	sadd.s32 $0x100, s18;
	s19 =	smov.u32 s17;
	s17 =	sadd.s32 $0x2, s17  }
0xc0: {  	p0 =	slt.u32 s17, $0x7E;
	v8 =	vld [tilespmem:s16+$0xC0]  }
0xc1: {  	v9 =	vld [tilespmem:s16+$0xD0]  }
0xc2: {  	v10 =	vld [tilespmem:s16+$0xE0];
	_ =	sdelay $0x1  }
0xc3: {  	v2 =	vmul.f32 v2, v4;
	v3 =	vmul.f32 v3, v4  }
0xc4: {  	s20 =	sadd.s32 $0x82, s19;
	v6 =	vmul.f32 v6, v4;
	v7 =	vmul.f32 v7, v4  }
0xc5: {  	v11 =	vmov s20;
	v8 =	vmul.f32 v8, v4;
	[tilespmem:s16+$0x80] =	vst v2;
	v9 =	vmul.f32 v9, v4  }
0xc6: {  	v11 =	vand.u32 $0xFFFFFFFE, v11;
	v2 =	vld [tilespmem:s18+$0x80];
	[tilespmem:s16+$0xB0] =	vst v6;
	v6 =	vmul.f32 v10, v4;
	v4 =	vmul.f32 v5, v4  }
0xc7: {  	v5 =	vbroadcast v11, $0x0;
	[tilespmem:s16+$0x90] =	vst v3  }
0xc8: {  	[tilespmem:s16+$0xF0] =	vst v4  }
0xc9: {  	v4 =	vld [tilespmem:s18+$0x50];
	[tilespmem:s16+$0xA0] =	vst v7  }
0xca: {  	v7 =	vld [tilespmem:s18+$0x30];
	[tilespmem:s16+$0xE0] =	vst v6  }
0xcb: {  	v6 =	vld [tilespmem:s18+$0x60];
	[tilespmem:s16+$0xC0] =	vst v8  }
0xcc: {  	v8 =	vld [tilespmem:s18+$0x70];
	[tilespmem:s16+$0xD0] =	vst v9;
	s16 =	smov.u32 s18  }
0xcd: {  	v5 =	vld.idx.msk [tilespmem:v5+s25+$0x0], $0xffff  }
0xce: {  	v9 =	vld [tilespmem:s18+$0x0]  }
0xcf: {  	v10 =	vld [tilespmem:s18+$0x20]  }
0xd0: {  	v11 =	vld [tilespmem:s18+$0x10]  }
0xd1: {  	v12 =	vld [tilespmem:s18+$0x40]  }
0xd2: {  	v3 =	vld [tilespmem:s18+$0x90]  }
0xd3: {  	v8 =	vmul.f32 v8, v5;
	v9 =	vmul.f32 v9, v5  }
0xd4: {  	v6 =	vmul.f32 v6, v5;
	v10 =	vmul.f32 v10, v5  }
0xd5: {  	v7 =	vmul.f32 v7, v5;
	v11 =	vmul.f32 v11, v5;
	[tilespmem:s18+$0x70] =	vst v8  }
0xd6: {  	v4 =	vmul.f32 v4, v5;
	[tilespmem:s18+$0x0] =	vst v9;
	v8 =	vmul.f32 v12, v5  }
0xd7: {  	s19 =	sadd.s32 $0x83, s19;
	[tilespmem:s18+$0x20] =	vst v10  }
0xd8: {  	[tilespmem:s18+$0x30] =	vst v7;
	v7 =	vmov s19  }
.Ltmp3:
0xd9: {  	[tilespmem:s18+$0x50] =	vst v4;
	(pc) =	sbr.rel @p0 .LBB2_9-.Ltmp3, $4  }
0xda: {  	[tilespmem:s18+$0x10] =	vst v11  }
0xdb: {  	[tilespmem:s18+$0x60] =	vst v6;
	v6 =	vld [tilespmem:s18+$0xB0]  }
0xdc: {  	[tilespmem:s18+$0x40] =	vst v8;
	v5 =	vld [tilespmem:s18+$0xF0]  }
0xdd: {  	v4 =	vld.idx.msk [tilespmem:v7+s25+$0x0], $0xffff  }
0xde: {  	_ =	sdelay $0x2  }
0xdf: {  	v7 =	vld [tilespmem:s16+$0xA0]  }
0xe0: {  	v8 =	vld [tilespmem:s16+$0xE0];
	v2 =	vmul.f32 v2, v4  }
0xe1: {  	v9 =	vld [tilespmem:s16+$0xC0];
	v6 =	vmul.f32 v6, v4  }
0xe2: {  	v10 =	vld [tilespmem:s16+$0xD0];
	v3 =	vmul.f32 v3, v4;
	[tilespmem:s16+$0x80] =	vst v2  }
0xe3: {  	[tilespmem:s16+$0xB0] =	vst v6;
	v2 =	vmul.f32 v5, v4  }
0xe4: {  	v5 =	vmul.f32 v7, v4;
	[tilespmem:s16+$0x90] =	vst v3  }
0xe5: {  	v3 =	vmul.f32 v8, v4;
	[tilespmem:s16+$0xF0] =	vst v2  }
0xe6: {  	v2 =	vmul.f32 v9, v4;
	[tilespmem:s16+$0xA0] =	vst v5  }
0xe7: {  	v4 =	vmul.f32 v10, v4;
	[tilespmem:s16+$0xE0] =	vst v3  }
0xe8: {  	[tilespmem:s16+$0xC0] =	vst v2  }
0xe9: {  	s18 =	simm.s32 $0x1C80;
	s19 =	simm.s32 $0x100;
	[tilespmem:s16+$0xD0] =	vst v4  }
0xea: {  	[spmem:s2] =	stream.indirect.scatter.add.f32 [tilespmem:s31], [sflag:$0x3], $0x80, s18, s26, $0xb8;
	[tilespmem:$0x1E000] =	vst v63  }
0xeb: {  	v2 =	vmov s19;
	_ =	swait.ge [sflag:s22], $0x4000  }
0xec: {  	v2 =	vand.u32 $0xFFFFFFFE, v2;
	[sflag:s22] =	ssyncset.done $0x0  }
0xed: {  	v3 =	vbroadcast v2, $0x0;
	[sflag:s22] =	ssyncadd.s32 $0xFFFFC000  }
0xee: {  	_ =	swait.ge [sflag:s29], $0x4000  }
0xef: {  	[sflag:s29] =	ssyncset.done $0x0  }
0xf0: {  	s20 =	simm.s32 $0x1580;
	s16 =	simm.s32 $0x2480;
	[sflag:s29] =	ssyncadd.s32 $0xFFFFC000  }
0xf1: {  	[tilespmem:s31], [sflag:$0x2] =	stream.indirect.gather [hbm4b:s5+s26], $0x80, s20, s26, $0xb8;
	[tilespmem:$0x1E000] =	vst v63  }
0xf2: {  	v6 =	vld [tilespmem:s16+$0xFFFFFFF0]  }
0xf3: {  	v7 =	vld.idx.msk [tilespmem:v3+s25+$0x0], $0xffff  }
0xf4: {  	v8 =	vld [tilespmem:s16+$0xFFFFFF80]  }
0xf5: {  	v62 =	vld [tilespmem:s16+$0xFFFFFFA0]  }
0xf6: {  	v5 =	vld [tilespmem:s16+$0xFFFFFFB0]  }
0xf7: {  	v4 =	vld [tilespmem:s16+$0xFFFFFFD0]  }
0xf8: {  	v11 =	vld [tilespmem:s16+$0xFFFFFF90];
	v6 =	vmul.f32 v6, v7  }
0xf9: {  	v63 =	vld [tilespmem:s16+$0xFFFFFFE0];
	v8 =	vmul.f32 v8, v7  }
0xfa: {  	v12 =	vld [tilespmem:s16+$0xFFFFFFC0];
	v9 =	vmul.f32 v62, v7;
	[tilespmem:s16+$0xFFFFFFF0] =	vst v6  }
0xfb: {  	v5 =	vmul.f32 v5, v7;
	[tilespmem:s16+$0xFFFFFF80] =	vst v8  }
0xfc: {  	s17 =	simm.s32 $0x101;
	v4 =	vmul.f32 v4, v7;
	[tilespmem:s16+$0xFFFFFFA0] =	vst v9  }
0xfd: {  	v6 =	vmul.f32 v11, v7;
	[tilespmem:s16+$0xFFFFFFB0] =	vst v5;
	v8 =	vmov s17  }
0xfe: {  	v2 =	vld [tilespmem:s16+$0x0];
	v5 =	vmul.f32 v63, v7;
	[tilespmem:s16+$0xFFFFFFD0] =	vst v4  }
0xff: {  	v3 =	vld [tilespmem:s16+$0x10];
	v4 =	vmul.f32 v12, v7;
	[tilespmem:s16+$0xFFFFFF90] =	vst v6  }
0x100: {  	[tilespmem:s16+$0xFFFFFFE0] =	vst v5;
	v6 =	vld [tilespmem:s16+$0x30]  }
0x101: {  	[tilespmem:s16+$0xFFFFFFC0] =	vst v4;
	v5 =	vld [tilespmem:s16+$0x70]  }
0x102: {  	s18 =	simm.s32 $0x2480;
	s17 =	simm.s32 $0x0;
	v4 =	vld.idx.msk [tilespmem:v8+s25+$0x0], $0xffff  }
.LBB2_11:
0x103: {  	v7 =	vld [tilespmem:s16+$0x20];
	s18 =	sadd.s32 $0x100, s18;
	s19 =	smov.u32 s17;
	s17 =	sadd.s32 $0x2, s17  }
0x104: {  	p0 =	slt.u32 s17, $0x7E;
	v8 =	vld [tilespmem:s16+$0x40]  }
0x105: {  	v9 =	vld [tilespmem:s16+$0x50]  }
0x106: {  	v10 =	vld [tilespmem:s16+$0x60];
	_ =	sdelay $0x1  }
0x107: {  	v2 =	vmul.f32 v2, v4;
	v3 =	vmul.f32 v3, v4  }
0x108: {  	s20 =	sadd.s32 $0x102, s19;
	v6 =	vmul.f32 v6, v4;
	v7 =	vmul.f32 v7, v4  }
0x109: {  	v11 =	vmov s20;
	v8 =	vmul.f32 v8, v4;
	[tilespmem:s16+$0x0] =	vst v2;
	v9 =	vmul.f32 v9, v4  }
0x10a: {  	v11 =	vand.u32 $0xFFFFFFFE, v11;
	v2 =	vld [tilespmem:s18+$0x0];
	[tilespmem:s16+$0x30] =	vst v6;
	v6 =	vmul.f32 v10, v4;
	v4 =	vmul.f32 v5, v4  }
0x10b: {  	v5 =	vbroadcast v11, $0x0;
	[tilespmem:s16+$0x10] =	vst v3  }
0x10c: {  	[tilespmem:s16+$0x70] =	vst v4  }
0x10d: {  	v4 =	vld [tilespmem:s18+$0xFFFFFFD0];
	[tilespmem:s16+$0x20] =	vst v7  }
0x10e: {  	v7 =	vld [tilespmem:s18+$0xFFFFFFB0];
	[tilespmem:s16+$0x60] =	vst v6  }
0x10f: {  	v6 =	vld [tilespmem:s18+$0xFFFFFFE0];
	[tilespmem:s16+$0x40] =	vst v8  }
0x110: {  	v8 =	vld [tilespmem:s18+$0xFFFFFFF0];
	[tilespmem:s16+$0x50] =	vst v9;
	s16 =	smov.u32 s18  }
0x111: {  	v5 =	vld.idx.msk [tilespmem:v5+s25+$0x0], $0xffff  }
0x112: {  	v9 =	vld [tilespmem:s18+$0xFFFFFF80]  }
0x113: {  	v10 =	vld [tilespmem:s18+$0xFFFFFFA0]  }
0x114: {  	v11 =	vld [tilespmem:s18+$0xFFFFFF90]  }
0x115: {  	v12 =	vld [tilespmem:s18+$0xFFFFFFC0]  }
0x116: {  	v3 =	vld [tilespmem:s18+$0x10]  }
0x117: {  	v8 =	vmul.f32 v8, v5;
	v9 =	vmul.f32 v9, v5  }
0x118: {  	v6 =	vmul.f32 v6, v5;
	v10 =	vmul.f32 v10, v5  }
0x119: {  	v7 =	vmul.f32 v7, v5;
	v11 =	vmul.f32 v11, v5;
	[tilespmem:s18+$0xFFFFFFF0] =	vst v8  }
0x11a: {  	v4 =	vmul.f32 v4, v5;
	[tilespmem:s18+$0xFFFFFF80] =	vst v9;
	v8 =	vmul.f32 v12, v5  }
0x11b: {  	s19 =	sadd.s32 $0x103, s19;
	[tilespmem:s18+$0xFFFFFFA0] =	vst v10  }
0x11c: {  	[tilespmem:s18+$0xFFFFFFB0] =	vst v7;
	v7 =	vmov s19  }
.Ltmp4:
0x11d: {  	[tilespmem:s18+$0xFFFFFFD0] =	vst v4;
	(pc) =	sbr.rel @p0 .LBB2_11-.Ltmp4, $4  }
0x11e: {  	[tilespmem:s18+$0xFFFFFF90] =	vst v11  }
0x11f: {  	[tilespmem:s18+$0xFFFFFFE0] =	vst v6;
	v6 =	vld [tilespmem:s18+$0x30]  }
0x120: {  	[tilespmem:s18+$0xFFFFFFC0] =	vst v8;
	v5 =	vld [tilespmem:s18+$0x70]  }
0x121: {  	v4 =	vld.idx.msk [tilespmem:v7+s25+$0x0], $0xffff  }
0x122: {  	_ =	sdelay $0x2  }
0x123: {  	v7 =	vld [tilespmem:s16+$0x20]  }
0x124: {  	v8 =	vld [tilespmem:s16+$0x60];
	v2 =	vmul.f32 v2, v4  }
0x125: {  	v9 =	vld [tilespmem:s16+$0x40];
	v6 =	vmul.f32 v6, v4  }
0x126: {  	v10 =	vld [tilespmem:s16+$0x50];
	v3 =	vmul.f32 v3, v4;
	[tilespmem:s16+$0x0] =	vst v2  }
0x127: {  	[tilespmem:s16+$0x30] =	vst v6;
	v2 =	vmul.f32 v5, v4  }
0x128: {  	v5 =	vmul.f32 v7, v4;
	[tilespmem:s16+$0x10] =	vst v3  }
0x129: {  	v3 =	vmul.f32 v8, v4;
	[tilespmem:s16+$0x70] =	vst v2  }
0x12a: {  	v2 =	vmul.f32 v9, v4;
	[tilespmem:s16+$0x20] =	vst v5  }
0x12b: {  	v4 =	vmul.f32 v10, v4;
	[tilespmem:s16+$0x60] =	vst v3  }
0x12c: {  	[tilespmem:s16+$0x40] =	vst v2  }
0x12d: {  	s18 =	simm.s32 $0x1D00;
	s19 =	simm.s32 $0x180;
	[tilespmem:s16+$0x50] =	vst v4  }
0x12e: {  	[spmem:s2] =	stream.indirect.scatter.add.f32 [tilespmem:s21], [sflag:$0x3], $0x80, s18, s26, $0xb8;
	[tilespmem:$0x1E000] =	vst v63  }
0x12f: {  	v2 =	vmov s19;
	_ =	swait.ge [sflag:s22], $0x4000  }
0x130: {  	v2 =	vand.u32 $0xFFFFFFFE, v2;
	[sflag:s22] =	ssyncset.done $0x0  }
0x131: {  	v3 =	vbroadcast v2, $0x0;
	[sflag:s22] =	ssyncadd.s32 $0xFFFFC000  }
0x132: {  	_ =	swait.ge [sflag:s3], $0x4000  }
0x133: {  	[sflag:s3] =	ssyncset.done $0x0  }
0x134: {  	s20 =	simm.s32 $0x1600;
	s16 =	simm.s32 $0x6400;
	[sflag:s3] =	ssyncadd.s32 $0xFFFFC000  }
0x135: {  	[tilespmem:s21], [sflag:$0x1] =	stream.indirect.gather [hbm4b:s5+s26], $0x80, s20, s26, $0xb8;
	[tilespmem:$0x1E000] =	vst v63  }
0x136: {  	v6 =	vld [tilespmem:s16+$0x70]  }
0x137: {  	v7 =	vld.idx.msk [tilespmem:v3+s25+$0x0], $0xffff  }
0x138: {  	v8 =	vld [tilespmem:s16+$0x0]  }
0x139: {  	v62 =	vld [tilespmem:s16+$0x20]  }
0x13a: {  	v5 =	vld [tilespmem:s16+$0x30]  }
0x13b: {  	v4 =	vld [tilespmem:s16+$0x50]  }
0x13c: {  	v11 =	vld [tilespmem:s16+$0x10];
	v6 =	vmul.f32 v6, v7  }
0x13d: {  	v63 =	vld [tilespmem:s16+$0x60];
	v8 =	vmul.f32 v8, v7  }
0x13e: {  	v12 =	vld [tilespmem:s16+$0x40];
	v9 =	vmul.f32 v62, v7;
	[tilespmem:s16+$0x70] =	vst v6  }
0x13f: {  	v5 =	vmul.f32 v5, v7;
	[tilespmem:s16+$0x0] =	vst v8  }
0x140: {  	s17 =	simm.s32 $0x181;
	v4 =	vmul.f32 v4, v7;
	[tilespmem:s16+$0x20] =	vst v9  }
0x141: {  	v6 =	vmul.f32 v11, v7;
	[tilespmem:s16+$0x30] =	vst v5;
	v8 =	vmov s17  }
0x142: {  	v2 =	vld [tilespmem:s16+$0x80];
	v5 =	vmul.f32 v63, v7;
	[tilespmem:s16+$0x50] =	vst v4  }
0x143: {  	v3 =	vld [tilespmem:s16+$0x90];
	v4 =	vmul.f32 v12, v7;
	[tilespmem:s16+$0x10] =	vst v6  }
0x144: {  	[tilespmem:s16+$0x60] =	vst v5;
	v6 =	vld [tilespmem:s16+$0xB0]  }
0x145: {  	[tilespmem:s16+$0x40] =	vst v4;
	v5 =	vld [tilespmem:s16+$0xF0]  }
0x146: {  	s18 =	simm.s32 $0x6400;
	s17 =	simm.s32 $0x0;
	v4 =	vld.idx.msk [tilespmem:v8+s25+$0x0], $0xffff  }
.LBB2_13:
0x147: {  	v7 =	vld [tilespmem:s16+$0xA0];
	s18 =	sadd.s32 $0x100, s18;
	s19 =	smov.u32 s17;
	s17 =	sadd.s32 $0x2, s17  }
0x148: {  	p0 =	slt.u32 s17, $0x7E;
	v8 =	vld [tilespmem:s16+$0xC0]  }
0x149: {  	v9 =	vld [tilespmem:s16+$0xD0]  }
0x14a: {  	v10 =	vld [tilespmem:s16+$0xE0];
	_ =	sdelay $0x1  }
0x14b: {  	v2 =	vmul.f32 v2, v4;
	v3 =	vmul.f32 v3, v4  }
0x14c: {  	s20 =	sadd.s32 $0x182, s19;
	v6 =	vmul.f32 v6, v4;
	v7 =	vmul.f32 v7, v4  }
0x14d: {  	v11 =	vmov s20;
	v8 =	vmul.f32 v8, v4;
	[tilespmem:s16+$0x80] =	vst v2;
	v9 =	vmul.f32 v9, v4  }
0x14e: {  	v11 =	vand.u32 $0xFFFFFFFE, v11;
	v2 =	vld [tilespmem:s18+$0x80];
	[tilespmem:s16+$0xB0] =	vst v6;
	v6 =	vmul.f32 v10, v4;
	v4 =	vmul.f32 v5, v4  }
0x14f: {  	v5 =	vbroadcast v11, $0x0;
	[tilespmem:s16+$0x90] =	vst v3  }
0x150: {  	[tilespmem:s16+$0xF0] =	vst v4  }
0x151: {  	v4 =	vld [tilespmem:s18+$0x50];
	[tilespmem:s16+$0xA0] =	vst v7  }
0x152: {  	v7 =	vld [tilespmem:s18+$0x30];
	[tilespmem:s16+$0xE0] =	vst v6  }
0x153: {  	v6 =	vld [tilespmem:s18+$0x60];
	[tilespmem:s16+$0xC0] =	vst v8  }
0x154: {  	v8 =	vld [tilespmem:s18+$0x70];
	[tilespmem:s16+$0xD0] =	vst v9;
	s16 =	smov.u32 s18  }
0x155: {  	v5 =	vld.idx.msk [tilespmem:v5+s25+$0x0], $0xffff  }
0x156: {  	v9 =	vld [tilespmem:s18+$0x0]  }
0x157: {  	v10 =	vld [tilespmem:s18+$0x20]  }
0x158: {  	v11 =	vld [tilespmem:s18+$0x10]  }
0x159: {  	v12 =	vld [tilespmem:s18+$0x40]  }
0x15a: {  	v3 =	vld [tilespmem:s18+$0x90]  }
0x15b: {  	v8 =	vmul.f32 v8, v5;
	v9 =	vmul.f32 v9, v5  }
0x15c: {  	v6 =	vmul.f32 v6, v5;
	v10 =	vmul.f32 v10, v5  }
0x15d: {  	v7 =	vmul.f32 v7, v5;
	v11 =	vmul.f32 v11, v5;
	[tilespmem:s18+$0x70] =	vst v8  }
0x15e: {  	v4 =	vmul.f32 v4, v5;
	[tilespmem:s18+$0x0] =	vst v9;
	v8 =	vmul.f32 v12, v5  }
0x15f: {  	s19 =	sadd.s32 $0x183, s19;
	[tilespmem:s18+$0x20] =	vst v10  }
0x160: {  	[tilespmem:s18+$0x30] =	vst v7;
	v7 =	vmov s19  }
.Ltmp5:
0x161: {  	[tilespmem:s18+$0x50] =	vst v4;
	(pc) =	sbr.rel @p0 .LBB2_13-.Ltmp5, $4  }
0x162: {  	[tilespmem:s18+$0x10] =	vst v11  }
0x163: {  	[tilespmem:s18+$0x60] =	vst v6;
	v6 =	vld [tilespmem:s18+$0xB0]  }
0x164: {  	[tilespmem:s18+$0x40] =	vst v8;
	v5 =	vld [tilespmem:s18+$0xF0]  }
0x165: {  	v4 =	vld.idx.msk [tilespmem:v7+s25+$0x0], $0xffff  }
0x166: {  	_ =	sdelay $0x2  }
0x167: {  	v7 =	vld [tilespmem:s16+$0xA0]  }
0x168: {  	v8 =	vld [tilespmem:s16+$0xE0];
	v2 =	vmul.f32 v2, v4  }
0x169: {  	v9 =	vld [tilespmem:s16+$0xC0];
	v6 =	vmul.f32 v6, v4  }
0x16a: {  	v10 =	vld [tilespmem:s16+$0xD0];
	v3 =	vmul.f32 v3, v4;
	[tilespmem:s16+$0x80] =	vst v2  }
0x16b: {  	[tilespmem:s16+$0xB0] =	vst v6;
	v2 =	vmul.f32 v5, v4  }
0x16c: {  	v5 =	vmul.f32 v7, v4;
	[tilespmem:s16+$0x90] =	vst v3  }
0x16d: {  	v3 =	vmul.f32 v8, v4;
	[tilespmem:s16+$0xF0] =	vst v2  }
0x16e: {  	v2 =	vmul.f32 v9, v4;
	[tilespmem:s16+$0xA0] =	vst v5  }
0x16f: {  	v4 =	vmul.f32 v10, v4;
	[tilespmem:s16+$0xE0] =	vst v3  }
0x170: {  	[tilespmem:s16+$0xC0] =	vst v2  }
0x171: {  	s19 =	simm.s32 $0x1D80;
	s20 =	simm.s32 $0x200;
	[tilespmem:s16+$0xD0] =	vst v4  }
0x172: {  	[spmem:s2] =	stream.indirect.scatter.add.f32 [tilespmem:s31], [sflag:$0x3], $0x80, s19, s26, $0xb8;
	[tilespmem:$0x1E000] =	vst v63  }
0x173: {  	v2 =	vmov s20;
	_ =	swait.ge [sflag:s22], $0x4000  }
0x174: {  	v2 =	vand.u32 $0xFFFFFFFE, v2;
	[sflag:s22] =	ssyncset.done $0x0  }
0x175: {  	v3 =	vbroadcast v2, $0x0;
	[sflag:s22] =	ssyncadd.s32 $0xFFFFC000  }
0x176: {  	_ =	swait.ge [sflag:s29], $0x4000  }
0x177: {  	[sflag:s29] =	ssyncset.done $0x0  }
0x178: {  	s16 =	simm.s32 $0x2480;
	[sflag:s29] =	ssyncadd.s32 $0xFFFFC000  }
0x179: {  	[tilespmem:s31], [sflag:$0x2] =	stream.indirect.gather [hbm4b:s5+s26], $0x80, s9, s26, $0xb8;
	[tilespmem:$0x1E000] =	vst v63  }
0x17a: {  	v6 =	vld [tilespmem:s16+$0xFFFFFFF0]  }
0x17b: {  	v7 =	vld.idx.msk [tilespmem:v3+s25+$0x0], $0xffff  }
0x17c: {  	v8 =	vld [tilespmem:s16+$0xFFFFFF80]  }
0x17d: {  	v62 =	vld [tilespmem:s16+$0xFFFFFFA0]  }
0x17e: {  	v5 =	vld [tilespmem:s16+$0xFFFFFFB0]  }
0x17f: {  	v4 =	vld [tilespmem:s16+$0xFFFFFFD0]  }
0x180: {  	v11 =	vld [tilespmem:s16+$0xFFFFFF90];
	v6 =	vmul.f32 v6, v7  }
0x181: {  	v63 =	vld [tilespmem:s16+$0xFFFFFFE0];
	v8 =	vmul.f32 v8, v7  }
0x182: {  	v12 =	vld [tilespmem:s16+$0xFFFFFFC0];
	v9 =	vmul.f32 v62, v7;
	[tilespmem:s16+$0xFFFFFFF0] =	vst v6  }
0x183: {  	v5 =	vmul.f32 v5, v7;
	[tilespmem:s16+$0xFFFFFF80] =	vst v8  }
0x184: {  	s17 =	simm.s32 $0x201;
	v4 =	vmul.f32 v4, v7;
	[tilespmem:s16+$0xFFFFFFA0] =	vst v9  }
0x185: {  	v6 =	vmul.f32 v11, v7;
	[tilespmem:s16+$0xFFFFFFB0] =	vst v5;
	v8 =	vmov s17  }
0x186: {  	v2 =	vld [tilespmem:s16+$0x0];
	v5 =	vmul.f32 v63, v7;
	[tilespmem:s16+$0xFFFFFFD0] =	vst v4  }
0x187: {  	v3 =	vld [tilespmem:s16+$0x10];
	v4 =	vmul.f32 v12, v7;
	[tilespmem:s16+$0xFFFFFF90] =	vst v6  }
0x188: {  	[tilespmem:s16+$0xFFFFFFE0] =	vst v5;
	v6 =	vld [tilespmem:s16+$0x30]  }
0x189: {  	[tilespmem:s16+$0xFFFFFFC0] =	vst v4;
	v5 =	vld [tilespmem:s16+$0x70]  }
0x18a: {  	s18 =	simm.s32 $0x2480;
	s17 =	simm.s32 $0x0;
	v4 =	vld.idx.msk [tilespmem:v8+s25+$0x0], $0xffff  }
.LBB2_15:
0x18b: {  	v7 =	vld [tilespmem:s16+$0x20];
	s18 =	sadd.s32 $0x100, s18;
	s19 =	smov.u32 s17;
	s17 =	sadd.s32 $0x2, s17  }
0x18c: {  	p0 =	slt.u32 s17, $0x7E;
	v8 =	vld [tilespmem:s16+$0x40]  }
0x18d: {  	v9 =	vld [tilespmem:s16+$0x50]  }
0x18e: {  	v10 =	vld [tilespmem:s16+$0x60];
	_ =	sdelay $0x1  }
0x18f: {  	v2 =	vmul.f32 v2, v4;
	v3 =	vmul.f32 v3, v4  }
0x190: {  	s20 =	sadd.s32 $0x202, s19;
	v6 =	vmul.f32 v6, v4;
	v7 =	vmul.f32 v7, v4  }
0x191: {  	v11 =	vmov s20;
	v8 =	vmul.f32 v8, v4;
	[tilespmem:s16+$0x0] =	vst v2;
	v9 =	vmul.f32 v9, v4  }
0x192: {  	v11 =	vand.u32 $0xFFFFFFFE, v11;
	v2 =	vld [tilespmem:s18+$0x0];
	[tilespmem:s16+$0x30] =	vst v6;
	v6 =	vmul.f32 v10, v4;
	v4 =	vmul.f32 v5, v4  }
0x193: {  	v5 =	vbroadcast v11, $0x0;
	[tilespmem:s16+$0x10] =	vst v3  }
0x194: {  	[tilespmem:s16+$0x70] =	vst v4  }
0x195: {  	v4 =	vld [tilespmem:s18+$0xFFFFFFD0];
	[tilespmem:s16+$0x20] =	vst v7  }
0x196: {  	v7 =	vld [tilespmem:s18+$0xFFFFFFB0];
	[tilespmem:s16+$0x60] =	vst v6  }
0x197: {  	v6 =	vld [tilespmem:s18+$0xFFFFFFE0];
	[tilespmem:s16+$0x40] =	vst v8  }
0x198: {  	v8 =	vld [tilespmem:s18+$0xFFFFFFF0];
	[tilespmem:s16+$0x50] =	vst v9;
	s16 =	smov.u32 s18  }
0x199: {  	v5 =	vld.idx.msk [tilespmem:v5+s25+$0x0], $0xffff  }
0x19a: {  	v9 =	vld [tilespmem:s18+$0xFFFFFF80]  }
0x19b: {  	v10 =	vld [tilespmem:s18+$0xFFFFFFA0]  }
0x19c: {  	v11 =	vld [tilespmem:s18+$0xFFFFFF90]  }
0x19d: {  	v12 =	vld [tilespmem:s18+$0xFFFFFFC0]  }
0x19e: {  	v3 =	vld [tilespmem:s18+$0x10]  }
0x19f: {  	v8 =	vmul.f32 v8, v5;
	v9 =	vmul.f32 v9, v5  }
0x1a0: {  	v6 =	vmul.f32 v6, v5;
	v10 =	vmul.f32 v10, v5  }
0x1a1: {  	v7 =	vmul.f32 v7, v5;
	v11 =	vmul.f32 v11, v5;
	[tilespmem:s18+$0xFFFFFFF0] =	vst v8  }
0x1a2: {  	v4 =	vmul.f32 v4, v5;
	[tilespmem:s18+$0xFFFFFF80] =	vst v9;
	v8 =	vmul.f32 v12, v5  }
0x1a3: {  	s19 =	sadd.s32 $0x203, s19;
	[tilespmem:s18+$0xFFFFFFA0] =	vst v10  }
0x1a4: {  	[tilespmem:s18+$0xFFFFFFB0] =	vst v7;
	v7 =	vmov s19  }
.Ltmp6:
0x1a5: {  	[tilespmem:s18+$0xFFFFFFD0] =	vst v4;
	(pc) =	sbr.rel @p0 .LBB2_15-.Ltmp6, $4  }
0x1a6: {  	[tilespmem:s18+$0xFFFFFF90] =	vst v11  }
0x1a7: {  	[tilespmem:s18+$0xFFFFFFE0] =	vst v6;
	v6 =	vld [tilespmem:s18+$0x30]  }
0x1a8: {  	[tilespmem:s18+$0xFFFFFFC0] =	vst v8;
	v5 =	vld [tilespmem:s18+$0x70]  }
0x1a9: {  	v4 =	vld.idx.msk [tilespmem:v7+s25+$0x0], $0xffff  }
0x1aa: {  	_ =	sdelay $0x2  }
0x1ab: {  	v7 =	vld [tilespmem:s16+$0x20]  }
0x1ac: {  	v8 =	vld [tilespmem:s16+$0x60];
	v2 =	vmul.f32 v2, v4  }
0x1ad: {  	v9 =	vld [tilespmem:s16+$0x40];
	v6 =	vmul.f32 v6, v4  }
0x1ae: {  	v10 =	vld [tilespmem:s16+$0x50];
	v3 =	vmul.f32 v3, v4;
	[tilespmem:s16+$0x0] =	vst v2  }
0x1af: {  	[tilespmem:s16+$0x30] =	vst v6;
	v2 =	vmul.f32 v5, v4  }
0x1b0: {  	v5 =	vmul.f32 v7, v4;
	[tilespmem:s16+$0x10] =	vst v3  }
0x1b1: {  	v3 =	vmul.f32 v8, v4;
	[tilespmem:s16+$0x70] =	vst v2  }
0x1b2: {  	v2 =	vmul.f32 v9, v4;
	[tilespmem:s16+$0x20] =	vst v5  }
0x1b3: {  	v4 =	vmul.f32 v10, v4;
	[tilespmem:s16+$0x60] =	vst v3  }
0x1b4: {  	[tilespmem:s16+$0x40] =	vst v2  }
0x1b5: {  	s20 =	simm.s32 $0x280;
	[tilespmem:s16+$0x50] =	vst v4  }
0x1b6: {  	[spmem:s2] =	stream.indirect.scatter.add.f32 [tilespmem:s21], [sflag:$0x3], $0x80, s10, s26, $0xb8;
	[tilespmem:$0x1E000] =	vst v63  }
0x1b7: {  	v2 =	vmov s20;
	_ =	swait.ge [sflag:s22], $0x4000  }
0x1b8: {  	v2 =	vand.u32 $0xFFFFFFFE, v2;
	[sflag:s22] =	ssyncset.done $0x0  }
0x1b9: {  	v3 =	vbroadcast v2, $0x0;
	[sflag:s22] =	ssyncadd.s32 $0xFFFFC000  }
0x1ba: {  	_ =	swait.ge [sflag:s3], $0x4000  }
0x1bb: {  	[sflag:s3] =	ssyncset.done $0x0  }
0x1bc: {  	s16 =	simm.s32 $0x6400;
	[sflag:s3] =	ssyncadd.s32 $0xFFFFC000  }
0x1bd: {  	[tilespmem:s21], [sflag:$0x1] =	stream.indirect.gather [hbm4b:s5+s26], $0x80, s11, s26, $0xb8;
	[tilespmem:$0x1E000] =	vst v63  }
0x1be: {  	v6 =	vld [tilespmem:s16+$0x70]  }
0x1bf: {  	v7 =	vld.idx.msk [tilespmem:v3+s25+$0x0], $0xffff  }
0x1c0: {  	v8 =	vld [tilespmem:s16+$0x0]  }
0x1c1: {  	v62 =	vld [tilespmem:s16+$0x20]  }
0x1c2: {  	v5 =	vld [tilespmem:s16+$0x30]  }
0x1c3: {  	v4 =	vld [tilespmem:s16+$0x50]  }
0x1c4: {  	v11 =	vld [tilespmem:s16+$0x10];
	v6 =	vmul.f32 v6, v7  }
0x1c5: {  	v63 =	vld [tilespmem:s16+$0x60];
	v8 =	vmul.f32 v8, v7  }
0x1c6: {  	v12 =	vld [tilespmem:s16+$0x40];
	v9 =	vmul.f32 v62, v7;
	[tilespmem:s16+$0x70] =	vst v6  }
0x1c7: {  	v5 =	vmul.f32 v5, v7;
	[tilespmem:s16+$0x0] =	vst v8  }
0x1c8: {  	s17 =	simm.s32 $0x281;
	v4 =	vmul.f32 v4, v7;
	[tilespmem:s16+$0x20] =	vst v9  }
0x1c9: {  	v6 =	vmul.f32 v11, v7;
	[tilespmem:s16+$0x30] =	vst v5;
	v8 =	vmov s17  }
0x1ca: {  	v2 =	vld [tilespmem:s16+$0x80];
	v5 =	vmul.f32 v63, v7;
	[tilespmem:s16+$0x50] =	vst v4  }
0x1cb: {  	v3 =	vld [tilespmem:s16+$0x90];
	v4 =	vmul.f32 v12, v7;
	[tilespmem:s16+$0x10] =	vst v6  }
0x1cc: {  	[tilespmem:s16+$0x60] =	vst v5;
	v6 =	vld [tilespmem:s16+$0xB0]  }
0x1cd: {  	[tilespmem:s16+$0x40] =	vst v4;
	v5 =	vld [tilespmem:s16+$0xF0]  }
0x1ce: {  	s18 =	simm.s32 $0x6400;
	s17 =	simm.s32 $0x0;
	v4 =	vld.idx.msk [tilespmem:v8+s25+$0x0], $0xffff  }
.LBB2_17:
0x1cf: {  	v7 =	vld [tilespmem:s16+$0xA0];
	s18 =	sadd.s32 $0x100, s18;
	s19 =	smov.u32 s17;
	s17 =	sadd.s32 $0x2, s17  }
0x1d0: {  	p0 =	slt.u32 s17, $0x7E;
	v8 =	vld [tilespmem:s16+$0xC0]  }
0x1d1: {  	v9 =	vld [tilespmem:s16+$0xD0]  }
0x1d2: {  	v10 =	vld [tilespmem:s16+$0xE0];
	_ =	sdelay $0x1  }
0x1d3: {  	v2 =	vmul.f32 v2, v4;
	v3 =	vmul.f32 v3, v4  }
0x1d4: {  	s20 =	sadd.s32 $0x282, s19;
	v6 =	vmul.f32 v6, v4;
	v7 =	vmul.f32 v7, v4  }
0x1d5: {  	v11 =	vmov s20;
	v8 =	vmul.f32 v8, v4;
	[tilespmem:s16+$0x80] =	vst v2;
	v9 =	vmul.f32 v9, v4  }
0x1d6: {  	v11 =	vand.u32 $0xFFFFFFFE, v11;
	v2 =	vld [tilespmem:s18+$0x80];
	[tilespmem:s16+$0xB0] =	vst v6;
	v6 =	vmul.f32 v10, v4;
	v4 =	vmul.f32 v5, v4  }
0x1d7: {  	v5 =	vbroadcast v11, $0x0;
	[tilespmem:s16+$0x90] =	vst v3  }
0x1d8: {  	[tilespmem:s16+$0xF0] =	vst v4  }
0x1d9: {  	v4 =	vld [tilespmem:s18+$0x50];
	[tilespmem:s16+$0xA0] =	vst v7  }
0x1da: {  	v7 =	vld [tilespmem:s18+$0x30];
	[tilespmem:s16+$0xE0] =	vst v6  }
0x1db: {  	v6 =	vld [tilespmem:s18+$0x60];
	[tilespmem:s16+$0xC0] =	vst v8  }
0x1dc: {  	v8 =	vld [tilespmem:s18+$0x70];
	[tilespmem:s16+$0xD0] =	vst v9;
	s16 =	smov.u32 s18  }
0x1dd: {  	v5 =	vld.idx.msk [tilespmem:v5+s25+$0x0], $0xffff  }
0x1de: {  	v9 =	vld [tilespmem:s18+$0x0]  }
0x1df: {  	v10 =	vld [tilespmem:s18+$0x20]  }
0x1e0: {  	v11 =	vld [tilespmem:s18+$0x10]  }
0x1e1: {  	v12 =	vld [tilespmem:s18+$0x40]  }
0x1e2: {  	v3 =	vld [tilespmem:s18+$0x90]  }
0x1e3: {  	v8 =	vmul.f32 v8, v5;
	v9 =	vmul.f32 v9, v5  }
0x1e4: {  	v6 =	vmul.f32 v6, v5;
	v10 =	vmul.f32 v10, v5  }
0x1e5: {  	v7 =	vmul.f32 v7, v5;
	v11 =	vmul.f32 v11, v5;
	[tilespmem:s18+$0x70] =	vst v8  }
0x1e6: {  	v4 =	vmul.f32 v4, v5;
	[tilespmem:s18+$0x0] =	vst v9;
	v8 =	vmul.f32 v12, v5  }
0x1e7: {  	s19 =	sadd.s32 $0x283, s19;
	[tilespmem:s18+$0x20] =	vst v10  }
0x1e8: {  	[tilespmem:s18+$0x30] =	vst v7;
	v7 =	vmov s19  }
.Ltmp7:
0x1e9: {  	[tilespmem:s18+$0x50] =	vst v4;
	(pc) =	sbr.rel @p0 .LBB2_17-.Ltmp7, $4  }
0x1ea: {  	[tilespmem:s18+$0x10] =	vst v11  }
0x1eb: {  	[tilespmem:s18+$0x60] =	vst v6;
	v6 =	vld [tilespmem:s18+$0xB0]  }
0x1ec: {  	[tilespmem:s18+$0x40] =	vst v8;
	v5 =	vld [tilespmem:s18+$0xF0]  }
0x1ed: {  	v4 =	vld.idx.msk [tilespmem:v7+s25+$0x0], $0xffff  }
0x1ee: {  	_ =	sdelay $0x2  }
0x1ef: {  	v7 =	vld [tilespmem:s16+$0xA0]  }
0x1f0: {  	v8 =	vld [tilespmem:s16+$0xE0];
	v2 =	vmul.f32 v2, v4  }
0x1f1: {  	v9 =	vld [tilespmem:s16+$0xC0];
	v6 =	vmul.f32 v6, v4  }
0x1f2: {  	v10 =	vld [tilespmem:s16+$0xD0];
	v3 =	vmul.f32 v3, v4;
	[tilespmem:s16+$0x80] =	vst v2  }
0x1f3: {  	[tilespmem:s16+$0xB0] =	vst v6;
	v2 =	vmul.f32 v5, v4  }
0x1f4: {  	v5 =	vmul.f32 v7, v4;
	[tilespmem:s16+$0x90] =	vst v3  }
0x1f5: {  	v3 =	vmul.f32 v8, v4;
	[tilespmem:s16+$0xF0] =	vst v2  }
0x1f6: {  	v2 =	vmul.f32 v9, v4;
	[tilespmem:s16+$0xA0] =	vst v5  }
0x1f7: {  	v4 =	vmul.f32 v10, v4;
	[tilespmem:s16+$0xE0] =	vst v3  }
0x1f8: {  	[tilespmem:s16+$0xC0] =	vst v2  }
0x1f9: {  	s20 =	simm.s32 $0x300;
	[tilespmem:s16+$0xD0] =	vst v4  }
0x1fa: {  	[spmem:s2] =	stream.indirect.scatter.add.f32 [tilespmem:s31], [sflag:$0x3], $0x80, s12, s26, $0xb8;
	[tilespmem:$0x1E000] =	vst v63  }
0x1fb: {  	v2 =	vmov s20;
	_ =	swait.ge [sflag:s22], $0x4000  }
0x1fc: {  	v2 =	vand.u32 $0xFFFFFFFE, v2;
	[sflag:s22] =	ssyncset.done $0x0  }
0x1fd: {  	v3 =	vbroadcast v2, $0x0;
	[sflag:s22] =	ssyncadd.s32 $0xFFFFC000  }
0x1fe: {  	_ =	swait.ge [sflag:s29], $0x4000  }
0x1ff: {  	[sflag:s29] =	ssyncset.done $0x0  }
0x200: {  	s16 =	simm.s32 $0x2480;
	[sflag:s29] =	ssyncadd.s32 $0xFFFFC000  }
0x201: {  	[tilespmem:s31], [sflag:$0x2] =	stream.indirect.gather [hbm4b:s5+s26], $0x80, s13, s26, $0xb8;
	[tilespmem:$0x1E000] =	vst v63  }
0x202: {  	v6 =	vld [tilespmem:s16+$0xFFFFFFF0]  }
0x203: {  	v7 =	vld.idx.msk [tilespmem:v3+s25+$0x0], $0xffff  }
0x204: {  	v8 =	vld [tilespmem:s16+$0xFFFFFF80]  }
0x205: {  	v62 =	vld [tilespmem:s16+$0xFFFFFFA0]  }
0x206: {  	v5 =	vld [tilespmem:s16+$0xFFFFFFB0]  }
0x207: {  	v4 =	vld [tilespmem:s16+$0xFFFFFFD0]  }
0x208: {  	v11 =	vld [tilespmem:s16+$0xFFFFFF90];
	v6 =	vmul.f32 v6, v7  }
0x209: {  	v63 =	vld [tilespmem:s16+$0xFFFFFFE0];
	v8 =	vmul.f32 v8, v7  }
0x20a: {  	v12 =	vld [tilespmem:s16+$0xFFFFFFC0];
	v9 =	vmul.f32 v62, v7;
	[tilespmem:s16+$0xFFFFFFF0] =	vst v6  }
0x20b: {  	v5 =	vmul.f32 v5, v7;
	[tilespmem:s16+$0xFFFFFF80] =	vst v8  }
0x20c: {  	s17 =	simm.s32 $0x301;
	v4 =	vmul.f32 v4, v7;
	[tilespmem:s16+$0xFFFFFFA0] =	vst v9  }
0x20d: {  	v6 =	vmul.f32 v11, v7;
	[tilespmem:s16+$0xFFFFFFB0] =	vst v5;
	v8 =	vmov s17  }
0x20e: {  	v2 =	vld [tilespmem:s16+$0x0];
	v5 =	vmul.f32 v63, v7;
	[tilespmem:s16+$0xFFFFFFD0] =	vst v4  }
0x20f: {  	v3 =	vld [tilespmem:s16+$0x10];
	v4 =	vmul.f32 v12, v7;
	[tilespmem:s16+$0xFFFFFF90] =	vst v6  }
0x210: {  	[tilespmem:s16+$0xFFFFFFE0] =	vst v5;
	v6 =	vld [tilespmem:s16+$0x30]  }
0x211: {  	[tilespmem:s16+$0xFFFFFFC0] =	vst v4;
	v5 =	vld [tilespmem:s16+$0x70]  }
0x212: {  	s18 =	simm.s32 $0x2480;
	s17 =	simm.s32 $0x0;
	v4 =	vld.idx.msk [tilespmem:v8+s25+$0x0], $0xffff  }
.LBB2_19:
0x213: {  	v7 =	vld [tilespmem:s16+$0x20];
	s18 =	sadd.s32 $0x100, s18;
	s19 =	smov.u32 s17;
	s17 =	sadd.s32 $0x2, s17  }
0x214: {  	p0 =	slt.u32 s17, $0x7E;
	v8 =	vld [tilespmem:s16+$0x40]  }
0x215: {  	v9 =	vld [tilespmem:s16+$0x50]  }
0x216: {  	v10 =	vld [tilespmem:s16+$0x60];
	_ =	sdelay $0x1  }
0x217: {  	v2 =	vmul.f32 v2, v4;
	v3 =	vmul.f32 v3, v4  }
0x218: {  	s20 =	sadd.s32 $0x302, s19;
	v6 =	vmul.f32 v6, v4;
	v7 =	vmul.f32 v7, v4  }
0x219: {  	v11 =	vmov s20;
	v8 =	vmul.f32 v8, v4;
	[tilespmem:s16+$0x0] =	vst v2;
	v9 =	vmul.f32 v9, v4  }
0x21a: {  	v11 =	vand.u32 $0xFFFFFFFE, v11;
	v2 =	vld [tilespmem:s18+$0x0];
	[tilespmem:s16+$0x30] =	vst v6;
	v6 =	vmul.f32 v10, v4;
	v4 =	vmul.f32 v5, v4  }
0x21b: {  	v5 =	vbroadcast v11, $0x0;
	[tilespmem:s16+$0x10] =	vst v3  }
0x21c: {  	[tilespmem:s16+$0x70] =	vst v4  }
0x21d: {  	v4 =	vld [tilespmem:s18+$0xFFFFFFD0];
	[tilespmem:s16+$0x20] =	vst v7  }
0x21e: {  	v7 =	vld [tilespmem:s18+$0xFFFFFFB0];
	[tilespmem:s16+$0x60] =	vst v6  }
0x21f: {  	v6 =	vld [tilespmem:s18+$0xFFFFFFE0];
	[tilespmem:s16+$0x40] =	vst v8  }
0x220: {  	v8 =	vld [tilespmem:s18+$0xFFFFFFF0];
	[tilespmem:s16+$0x50] =	vst v9;
	s16 =	smov.u32 s18  }
0x221: {  	v5 =	vld.idx.msk [tilespmem:v5+s25+$0x0], $0xffff  }
0x222: {  	v9 =	vld [tilespmem:s18+$0xFFFFFF80]  }
0x223: {  	v10 =	vld [tilespmem:s18+$0xFFFFFFA0]  }
0x224: {  	v11 =	vld [tilespmem:s18+$0xFFFFFF90]  }
0x225: {  	v12 =	vld [tilespmem:s18+$0xFFFFFFC0]  }
0x226: {  	v3 =	vld [tilespmem:s18+$0x10]  }
0x227: {  	v8 =	vmul.f32 v8, v5;
	v9 =	vmul.f32 v9, v5  }
0x228: {  	v6 =	vmul.f32 v6, v5;
	v10 =	vmul.f32 v10, v5  }
0x229: {  	v7 =	vmul.f32 v7, v5;
	v11 =	vmul.f32 v11, v5;
	[tilespmem:s18+$0xFFFFFFF0] =	vst v8  }
0x22a: {  	v4 =	vmul.f32 v4, v5;
	[tilespmem:s18+$0xFFFFFF80] =	vst v9;
	v8 =	vmul.f32 v12, v5  }
0x22b: {  	s19 =	sadd.s32 $0x303, s19;
	[tilespmem:s18+$0xFFFFFFA0] =	vst v10  }
0x22c: {  	[tilespmem:s18+$0xFFFFFFB0] =	vst v7;
	v7 =	vmov s19  }
.Ltmp8:
0x22d: {  	[tilespmem:s18+$0xFFFFFFD0] =	vst v4;
	(pc) =	sbr.rel @p0 .LBB2_19-.Ltmp8, $4  }
0x22e: {  	[tilespmem:s18+$0xFFFFFF90] =	vst v11  }
0x22f: {  	[tilespmem:s18+$0xFFFFFFE0] =	vst v6;
	v6 =	vld [tilespmem:s18+$0x30]  }
0x230: {  	[tilespmem:s18+$0xFFFFFFC0] =	vst v8;
	v5 =	vld [tilespmem:s18+$0x70]  }
0x231: {  	v4 =	vld.idx.msk [tilespmem:v7+s25+$0x0], $0xffff  }
0x232: {  	_ =	sdelay $0x2  }
0x233: {  	v7 =	vld [tilespmem:s16+$0x20]  }
0x234: {  	v8 =	vld [tilespmem:s16+$0x60];
	v2 =	vmul.f32 v2, v4  }
0x235: {  	v9 =	vld [tilespmem:s16+$0x40];
	v6 =	vmul.f32 v6, v4  }
0x236: {  	v10 =	vld [tilespmem:s16+$0x50];
	v3 =	vmul.f32 v3, v4;
	[tilespmem:s16+$0x0] =	vst v2  }
0x237: {  	[tilespmem:s16+$0x30] =	vst v6;
	v2 =	vmul.f32 v5, v4  }
0x238: {  	v5 =	vmul.f32 v7, v4;
	[tilespmem:s16+$0x10] =	vst v3  }
0x239: {  	v3 =	vmul.f32 v8, v4;
	[tilespmem:s16+$0x70] =	vst v2  }
0x23a: {  	v2 =	vmul.f32 v9, v4;
	[tilespmem:s16+$0x20] =	vst v5  }
0x23b: {  	v4 =	vmul.f32 v10, v4;
	[tilespmem:s16+$0x60] =	vst v3  }
0x23c: {  	[tilespmem:s16+$0x40] =	vst v2  }
0x23d: {  	s20 =	simm.s32 $0x380;
	[tilespmem:s16+$0x50] =	vst v4  }
0x23e: {  	[spmem:s2] =	stream.indirect.scatter.add.f32 [tilespmem:s21], [sflag:$0x3], $0x80, s4, s26, $0xb8;
	[tilespmem:$0x1E000] =	vst v63  }
0x23f: {  	v2 =	vmov s20;
	_ =	swait.ge [sflag:s22], $0x4000  }
0x240: {  	v2 =	vand.u32 $0xFFFFFFFE, v2;
	[sflag:s22] =	ssyncset.done $0x0  }
0x241: {  	v3 =	vbroadcast v2, $0x0;
	[sflag:s22] =	ssyncadd.s32 $0xFFFFC000  }
0x242: {  	_ =	swait.ge [sflag:s3], $0x4000  }
0x243: {  	[sflag:s3] =	ssyncset.done $0x0  }
0x244: {  	s16 =	simm.s32 $0x6400;
	[sflag:s3] =	ssyncadd.s32 $0xFFFFC000  }
0x245: {  	[tilespmem:s21], [sflag:$0x1] =	stream.indirect.gather [hbm4b:s5+s26], $0x80, s1, s26, $0xb8;
	[tilespmem:$0x1E000] =	vst v63  }
0x246: {  	v6 =	vld [tilespmem:s16+$0x70]  }
0x247: {  	v7 =	vld.idx.msk [tilespmem:v3+s25+$0x0], $0xffff  }
0x248: {  	v8 =	vld [tilespmem:s16+$0x0]  }
0x249: {  	v62 =	vld [tilespmem:s16+$0x20]  }
0x24a: {  	v5 =	vld [tilespmem:s16+$0x30]  }
0x24b: {  	v4 =	vld [tilespmem:s16+$0x50]  }
0x24c: {  	v11 =	vld [tilespmem:s16+$0x10];
	v6 =	vmul.f32 v6, v7  }
0x24d: {  	v63 =	vld [tilespmem:s16+$0x60];
	v8 =	vmul.f32 v8, v7  }
0x24e: {  	v12 =	vld [tilespmem:s16+$0x40];
	v9 =	vmul.f32 v62, v7;
	[tilespmem:s16+$0x70] =	vst v6  }
0x24f: {  	v5 =	vmul.f32 v5, v7;
	[tilespmem:s16+$0x0] =	vst v8  }
0x250: {  	s17 =	simm.s32 $0x381;
	v4 =	vmul.f32 v4, v7;
	[tilespmem:s16+$0x20] =	vst v9  }
0x251: {  	v6 =	vmul.f32 v11, v7;
	[tilespmem:s16+$0x30] =	vst v5;
	v8 =	vmov s17  }
0x252: {  	v2 =	vld [tilespmem:s16+$0x80];
	v5 =	vmul.f32 v63, v7;
	[tilespmem:s16+$0x50] =	vst v4  }
0x253: {  	v3 =	vld [tilespmem:s16+$0x90];
	v4 =	vmul.f32 v12, v7;
	[tilespmem:s16+$0x10] =	vst v6  }
0x254: {  	[tilespmem:s16+$0x60] =	vst v5;
	v6 =	vld [tilespmem:s16+$0xB0]  }
0x255: {  	[tilespmem:s16+$0x40] =	vst v4;
	v5 =	vld [tilespmem:s16+$0xF0]  }
0x256: {  	s18 =	simm.s32 $0x6400;
	s17 =	simm.s32 $0x0;
	v4 =	vld.idx.msk [tilespmem:v8+s25+$0x0], $0xffff  }
.LBB2_21:
0x257: {  	v7 =	vld [tilespmem:s16+$0xA0];
	s18 =	sadd.s32 $0x100, s18;
	s19 =	smov.u32 s17;
	s17 =	sadd.s32 $0x2, s17  }
0x258: {  	p0 =	slt.u32 s17, $0x7E;
	v8 =	vld [tilespmem:s16+$0xC0]  }
0x259: {  	v9 =	vld [tilespmem:s16+$0xD0]  }
0x25a: {  	v10 =	vld [tilespmem:s16+$0xE0];
	_ =	sdelay $0x1  }
0x25b: {  	v2 =	vmul.f32 v2, v4;
	v3 =	vmul.f32 v3, v4  }
0x25c: {  	s20 =	sadd.s32 $0x382, s19;
	v6 =	vmul.f32 v6, v4;
	v7 =	vmul.f32 v7, v4  }
0x25d: {  	v11 =	vmov s20;
	v8 =	vmul.f32 v8, v4;
	[tilespmem:s16+$0x80] =	vst v2;
	v9 =	vmul.f32 v9, v4  }
0x25e: {  	v11 =	vand.u32 $0xFFFFFFFE, v11;
	v2 =	vld [tilespmem:s18+$0x80];
	[tilespmem:s16+$0xB0] =	vst v6;
	v6 =	vmul.f32 v10, v4;
	v4 =	vmul.f32 v5, v4  }
0x25f: {  	v5 =	vbroadcast v11, $0x0;
	[tilespmem:s16+$0x90] =	vst v3  }
0x260: {  	[tilespmem:s16+$0xF0] =	vst v4  }
0x261: {  	v4 =	vld [tilespmem:s18+$0x50];
	[tilespmem:s16+$0xA0] =	vst v7  }
0x262: {  	v7 =	vld [tilespmem:s18+$0x30];
	[tilespmem:s16+$0xE0] =	vst v6  }
0x263: {  	v6 =	vld [tilespmem:s18+$0x60];
	[tilespmem:s16+$0xC0] =	vst v8  }
0x264: {  	v8 =	vld [tilespmem:s18+$0x70];
	[tilespmem:s16+$0xD0] =	vst v9;
	s16 =	smov.u32 s18  }
0x265: {  	v5 =	vld.idx.msk [tilespmem:v5+s25+$0x0], $0xffff  }
0x266: {  	v9 =	vld [tilespmem:s18+$0x0]  }
0x267: {  	v10 =	vld [tilespmem:s18+$0x20]  }
0x268: {  	v11 =	vld [tilespmem:s18+$0x10]  }
0x269: {  	v12 =	vld [tilespmem:s18+$0x40]  }
0x26a: {  	v3 =	vld [tilespmem:s18+$0x90]  }
0x26b: {  	v8 =	vmul.f32 v8, v5;
	v9 =	vmul.f32 v9, v5  }
0x26c: {  	v6 =	vmul.f32 v6, v5;
	v10 =	vmul.f32 v10, v5  }
0x26d: {  	v7 =	vmul.f32 v7, v5;
	v11 =	vmul.f32 v11, v5;
	[tilespmem:s18+$0x70] =	vst v8  }
0x26e: {  	v4 =	vmul.f32 v4, v5;
	[tilespmem:s18+$0x0] =	vst v9;
	v8 =	vmul.f32 v12, v5  }
0x26f: {  	s19 =	sadd.s32 $0x383, s19;
	[tilespmem:s18+$0x20] =	vst v10  }
0x270: {  	[tilespmem:s18+$0x30] =	vst v7;
	v7 =	vmov s19  }
.Ltmp9:
0x271: {  	[tilespmem:s18+$0x50] =	vst v4;
	(pc) =	sbr.rel @p0 .LBB2_21-.Ltmp9, $4  }
0x272: {  	[tilespmem:s18+$0x10] =	vst v11  }
0x273: {  	[tilespmem:s18+$0x60] =	vst v6;
	v6 =	vld [tilespmem:s18+$0xB0]  }
0x274: {  	[tilespmem:s18+$0x40] =	vst v8;
	v5 =	vld [tilespmem:s18+$0xF0]  }
0x275: {  	v4 =	vld.idx.msk [tilespmem:v7+s25+$0x0], $0xffff  }
0x276: {  	_ =	sdelay $0x2  }
0x277: {  	v7 =	vld [tilespmem:s16+$0xA0]  }
0x278: {  	v8 =	vld [tilespmem:s16+$0xE0];
	v2 =	vmul.f32 v2, v4  }
0x279: {  	v9 =	vld [tilespmem:s16+$0xC0];
	v6 =	vmul.f32 v6, v4  }
0x27a: {  	v10 =	vld [tilespmem:s16+$0xD0];
	v3 =	vmul.f32 v3, v4;
	[tilespmem:s16+$0x80] =	vst v2  }
0x27b: {  	[tilespmem:s16+$0xB0] =	vst v6;
	v2 =	vmul.f32 v5, v4  }
0x27c: {  	v5 =	vmul.f32 v7, v4;
	[tilespmem:s16+$0x90] =	vst v3  }
0x27d: {  	v3 =	vmul.f32 v8, v4;
	[tilespmem:s16+$0xF0] =	vst v2  }
0x27e: {  	v2 =	vmul.f32 v9, v4;
	[tilespmem:s16+$0xA0] =	vst v5  }
0x27f: {  	v4 =	vmul.f32 v10, v4;
	[tilespmem:s16+$0xE0] =	vst v3  }
0x280: {  	[tilespmem:s16+$0xC0] =	vst v2  }
0x281: {  	s20 =	simm.s32 $0x400;
	[tilespmem:s16+$0xD0] =	vst v4  }
0x282: {  	[spmem:s2] =	stream.indirect.scatter.add.f32 [tilespmem:s31], [sflag:$0x3], $0x80, s23, s26, $0xb8;
	[tilespmem:$0x1E000] =	vst v63  }
0x283: {  	v2 =	vmov s20;
	_ =	swait.ge [sflag:s22], $0x4000  }
0x284: {  	v2 =	vand.u32 $0xFFFFFFFE, v2;
	[sflag:s22] =	ssyncset.done $0x0  }
0x285: {  	v3 =	vbroadcast v2, $0x0;
	[sflag:s22] =	ssyncadd.s32 $0xFFFFC000  }
0x286: {  	_ =	swait.ge [sflag:s29], $0x4000  }
0x287: {  	[sflag:s29] =	ssyncset.done $0x0  }
0x288: {  	s16 =	simm.s32 $0x2480;
	[sflag:s29] =	ssyncadd.s32 $0xFFFFC000  }
0x289: {  	[tilespmem:s31], [sflag:$0x2] =	stream.indirect.gather [hbm4b:s5+s26], $0x80, s24, s26, $0xb8;
	[tilespmem:$0x1E000] =	vst v63  }
0x28a: {  	v6 =	vld [tilespmem:s16+$0xFFFFFFF0]  }
0x28b: {  	v7 =	vld.idx.msk [tilespmem:v3+s25+$0x0], $0xffff  }
0x28c: {  	v8 =	vld [tilespmem:s16+$0xFFFFFF80]  }
0x28d: {  	v62 =	vld [tilespmem:s16+$0xFFFFFFA0]  }
0x28e: {  	v5 =	vld [tilespmem:s16+$0xFFFFFFB0]  }
0x28f: {  	v4 =	vld [tilespmem:s16+$0xFFFFFFD0]  }
0x290: {  	v11 =	vld [tilespmem:s16+$0xFFFFFF90];
	v6 =	vmul.f32 v6, v7  }
0x291: {  	v63 =	vld [tilespmem:s16+$0xFFFFFFE0];
	v8 =	vmul.f32 v8, v7  }
0x292: {  	v12 =	vld [tilespmem:s16+$0xFFFFFFC0];
	v9 =	vmul.f32 v62, v7;
	[tilespmem:s16+$0xFFFFFFF0] =	vst v6  }
0x293: {  	v5 =	vmul.f32 v5, v7;
	[tilespmem:s16+$0xFFFFFF80] =	vst v8  }
0x294: {  	s17 =	simm.s32 $0x401;
	v4 =	vmul.f32 v4, v7;
	[tilespmem:s16+$0xFFFFFFA0] =	vst v9  }
0x295: {  	v6 =	vmul.f32 v11, v7;
	[tilespmem:s16+$0xFFFFFFB0] =	vst v5;
	v8 =	vmov s17  }
0x296: {  	v2 =	vld [tilespmem:s16+$0x0];
	v5 =	vmul.f32 v63, v7;
	[tilespmem:s16+$0xFFFFFFD0] =	vst v4  }
0x297: {  	v3 =	vld [tilespmem:s16+$0x10];
	v4 =	vmul.f32 v12, v7;
	[tilespmem:s16+$0xFFFFFF90] =	vst v6  }
0x298: {  	[tilespmem:s16+$0xFFFFFFE0] =	vst v5;
	v6 =	vld [tilespmem:s16+$0x30]  }
0x299: {  	[tilespmem:s16+$0xFFFFFFC0] =	vst v4;
	v5 =	vld [tilespmem:s16+$0x70]  }
0x29a: {  	s18 =	simm.s32 $0x2480;
	s17 =	simm.s32 $0x0;
	v4 =	vld.idx.msk [tilespmem:v8+s25+$0x0], $0xffff  }
.LBB2_23:
0x29b: {  	v7 =	vld [tilespmem:s16+$0x20];
	s18 =	sadd.s32 $0x100, s18;
	s19 =	smov.u32 s17;
	s17 =	sadd.s32 $0x2, s17  }
0x29c: {  	p0 =	slt.u32 s17, $0x7E;
	v8 =	vld [tilespmem:s16+$0x40]  }
0x29d: {  	v9 =	vld [tilespmem:s16+$0x50]  }
0x29e: {  	v10 =	vld [tilespmem:s16+$0x60];
	_ =	sdelay $0x1  }
0x29f: {  	v2 =	vmul.f32 v2, v4;
	v3 =	vmul.f32 v3, v4  }
0x2a0: {  	s20 =	sadd.s32 $0x402, s19;
	v6 =	vmul.f32 v6, v4;
	v7 =	vmul.f32 v7, v4  }
0x2a1: {  	v11 =	vmov s20;
	v8 =	vmul.f32 v8, v4;
	[tilespmem:s16+$0x0] =	vst v2;
	v9 =	vmul.f32 v9, v4  }
0x2a2: {  	v11 =	vand.u32 $0xFFFFFFFE, v11;
	v2 =	vld [tilespmem:s18+$0x0];
	[tilespmem:s16+$0x30] =	vst v6;
	v6 =	vmul.f32 v10, v4;
	v4 =	vmul.f32 v5, v4  }
0x2a3: {  	v5 =	vbroadcast v11, $0x0;
	[tilespmem:s16+$0x10] =	vst v3  }
0x2a4: {  	[tilespmem:s16+$0x70] =	vst v4  }
0x2a5: {  	v4 =	vld [tilespmem:s18+$0xFFFFFFD0];
	[tilespmem:s16+$0x20] =	vst v7  }
0x2a6: {  	v7 =	vld [tilespmem:s18+$0xFFFFFFB0];
	[tilespmem:s16+$0x60] =	vst v6  }
0x2a7: {  	v6 =	vld [tilespmem:s18+$0xFFFFFFE0];
	[tilespmem:s16+$0x40] =	vst v8  }
0x2a8: {  	v8 =	vld [tilespmem:s18+$0xFFFFFFF0];
	[tilespmem:s16+$0x50] =	vst v9;
	s16 =	smov.u32 s18  }
0x2a9: {  	v5 =	vld.idx.msk [tilespmem:v5+s25+$0x0], $0xffff  }
0x2aa: {  	v9 =	vld [tilespmem:s18+$0xFFFFFF80]  }
0x2ab: {  	v10 =	vld [tilespmem:s18+$0xFFFFFFA0]  }
0x2ac: {  	v11 =	vld [tilespmem:s18+$0xFFFFFF90]  }
0x2ad: {  	v12 =	vld [tilespmem:s18+$0xFFFFFFC0]  }
0x2ae: {  	v3 =	vld [tilespmem:s18+$0x10]  }
0x2af: {  	v8 =	vmul.f32 v8, v5;
	v9 =	vmul.f32 v9, v5  }
0x2b0: {  	v6 =	vmul.f32 v6, v5;
	v10 =	vmul.f32 v10, v5  }
0x2b1: {  	v7 =	vmul.f32 v7, v5;
	v11 =	vmul.f32 v11, v5;
	[tilespmem:s18+$0xFFFFFFF0] =	vst v8  }
0x2b2: {  	v4 =	vmul.f32 v4, v5;
	[tilespmem:s18+$0xFFFFFF80] =	vst v9;
	v8 =	vmul.f32 v12, v5  }
0x2b3: {  	s19 =	sadd.s32 $0x403, s19;
	[tilespmem:s18+$0xFFFFFFA0] =	vst v10  }
0x2b4: {  	[tilespmem:s18+$0xFFFFFFB0] =	vst v7;
	v7 =	vmov s19  }
.Ltmp10:
0x2b5: {  	[tilespmem:s18+$0xFFFFFFD0] =	vst v4;
	(pc) =	sbr.rel @p0 .LBB2_23-.Ltmp10, $4  }
0x2b6: {  	[tilespmem:s18+$0xFFFFFF90] =	vst v11  }
0x2b7: {  	[tilespmem:s18+$0xFFFFFFE0] =	vst v6;
	v6 =	vld [tilespmem:s18+$0x30]  }
0x2b8: {  	[tilespmem:s18+$0xFFFFFFC0] =	vst v8;
	v5 =	vld [tilespmem:s18+$0x70]  }
0x2b9: {  	v4 =	vld.idx.msk [tilespmem:v7+s25+$0x0], $0xffff  }
0x2ba: {  	_ =	sdelay $0x2  }
0x2bb: {  	v7 =	vld [tilespmem:s16+$0x20]  }
0x2bc: {  	v8 =	vld [tilespmem:s16+$0x60];
	v2 =	vmul.f32 v2, v4  }
0x2bd: {  	v9 =	vld [tilespmem:s16+$0x40];
	v6 =	vmul.f32 v6, v4  }
0x2be: {  	v10 =	vld [tilespmem:s16+$0x50];
	v3 =	vmul.f32 v3, v4;
	[tilespmem:s16+$0x0] =	vst v2  }
0x2bf: {  	[tilespmem:s16+$0x30] =	vst v6;
	v2 =	vmul.f32 v5, v4  }
0x2c0: {  	v5 =	vmul.f32 v7, v4;
	[tilespmem:s16+$0x10] =	vst v3  }
0x2c1: {  	v3 =	vmul.f32 v8, v4;
	[tilespmem:s16+$0x70] =	vst v2  }
0x2c2: {  	v2 =	vmul.f32 v9, v4;
	[tilespmem:s16+$0x20] =	vst v5  }
0x2c3: {  	v4 =	vmul.f32 v10, v4;
	[tilespmem:s16+$0x60] =	vst v3  }
0x2c4: {  	[tilespmem:s16+$0x40] =	vst v2  }
0x2c5: {  	s20 =	simm.s32 $0x480;
	[tilespmem:s16+$0x50] =	vst v4  }
0x2c6: {  	v2 =	vmov s20;
	[spmem:s2] =	stream.indirect.scatter.add.f32 [tilespmem:s21], [sflag:$0x3], $0x80, s28, s26, $0xb8;
	[tilespmem:$0x1E000] =	vst v63  }
0x2c7: {  	v2 =	vand.u32 $0xFFFFFFFE, v2;
	_ =	swait.ge [sflag:s22], $0x4000  }
0x2c8: {  	v3 =	vbroadcast v2, $0x0;
	[sflag:s22] =	ssyncset.done $0x0  }
0x2c9: {  	[sflag:s22] =	ssyncadd.s32 $0xFFFFC000  }
0x2ca: {  	_ =	swait.ge [sflag:s3], $0x4000  }
0x2cb: {  	[sflag:s3] =	ssyncset.done $0x0  }
0x2cc: {  	s16 =	simm.s32 $0x6400;
	[sflag:s3] =	ssyncadd.s32 $0xFFFFC000  }
0x2cd: {  	v6 =	vld [tilespmem:s16+$0x70]  }
0x2ce: {  	v7 =	vld.idx.msk [tilespmem:v3+s25+$0x0], $0xffff  }
0x2cf: {  	v8 =	vld [tilespmem:s16+$0x0]  }
0x2d0: {  	v62 =	vld [tilespmem:s16+$0x20]  }
0x2d1: {  	v5 =	vld [tilespmem:s16+$0x30]  }
0x2d2: {  	v4 =	vld [tilespmem:s16+$0x50]  }
0x2d3: {  	v11 =	vld [tilespmem:s16+$0x10];
	v6 =	vmul.f32 v6, v7  }
0x2d4: {  	v63 =	vld [tilespmem:s16+$0x60];
	v8 =	vmul.f32 v8, v7  }
0x2d5: {  	v12 =	vld [tilespmem:s16+$0x40];
	v9 =	vmul.f32 v62, v7;
	[tilespmem:s16+$0x70] =	vst v6  }
0x2d6: {  	v5 =	vmul.f32 v5, v7;
	[tilespmem:s16+$0x0] =	vst v8  }
0x2d7: {  	s17 =	simm.s32 $0x481;
	v4 =	vmul.f32 v4, v7;
	[tilespmem:s16+$0x20] =	vst v9  }
0x2d8: {  	v6 =	vmul.f32 v11, v7;
	[tilespmem:s16+$0x30] =	vst v5;
	v8 =	vmov s17  }
0x2d9: {  	v2 =	vld [tilespmem:s16+$0x80];
	v5 =	vmul.f32 v63, v7;
	[tilespmem:s16+$0x50] =	vst v4  }
0x2da: {  	v3 =	vld [tilespmem:s16+$0x90];
	v4 =	vmul.f32 v12, v7;
	[tilespmem:s16+$0x10] =	vst v6  }
0x2db: {  	[tilespmem:s16+$0x60] =	vst v5;
	v6 =	vld [tilespmem:s16+$0xB0]  }
0x2dc: {  	[tilespmem:s16+$0x40] =	vst v4;
	v5 =	vld [tilespmem:s16+$0xF0]  }
0x2dd: {  	s18 =	simm.s32 $0x6400;
	s17 =	simm.s32 $0x0;
	v4 =	vld.idx.msk [tilespmem:v8+s25+$0x0], $0xffff  }
.LBB2_25:
0x2de: {  	v7 =	vld [tilespmem:s16+$0xA0];
	s18 =	sadd.s32 $0x100, s18;
	s19 =	smov.u32 s17;
	s17 =	sadd.s32 $0x2, s17  }
0x2df: {  	p0 =	slt.u32 s17, $0x7E;
	v8 =	vld [tilespmem:s16+$0xC0]  }
0x2e0: {  	v9 =	vld [tilespmem:s16+$0xD0]  }
0x2e1: {  	v10 =	vld [tilespmem:s16+$0xE0];
	_ =	sdelay $0x1  }
0x2e2: {  	v2 =	vmul.f32 v2, v4;
	v3 =	vmul.f32 v3, v4  }
0x2e3: {  	s20 =	sadd.s32 $0x482, s19;
	v6 =	vmul.f32 v6, v4;
	v7 =	vmul.f32 v7, v4  }
0x2e4: {  	v11 =	vmov s20;
	v8 =	vmul.f32 v8, v4;
	[tilespmem:s16+$0x80] =	vst v2;
	v9 =	vmul.f32 v9, v4  }
0x2e5: {  	v11 =	vand.u32 $0xFFFFFFFE, v11;
	v2 =	vld [tilespmem:s18+$0x80];
	[tilespmem:s16+$0xB0] =	vst v6;
	v6 =	vmul.f32 v10, v4;
	v4 =	vmul.f32 v5, v4  }
0x2e6: {  	v5 =	vbroadcast v11, $0x0;
	[tilespmem:s16+$0x90] =	vst v3  }
0x2e7: {  	[tilespmem:s16+$0xF0] =	vst v4  }
0x2e8: {  	v4 =	vld [tilespmem:s18+$0x50];
	[tilespmem:s16+$0xA0] =	vst v7  }
0x2e9: {  	v7 =	vld [tilespmem:s18+$0x30];
	[tilespmem:s16+$0xE0] =	vst v6  }
0x2ea: {  	v6 =	vld [tilespmem:s18+$0x60];
	[tilespmem:s16+$0xC0] =	vst v8  }
0x2eb: {  	v8 =	vld [tilespmem:s18+$0x70];
	[tilespmem:s16+$0xD0] =	vst v9;
	s16 =	smov.u32 s18  }
0x2ec: {  	v5 =	vld.idx.msk [tilespmem:v5+s25+$0x0], $0xffff  }
0x2ed: {  	v9 =	vld [tilespmem:s18+$0x0]  }
0x2ee: {  	v10 =	vld [tilespmem:s18+$0x20]  }
0x2ef: {  	v11 =	vld [tilespmem:s18+$0x10]  }
0x2f0: {  	v12 =	vld [tilespmem:s18+$0x40]  }
0x2f1: {  	v3 =	vld [tilespmem:s18+$0x90]  }
0x2f2: {  	v8 =	vmul.f32 v8, v5;
	v9 =	vmul.f32 v9, v5  }
0x2f3: {  	v6 =	vmul.f32 v6, v5;
	v10 =	vmul.f32 v10, v5  }
0x2f4: {  	v7 =	vmul.f32 v7, v5;
	v11 =	vmul.f32 v11, v5;
	[tilespmem:s18+$0x70] =	vst v8  }
0x2f5: {  	v4 =	vmul.f32 v4, v5;
	[tilespmem:s18+$0x0] =	vst v9;
	v8 =	vmul.f32 v12, v5  }
0x2f6: {  	s19 =	sadd.s32 $0x483, s19;
	[tilespmem:s18+$0x20] =	vst v10  }
0x2f7: {  	[tilespmem:s18+$0x30] =	vst v7;
	v7 =	vmov s19  }
.Ltmp11:
0x2f8: {  	[tilespmem:s18+$0x50] =	vst v4;
	(pc) =	sbr.rel @p0 .LBB2_25-.Ltmp11, $4  }
0x2f9: {  	[tilespmem:s18+$0x10] =	vst v11  }
0x2fa: {  	[tilespmem:s18+$0x60] =	vst v6;
	v6 =	vld [tilespmem:s18+$0xB0]  }
0x2fb: {  	[tilespmem:s18+$0x40] =	vst v8;
	v5 =	vld [tilespmem:s18+$0xF0]  }
0x2fc: {  	v4 =	vld.idx.msk [tilespmem:v7+s25+$0x0], $0xffff  }
0x2fd: {  	_ =	sdelay $0x1  }
0x2fe: {  	v7 =	vld [tilespmem:s16+$0xA0]  }
0x2ff: {  	v10 =	vld [tilespmem:s16+$0xD0]  }
0x300: {  	v2 =	vmul.f32 v2, v4  }
0x301: {  	v8 =	vld [tilespmem:s16+$0xE0];
	v6 =	vmul.f32 v6, v4  }
0x302: {  	v9 =	vld [tilespmem:s16+$0xC0];
	v3 =	vmul.f32 v3, v4;
	[tilespmem:s16+$0x80] =	vst v2  }
0x303: {  	v62 =	vmul.f32 v7, v4;
	[tilespmem:s16+$0xB0] =	vst v6  }
0x304: {  	v63 =	vmul.f32 v10, v4;
	[tilespmem:s16+$0x90] =	vst v3  }
0x305: {  	v2 =	vmul.f32 v5, v4;
	[tilespmem:s16+$0xA0] =	vst v62  }
0x306: {  	v3 =	vmul.f32 v8, v4;
	[tilespmem:s16+$0xD0] =	vst v63  }
0x307: {  	s15 =	sadd.s32 $0x1, s15;
	[tilespmem:s16+$0xF0] =	vst v2;
	v2 =	vmul.f32 v9, v4  }
0x308: {  	p0 =	sne.s32 s15, $0x10;
	[tilespmem:s16+$0xE0] =	vst v3  }
.Ltmp12:
0x309: {  	[tilespmem:s16+$0xC0] =	vst v2;
	(pc) =	sbr.rel @p0 .LBB2_4-.Ltmp12, $4  }
0x30a: {  	[spmem:s2] =	stream.indirect.scatter.add.f32 [tilespmem:s31], [sflag:$0x3], $0x80, s30, s26, $0xb8;
	[tilespmem:$0x1E000] =	vst v63  }
0x30b: {  	_ =	swait.ge [sflag:s22], $0x4000  }
0x30c: {  	[sflag:s22] =	ssyncset.done $0x0  }
0x30d: {  	[sflag:s22] =	ssyncadd.s32 $0xFFFFC000  }
0x30e: {  	s0 =	stileid.u32;
	[bflag:$0x0] =	sbarrier.arrive $0xFFFF  }
0x30f: {  	s0 =	sshll.u32 s0, $0x6;
	s17 =	rddreg [dreg:$0x5]  }
0x310: {  	s16 =	rddreg [dreg:$0xa];
	s0 =	sor.u32 $0x1C03, s0;
	s15 =	sshrl.u32 s17, $0x3  }
0x311: {  	[hbm:s16], [sflag:s0] =	dma.local [spmem:s15], $0x800  }
0x312: {  	_ =	swait.ge [sflag:s22], $0x800  }
0x313: {  	[sflag:s22] =	ssyncset.done $0x0;
	s18 =	rddreg [dreg:$0x6]  }
0x314: {  	s20 =	rddreg [dreg:$0xb];
	[sflag:s22] =	ssyncadd.s32 $0xFFFFF800;
	s19 =	sshrl.u32 s18, $0x3  }
0x315: {  	[hbm:s20], [sflag:s0] =	dma.local [spmem:s19], $0x800  }
0x316: {  	_ =	swait.ge [sflag:s22], $0x800  }
0x317: {  	[sflag:s22] =	ssyncset.done $0x0;
	s19 =	rddreg [dreg:$0x7]  }
0x318: {  	s20 =	rddreg [dreg:$0xc];
	[sflag:s22] =	ssyncadd.s32 $0xFFFFF800;
	s16 =	sshrl.u32 s19, $0x3  }
0x319: {  	[hbm:s20], [sflag:s0] =	dma.local [spmem:s16], $0x800  }
0x31a: {  	_ =	swait.ge [sflag:s22], $0x800  }
0x31b: {  	[sflag:s22] =	ssyncset.done $0x0;
	s16 =	rddreg [dreg:$0x8]  }
0x31c: {  	s20 =	rddreg [dreg:$0xd];
	[sflag:s22] =	ssyncadd.s32 $0xFFFFF800;
	s15 =	sshrl.u32 s16, $0x3  }
0x31d: {  	[hbm:s20], [sflag:s0] =	dma.local [spmem:s15], $0x800  }
0x31e: {  	_ =	swait.ge [sflag:s22], $0x800  }
0x31f: {  	[sflag:s22] =	ssyncset.done $0x0;
	s16 =	rddreg [dreg:$0x9]  }
0x320: {  	s20 =	rddreg [dreg:$0xe];
	[sflag:s22] =	ssyncadd.s32 $0xFFFFF800;
	s15 =	sshrl.u32 s16, $0x3  }
0x321: {  	[hbm:s20], [sflag:s0] =	dma.local [spmem:s15], $0x780  }
0x322: {  	_ =	swait.ge [sflag:s22], $0x780  }
0x323: {  	s15 =	rddreg [dreg:$0x4]  }
0x324: {  	s20 =	rddreg [dreg:$0xf];
	s16 =	sadd.s32 $0x1, s15  }
0x325: {  	p0 =	sne.s32 s16, s20  }
.Ltmp13:
0x326: {  	_ = 	snop;
	(pc) =	sbr.rel @p0 .LBB2_1-.Ltmp13, $3  }
0x327: {  	_ =	sdelay $0x1  }
0x328: {  	[sflag:s22] =	ssyncset.done $0x0  }
0x329: {  	[sflag:s22] =	ssyncadd.s32 $0xFFFFF880  }
0x32a: {  	_ =	sfence.sel $0x180000  }
0x32b: {  	[bflag:$0x0] =	sbarrier.arrive $0xFFFF  }
0x32c: {  	_ =	strace $0x9000004D  }
0x32d: {  	s0 =	stileid.u32;
	[bflag:$0x2] =	sbarrier.arrive $0xFFFF  }
0x32e: {  	p0 =	sne.s32 s0, $0x0;
	s0 =	rddreg [dreg:$0x3]  }
0x32f: {  	s0 =	sadd.s32 @!p0 $0x100000, s0  }
0x330: {  	[sflag:s0] =	ssyncadd.tile.s32 @!p0 $0x1;
	_ =	shalt  }
.Lfunc_end2:
_tile_overlayer_lowered:
.L_overlay_start_2:
0x331: {  	(tag) =	ssettag $0x2  }
0x332: {  	s0 =	rddreg [dreg:$0x0];
	s2 =	stileid.u32  }
0x333: {  	s1 =	rddreg [dreg:$0x1];
	p0 =	sne.s32 s2, $0x0  }
0x334: {  	s3 =	rddreg [dreg:$0x2];
	[bflag:$0x3] =	sbarrier.arrive $0xFFFF;
	s2 =	simm.s32 @!p0 $0x1C03  }
0x335: {  	[timem:s3], [sflag:s2] =	dma.local @!p0 [hbm:s0], s1  }
0x336: {  	s0 =	simm.s32 @!p0 $0x3  }
0x337: {  	_ =	swait.ge @!p0 [sflag:s0], s1  }
0x338: {  	s1 =	ssub.s32 @!p0 $0x0, s1;
	[sflag:s0] =	ssyncset.done @!p0 $0x0  }
0x339: {  	[sflag:s0] =	ssyncadd.s32 @!p0 s1  }
0x33a: {  	[bflag:$0x3] =	sbarrier.arrive $0xFFFF  }
0x33b: {  	_ =	shalt  }

// kernel: kernel.8.cloned.1.call-start
scs
__scs_entry_jumppad:
0x0: {  	(pc) =	sbr.rel $0x88, $3  }
0x1: {  	(tag) =	ssettag $0x0;
	lr =	simm.s32 $0x1  }
0x2: {  	[smem:$0x3F98] =	sst lr;
	_ =	strace $0xD0000000  }
0x3: {  	_ = 	snop  }
0x4: {  	_ = 	snop  }
0x5: {  	_ = 	snop  }
0x6: {  	_ = 	snop  }
0x7: {  	_ = 	snop  }
__scs_overlays_trampoline_lowered:
0x8: {  	[smem:$0x3FA7] =	sst s0  }
0x9: {  	[smem:$0x3FA8] =	sst s1  }
0xa: {  	[smem:$0x3FA9] =	sst s2  }
0xb: {  	[smem:$0x3FAA] =	sst s3  }
0xc: {  	[smem:$0x3FAB] =	sst s4  }
0xd: {  	[smem:$0x3FAC] =	sst s5  }
0xe: {  	[smem:$0x3FAD] =	sst s6  }
0xf: {  	[smem:$0x3FAE] =	sst s7  }
0x10: {  	[smem:$0x3FAF] =	sst s8  }
0x11: {  	[smem:$0x3FB0] =	sst s9;
	s0 =	simm.s32 @!p0 $0x0  }
0x12: {  	s1 =	sld [smem:$0x3F96];
	s0 =	simm.s32 @p0 $0x1  }
0x13: {  	[smem:$0x3FB1] =	sst s0;
	s0 =	simm.s32 @!p1 $0x0  }
0x14: {  	s2 =	sld [smem:$0x3F95];
	s0 =	simm.s32 @p1 $0x1  }
0x15: {  	[smem:$0x3FB2] =	sst s0;
	s0 =	simm.s32 @!p2 $0x0  }
0x16: {  	s3 =	sld [smem:$0x3FDB];
	s0 =	simm.s32 @p2 $0x1  }
0x17: {  	s4 =	simm.s32 $0x1BF5;
	[smem:$0x3FB4] =	sst s0  }
0x18: {  	s0 =	sld [smem:$0x3F97];
	_ =	swait.ge [sflag:s4], $0x0  }
0x19: {  	s7 =	sld [smem:$0x3F98]  }
0x1a: {  	s8 =	sadd.s32 $0xFFFFE003, lr  }
0x1b: {  	s9 =	sadd.s32 $0xFFFFFEF7, lr;
	s5 =	simm.s32 $0xFFFFFFFF;
	p2 =	slt.u32 s8, $0xFFFFF086  }
0x1c: {  	p1 =	slt.u32 s9, $0xF7A;
	s5 =	simm.s32 @!p2 $0x0  }
0x1d: {  	s5 =	simm.s32 @p1 $0x1;
	p0 =	seq.s32 s7, s2  }
0x1e: {  	s7 =	smul.u32 @!p0 $0xF7A, s2;
	p2 =	seq.s32 @!p0 s5, $0x0  }
0x1f: {  	s9 =	smul.u32 $0xF7A, s1;
	s8 =	simm.s32 @!p0 $0x1BF5;
	p2 =	por !p2, p0  }
0x20: {  	[sflag:s8] =	ssyncset.s32 @!p0 $0xFFFFF086;
	s6 =	sadd.s32 @!p0 s3, s7;
	s7 =	simm.s32 @!p0 $0x108  }
0x21: {  	s3 =	sadd.s32 s3, s9;
	s6 =	sadd.s32 @!p0 $0x88, s6;
	s7 =	simm.s32 @p2 $0x1082  }
0x22: {  	[simem:s7], [sflag:s8] =	dma.local @!p0 [hbm:s6], $0xF7A  }
0x23: {  	s9 =	sor.u32 $0xD0000000, s2;
	s6 =	simm.s32 $0x108;
	_ =	swait.ge @!p0 [sflag:s8], $0x0  }
0x24: {  	s3 =	sadd.s32 $0x88, s3;
	s6 =	simm.s32 @!p1 $0x1082;
	[sflag:s4] =	ssyncset.s32 $0xFFFFF086  }
0x25: {  	[simem:s6], [sflag:s4] =	dma.local [hbm:s3], $0xF7A  }
0x26: {  	[smem:$0x3F98] =	sst s1;
	(tag) =	ssettag s2;
	_ =	strace s9  }
0x27: {  	s1 =	sld [smem:$0x3FA8]  }
0x28: {  	s2 =	sld [smem:$0x3FA9]  }
0x29: {  	s4 =	sld [smem:$0x3FAB]  }
0x2a: {  	p0 =	seq.s32 s5, $0x0;
	s5 =	sld [smem:$0x3FAC]  }
0x2b: {  	s6 =	sld [smem:$0x3FAD]  }
0x2c: {  	s7 =	sld [smem:$0x3FAE]  }
0x2d: {  	s3 =	simm.s32 $0x108;
	s8 =	sld [smem:$0x3FAF]  }
0x2e: {  	s3 =	simm.s32 @!p0 $0x1082;
	s9 =	sld [smem:$0x3FB0]  }
0x2f: {  	lr =	sadd.s32 s0, s3;
	s0 =	sld [smem:$0x3FA7]  }
0x30: {  	s3 =	sld [smem:$0x3FAA]  }
0x31: {  	[smem:$0x3FB3] =	sst s10  }
0x32: {  	s10 =	sld [smem:$0x3FB1];
	_ =	sdelay $0x3  }
0x33: {  	p0 =	seq.s32 s10, $0x1;
	s10 =	sld [smem:$0x3FB3];
	_ =	sdelay $0x3  }
0x34: {  	[smem:$0x3FB3] =	sst s10  }
0x35: {  	s10 =	sld [smem:$0x3FB2];
	_ =	sdelay $0x3  }
0x36: {  	p1 =	seq.s32 s10, $0x1;
	s10 =	sld [smem:$0x3FB3];
	_ =	sdelay $0x3  }
0x37: {  	[smem:$0x3FB3] =	sst s10  }
0x38: {  	s10 =	sld [smem:$0x3FB4]  }
0x39: {  	_ = 	snop;
	(pc) =	sbr.ind lr, $3  }
0x3a: {  	_ = 	snop  }
0x3b: {  	_ = 	snop  }
0x3c: {  	p2 =	seq.s32 s10, $0x1;
	s10 =	sld [smem:$0x3FB3]  }
0x3d: {  	_ =	shalt  }
0x3e: {  	_ =	shalt  }
0x3f: {  	_ =	shalt  }
0x40: {  	_ =	shalt  }
0x41: {  	_ =	shalt  }
0x42: {  	_ =	shalt  }
0x43: {  	_ =	shalt  }
0x44: {  	_ =	shalt  }
0x45: {  	_ =	shalt  }
0x46: {  	_ =	shalt  }
0x47: {  	_ =	shalt  }
0x48: {  	_ =	shalt  }
0x49: {  	_ =	shalt  }
0x4a: {  	_ =	shalt  }
0x4b: {  	_ =	shalt  }
0x4c: {  	_ =	shalt  }
0x4d: {  	_ =	shalt  }
0x4e: {  	_ =	shalt  }
0x4f: {  	_ =	shalt  }
0x50: {  	_ =	shalt  }
0x51: {  	_ =	shalt  }
0x52: {  	_ =	shalt  }
0x53: {  	_ =	shalt  }
0x54: {  	_ =	shalt  }
0x55: {  	_ =	shalt  }
0x56: {  	_ =	shalt  }
0x57: {  	_ =	shalt  }
0x58: {  	_ =	shalt  }
0x59: {  	_ =	shalt  }
0x5a: {  	_ =	shalt  }
0x5b: {  	_ =	shalt  }
0x5c: {  	_ =	shalt  }
0x5d: {  	_ =	shalt  }
0x5e: {  	_ =	shalt  }
0x5f: {  	_ =	shalt  }
0x60: {  	_ =	shalt  }
0x61: {  	_ =	shalt  }
0x62: {  	_ =	shalt  }
0x63: {  	_ =	shalt  }
0x64: {  	_ =	shalt  }
0x65: {  	_ =	shalt  }
0x66: {  	_ =	shalt  }
0x67: {  	_ =	shalt  }
0x68: {  	_ =	shalt  }
0x69: {  	_ =	shalt  }
0x6a: {  	_ =	shalt  }
0x6b: {  	_ =	shalt  }
0x6c: {  	_ =	shalt  }
0x6d: {  	_ =	shalt  }
0x6e: {  	_ =	shalt  }
0x6f: {  	_ =	shalt  }
0x70: {  	_ =	shalt  }
0x71: {  	_ =	shalt  }
0x72: {  	_ =	shalt  }
0x73: {  	_ =	shalt  }
0x74: {  	_ =	shalt  }
0x75: {  	_ =	shalt  }
0x76: {  	_ =	shalt  }
0x77: {  	_ =	shalt  }
0x78: {  	_ =	shalt  }
0x79: {  	_ =	shalt  }
0x7a: {  	_ =	shalt  }
0x7b: {  	_ =	shalt  }
0x7c: {  	_ =	shalt  }
0x7d: {  	_ =	shalt  }
0x7e: {  	_ =	shalt  }
0x7f: {  	_ =	shalt  }
0x80: {  	_ =	shalt  }
0x81: {  	_ =	shalt  }
0x82: {  	_ =	shalt  }
0x83: {  	_ =	shalt  }
0x84: {  	_ =	shalt  }
0x85: {  	_ =	shalt  }
0x86: {  	_ =	shalt  }
0x87: {  	_ =	shalt  }
.Lfunc_end0:
.L_simem_size_0:
called_computation_lowered:
.L_overlay_start_0:
0x88: {  	s2 =	sld [smem:$0x3FD9]  }
0x89: {  	s3 =	sld [smem:$0x3FFE];
	_ =	sdelay $0x1  }
0x8a: {  	s1 =	srdreg.scid  }
0x8b: {  	s0 =	sand.u32 $0x1, s1  }
0x8c: {  	s17 =	sshll.u32 s0, $0xA;
	s2 =	sadd.s32 s3, s2  }
0x8d: {  	s2 =	sadd.s32 s2, s17  }
0x8e: {  	[smem:$0x3FBF] =	sst s2  }
0x8f: {  	_ = 	snop  }
0x90: {  	s2 =	sld [smem:$0x3FD0];
	(tm) =	ssettm $0x1  }
0x91: {  	s18 =	sld [smem:$0x3FFB];
	_ =	sdelay $0x3  }
0x92: {  	_ =	strace s18  }
0x93: {  	s3 =	sld [smem:$0x3FFC];
	_ =	sdelay $0x3  }
0x94: {  	_ =	strace s3  }
0x95: {  	s3 =	sld [smem:$0x3FFD];
	_ =	sdelay $0x3  }
0x96: {  	_ =	strace s3  }
0x97: {  	_ =	strace $0x8FFFFFFF  }
0x98: {  	s19 =	sld [smem:$0x3FDB];
	_ =	sdelay $0x1  }
0x99: {  	s4 =	simm.s32 $_scs_section_size  }
0x9a: {  	s5 =	simm.s32 $_size__tile_overlayer_lowered;
	s6 =	simm.s32 $_tile_overlayer_lowered  }
0x9b: {  	s22 =	simm.s32 $0x1BFF;
	s21 =	sshll.u32 s6, $0x1;
	s3 =	sadd.s32 s4, s19  }
0x9c: {  	s7 =	simm.s32 $0x0;
	s20 =	sshll.u32 s5, $0x1;
	s5 =	sadd.s32 s21, s3  }
0x9d: {  	[timem:s7], [sflag:s22] =	dma.local [hbm:s5], s20  }
0x9e: {  	_ =	swait.ge [sflag:s22], s20  }
0x9f: {  	s4 =	ssub.s32 $0x0, s20;
	[sflag:s22] =	ssyncset.done $0x0  }
0xa0: {  	[sflag:s22] =	ssyncadd.s32 s4;
	_ =	sdelay $0x1  }
0xa1: {  	s23 =	simm.s32 $0x1B8B  }
0xa2: {  	_ =	swait.ge [sflag:s23], $0x1  }
0xa3: {  	[sflag:s23] =	ssyncset.done $0x0  }
0xa4: {  	s25 =	simm.s32 $0x1B8E;
	s24 =	sld [smem:$0x3FFE];
	[sflag:s23] =	ssyncadd.s32 $0xFFFFFFFF  }
0xa5: {  	s26 =	simm.s32 $execute0_lowered;
	[smem:$0x3FD2] =	sst s25  }
0xa6: {  	s5 =	sshll.u32 s26, $0x1;
	_ =	strace $0x80000046;
	[dreg:$0x1] =	wrdreg $0xFFFFFFFF  }
0xa7: {  	s28 =	simm.s32 $_size_execute0_lowered;
	s3 =	sadd.s32 s3, s5;
	[dreg:$0x0] =	wrdreg $0x0  }
0xa8: {  	s5 =	sshll.u32 s28, $0x1;
	[dreg:$0x2] =	wrdreg s3  }
0xa9: {  	[dreg:$0x3] =	wrdreg s5  }
0xaa: {  	[dreg:$0x4] =	wrdreg $0xC0  }
0xab: {  	_ =	task [dreg:s7], $0x5FFFF  }
0xac: {  	[dreg:$0x1] =	wrdreg $0xFFFFFFFF  }
0xad: {  	[dreg:$0x0] =	wrdreg $0x60  }
0xae: {  	[dreg:$0x2] =	wrdreg s24  }
0xaf: {  	[dreg:$0x3] =	wrdreg s2  }
0xb0: {  	[dreg:$0x4] =	wrdreg $0x158000  }
0xb1: {  	[dreg:$0x5] =	wrdreg $0x9  }
0xb2: {  	_ =	task.clear_ibuf [dreg:s7], $0x6FFFF;
	_ =	strace $0x90000046  }
0xb3: {  	s29 =	simm.s32 $0x9;
	_ =	strace $0x80000048  }
0xb4: {  	_ =	swait.ge [sflag:s29], $0x1  }
0xb5: {  	[sflag:s29] =	ssyncadd.s32 $0xFFFFFFFF  }
0xb6: {  	_ =	strace $0x90000048  }
0xb7: {  	_ =	sfence  }
0xb8: {  	s30 =	sld [smem:$0x0];
	_ =	sdelay $0x2  }
0xb9: {  	s31 =	sshll.u32 s1, $0xD;
	s1 =	sshrl.u32 s1, $0x2  }
0xba: {  	s3 =	sand.u32 $0x4000, s31;
	s1 =	sadd.s32 s1, s30  }
0xbb: {  	s0 =	sor.u32 s3, s0;
	s1 =	sshll.u32 s1, $0x11  }
0xbc: {  	s0 =	sor.u32 s1, s0  }
0xbd: {  	s0 =	sadd.s32 $0x8F2B, s0  }
0xbe: {  	[sflag:s0] =	ssyncadd.remote.s32 $0x1  }
0xbf: {  	_ =	sfence.sel $0xFFFF  }
0xc0: {  	[dreg:$0x0] =	wrdreg $0xFFFFFFFF;
	(pc) =	sbr.abs _section_cstart, $3  }
0xc1: {  	[dreg:$0x1] =	wrdreg $0xFFFFFFFF  }
0xc2: {  	_ =	task.clear_ibuf [dreg:s7], $0x2FFFF;
	_ =	strace $0x9FFFFFFF  }
0xc3: {  	(tm) =	ssettm $0x7FFFFFFF  }
tec
execute0_lowered:
.L_overlay_start_1:
0x0: {  	(tag) =	ssettag $0x1  }
0x1: {  	v1 =	vlaneseq.u32  }
0x2: {  	v2 =	vor.u32 $0x10, v1  }
0x3: {  	[tilespmem:$0x1FE60] =	vst v2;
	v2 =	vor.u32 $0x20, v1  }
0x4: {  	[tilespmem:$0x1FE70] =	vst v2;
	v2 =	vor.u32 $0x30, v1  }
0x5: {  	[tilespmem:$0x1FE80] =	vst v2;
	v2 =	vor.u32 $0x40, v1  }
0x6: {  	[tilespmem:$0x1FE90] =	vst v2;
	v2 =	vor.u32 $0x50, v1  }
0x7: {  	[tilespmem:$0x1FEA0] =	vst v2;
	v2 =	vor.u32 $0x60, v1  }
0x8: {  	[tilespmem:$0x1FEB0] =	vst v2;
	v2 =	vor.u32 $0x70, v1  }
0x9: {  	[tilespmem:$0x1FEC0] =	vst v2;
	v2 =	vor.u32 $0x80, v1  }
0xa: {  	[tilespmem:$0x1FED0] =	vst v2;
	v2 =	vor.u32 $0x90, v1  }
0xb: {  	v0 =	vimm.s32 $0x0;
	[tilespmem:$0x1FEE0] =	vst v2;
	v2 =	vor.u32 $0xA0, v1  }
0xc: {  	v3 =	vimm.s32 $0x6543210F;
	v4 =	vimm.s32 $0xDCBA9876;
	[tilespmem:$0x1FEF0] =	vst v2;
	v2 =	vor.u32 $0xB0, v1  }
0xd: {  	v5 =	vimm.s32 $0x543210FE;
	v46 =	vimm.s32 $0x1;
	[tilespmem:$0x1FF00] =	vst v2;
	v2 =	vor.u32 $0xC0, v1  }
0xe: {  	v60 =	vimm.s32 $0xA9876543;
	v61 =	vimm.s32 $0x210FEDCB;
	[tilespmem:$0x1FF10] =	vst v2;
	v2 =	vor.u32 $0xD0, v1  }
0xf: {  	vm3 =	vmmov $0x3;
	vm4 =	vmmov $0x7;
	[tilespmem:$0x1FF20] =	vst v2;
	v2 =	vor.u32 $0xE0, v1  }
0x10: {  	vm5 =	vmmov $0xf;
	v62 =	vimm.s32 $0x87654321;
	[tilespmem:$0x1FF30] =	vst v2;
	v2 =	vor.u32 $0xF0, v1  }
0x11: {  	v63 =	vimm.s32 $0xFEDCBA98;
	v6 =	vimm.s32 $0xFEDCBA9;
	[tilespmem:$0x1FF40] =	vst v2;
	v2 =	vor.u32 $0x100, v1  }
0x12: {  	v7 =	vimm.s32 $0x76543210;
	vm6 =	vmmov $0x1f;
	[tilespmem:$0x1FF50] =	vst v2;
	v2 =	vor.u32 $0x110, v1  }
0x13: {  	vm7 =	vmmov $0x3f;
	vm8 =	vmmov $0x7f;
	[tilespmem:$0x1FF60] =	vst v2;
	v2 =	vor.u32 $0x120, v1  }
0x14: {  	vm9 =	vmmov $0xff;
	vm11 =	vmmov $0x1ff;
	[tilespmem:$0x1FF70] =	vst v2;
	v2 =	vor.u32 $0x130, v1  }
0x15: {  	vm10 =	vmmov $0x3ff;
	vm12 =	vmmov $0x7ff;
	[tilespmem:$0x1FF80] =	vst v2;
	v2 =	vor.u32 $0x140, v1  }
0x16: {  	vm2 =	vmmov $0xfff;
	vm13 =	vmmov $0x1fff;
	[tilespmem:$0x1FF90] =	vst v2;
	v2 =	vor.u32 $0x150, v1  }
0x17: {  	vm14 =	vmmov $0x3fff;
	vm15 =	vmmov $0x7fff;
	[tilespmem:$0x1FFA0] =	vst v2;
	v2 =	vor.u32 $0x160, v1  }
0x18: {  	v26 =	vor.u32 $0x190, v1;
	v27 =	vor.u32 $0x1A0, v1;
	[tilespmem:$0x1FFB0] =	vst v2;
	v2 =	vor.u32 $0x170, v1  }
0x19: {  	v28 =	vor.u32 $0x1B0, v1;
	v29 =	vor.u32 $0x1C0, v1;
	[tilespmem:$0x1FFC0] =	vst v2;
	v2 =	vor.u32 $0x180, v1  }
0x1a: {  	v30 =	vor.u32 $0x1D0, v1;
	v31 =	vor.u32 $0x1E0, v1;
	[tilespmem:$0x1FFD0] =	vst v2;
	v2 =	vimm.s32 $0xEDCBA987  }
0x1b: {  	v32 =	vor.u32 $0x1F0, v1;
	v33 =	vor.u32 $0x200, v1;
	v2 =	vunpack.c.l.s4.s8 v2  }
0x1c: {  	v34 =	vor.u32 $0x210, v1;
	v35 =	vor.u32 $0x220, v1;
	v3 =	vunpack.c.l.s4.s8 v3  }
0x1d: {  	v36 =	vor.u32 $0x230, v1;
	v41 =	vunpack.c.0.s8.s32 v2;
	v2 =	vunpack.c.l.s4.s8 v5  }
0x1e: {  	v4 =	vunpack.c.l.s4.s8 v4;
	v42 =	vunpack.c.0.s8.s32 v3;
	v3 =	vimm.s32 $0xCBA98765  }
0x1f: {  	s5 =	rddreg [dreg:$0x0];
	v44 =	vunpack.c.0.s8.s32 v2;
	v2 =	vunpack.c.l.s4.s8 v3;
	v3 =	vimm.s32 $0x43210FED  }
0x20: {  	s8 =	rddreg [dreg:$0x1];
	v37 =	vor.u32 $0x240, v1;
	v43 =	vunpack.c.0.s8.s32 v4;
	v3 =	vunpack.c.l.s4.s8 v3  }
0x21: {  	s1 =	rddreg [dreg:$0x2];
	v5 =	vunpack.c.l.s4.s8 v61;
	v48 =	vunpack.c.0.s8.s32 v2;
	v2 =	vimm.s32 $0xBA987654  }
0x22: {  	s0 =	rddreg [dreg:$0x3];
	s2 =	simm.s32 $0x0;
	v49 =	vunpack.c.0.s8.s32 v3;
	v2 =	vunpack.c.l.s4.s8 v2;
	v3 =	vimm.s32 $0x3210FEDC  }
0x23: {  	s3 =	srdreg.scid;
	s13 =	simm.s32 $0x80;
	s14 =	simm.s32 $0x15400;
	v4 =	vunpack.c.l.s4.s8 v60;
	v54 =	vunpack.c.0.s8.s32 v5;
	v3 =	vunpack.c.l.s4.s8 v3  }
0x24: {  	s15 =	simm.s32 $0x15480;
	s16 =	simm.s32 $0x4000;
	s17 =	simm.s32 $0x15500;
	v5 =	vunpack.c.l.s4.s8 v63;
	v51 =	vunpack.c.0.s8.s32 v2;
	v2 =	vimm.s32 $0x98765432  }
0x25: {  	s18 =	simm.s32 $0x8000;
	s19 =	simm.s32 $0x15580;
	s20 =	simm.s32 $0xC000;
	v52 =	vunpack.c.0.s8.s32 v3;
	v2 =	vunpack.c.l.s4.s8 v2;
	v3 =	vimm.s32 $0x10FEDCBA  }
0x26: {  	s21 =	simm.s32 $0x15600;
	s22 =	simm.s32 $0x10000;
	s6 =	sand.u32 $0x1, s3;
	v6 =	vunpack.c.l.s4.s8 v6;
	v7 =	vunpack.c.l.s4.s8 v7;
	v3 =	vunpack.c.l.s4.s8 v3  }
0x27: {  	s23 =	simm.s32 $0x0;
	s3 =	stileid.u32;
	s7 =	smul.u32 $0x14000, s6;
	v53 =	vunpack.c.0.s8.s32 v4;
	v57 =	vunpack.c.0.s8.s32 v2;
	v2 =	vunpack.c.0.s8.s32 v5  }
0x28: {  	[smem:$0x7FF] =	sst s2;
	s4 =	sadd.s32 $0xC000, s5;
	s10 =	smul.u32 $0x1400, s3;
	v4 =	vunpack.c.l.s4.s8 v62;
	v58 =	vunpack.c.0.s8.s32 v3;
	v3 =	vunpack.c.0.s8.s32 v7  }
0x29: {  	v38 =	vor.u32 $0x250, v1;
	s9 =	ssub.s32 $0x2, s6;
	s12 =	smul.u32 $0x5000, s3;
	s6 =	sshll.u32 s6, $0x4;
	v60 =	vunpack.c.0.s8.s32 v6;
	v2 =	vand.u32 $0xF, v2  }
0x2a: {  	s5 =	sadd.s32 $0x2000, s5;
	s11 =	sshrl.u32 s9, $0x1;
	s29 =	sor.u32 s3, s6;
	v59 =	vunpack.c.0.s8.s32 v4;
	v62 =	vcombine.low v2, v3;
	v2 =	vimm.s32 $0x0  }
0x2b: {  	v39 =	vor.u32 $0x260, v1;
	s9 =	ssub.s32 s9, s11;
	s7 =	sadd.s32 s10, s7;
	s30 =	sshrl.u32 s12, $0x2;
	v45 =	vcombine.low v42, v41;
	v2 =	vsel vm2, $0xFFFFFFFF, v2  }
0x2c: {  	s10 =	simm.s32 $0x1;
	s11 =	simm.s32 $0x14000;
	_ =	strace $0x80000047;
	v63 =	vcombine.low v60, v59;
	v47 =	vcombine.low v44, v43;
	[tilespmem:$0x1FFE0] =	vst v2;
	v2 =	vimm.s32 $0x0  }
0x2d: {  	s12 =	simm.s32 $0x14A00;
	s31 =	sshrl.u32 s7, $0x3;
	s6 =	sadd.s32 s30, s1;
	v56 =	vcombine.low v54, v53;
	v50 =	vcombine.low v49, v48;
	v2 =	vsel vm14, $0xFFFFFFFF, v2  }
0x2e: {  	v40 =	vor.u32 $0x270, v1;
	s7 =	smul.u32 $0x2800, s29;
	s9 =	smax.u32 s9, $0x1;
	s8 =	sadd.s32 s8, s31;
	v55 =	vcombine.low v52, v51;
	v61 =	vcombine.low v58, v57;
	[tilespmem:$0x1FFF0] =	vst v2  }
.LBB2_1:
0x2f: {  	s24 =	simm.s32 $0x0;
	s25 =	simm.s32 $0x200  }
.LBB2_2:
0x30: {  	p0 =	sne.s32 s25, $0x4FE00;
	[tilespmem:s24+$0x70] =	vst v0  }
0x31: {  	[tilespmem:s24+$0x0] =	vst v0  }
0x32: {  	[tilespmem:s24+$0x10] =	vst v0  }
.Ltmp0:
0x33: {  	[tilespmem:s24+$0x20] =	vst v0;
	(pc) =	sbr.rel @p0 .LBB2_2-.Ltmp0, $4  }
0x34: {  	[tilespmem:s24+$0x30] =	vst v0  }
0x35: {  	[tilespmem:s24+$0x40] =	vst v0  }
0x36: {  	[tilespmem:s24+$0x50] =	vst v0  }
0x37: {  	[tilespmem:s24+$0x60] =	vst v0;
	s24 =	sshra.s32 s25, $0x2;
	s25 =	sadd.s32 $0x200, s25  }
0x38: {  	[tilespmem:s24+$0x70] =	vst v0  }
0x39: {  	[tilespmem:s24+$0x0] =	vst v0  }
0x3a: {  	[tilespmem:s24+$0x10] =	vst v0  }
0x3b: {  	[tilespmem:s24+$0x20] =	vst v0;
	v2 =	vld [tilespmem:$0x1FE60]  }
0x3c: {  	[tilespmem:s24+$0x30] =	vst v0  }
0x3d: {  	[tilespmem:s24+$0x40] =	vst v0  }
0x3e: {  	[tilespmem:s24+$0x50] =	vst v0  }
0x3f: {  	[tilespmem:s24+$0x60] =	vst v0  }
0x40: {  	[tilespmem:$0x15410] =	vst v2;
	v2 =	vld [tilespmem:$0x1FE70];
	_ =	sdelay $0x4  }
0x41: {  	[tilespmem:$0x15420] =	vst v2;
	v2 =	vld [tilespmem:$0x1FE80];
	_ =	sdelay $0x4  }
0x42: {  	[tilespmem:$0x15430] =	vst v2;
	v2 =	vld [tilespmem:$0x1FE90];
	_ =	sdelay $0x4  }
0x43: {  	[tilespmem:$0x15440] =	vst v2;
	v2 =	vld [tilespmem:$0x1FEA0];
	_ =	sdelay $0x4  }
0x44: {  	[tilespmem:$0x15450] =	vst v2;
	v2 =	vld [tilespmem:$0x1FEB0];
	_ =	sdelay $0x4  }
0x45: {  	[tilespmem:$0x15460] =	vst v2;
	v2 =	vld [tilespmem:$0x1FEC0];
	_ =	sdelay $0x4  }
0x46: {  	[tilespmem:$0x15470] =	vst v2;
	v2 =	vld [tilespmem:$0x1FED0];
	_ =	sdelay $0x4  }
0x47: {  	[tilespmem:$0x15480] =	vst v2;
	v2 =	vld [tilespmem:$0x1FEE0];
	_ =	sdelay $0x4  }
0x48: {  	[tilespmem:$0x15490] =	vst v2;
	v2 =	vld [tilespmem:$0x1FEF0];
	_ =	sdelay $0x4  }
0x49: {  	[tilespmem:$0x154A0] =	vst v2;
	v2 =	vld [tilespmem:$0x1FF00];
	_ =	sdelay $0x4  }
0x4a: {  	[tilespmem:$0x154B0] =	vst v2;
	v2 =	vld [tilespmem:$0x1FF10];
	_ =	sdelay $0x4  }
0x4b: {  	[tilespmem:$0x154C0] =	vst v2;
	v2 =	vld [tilespmem:$0x1FF20];
	_ =	sdelay $0x4  }
0x4c: {  	[tilespmem:$0x154D0] =	vst v2;
	v2 =	vld [tilespmem:$0x1FF30];
	_ =	sdelay $0x4  }
0x4d: {  	[tilespmem:$0x154E0] =	vst v2;
	v2 =	vld [tilespmem:$0x1FF40];
	_ =	sdelay $0x4  }
0x4e: {  	[tilespmem:$0x154F0] =	vst v2;
	v2 =	vld [tilespmem:$0x1FF50];
	_ =	sdelay $0x4  }
0x4f: {  	[tilespmem:$0x15500] =	vst v2;
	v2 =	vld [tilespmem:$0x1FF60];
	_ =	sdelay $0x4  }
0x50: {  	[tilespmem:$0x15510] =	vst v2;
	v2 =	vld [tilespmem:$0x1FF70];
	_ =	sdelay $0x4  }
0x51: {  	[tilespmem:$0x15520] =	vst v2;
	v2 =	vld [tilespmem:$0x1FF80];
	_ =	sdelay $0x4  }
0x52: {  	[tilespmem:$0x15530] =	vst v2;
	v2 =	vld [tilespmem:$0x1FF90];
	_ =	sdelay $0x4  }
0x53: {  	[tilespmem:$0x15540] =	vst v2;
	v2 =	vld [tilespmem:$0x1FFA0]  }
0x54: {  	[tilespmem:$0x15400] =	vst v1  }
0x55: {  	[tilespmem:$0x15590] =	vst v26  }
0x56: {  	[tilespmem:$0x155A0] =	vst v27  }
0x57: {  	[tilespmem:$0x155B0] =	vst v28  }
0x58: {  	[tilespmem:$0x15550] =	vst v2;
	v2 =	vld [tilespmem:$0x1FFB0]  }
0x59: {  	[tilespmem:$0x155C0] =	vst v29  }
0x5a: {  	[tilespmem:$0x155D0] =	vst v30  }
0x5b: {  	[tilespmem:$0x155E0] =	vst v31  }
0x5c: {  	[tilespmem:$0x155F0] =	vst v32  }
0x5d: {  	[tilespmem:$0x15560] =	vst v2;
	v2 =	vld [tilespmem:$0x1FFC0]  }
0x5e: {  	[tilespmem:$0x15600] =	vst v33  }
0x5f: {  	[tilespmem:$0x15610] =	vst v34  }
0x60: {  	[tilespmem:$0x15620] =	vst v35  }
0x61: {  	[tilespmem:$0x15630] =	vst v36  }
0x62: {  	[tilespmem:$0x15570] =	vst v2;
	v2 =	vld [tilespmem:$0x1FFD0]  }
0x63: {  	[tilespmem:$0x15640] =	vst v37  }
0x64: {  	[tilespmem:$0x15650] =	vst v38  }
0x65: {  	[tilespmem:$0x15660] =	vst v39  }
0x66: {  	[tilespmem:$0x15670] =	vst v40  }
0x67: {  	s24 =	simm.s32 $0x0;
	[tilespmem:$0x15580] =	vst v2  }
0x68: {  	[spmem:s6] =	stream.linear.scatter [tilespmem:s24], [sflag:$0x1], $0x1400, $0x38;
	[tilespmem:$0x16C00] =	vst v63  }
0x69: {  	_ =	swait.ge [sflag:s10], $0x1400  }
0x6a: {  	[sflag:s10] =	ssyncset.done $0x0  }
0x6b: {  	[sflag:s10] =	ssyncadd.s32 $0xFFFFEC00  }
0x6c: {  	s25 =	simm.s32 $0x0;
	[bflag:$0x0] =	sbarrier.arrive $0xFFFF  }
.LBB2_4:
0x6d: {  	s26 =	smul.u32 $0xA00, s25;
	_ =	sdelay $0x1  }
0x6e: {  	s26 =	sadd.s32 s7, s26  }
0x6f: {  	s26 =	sshrl.u32 s26, $0x3  }
0x70: {  	s28 =	sadd.s32 s4, s26  }
0x71: {  	[tilespmem:s11], [sflag:$0x1] =	stream.linear.gather [hbm4b:s28+s24], $0xA00, $0x38;
	[tilespmem:$0x16C00] =	vst v63  }
0x72: {  	_ =	swait.ge [sflag:s10], $0xA00  }
0x73: {  	[sflag:s10] =	ssyncset.done $0x0  }
0x74: {  	s26 =	sadd.s32 s5, s26;
	[sflag:s10] =	ssyncadd.s32 $0xFFFFF600  }
0x75: {  	[tilespmem:s12], [sflag:$0x1] =	stream.linear.gather [hbm4b:s26+s24], $0xA00, $0x38;
	[tilespmem:$0x16C00] =	vst v63  }
0x76: {  	_ =	swait.ge [sflag:s10], $0xA00  }
0x77: {  	[sflag:s10] =	ssyncset.done $0x0  }
0x78: {  	s31 =	simm.s32 $0x0;
	[sflag:s10] =	ssyncadd.s32 $0xFFFFF600  }
0x79: {  	v2 =	vld [tilespmem:s31+$0x14000]  }
0x7a: {  	v8 =	vld [tilespmem:s31+$0x14A00];
	_ =	sdelay $0x3  }
0x7b: {  	v2 =	vshll.u32 v2, $0x3  }
0x7c: {  	v3 =	vcombine.low v59, v60;
	v2 =	vadd.s32 v8, v2  }
0x7d: {  	v4 =	vcombine.low v53, v54;
	v12 =	vperm.xlane v2, v50  }
0x7e: {  	v5 =	vcombine.low v57, v58;
	v10 =	vperm.xlane v2, v45  }
0x7f: {  	v6 =	vcombine.low v48, v49;
	vm1 =	veq.s32 v2, v12;
	v12 =	vimm.s32 $0x0  }
0x80: {  	vm0 =	veq.s32 v2, v10;
	v10 =	vperm.xlane v2, v56;
	v12 =	vsel vm1, $0xFFFFFFFF, v12  }
0x81: {  	v7 =	vcombine.low v51, v52;
	v9 =	vcombine.low v43, v44;
	[tilespmem:$0x1FE50] =	vst v12  }
0x82: {  	v15 =	vsel vm0, $0x1, v0;
	v16 =	vsel vm0, $0x2, v46;
	vm0 =	veq.s32 v2, v10;
	v10 =	vld [tilespmem:$0x1FE50]  }
0x83: {  	v8 =	vcombine.low v41, v42;
	v11 =	vperm.xlane v2, v3  }
0x84: {  	v13 =	vperm.xlane v2, v5;
	v14 =	vperm.xlane v2, v4  }
0x85: {  	v18 =	vperm.xlane v2, v7;
	vm1 =	veq.s32 v2, v11;
	v11 =	vimm.s32 $0x0  }
0x86: {  	v20 =	vperm.xlane v2, v9;
	v11 =	vsel vm1, $0xFFFFFFFF, v11;
	vm1 =	veq.s32 v1, $0x0  }
0x87: {  	v15 =	vsel vm1, $0x0, v15;
	vm1 =	vnez.u8 v10;
	v10 =	vperm.xlane v2, v47  }
0x88: {  	v22 =	vperm.xlane v2, v62;
	v23 =	vperm.xlane v2, v63;
	v19 =	vsel vm0, $0x1, v0  }
0x89: {  	[tilespmem:$0x1FE40] =	vst v11;
	v11 =	vperm.xlane v2, v8;
	vm0 =	veq.s32 v2, v10;
	v10 =	vperm.xlane v2, v55  }
0x8a: {  	v24 =	vperm.xlane v2, v61;
	v12 =	vperm.xlane v2, v6;
	v17 =	vsel vm1, $0x1, v0  }
0x8b: {  	vm1 =	veq.s32 v2, v11;
	v21 =	vsel vm0, $0x1, v0;
	vm0 =	veq.s32 v2, v10  }
0x8c: {  	v10 =	vsel vm1, $0x1, v0;
	vm1 =	veq.s32 v2, v22;
	v25 =	vsel vm0, $0x1, v0  }
0x8d: {  	vm0 =	veq.s32 v2, v23;
	v23 =	vsel vm1, $0x1, v0;
	vm1 =	veq.s32 v2, v20  }
0x8e: {  	v22 =	vsel vm0, $0x1, v0;
	vm0 =	veq.s32 v2, v24;
	v11 =	vsel vm1, $0x1, v0  }
0x8f: {  	vm1 =	veq.s32 v2, v12;
	v20 =	vsel vm0, $0x1, v0;
	vm0 =	veq.s32 v2, v13  }
0x90: {  	v13 =	vsel vm3, $0x0, v21;
	v12 =	vsel vm1, $0x1, v0;
	vm1 =	veq.s32 v2, v18  }
0x91: {  	v18 =	vsel vm4, $0x0, v17;
	v15 =	vadd.s32 v15, v13;
	v13 =	vsel vm1, $0x1, v0  }
0x92: {  	vm1 =	veq.s32 v2, v14;
	v14 =	vadd.s32 v18, v15;
	v15 =	vsel vm5, $0x0, v25  }
0x93: {  	v16 =	vadd.s32 v21, v16;
	v18 =	vsel vm6, $0x0, v19;
	v14 =	vadd.s32 v15, v14  }
0x94: {  	v15 =	vadd.s32 v17, v16;
	v16 =	vsel vm7, $0x0, v20;
	v14 =	vadd.s32 v18, v14  }
0x95: {  	v17 =	vsel vm8, $0x0, v22;
	v15 =	vadd.s32 v25, v15;
	v14 =	vadd.s32 v16, v14  }
0x96: {  	v16 =	vsel vm9, $0x0, v23;
	v15 =	vadd.s32 v19, v15;
	v14 =	vadd.s32 v17, v14  }
0x97: {  	v17 =	vsel vm11, $0x0, v10;
	v15 =	vadd.s32 v20, v15;
	v14 =	vadd.s32 v16, v14  }
0x98: {  	v16 =	vsel vm10, $0x0, v11;
	v18 =	vadd.s32 v22, v15;
	v17 =	vadd.s32 v17, v14  }
0x99: {  	s26 =	simm.s32 $0x40;
	v15 =	vsel vm12, $0x0, v12;
	v14 =	vadd.s32 v23, v18;
	v16 =	vadd.s32 v16, v17  }
.LBB2_5:
0x9a: {  	v19 =	vld [tilespmem:$0x1FE40];
	_ =	sdelay $0x2  }
0x9b: {  	v15 =	vadd.s32 v15, v16  }
0x9c: {  	v16 =	vsel vm2, $0x0, v13;
	v17 =	vsel vm1, $0x1, v0;
	v18 =	vsel vm0, $0x1, v0  }
0x9d: {  	v15 =	vadd.s32 v16, v15;
	v16 =	vsel vm13, $0x0, v17;
	vm1 =	vnez.u8 v19  }
0x9e: {  	v15 =	vadd.s32 v16, v15;
	v16 =	vsel vm14, $0x0, v18;
	v19 =	vsel vm1, $0xFFFFFFFF, v0  }
0x9f: {  	v10 =	vadd.s32 v10, v14;
	v14 =	vadd.s32 v16, v15;
	v15 =	vsel vm15, $0x0, v19  }
0xa0: {  	v10 =	vadd.s32 v11, v10;
	vm0 =	veq.s32 v14, v15  }
0xa1: {  	v10 =	vadd.s32 v12, v10  }
0xa2: {  	v10 =	vadd.s32 v13, v10  }
0xa3: {  	v10 =	vadd.s32 v17, v10  }
0xa4: {  	v10 =	vadd.s32 v18, v10;
	v11 =	vsel vm1, $0x1, v0  }
0xa5: {  	s28 =	smov.u32 s26;
	v10 =	vadd.s32 v11, v10  }
0xa6: {  	s28 =	sshra.s32 s28, $0x2;
	[tilespmem:v2+s2+$0x0] =	vst.idx.add.s32.msk vm0, v10  }
0xa7: {  	v2 =	vld [tilespmem:s28+$0x14000]  }
0xa8: {  	v10 =	vld [tilespmem:s28+$0x14A00];
	_ =	sdelay $0x3  }
0xa9: {  	v2 =	vshll.u32 v2, $0x3  }
0xaa: {  	v2 =	vadd.s32 v10, v2  }
0xab: {  	v10 =	vperm.xlane v2, v45;
	v11 =	vperm.xlane v2, v3  }
0xac: {  	v12 =	vperm.xlane v2, v50;
	v13 =	vperm.xlane v2, v5  }
0xad: {  	v14 =	vperm.xlane v2, v4;
	vm1 =	veq.s32 v2, v10;
	v10 =	vperm.xlane v2, v56  }
0xae: {  	vm2 =	veq.s32 v2, v12;
	vm0 =	veq.s32 v2, v11;
	v11 =	vimm.s32 $0x0  }
0xaf: {  	v15 =	vsel vm1, $0x1, v0;
	v11 =	vsel vm0, $0xFFFFFFFF, v11;
	vm0 =	veq.s32 v1, $0x0  }
0xb0: {  	v21 =	vperm.xlane v2, v55;
	v12 =	vsel vm2, $0x1, v0;
	[tilespmem:$0x1FE40] =	vst v11;
	v11 =	vsel vm0, $0x0, v15  }
0xb1: {  	vm14 =	veq.s32 v2, v10;
	vm0 =	veq.s32 v2, v13;
	v10 =	vimm.s32 $0x0  }
0xb2: {  	v15 =	vperm.xlane v2, v47;
	v16 =	vsel vm4, $0x0, v12;
	v10 =	vsel vm0, $0xFFFFFFFF, v10  }
0xb3: {  	v18 =	vsel vm14, $0x1, v0;
	vm0 =	veq.s32 v2, v14;
	v14 =	vimm.s32 $0x0  }
0xb4: {  	[tilespmem:$0x1FE20] =	vst v10;
	v10 =	vsel vm1, $0x2, v46;
	v14 =	vsel vm0, $0xFFFFFFFF, v14;
	vm2 =	veq.s32 v2, v15  }
0xb5: {  	v15 =	vperm.xlane v2, v9;
	[tilespmem:$0x1FE10] =	vst v14;
	v14 =	vsel vm6, $0x0, v18;
	v20 =	vsel vm2, $0x1, v0  }
0xb6: {  	vm2 =	vmmov vm15;
	vm15 =	vmmov vm10;
	vm10 =	vmmov vm7  }
0xb7: {  	vm7 =	vmmov vm4;
	vm0 =	veq.s32 v2, v15;
	v15 =	vimm.s32 $0x0  }
0xb8: {  	v10 =	vadd.s32 v20, v10;
	v20 =	vsel vm3, $0x0, v20;
	v15 =	vsel vm0, $0xFFFFFFFF, v15  }
0xb9: {  	v11 =	vadd.s32 v11, v20;
	vm0 =	vmmov vm12;
	vm12 =	vmmov vm9  }
0xba: {  	[tilespmem:$0x1FE30] =	vst v15;
	v15 =	vperm.xlane v2, v61;
	v11 =	vadd.s32 v16, v11;
	v16 =	vperm.xlane v2, v63  }
0xbb: {  	vm9 =	vmmov vm6;
	vm6 =	vmmov vm3;
	vm3 =	veq.s32 v2, v21  }
0xbc: {  	vm4 =	veq.s32 v2, v15;
	v15 =	vsel vm3, $0x1, v0;
	vm3 =	veq.s32 v2, v16;
	v16 =	vld [tilespmem:$0x1FE10]  }
0xbd: {  	v19 =	vperm.xlane v2, v8  }
0xbe: {  	v22 =	vperm.xlane v2, v62;
	vm1 =	vmmov vm11;
	vm11 =	vmmov vm8  }
0xbf: {  	vm8 =	vmmov vm5;
	vm5 =	veq.s32 v2, v19;
	v12 =	vadd.s32 v12, v10  }
0xc0: {  	v10 =	vsel vm5, $0x1, v0;
	vm5 =	vmmov vm8;
	vm8 =	vmmov vm11;
	v20 =	vld [tilespmem:$0x1FE20]  }
0xc1: {  	vm11 =	vmmov vm1;
	vm1 =	vnez.u8 v16;
	v16 =	vsel vm5, $0x0, v15  }
0xc2: {  	v17 =	vperm.xlane v2, v7;
	v13 =	vperm.xlane v2, v6;
	v11 =	vadd.s32 v16, v11  }
0xc3: {  	vm14 =	veq.s32 v2, v22;
	v19 =	vsel vm3, $0x1, v0;
	v14 =	vadd.s32 v14, v11;
	v11 =	vld [tilespmem:$0x1FE30]  }
0xc4: {  	vm3 =	vmmov vm6;
	vm6 =	vmmov vm9;
	vm9 =	vmmov vm12  }
0xc5: {  	vm12 =	vmmov vm0;
	v12 =	vadd.s32 v15, v12;
	vm0 =	vnez.u8 v20  }
0xc6: {  	v20 =	vsel vm14, $0x1, v0;
	v15 =	vsel vm4, $0x1, v0;
	vm4 =	vmmov vm7  }
0xc7: {  	v21 =	vld [tilespmem:$0x1FFF0];
	vm7 =	vmmov vm10;
	vm10 =	vmmov vm15;
	vm15 =	vmmov vm2  }
0xc8: {  	v16 =	vsel vm8, $0x0, v19;
	v22 =	vsel vm7, $0x0, v15;
	vm2 =	vnez.u8 v11  }
0xc9: {  	v14 =	vadd.s32 v22, v14;
	v11 =	vsel vm2, $0x1, v0;
	vm2 =	veq.s32 v2, v13  }
0xca: {  	p0 =	sne.s32 s26, $0x27C0;
	v13 =	vadd.s32 v18, v12;
	v12 =	vsel vm2, $0x1, v0;
	vm2 =	veq.s32 v2, v17;
	v17 =	vld [tilespmem:$0x1FFE0]  }
.Ltmp1:
0xcb: {  	v23 =	vsel vm9, $0x0, v20;
	v14 =	vadd.s32 v16, v14;
	(pc) =	sbr.rel @p0 .LBB2_5-.Ltmp1, $4  }
0xcc: {  	vm14 =	vnez.u8 v21;
	v21 =	vsel vm11, $0x0, v10;
	v14 =	vadd.s32 v23, v14  }
0xcd: {  	v16 =	vadd.s32 v21, v14;
	v22 =	vsel vm10, $0x0, v11;
	v13 =	vadd.s32 v15, v13  }
0xce: {  	v15 =	vsel vm12, $0x0, v12;
	v13 =	vadd.s32 v19, v13;
	v16 =	vadd.s32 v22, v16  }
0xcf: {  	s26 =	sadd.s32 $0x40, s26;
	v14 =	vadd.s32 v20, v13;
	v13 =	vsel vm2, $0x1, v0;
	vm2 =	vnez.u8 v17  }
0xd0: {  	v7 =	vld [tilespmem:$0x1FE40];
	_ =	sdelay $0x2  }
0xd1: {  	v3 =	vadd.s32 v15, v16  }
0xd2: {  	v4 =	vsel vm2, $0x0, v13;
	v5 =	vsel vm1, $0x1, v0;
	v6 =	vsel vm0, $0x1, v0  }
0xd3: {  	v3 =	vadd.s32 v4, v3;
	v19 =	vsel vm13, $0x0, v5;
	vm1 =	vnez.u8 v7  }
0xd4: {  	v20 =	vsel vm14, $0x0, v6;
	v3 =	vadd.s32 v19, v3;
	v7 =	vsel vm1, $0xFFFFFFFF, v0  }
0xd5: {  	v8 =	vadd.s32 v10, v14;
	v3 =	vadd.s32 v20, v3;
	v21 =	vsel vm15, $0x0, v7  }
0xd6: {  	s25 =	sadd.s32 $0x1, s25;
	v22 =	vadd.s32 v11, v8;
	vm0 =	veq.s32 v3, v21  }
0xd7: {  	p0 =	sne.s32 s25, $0x4;
	v3 =	vadd.s32 v12, v22  }
.Ltmp2:
0xd8: {  	v3 =	vadd.s32 v13, v3;
	(pc) =	sbr.rel @p0 .LBB2_4-.Ltmp2, $4  }
0xd9: {  	v3 =	vadd.s32 v5, v3  }
0xda: {  	v23 =	vsel vm1, $0x1, v0;
	v3 =	vadd.s32 v6, v3  }
0xdb: {  	v3 =	vadd.s32 v23, v3  }
0xdc: {  	[tilespmem:v2+s2+$0x0] =	vst.idx.add.s32.msk vm0, v3  }
0xdd: {  	[spmem:s1] =	stream.indirect.scatter.add.s32 [tilespmem:s2], [sflag:$0x1], $0x80, s14, s13, $0xb8;
	[tilespmem:$0x16C00] =	vst v63  }
0xde: {  	_ =	swait.ge [sflag:s10], $0x4000  }
0xdf: {  	[sflag:s10] =	ssyncset.done $0x0  }
0xe0: {  	[sflag:s10] =	ssyncadd.s32 $0xFFFFC000  }
0xe1: {  	[spmem:s1] =	stream.indirect.scatter.add.s32 [tilespmem:s16], [sflag:$0x1], $0x80, s15, s13, $0xb8;
	[tilespmem:$0x16C00] =	vst v63  }
0xe2: {  	_ =	swait.ge [sflag:s10], $0x4000  }
0xe3: {  	[sflag:s10] =	ssyncset.done $0x0  }
0xe4: {  	[sflag:s10] =	ssyncadd.s32 $0xFFFFC000  }
0xe5: {  	[spmem:s1] =	stream.indirect.scatter.add.s32 [tilespmem:s18], [sflag:$0x1], $0x80, s17, s13, $0xb8;
	[tilespmem:$0x16C00] =	vst v63  }
0xe6: {  	_ =	swait.ge [sflag:s10], $0x4000  }
0xe7: {  	[sflag:s10] =	ssyncset.done $0x0  }
0xe8: {  	[sflag:s10] =	ssyncadd.s32 $0xFFFFC000  }
0xe9: {  	[spmem:s1] =	stream.indirect.scatter.add.s32 [tilespmem:s20], [sflag:$0x1], $0x80, s19, s13, $0xb8;
	[tilespmem:$0x16C00] =	vst v63  }
0xea: {  	_ =	swait.ge [sflag:s10], $0x4000  }
0xeb: {  	[sflag:s10] =	ssyncset.done $0x0  }
0xec: {  	[sflag:s10] =	ssyncadd.s32 $0xFFFFC000  }
0xed: {  	[spmem:s1] =	stream.indirect.scatter.add.s32 [tilespmem:s22], [sflag:$0x1], $0x80, s21, s13, $0xb8;
	[tilespmem:$0x16C00] =	vst v63  }
0xee: {  	_ =	swait.ge [sflag:s10], $0x4000  }
0xef: {  	s24 =	sshll.u32 s3, $0x6;
	s23 =	sadd.s32 $0x1, s23;
	[sflag:s10] =	ssyncset.done $0x0  }
0xf0: {  	s25 =	sshrl.u32 s6, $0x3;
	p0 =	sne.s32 s23, s9;
	[sflag:s10] =	ssyncadd.s32 $0xFFFFC000  }
.Ltmp3:
0xf1: {  	s24 =	sor.u32 $0x1C01, s24;
	[bflag:$0x0] =	sbarrier.arrive $0xFFFF;
	(pc) =	sbr.rel @p0 .LBB2_1-.Ltmp3, $4  }
0xf2: {  	[hbm:s8], [sflag:s24] =	dma.local [spmem:s25], $0x280  }
0xf3: {  	_ =	swait.ge [sflag:s10], $0x280  }
0xf4: {  	[sflag:s10] =	ssyncset.done $0x0  }
0xf5: {  	[sflag:s10] =	ssyncadd.s32 $0xFFFFFD80  }
0xf6: {  	_ =	sfence.sel $0x180000  }
0xf7: {  	[bflag:$0x0] =	sbarrier.arrive $0xFFFF  }
0xf8: {  	p0 =	sne.s32 s3, $0x0;
	_ =	strace $0x90000047  }
0xf9: {  	s0 =	sadd.s32 @!p0 $0x100000, s0;
	[bflag:$0x2] =	sbarrier.arrive $0xFFFF  }
0xfa: {  	[sflag:s0] =	ssyncadd.tile.s32 @!p0 $0x1;
	_ =	shalt  }
.Lfunc_end2:
_tile_overlayer_lowered:
.L_overlay_start_2:
0xfb: {  	(tag) =	ssettag $0x2  }
0xfc: {  	s0 =	rddreg [dreg:$0x0];
	s2 =	stileid.u32  }
0xfd: {  	s1 =	rddreg [dreg:$0x1];
	p0 =	sne.s32 s2, $0x0  }
0xfe: {  	s3 =	rddreg [dreg:$0x2];
	[bflag:$0x3] =	sbarrier.arrive $0xFFFF;
	s2 =	simm.s32 @!p0 $0x1C01  }
0xff: {  	[timem:s3], [sflag:s2] =	dma.local @!p0 [hbm:s0], s1  }
0x100: {  	s0 =	simm.s32 @!p0 $0x1  }
0x101: {  	_ =	swait.ge @!p0 [sflag:s0], s1  }
0x102: {  	s1 =	ssub.s32 @!p0 $0x0, s1;
	[sflag:s0] =	ssyncset.done @!p0 $0x0  }
0x103: {  	[sflag:s0] =	ssyncadd.s32 @!p0 s1  }
0x104: {  	[bflag:$0x3] =	sbarrier.arrive $0xFFFF  }
0x105: {  	_ =	shalt  }

</sc_bundles>
